<compile_context>
chip_gen: v7x
topology: tpu7x:2x2x1
jax: 0.10.2.dev20260603
libtpu: 0.0.44.dev20260713+nightly
codegen_flags: <defaults>
</compile_context>

<pallas_src>
import functools

import jax
import jax.numpy as jnp
from jax import lax
from jax.experimental import pallas as pl
from jax.experimental.pallas import tpu as pltpu
from jax.experimental.pallas import tpu_sc as plsc

NC = 2
NS = 16
NW = NC * NS
LANES = 16

B_GATH = 16
QCAP = 5600
ECHUNK = 1600
PACK = 16384


def _qkv_body(x_ref, wq_ref, wkv_ref, q_ref, kv_ref):
    xb = x_ref[...]
    q_ref[...] = jnp.dot(xb, wq_ref[...], preferred_element_type=jnp.float32)
    kv_ref[...] = jnp.dot(
        xb, wkv_ref[...],
        preferred_element_type=jnp.float32).astype(jnp.bfloat16)


def _final_body(num_ref, den_ref, x_ref, wo_ref, y_ref):
    numer = num_ref[...]
    denom = den_ref[...]
    safe = jnp.where(denom > 0, denom, 1.0)
    o = jnp.where(denom > 0, numer / safe, 0.0)
    y_ref[...] = x_ref[...] + jnp.dot(o, wo_ref[...],
                                      preferred_element_type=jnp.float32)


def _make_sc_kernel(n_nodes, n_edges):
    OWN = -(-n_nodes // NW)
    OWN = -(-OWN // 8) * 8
    n_pad = OWN * NW
    ACC_R = OWN + 1
    nch = n_edges // ECHUNK
    assert nch % 2 == 0
    QPAD = QCAP + 4 * B_GATH

    mesh = plsc.VectorSubcoreMesh(core_axis_name="c", subcore_axis_name="s",
                                  num_cores=NC, num_subcores=NS)

    @functools.partial(
        pl.kernel,
        out_type=(
            jax.ShapeDtypeStruct((n_pad, 256), jnp.float32),
            jax.ShapeDtypeStruct((n_pad,), jnp.float32),
        ),
        mesh=mesh,
        compiler_params=pltpu.CompilerParams(needs_layout_passes=False),
        scratch_types=[
            pltpu.VMEM((ECHUNK,), jnp.int32),
            pltpu.VMEM((ECHUNK,), jnp.int32),
            pltpu.VMEM((ECHUNK,), jnp.int32),
            pltpu.VMEM((ECHUNK,), jnp.int32),
            pltpu.VMEM((QPAD,), jnp.int32),
            pltpu.VMEM((B_GATH,), jnp.int32),
            pltpu.VMEM((B_GATH,), jnp.int32),
            pltpu.VMEM((B_GATH,), jnp.int32),
            pltpu.VMEM((B_GATH,), jnp.int32),
            pltpu.VMEM((B_GATH, 256), jnp.float32),
            pltpu.VMEM((B_GATH, 256), jnp.float32),
            pltpu.VMEM((B_GATH, 256), jnp.int32),
            pltpu.VMEM((B_GATH, 256), jnp.int32),
            pltpu.VMEM((ACC_R, 256), jnp.float32),
            pltpu.VMEM((ACC_R + LANES,), jnp.float32),
            pltpu.SemaphoreType.DMA,
            pltpu.SemaphoreType.DMA,
            pltpu.SemaphoreType.DMA,
            pltpu.SemaphoreType.DMA,
        ],
    )
    def sc_attn(recv_hbm, send_hbm, q_hbm, kv_hbm,
                numer_hbm, denom_hbm,
                r_chunk0, r_chunk1, s_chunk0, s_chunk1, qp,
                ridx0, ridx1, sidx0, sidx1, q_rows0, q_rows1,
                kv_rows0, kv_rows1, acc, denom_local,
                semr0, sems0, semr1, sems1):
        r_chunk = (r_chunk0, r_chunk1)
        s_chunk = (s_chunk0, s_chunk1)
        ridx = (ridx0, ridx1)
        sidx = (sidx0, sidx1)
        q_rows = (q_rows0, q_rows1)
        kv_rows = (kv_rows0, kv_rows1)
        c = lax.axis_index("c")
        s = lax.axis_index("s")
        wid = c * NS + s
        lo = wid * OWN

        zeros16 = jnp.zeros((LANES,), jnp.float32)
        iota = lax.iota(jnp.int32, LANES)
        lane0 = iota == 0
        trash_pack = jnp.full((LANES,), (lo + OWN) * PACK, jnp.int32)

        def zacc(i, carry):
            for j in range(256 // LANES):
                acc[i, pl.ds(j * LANES, LANES)] = zeros16
            return carry
        lax.fori_loop(0, ACC_R, zacc, 0)

        def zden(i, carry):
            denom_local[pl.ds(i * LANES, LANES)] = zeros16
            return carry
        lax.fori_loop(0, (ACC_R + LANES) // LANES, zden, 0)

        def zq(i, carry):
            qp[pl.ds(i * LANES, LANES)] = trash_pack
            return carry
        lax.fori_loop(0, QPAD // LANES, zq, 0)

        rsem = (semr0, semr1)
        ssem = (sems0, sems1)

        def start_chunk(ci, buf):
            e0 = ci * ECHUNK
            pltpu.async_copy(recv_hbm.at[pl.ds(e0, ECHUNK)],
                             r_chunk[buf], rsem[buf])
            pltpu.async_copy(send_hbm.at[pl.ds(e0, ECHUNK)],
                             s_chunk[buf], ssem[buf])

        def wait_chunk(ci, buf):
            e0 = ci * ECHUNK
            pltpu.make_async_copy(recv_hbm.at[pl.ds(e0, ECHUNK)],
                                  r_chunk[buf], rsem[buf]).wait()
            pltpu.make_async_copy(send_hbm.at[pl.ds(e0, ECHUNK)],
                                  s_chunk[buf], ssem[buf]).wait()

        def scan_chunk(buf, ptr):
            def group(g, ptr2):
                r16 = r_chunk[buf][pl.ds(g * LANES, LANES)]
                s16 = s_chunk[buf][pl.ds(g * LANES, LANES)]
                mine = (r16 >= lo) & (r16 < lo + OWN)
                p_use = jnp.minimum(ptr2, QCAP)
                plsc.store_compressed(qp.at[pl.ds(p_use, LANES)],
                                      r16 * PACK + s16, mask=mine)
                return ptr2 + plsc.all_reduce_population_count(mine)[0]
            return lax.fori_loop(0, ECHUNK // LANES, group, ptr)

        start_chunk(0, 0)

        def chunk_pair(m, ptr):
            ci = m * 2
            wait_chunk(ci, 0)
            start_chunk(jnp.minimum(ci + 1, nch - 1), 1)
            ptr = scan_chunk(0, ptr)
            wait_chunk(ci + 1, 1)
            start_chunk(jnp.minimum(ci + 2, nch - 1), 0)
            ptr = scan_chunk(1, ptr)
            return ptr
        nq = lax.fori_loop(0, nch // 2, chunk_pair, jnp.int32(0))
        wait_chunk(nch - 1, 0)

        def unpack_batch(b, buf):
            b0 = b * B_GATH
            for g in range(B_GATH // LANES):
                packed = qp[pl.ds(b0 + g * LANES, LANES)]
                ridx[buf][pl.ds(g * LANES, LANES)] = jnp.minimum(
                    packed // PACK, n_nodes - 1)
                sidx[buf][pl.ds(g * LANES, LANES)] = packed % PACK

        def start_batch(buf):
            pltpu.async_copy(q_hbm.at[ridx[buf]], q_rows[buf], rsem[buf])
            pltpu.async_copy(kv_hbm.at[sidx[buf]], kv_rows[buf], ssem[buf])

        def wait_batch(buf):
            pltpu.make_async_copy(q_hbm.at[ridx[buf]],
                                  q_rows[buf], rsem[buf]).wait()
            pltpu.make_async_copy(kv_hbm.at[sidx[buf]],
                                  kv_rows[buf], ssem[buf]).wait()

        def compute_batch(b, buf):
            b0 = b * B_GATH
            qb = q_rows[buf]
            kvb = kv_rows[buf]

            @plsc.parallel_loop(0, B_GATH, step=1, unroll=2)
            def edge(i):
                d = zeros16
                for j in range(256 // (2 * LANES)):
                    kv32 = plsc.bitcast(kvb[i, pl.ds(j * LANES, LANES)],
                                        jnp.bfloat16)
                    ka, kb2 = plsc.unpack(
                        kv32, format=plsc.PackFormat.INTERLEAVED,
                        preferred_element_type=jnp.float32)
                    d = d + qb[i, pl.ds(j * 2 * LANES, LANES)] * ka
                    d = d + qb[i, pl.ds(j * 2 * LANES + LANES, LANES)] * kb2
                logit = jnp.sum(d) * (256 ** (-0.5))
                p16 = jnp.exp(jnp.full((LANES,), logit, jnp.float32))
                rid = plsc.load_gather(
                    qp, [jnp.full((LANES,), b0 + i, jnp.int32)]) // PACK - lo
                rid = jnp.minimum(jnp.maximum(rid, 0), OWN)
                for j in range(256 // (2 * LANES)):
                    kv32 = plsc.bitcast(
                        kvb[i, pl.ds(128 + j * LANES, LANES)], jnp.bfloat16)
                    va, vb2 = plsc.unpack(
                        kv32, format=plsc.PackFormat.INTERLEAVED,
                        preferred_element_type=jnp.float32)
                    plsc.addupdate_scatter(
                        acc, [rid, j * 2 * LANES + iota], p16 * va)
                    plsc.addupdate_scatter(
                        acc, [rid, j * 2 * LANES + LANES + iota], p16 * vb2)
                plsc.addupdate_scatter(denom_local, [rid], p16, mask=lane0)

        nb_d = (jnp.minimum(nq, QCAP) + (B_GATH - 1)) // B_GATH
        nbp = (nb_d + 1) // 2

        unpack_batch(0, 0)
        start_batch(0)

        def batch_pair(m, carry):
            b = m * 2
            unpack_batch(b + 1, 1)
            wait_batch(0)
            start_batch(1)
            compute_batch(b, 0)
            unpack_batch(b + 2, 0)
            wait_batch(1)
            start_batch(0)
            compute_batch(b + 1, 1)
            return carry
        lax.fori_loop(0, nbp, batch_pair, 0)
        wait_batch(0)

        pltpu.sync_copy(acc.at[pl.ds(0, OWN)],
                        numer_hbm.at[pl.ds(lo, OWN)])
        pltpu.sync_copy(denom_local.at[pl.ds(0, OWN)],
                        denom_hbm.at[pl.ds(lo, OWN)])

    return sc_attn, n_pad


def kernel(x, edge_index, Wq, Wk, Wv, Wo):
    n, d = x.shape
    e = edge_index.shape[1]
    assert d == 256 and n % 2000 == 0 and e % ECHUNK == 0

    wkv = jnp.concatenate([Wk, Wv], axis=1)
    perm = []
    for blk in range(512 // 32):
        for t in range(16):
            perm.extend((32 * blk + t, 32 * blk + 16 + t))
    wkv = wkv[:, jnp.array(perm, jnp.int32)]
    rows = 2000
    grid = n // rows
    q, kv = pl.pallas_call(
        _qkv_body,
        grid=(grid,),
        in_specs=[
            pl.BlockSpec((rows, 256), lambda i: (i, 0)),
            pl.BlockSpec((256, 256), lambda i: (0, 0)),
            pl.BlockSpec((256, 512), lambda i: (0, 0)),
        ],
        out_specs=[
            pl.BlockSpec((rows, 256), lambda i: (i, 0)),
            pl.BlockSpec((rows, 512), lambda i: (i, 0)),
        ],
        out_shape=[
            jax.ShapeDtypeStruct((n, 256), jnp.float32),
            jax.ShapeDtypeStruct((n, 512), jnp.bfloat16),
        ],
    )(x, Wq, wkv)

    sender = edge_index[0]
    receiver = edge_index[1]
    kv_i32 = jax.lax.bitcast_convert_type(kv.reshape(n, 256, 2), jnp.int32)
    sc_fn, n_pad = _make_sc_kernel(n, e)
    numer, denom = sc_fn(receiver, sender, q, kv_i32)

    pad = n_pad - n
    x_pad = jnp.concatenate([x, jnp.zeros((pad, d), x.dtype)], axis=0)

    prow = 1024
    assert n_pad % prow == 0
    y_pad = pl.pallas_call(
        _final_body,
        grid=(n_pad // prow,),
        in_specs=[
            pl.BlockSpec((prow, 256), lambda i: (i, 0)),
            pl.BlockSpec((prow, 1), lambda i: (i, 0)),
            pl.BlockSpec((prow, 256), lambda i: (i, 0)),
            pl.BlockSpec((256, 256), lambda i: (0, 0)),
        ],
        out_specs=pl.BlockSpec((prow, 256), lambda i: (i, 0)),
        out_shape=jax.ShapeDtypeStruct((n_pad, 256), jnp.float32),
    )(numer, denom.reshape(n_pad, 1), x_pad, Wo)
    return y_pad[:n]

# --- scband reference (transcript-rebuilt; emitter-appended) ---
"""Pipeline reference for scband-dense-flash-attention-57492432224942 (READ-ONLY COPY).

The authoritative reference and input builder live on the scoring server;
editing this copy changes nothing except your own understanding.
"""

import jax, jax.numpy as jnp
import numpy as np

N = 10000
E = 160000
D = 256
SCALE = 256 ** (-0.5)


def setup_inputs(seed: int = 0) -> dict:
    key = jax.random.key(seed)
    ks = jax.random.split(key, 6)
    x = jax.random.normal(ks[0], (N, D), dtype=jnp.float32)
    edge_index = jax.random.randint(ks[1], (2, E), 0, N, dtype=jnp.int32)
    w_scale = 1.0 / np.sqrt(D)
    Wq = jax.random.normal(ks[2], (D, D), dtype=jnp.float32) * w_scale
    Wk = jax.random.normal(ks[3], (D, D), dtype=jnp.float32) * w_scale
    Wv = jax.random.normal(ks[4], (D, D), dtype=jnp.float32) * w_scale
    Wo = jax.random.normal(ks[5], (D, D), dtype=jnp.float32) * w_scale
    return {"x": x, "edge_index": edge_index, "Wq": Wq, "Wk": Wk, "Wv": Wv, "Wo": Wo}


def reference(x, edge_index, Wq, Wk, Wv, Wo):
    # Faithful translation: the torch module buckets receivers by degree and runs
    # dense SDPA per bucket (queries of length 1 attending over their in-neighbor
    # K/V rows, zero-padded buffers but only the first deg positions are read).
    # That is exactly per-receiver softmax attention over incoming edges, which
    # we compute with segment reductions (math-identical, no padding pollution).
    sender = edge_index[0]
    receiver = edge_index[1]
    Q = x @ Wq
    K = x @ Wk
    V = x @ Wv
    num_nodes = x.shape[0]
    deg = jnp.bincount(receiver, length=num_nodes)
    logits = jnp.sum(Q[receiver] * K[sender], axis=-1) * SCALE  # [E]
    m = jax.ops.segment_max(logits, receiver, num_segments=num_nodes)
    m = jnp.where(deg > 0, m, 0.0)  # neutralize empty-segment identities
    p = jnp.exp(logits - m[receiver])  # [E]
    denom = jax.ops.segment_sum(p, receiver, num_segments=num_nodes)  # [N]
    numer = jax.ops.segment_sum(p[:, None] * V[sender], receiver, num_segments=num_nodes)  # [N, D]
    safe_denom = jnp.where(denom > 0, denom, 1.0)
    out = numer / safe_denom[:, None]
    out = jnp.where(deg[:, None] > 0, out, 0.0)  # deg-0 receivers get zero output
    out = jnp.nan_to_num(out)
    return x + out @ Wo


if False:  # reference __main__ guard neutralized (emitter)
    inp = setup_inputs()
    y = reference(**inp)
    print(y.shape, y.dtype)

if __name__ == "__main__":
    import jax
    _d = setup_inputs()
    print(jax.jit(kernel)(*tuple(_d.values())))

</pallas_src>

<mosaic_0001>
#map = affine_map<(d0, d1) -> (0)>
#map1 = affine_map<(d0, d1) -> (0, 0)>
module attributes {stable_mosaic.version = 14 : i64} {
  func.func @sc_attn(%arg0: i32, %arg1: i32, %arg2: memref<160000xi32, #tpu.memory_space<hbm>>, %arg3: memref<160000xi32, #tpu.memory_space<hbm>>, %arg4: memref<10000x256xf32, #tpu.memory_space<hbm>>, %arg5: memref<10000x256xi32, #tpu.memory_space<hbm>>, %arg6: memref<10240x256xf32, #tpu.memory_space<hbm>>, %arg7: memref<10240xf32, #tpu.memory_space<hbm>>, %arg8: memref<1600xi32, #tpu.memory_space<vmem>>, %arg9: memref<1600xi32, #tpu.memory_space<vmem>>, %arg10: memref<1600xi32, #tpu.memory_space<vmem>>, %arg11: memref<1600xi32, #tpu.memory_space<vmem>>, %arg12: memref<5664xi32, #tpu.memory_space<vmem>>, %arg13: memref<16xi32, #tpu.memory_space<vmem>>, %arg14: memref<16xi32, #tpu.memory_space<vmem>>, %arg15: memref<16xi32, #tpu.memory_space<vmem>>, %arg16: memref<16xi32, #tpu.memory_space<vmem>>, %arg17: memref<16x256xf32, #tpu.memory_space<vmem>>, %arg18: memref<16x256xf32, #tpu.memory_space<vmem>>, %arg19: memref<16x256xi32, #tpu.memory_space<vmem>>, %arg20: memref<16x256xi32, #tpu.memory_space<vmem>>, %arg21: memref<321x256xf32, #tpu.memory_space<vmem>>, %arg22: memref<337xf32, #tpu.memory_space<vmem>>, %arg23: memref<!tpu.dma_semaphore, #tpu.memory_space<semaphore_mem>>, %arg24: memref<!tpu.dma_semaphore, #tpu.memory_space<semaphore_mem>>, %arg25: memref<!tpu.dma_semaphore, #tpu.memory_space<semaphore_mem>>, %arg26: memref<!tpu.dma_semaphore, #tpu.memory_space<semaphore_mem>>) attributes {dimension_semantics = [#tpu.dimension_semantics<core_parallel>, #tpu.dimension_semantics<subcore_parallel>], iteration_bounds = array<i64: 2, 16>, scalar_prefetch = 0 : i64, scratch_operands = 19 : i64, tpu.core_type = #tpu.core_type<sc_vector_subcore>, window_params = [{transform_indices = #map}, {transform_indices = #map}, {transform_indices = #map1}, {transform_indices = #map1}, {transform_indices = #map1}, {transform_indices = #map}]} {
    %mul3A = arith.constant 16 : i32
    %mul3A_0 = arith.muli %arg0, %mul3A : i32
    %add3A = arith.addi %mul3A_0, %arg1 : i32
    %mul3A_1 = arith.constant 320 : i32
    %mul3A_2 = arith.muli %add3A, %mul3A_1 : i32
    %broadcast_in_dim3A = arith.constant 0.000000e+00 : f32
    %broadcast_in_dim3A_3 = vector.broadcast %broadcast_in_dim3A : f32 to vector<16xf32>
    %iota3A = tpu.iota {dimensions = array<i32: 0>} : vector<16xi32>
    %eq3A = arith.constant 0 : i32
    %eq3A_4 = vector.broadcast %eq3A : i32 to vector<16xi32>
    %eq3A_5 = arith.cmpi eq, %iota3A, %eq3A_4 : vector<16xi32>
    %add3A_6 = arith.constant 320 : i32
    %add3A_7 = arith.addi %mul3A_2, %add3A_6 : i32
    %mul3A_8 = arith.constant 16384 : i32
    %mul3A_9 = arith.muli %add3A_7, %mul3A_8 : i32
    %broadcast_in_dim3A_10 = vector.broadcast %mul3A_9 : i32 to vector<16xi32>
    %scan3A = arith.constant 0 : i32
    %scan3A_11 = arith.constant 0 : i32
    %scan3A_12 = arith.constant 321 : i32
    %scan3A_13 = arith.addi %scan3A_11, %scan3A_12 : i32
    %scan3A_14 = arith.constant 1 : i32
    scf.for %scan3A_174 = %scan3A_11 to %scan3A_13 step %scan3A_14  : i32 {
      %swap3A_175 = arith.index_cast %scan3A_174 : i32 to index
      %swap3A_176 = arith.constant 0 : index
      %swap3A_177 = tpu.vector_load %arg21[%swap3A_175, %swap3A_176] {strides = array<i32>} : memref<321x256xf32, #tpu.memory_space<vmem>>, vector<16xf32>,
      tpu.vector_store %arg21[%swap3A_175, %swap3A_176], %broadcast_in_dim3A_3 {strides = array<i32>} : memref<321x256xf32, #tpu.memory_space<vmem>>, vector<16xf32>,
      %swap3A_178 = arith.index_cast %scan3A_174 : i32 to index
      %swap3A_179 = arith.constant 16 : index
      %swap3A_180 = tpu.vector_load %arg21[%swap3A_178, %swap3A_179] {strides = array<i32>} : memref<321x256xf32, #tpu.memory_space<vmem>>, vector<16xf32>,
      tpu.vector_store %arg21[%swap3A_178, %swap3A_179], %broadcast_in_dim3A_3 {strides = array<i32>} : memref<321x256xf32, #tpu.memory_space<vmem>>, vector<16xf32>,
      %swap3A_181 = arith.index_cast %scan3A_174 : i32 to index
      %swap3A_182 = arith.constant 32 : index
      %swap3A_183 = tpu.vector_load %arg21[%swap3A_181, %swap3A_182] {strides = array<i32>} : memref<321x256xf32, #tpu.memory_space<vmem>>, vector<16xf32>,
      tpu.vector_store %arg21[%swap3A_181, %swap3A_182], %broadcast_in_dim3A_3 {strides = array<i32>} : memref<321x256xf32, #tpu.memory_space<vmem>>, vector<16xf32>,
      %swap3A_184 = arith.index_cast %scan3A_174 : i32 to index
      %swap3A_185 = arith.constant 48 : index
      %swap3A_186 = tpu.vector_load %arg21[%swap3A_184, %swap3A_185] {strides = array<i32>} : memref<321x256xf32, #tpu.memory_space<vmem>>, vector<16xf32>,
      tpu.vector_store %arg21[%swap3A_184, %swap3A_185], %broadcast_in_dim3A_3 {strides = array<i32>} : memref<321x256xf32, #tpu.memory_space<vmem>>, vector<16xf32>,
      %swap3A_187 = arith.index_cast %scan3A_174 : i32 to index
      %swap3A_188 = arith.constant 64 : index
      %swap3A_189 = tpu.vector_load %arg21[%swap3A_187, %swap3A_188] {strides = array<i32>} : memref<321x256xf32, #tpu.memory_space<vmem>>, vector<16xf32>,
      tpu.vector_store %arg21[%swap3A_187, %swap3A_188], %broadcast_in_dim3A_3 {strides = array<i32>} : memref<321x256xf32, #tpu.memory_space<vmem>>, vector<16xf32>,
      %swap3A_190 = arith.index_cast %scan3A_174 : i32 to index
      %swap3A_191 = arith.constant 80 : index
      %swap3A_192 = tpu.vector_load %arg21[%swap3A_190, %swap3A_191] {strides = array<i32>} : memref<321x256xf32, #tpu.memory_space<vmem>>, vector<16xf32>,
      tpu.vector_store %arg21[%swap3A_190, %swap3A_191], %broadcast_in_dim3A_3 {strides = array<i32>} : memref<321x256xf32, #tpu.memory_space<vmem>>, vector<16xf32>,
      %swap3A_193 = arith.index_cast %scan3A_174 : i32 to index
      %swap3A_194 = arith.constant 96 : index
      %swap3A_195 = tpu.vector_load %arg21[%swap3A_193, %swap3A_194] {strides = array<i32>} : memref<321x256xf32, #tpu.memory_space<vmem>>, vector<16xf32>,
      tpu.vector_store %arg21[%swap3A_193, %swap3A_194], %broadcast_in_dim3A_3 {strides = array<i32>} : memref<321x256xf32, #tpu.memory_space<vmem>>, vector<16xf32>,
      %swap3A_196 = arith.index_cast %scan3A_174 : i32 to index
      %swap3A_197 = arith.constant 112 : index
      %swap3A_198 = tpu.vector_load %arg21[%swap3A_196, %swap3A_197] {strides = array<i32>} : memref<321x256xf32, #tpu.memory_space<vmem>>, vector<16xf32>,
      tpu.vector_store %arg21[%swap3A_196, %swap3A_197], %broadcast_in_dim3A_3 {strides = array<i32>} : memref<321x256xf32, #tpu.memory_space<vmem>>, vector<16xf32>,
      %swap3A_199 = arith.index_cast %scan3A_174 : i32 to index
      %swap3A_200 = arith.constant 128 : index
      %swap3A_201 = tpu.vector_load %arg21[%swap3A_199, %swap3A_200] {strides = array<i32>} : memref<321x256xf32, #tpu.memory_space<vmem>>, vector<16xf32>,
      tpu.vector_store %arg21[%swap3A_199, %swap3A_200], %broadcast_in_dim3A_3 {strides = array<i32>} : memref<321x256xf32, #tpu.memory_space<vmem>>, vector<16xf32>,
      %swap3A_202 = arith.index_cast %scan3A_174 : i32 to index
      %swap3A_203 = arith.constant 144 : index
      %swap3A_204 = tpu.vector_load %arg21[%swap3A_202, %swap3A_203] {strides = array<i32>} : memref<321x256xf32, #tpu.memory_space<vmem>>, vector<16xf32>,
      tpu.vector_store %arg21[%swap3A_202, %swap3A_203], %broadcast_in_dim3A_3 {strides = array<i32>} : memref<321x256xf32, #tpu.memory_space<vmem>>, vector<16xf32>,
      %swap3A_205 = arith.index_cast %scan3A_174 : i32 to index
      %swap3A_206 = arith.constant 160 : index
      %swap3A_207 = tpu.vector_load %arg21[%swap3A_205, %swap3A_206] {strides = array<i32>} : memref<321x256xf32, #tpu.memory_space<vmem>>, vector<16xf32>,
      tpu.vector_store %arg21[%swap3A_205, %swap3A_206], %broadcast_in_dim3A_3 {strides = array<i32>} : memref<321x256xf32, #tpu.memory_space<vmem>>, vector<16xf32>,
      %swap3A_208 = arith.index_cast %scan3A_174 : i32 to index
      %swap3A_209 = arith.constant 176 : index
      %swap3A_210 = tpu.vector_load %arg21[%swap3A_208, %swap3A_209] {strides = array<i32>} : memref<321x256xf32, #tpu.memory_space<vmem>>, vector<16xf32>,
      tpu.vector_store %arg21[%swap3A_208, %swap3A_209], %broadcast_in_dim3A_3 {strides = array<i32>} : memref<321x256xf32, #tpu.memory_space<vmem>>, vector<16xf32>,
      %swap3A_211 = arith.index_cast %scan3A_174 : i32 to index
      %swap3A_212 = arith.constant 192 : index
      %swap3A_213 = tpu.vector_load %arg21[%swap3A_211, %swap3A_212] {strides = array<i32>} : memref<321x256xf32, #tpu.memory_space<vmem>>, vector<16xf32>,
      tpu.vector_store %arg21[%swap3A_211, %swap3A_212], %broadcast_in_dim3A_3 {strides = array<i32>} : memref<321x256xf32, #tpu.memory_space<vmem>>, vector<16xf32>,
      %swap3A_214 = arith.index_cast %scan3A_174 : i32 to index
      %swap3A_215 = arith.constant 208 : index
      %swap3A_216 = tpu.vector_load %arg21[%swap3A_214, %swap3A_215] {strides = array<i32>} : memref<321x256xf32, #tpu.memory_space<vmem>>, vector<16xf32>,
      tpu.vector_store %arg21[%swap3A_214, %swap3A_215], %broadcast_in_dim3A_3 {strides = array<i32>} : memref<321x256xf32, #tpu.memory_space<vmem>>, vector<16xf32>,
      %swap3A_217 = arith.index_cast %scan3A_174 : i32 to index
      %swap3A_218 = arith.constant 224 : index
      %swap3A_219 = tpu.vector_load %arg21[%swap3A_217, %swap3A_218] {strides = array<i32>} : memref<321x256xf32, #tpu.memory_space<vmem>>, vector<16xf32>,
      tpu.vector_store %arg21[%swap3A_217, %swap3A_218], %broadcast_in_dim3A_3 {strides = array<i32>} : memref<321x256xf32, #tpu.memory_space<vmem>>, vector<16xf32>,
      %swap3A_220 = arith.index_cast %scan3A_174 : i32 to index
      %swap3A_221 = arith.constant 240 : index
      %swap3A_222 = tpu.vector_load %arg21[%swap3A_220, %swap3A_221] {strides = array<i32>} : memref<321x256xf32, #tpu.memory_space<vmem>>, vector<16xf32>,
      tpu.vector_store %arg21[%swap3A_220, %swap3A_221], %broadcast_in_dim3A_3 {strides = array<i32>} : memref<321x256xf32, #tpu.memory_space<vmem>>, vector<16xf32>,
    }
    %scan3A_15 = arith.constant 321 : i32
    %scan3A_16 = arith.constant 0 : i32
    %scan3A_17 = arith.constant 0 : i32
    %scan3A_18 = arith.constant 21 : i32
    %scan3A_19 = arith.addi %scan3A_17, %scan3A_18 : i32
    %scan3A_20 = arith.constant 1 : i32
    scf.for %scan3A_174 = %scan3A_17 to %scan3A_19 step %scan3A_20  : i32 {
      %mul3A_175 = arith.constant 16 : i32
      %mul3A_176 = arith.muli %scan3A_174, %mul3A_175 : i32
      %swap3A_177 = arith.index_cast %mul3A_176 : i32 to index
      %swap3A_178 = tpu.vector_load %arg22[%swap3A_177] {strides = array<i32>} : memref<337xf32, #tpu.memory_space<vmem>>, vector<16xf32>,
      tpu.vector_store %arg22[%swap3A_177], %broadcast_in_dim3A_3 {strides = array<i32>} : memref<337xf32, #tpu.memory_space<vmem>>, vector<16xf32>,
    }
    %scan3A_21 = arith.constant 21 : i32
    %scan3A_22 = arith.constant 0 : i32
    %scan3A_23 = arith.constant 0 : i32
    %scan3A_24 = arith.constant 354 : i32
    %scan3A_25 = arith.addi %scan3A_23, %scan3A_24 : i32
    %scan3A_26 = arith.constant 1 : i32
    scf.for %scan3A_174 = %scan3A_23 to %scan3A_25 step %scan3A_26  : i32 {
      %mul3A_175 = arith.constant 16 : i32
      %mul3A_176 = arith.muli %scan3A_174, %mul3A_175 : i32
      %swap3A_177 = arith.index_cast %mul3A_176 : i32 to index
      %swap3A_178 = tpu.vector_load %arg12[%swap3A_177] {strides = array<i32>} : memref<5664xi32, #tpu.memory_space<vmem>>, vector<16xi32>,
      tpu.vector_store %arg12[%swap3A_177], %broadcast_in_dim3A_10 {strides = array<i32>} : memref<5664xi32, #tpu.memory_space<vmem>>, vector<16xi32>,
    }
    %scan3A_27 = arith.constant 354 : i32
    %dma_start3A = arith.constant 0 : i32
    %dma_start3A_28 = tpu.memref_slice %arg2[%dma_start3A] : memref<160000xi32, #tpu.memory_space<hbm>> -> memref<1600xi32, #tpu.memory_space<hbm>>
    %dma_start3A_29 = arith.constant 0 : i32
    %dma_start3A_30 = tpu.memref_slice %arg2[%dma_start3A_29] : memref<160000xi32, #tpu.memory_space<hbm>> -> memref<1600xi32, #tpu.memory_space<hbm>>
    tpu.enqueue_dma source(%dma_start3A_30 : memref<1600xi32, #tpu.memory_space<hbm>>) target(%arg8 : memref<1600xi32, #tpu.memory_space<vmem>>) target_semaphore(%arg23 : memref<!tpu.dma_semaphore, #tpu.memory_space<semaphore_mem>>)
    %dma_start3A_31 = arith.constant 0 : i32
    %dma_start3A_32 = tpu.memref_slice %arg3[%dma_start3A_31] : memref<160000xi32, #tpu.memory_space<hbm>> -> memref<1600xi32, #tpu.memory_space<hbm>>
    %dma_start3A_33 = arith.constant 0 : i32
    %dma_start3A_34 = tpu.memref_slice %arg3[%dma_start3A_33] : memref<160000xi32, #tpu.memory_space<hbm>> -> memref<1600xi32, #tpu.memory_space<hbm>>
    tpu.enqueue_dma source(%dma_start3A_34 : memref<1600xi32, #tpu.memory_space<hbm>>) target(%arg10 : memref<1600xi32, #tpu.memory_space<vmem>>) target_semaphore(%arg24 : memref<!tpu.dma_semaphore, #tpu.memory_space<semaphore_mem>>)
    %scan3A_35 = arith.constant 0 : i32
    %scan3A_36 = arith.constant 0 : i32
    %scan3A_37 = arith.constant 50 : i32
    %scan3A_38 = arith.addi %scan3A_36, %scan3A_37 : i32
    %scan3A_39 = arith.constant 1 : i32
    %scan3A_40 = scf.for %scan3A_174 = %scan3A_36 to %scan3A_38 step %scan3A_39 iter_args(%scan3A_175 = %scan3A_35) -> (i32)  : i32 {
      %mul3A_176 = arith.constant 2 : i32
      %mul3A_177 = arith.muli %scan3A_174, %mul3A_176 : i32
      %mul3A_178 = arith.constant 1600 : i32
      %mul3A_179 = arith.muli %mul3A_177, %mul3A_178 : i32
      %dma_wait3A_180 = tpu.memref_slice %arg2[%mul3A_179] : memref<160000xi32, #tpu.memory_space<hbm>> -> memref<1600xi32, #tpu.memory_space<hbm>>
      %dma_wait3A_181 = tpu.memref_slice %arg2[%mul3A_179] : memref<160000xi32, #tpu.memory_space<hbm>> -> memref<1600xi32, #tpu.memory_space<hbm>>
      tpu.wait_dma2 semaphore(%arg23 : memref<!tpu.dma_semaphore, #tpu.memory_space<semaphore_mem>>) src(%dma_wait3A_181 : memref<1600xi32, #tpu.memory_space<hbm>>) dst(%arg8 : memref<1600xi32, #tpu.memory_space<vmem>>)
      %dma_wait3A_182 = tpu.memref_slice %arg3[%mul3A_179] : memref<160000xi32, #tpu.memory_space<hbm>> -> memref<1600xi32, #tpu.memory_space<hbm>>
      %dma_wait3A_183 = tpu.memref_slice %arg3[%mul3A_179] : memref<160000xi32, #tpu.memory_space<hbm>> -> memref<1600xi32, #tpu.memory_space<hbm>>
      tpu.wait_dma2 semaphore(%arg24 : memref<!tpu.dma_semaphore, #tpu.memory_space<semaphore_mem>>) src(%dma_wait3A_183 : memref<1600xi32, #tpu.memory_space<hbm>>) dst(%arg10 : memref<1600xi32, #tpu.memory_space<vmem>>)
      %add3A_184 = arith.constant 1 : i32
      %add3A_185 = arith.addi %mul3A_177, %add3A_184 : i32
      %min3A_186 = arith.constant 99 : i32
      %min3A_187 = arith.minsi %add3A_185, %min3A_186 : i32
      %mul3A_188 = arith.constant 1600 : i32
      %mul3A_189 = arith.muli %min3A_187, %mul3A_188 : i32
      %dma_start3A_190 = tpu.memref_slice %arg2[%mul3A_189] : memref<160000xi32, #tpu.memory_space<hbm>> -> memref<1600xi32, #tpu.memory_space<hbm>>
      %dma_start3A_191 = tpu.memref_slice %arg2[%mul3A_189] : memref<160000xi32, #tpu.memory_space<hbm>> -> memref<1600xi32, #tpu.memory_space<hbm>>
      tpu.enqueue_dma source(%dma_start3A_191 : memref<1600xi32, #tpu.memory_space<hbm>>) target(%arg9 : memref<1600xi32, #tpu.memory_space<vmem>>) target_semaphore(%arg25 : memref<!tpu.dma_semaphore, #tpu.memory_space<semaphore_mem>>)
      %dma_start3A_192 = tpu.memref_slice %arg3[%mul3A_189] : memref<160000xi32, #tpu.memory_space<hbm>> -> memref<1600xi32, #tpu.memory_space<hbm>>
      %dma_start3A_193 = tpu.memref_slice %arg3[%mul3A_189] : memref<160000xi32, #tpu.memory_space<hbm>> -> memref<1600xi32, #tpu.memory_space<hbm>>
      tpu.enqueue_dma source(%dma_start3A_193 : memref<1600xi32, #tpu.memory_space<hbm>>) target(%arg11 : memref<1600xi32, #tpu.memory_space<vmem>>) target_semaphore(%arg26 : memref<!tpu.dma_semaphore, #tpu.memory_space<semaphore_mem>>)
      %scan3A_194 = arith.constant 0 : i32
      %scan3A_195 = arith.constant 100 : i32
      %scan3A_196 = arith.addi %scan3A_194, %scan3A_195 : i32
      %scan3A_197 = arith.constant 1 : i32
      %scan3A_198 = scf.for %scan3A_224 = %scan3A_194 to %scan3A_196 step %scan3A_197 iter_args(%scan3A_225 = %scan3A_175) -> (i32)  : i32 {
        %mul3A_226 = arith.constant 16 : i32
        %mul3A_227 = arith.muli %scan3A_224, %mul3A_226 : i32
        %get3A_228 = arith.index_cast %mul3A_227 : i32 to index
        %get3A_229 = tpu.vector_load %arg8[%get3A_228] {strides = array<i32>} : memref<1600xi32, #tpu.memory_space<vmem>>, vector<16xi32>,
        %mul3A_230 = arith.constant 16 : i32
        %mul3A_231 = arith.muli %scan3A_224, %mul3A_230 : i32
        %get3A_232 = arith.index_cast %mul3A_231 : i32 to index
        %get3A_233 = tpu.vector_load %arg10[%get3A_232] {strides = array<i32>} : memref<1600xi32, #tpu.memory_space<vmem>>, vector<16xi32>,
        %ge3A = vector.broadcast %mul3A_2 : i32 to vector<16xi32>
        %ge3A_234 = arith.cmpi sge, %get3A_229, %ge3A : vector<16xi32>
        %add3A_235 = arith.constant 320 : i32
        %add3A_236 = arith.addi %mul3A_2, %add3A_235 : i32
        %lt3A_237 = vector.broadcast %add3A_236 : i32 to vector<16xi32>
        %lt3A_238 = arith.cmpi slt, %get3A_229, %lt3A_237 : vector<16xi32>
        %and3A_239 = arith.andi %ge3A_234, %lt3A_238 : vector<16xi1>
        %min3A_240 = arith.constant 5600 : i32
        %min3A_241 = arith.minsi %scan3A_225, %min3A_240 : i32
        %mul3A_242 = arith.constant 16384 : i32
        %mul3A_243 = vector.broadcast %mul3A_242 : i32 to vector<16xi32>
        %mul3A_244 = arith.muli %get3A_229, %mul3A_243 : vector<16xi32>
        %add3A_245 = arith.addi %mul3A_244, %get3A_233 : vector<16xi32>
        %swap3A_246 = arith.index_cast %min3A_241 : i32 to index
        %swap3A_247 = tpu.vector_load %arg12[%swap3A_246] masked %and3A_239 {strides = array<i32>} : memref<5664xi32, #tpu.memory_space<vmem>>, vector<16xi32>, vector<16xi1>
        tpu.vector_store %arg12[%swap3A_246], %add3A_245 masked %and3A_239 {strides = array<i32>} : memref<5664xi32, #tpu.memory_space<vmem>>, vector<16xi32>, vector<16xi1>
        %all_reduce_population_count3A = tpu.all_reduce %and3A_239 {dim = 0 : i64, kind = #tpu.reduction_kind<sum>} : vector<16xi1> -> vector<16xi32>
        %slice3A = vector.extract_strided_slice %all_reduce_population_count3A {offsets = [0], sizes = [1], strides = [1]} : vector<16xi32> to vector<1xi32>
        %squeeze3A = vector.extract %slice3A[0] : i32 from vector<1xi32>
        %add3A_248 = arith.addi %scan3A_225, %squeeze3A : i32
        scf.yield %add3A_248 : i32
      }
      %scan3A_199 = arith.constant 100 : i32
      %add3A_200 = arith.constant 1 : i32
      %add3A_201 = arith.addi %mul3A_177, %add3A_200 : i32
      %mul3A_202 = arith.constant 1600 : i32
      %mul3A_203 = arith.muli %add3A_201, %mul3A_202 : i32
      %dma_wait3A_204 = tpu.memref_slice %arg2[%mul3A_203] : memref<160000xi32, #tpu.memory_space<hbm>> -> memref<1600xi32, #tpu.memory_space<hbm>>
      %dma_wait3A_205 = tpu.memref_slice %arg2[%mul3A_203] : memref<160000xi32, #tpu.memory_space<hbm>> -> memref<1600xi32, #tpu.memory_space<hbm>>
      tpu.wait_dma2 semaphore(%arg25 : memref<!tpu.dma_semaphore, #tpu.memory_space<semaphore_mem>>) src(%dma_wait3A_205 : memref<1600xi32, #tpu.memory_space<hbm>>) dst(%arg9 : memref<1600xi32, #tpu.memory_space<vmem>>)
      %dma_wait3A_206 = tpu.memref_slice %arg3[%mul3A_203] : memref<160000xi32, #tpu.memory_space<hbm>> -> memref<1600xi32, #tpu.memory_space<hbm>>
      %dma_wait3A_207 = tpu.memref_slice %arg3[%mul3A_203] : memref<160000xi32, #tpu.memory_space<hbm>> -> memref<1600xi32, #tpu.memory_space<hbm>>
      tpu.wait_dma2 semaphore(%arg26 : memref<!tpu.dma_semaphore, #tpu.memory_space<semaphore_mem>>) src(%dma_wait3A_207 : memref<1600xi32, #tpu.memory_space<hbm>>) dst(%arg11 : memref<1600xi32, #tpu.memory_space<vmem>>)
      %add3A_208 = arith.constant 2 : i32
      %add3A_209 = arith.addi %mul3A_177, %add3A_208 : i32
      %min3A_210 = arith.constant 99 : i32
      %min3A_211 = arith.minsi %add3A_209, %min3A_210 : i32
      %mul3A_212 = arith.constant 1600 : i32
      %mul3A_213 = arith.muli %min3A_211, %mul3A_212 : i32
      %dma_start3A_214 = tpu.memref_slice %arg2[%mul3A_213] : memref<160000xi32, #tpu.memory_space<hbm>> -> memref<1600xi32, #tpu.memory_space<hbm>>
      %dma_start3A_215 = tpu.memref_slice %arg2[%mul3A_213] : memref<160000xi32, #tpu.memory_space<hbm>> -> memref<1600xi32, #tpu.memory_space<hbm>>
      tpu.enqueue_dma source(%dma_start3A_215 : memref<1600xi32, #tpu.memory_space<hbm>>) target(%arg8 : memref<1600xi32, #tpu.memory_space<vmem>>) target_semaphore(%arg23 : memref<!tpu.dma_semaphore, #tpu.memory_space<semaphore_mem>>)
      %dma_start3A_216 = tpu.memref_slice %arg3[%mul3A_213] : memref<160000xi32, #tpu.memory_space<hbm>> -> memref<1600xi32, #tpu.memory_space<hbm>>
      %dma_start3A_217 = tpu.memref_slice %arg3[%mul3A_213] : memref<160000xi32, #tpu.memory_space<hbm>> -> memref<1600xi32, #tpu.memory_space<hbm>>
      tpu.enqueue_dma source(%dma_start3A_217 : memref<1600xi32, #tpu.memory_space<hbm>>) target(%arg10 : memref<1600xi32, #tpu.memory_space<vmem>>) target_semaphore(%arg24 : memref<!tpu.dma_semaphore, #tpu.memory_space<semaphore_mem>>)
      %scan3A_218 = arith.constant 0 : i32
      %scan3A_219 = arith.constant 100 : i32
      %scan3A_220 = arith.addi %scan3A_218, %scan3A_219 : i32
      %scan3A_221 = arith.constant 1 : i32
      %scan3A_222 = scf.for %scan3A_224 = %scan3A_218 to %scan3A_220 step %scan3A_221 iter_args(%scan3A_225 = %scan3A_198) -> (i32)  : i32 {
        %mul3A_226 = arith.constant 16 : i32
        %mul3A_227 = arith.muli %scan3A_224, %mul3A_226 : i32
        %get3A_228 = arith.index_cast %mul3A_227 : i32 to index
        %get3A_229 = tpu.vector_load %arg9[%get3A_228] {strides = array<i32>} : memref<1600xi32, #tpu.memory_space<vmem>>, vector<16xi32>,
        %mul3A_230 = arith.constant 16 : i32
        %mul3A_231 = arith.muli %scan3A_224, %mul3A_230 : i32
        %get3A_232 = arith.index_cast %mul3A_231 : i32 to index
        %get3A_233 = tpu.vector_load %arg11[%get3A_232] {strides = array<i32>} : memref<1600xi32, #tpu.memory_space<vmem>>, vector<16xi32>,
        %ge3A = vector.broadcast %mul3A_2 : i32 to vector<16xi32>
        %ge3A_234 = arith.cmpi sge, %get3A_229, %ge3A : vector<16xi32>
        %add3A_235 = arith.constant 320 : i32
        %add3A_236 = arith.addi %mul3A_2, %add3A_235 : i32
        %lt3A_237 = vector.broadcast %add3A_236 : i32 to vector<16xi32>
        %lt3A_238 = arith.cmpi slt, %get3A_229, %lt3A_237 : vector<16xi32>
        %and3A_239 = arith.andi %ge3A_234, %lt3A_238 : vector<16xi1>
        %min3A_240 = arith.constant 5600 : i32
        %min3A_241 = arith.minsi %scan3A_225, %min3A_240 : i32
        %mul3A_242 = arith.constant 16384 : i32
        %mul3A_243 = vector.broadcast %mul3A_242 : i32 to vector<16xi32>
        %mul3A_244 = arith.muli %get3A_229, %mul3A_243 : vector<16xi32>
        %add3A_245 = arith.addi %mul3A_244, %get3A_233 : vector<16xi32>
        %swap3A_246 = arith.index_cast %min3A_241 : i32 to index
        %swap3A_247 = tpu.vector_load %arg12[%swap3A_246] masked %and3A_239 {strides = array<i32>} : memref<5664xi32, #tpu.memory_space<vmem>>, vector<16xi32>, vector<16xi1>
        tpu.vector_store %arg12[%swap3A_246], %add3A_245 masked %and3A_239 {strides = array<i32>} : memref<5664xi32, #tpu.memory_space<vmem>>, vector<16xi32>, vector<16xi1>
        %all_reduce_population_count3A = tpu.all_reduce %and3A_239 {dim = 0 : i64, kind = #tpu.reduction_kind<sum>} : vector<16xi1> -> vector<16xi32>
        %slice3A = vector.extract_strided_slice %all_reduce_population_count3A {offsets = [0], sizes = [1], strides = [1]} : vector<16xi32> to vector<1xi32>
        %squeeze3A = vector.extract %slice3A[0] : i32 from vector<1xi32>
        %add3A_248 = arith.addi %scan3A_225, %squeeze3A : i32
        scf.yield %add3A_248 : i32
      }
      %scan3A_223 = arith.constant 100 : i32
      scf.yield %scan3A_222 : i32
    }
    %scan3A_41 = arith.constant 50 : i32
    %dma_wait3A = arith.constant 158400 : i32
    %dma_wait3A_42 = tpu.memref_slice %arg2[%dma_wait3A] : memref<160000xi32, #tpu.memory_space<hbm>> -> memref<1600xi32, #tpu.memory_space<hbm>>
    %dma_wait3A_43 = arith.constant 158400 : i32
    %dma_wait3A_44 = tpu.memref_slice %arg2[%dma_wait3A_43] : memref<160000xi32, #tpu.memory_space<hbm>> -> memref<1600xi32, #tpu.memory_space<hbm>>
    tpu.wait_dma2 semaphore(%arg23 : memref<!tpu.dma_semaphore, #tpu.memory_space<semaphore_mem>>) src(%dma_wait3A_44 : memref<1600xi32, #tpu.memory_space<hbm>>) dst(%arg8 : memref<1600xi32, #tpu.memory_space<vmem>>)
    %dma_wait3A_45 = arith.constant 158400 : i32
    %dma_wait3A_46 = tpu.memref_slice %arg3[%dma_wait3A_45] : memref<160000xi32, #tpu.memory_space<hbm>> -> memref<1600xi32, #tpu.memory_space<hbm>>
    %dma_wait3A_47 = arith.constant 158400 : i32
    %dma_wait3A_48 = tpu.memref_slice %arg3[%dma_wait3A_47] : memref<160000xi32, #tpu.memory_space<hbm>> -> memref<1600xi32, #tpu.memory_space<hbm>>
    tpu.wait_dma2 semaphore(%arg24 : memref<!tpu.dma_semaphore, #tpu.memory_space<semaphore_mem>>) src(%dma_wait3A_48 : memref<1600xi32, #tpu.memory_space<hbm>>) dst(%arg10 : memref<1600xi32, #tpu.memory_space<vmem>>)
    %min3A = arith.constant 5600 : i32
    %min3A_49 = arith.minsi %scan3A_40, %min3A : i32
    %add3A_50 = arith.constant 15 : i32
    %add3A_51 = arith.addi %min3A_49, %add3A_50 : i32
    %jit3A = arith.constant 16 : i32
    %div3A = arith.divsi %add3A_51, %jit3A : i32
    %sign3A = arith.constant 0 : i32
    %sign3A_52 = arith.cmpi sgt, %add3A_51, %sign3A : i32
    %sign3A_53 = arith.extui %sign3A_52 : i1 to i32
    %sign3A_54 = arith.constant 0 : i32
    %sign3A_55 = arith.cmpi slt, %add3A_51, %sign3A_54 : i32
    %sign3A_56 = arith.extui %sign3A_55 : i1 to i32
    %sign3A_57 = arith.subi %sign3A_53, %sign3A_56 : i32
    %sign3A_58 = arith.constant 0 : i32
    %sign3A_59 = arith.cmpi sgt, %jit3A, %sign3A_58 : i32
    %sign3A_60 = arith.extui %sign3A_59 : i1 to i32
    %sign3A_61 = arith.constant 0 : i32
    %sign3A_62 = arith.cmpi slt, %jit3A, %sign3A_61 : i32
    %sign3A_63 = arith.extui %sign3A_62 : i1 to i32
    %sign3A_64 = arith.subi %sign3A_60, %sign3A_63 : i32
    %ne3A = arith.cmpi ne, %sign3A_57, %sign3A_64 : i32
    %rem3A = arith.remsi %add3A_51, %jit3A : i32
    %ne3A_65 = arith.constant 0 : i32
    %ne3A_66 = arith.cmpi ne, %rem3A, %ne3A_65 : i32
    %and3A = arith.andi %ne3A, %ne3A_66 : i1
    %sub3A = arith.constant 1 : i32
    %sub3A_67 = arith.subi %div3A, %sub3A : i32
    %select_n3A = arith.select %and3A, %sub3A_67, %div3A : i32
    %add3A_68 = arith.constant 1 : i32
    %add3A_69 = arith.addi %select_n3A, %add3A_68 : i32
    %jit3A_70 = arith.constant 2 : i32
    %div3A_71 = arith.divsi %add3A_69, %jit3A_70 : i32
    %sign3A_72 = arith.constant 0 : i32
    %sign3A_73 = arith.cmpi sgt, %add3A_69, %sign3A_72 : i32
    %sign3A_74 = arith.extui %sign3A_73 : i1 to i32
    %sign3A_75 = arith.constant 0 : i32
    %sign3A_76 = arith.cmpi slt, %add3A_69, %sign3A_75 : i32
    %sign3A_77 = arith.extui %sign3A_76 : i1 to i32
    %sign3A_78 = arith.subi %sign3A_74, %sign3A_77 : i32
    %sign3A_79 = arith.constant 0 : i32
    %sign3A_80 = arith.cmpi sgt, %jit3A_70, %sign3A_79 : i32
    %sign3A_81 = arith.extui %sign3A_80 : i1 to i32
    %sign3A_82 = arith.constant 0 : i32
    %sign3A_83 = arith.cmpi slt, %jit3A_70, %sign3A_82 : i32
    %sign3A_84 = arith.extui %sign3A_83 : i1 to i32
    %sign3A_85 = arith.subi %sign3A_81, %sign3A_84 : i32
    %ne3A_86 = arith.cmpi ne, %sign3A_78, %sign3A_85 : i32
    %rem3A_87 = arith.remsi %add3A_69, %jit3A_70 : i32
    %ne3A_88 = arith.constant 0 : i32
    %ne3A_89 = arith.cmpi ne, %rem3A_87, %ne3A_88 : i32
    %and3A_90 = arith.andi %ne3A_86, %ne3A_89 : i1
    %sub3A_91 = arith.constant 1 : i32
    %sub3A_92 = arith.subi %div3A_71, %sub3A_91 : i32
    %select_n3A_93 = arith.select %and3A_90, %sub3A_92, %div3A_71 : i32
    %get3A = arith.constant 0 : index
    %get3A_94 = tpu.vector_load %arg12[%get3A] {strides = array<i32>} : memref<5664xi32, #tpu.memory_space<vmem>>, vector<16xi32>,
    %jit3A_95 = arith.constant 16384 : i32
    %div3A_96 = vector.broadcast %jit3A_95 : i32 to vector<16xi32>
    %div3A_97 = arith.divsi %get3A_94, %div3A_96 : vector<16xi32>
    %sign3A_98 = arith.constant 0 : i32
    %sign3A_99 = vector.broadcast %sign3A_98 : i32 to vector<16xi32>
    %sign3A_100 = arith.cmpi sgt, %get3A_94, %sign3A_99 : vector<16xi32>
    %sign3A_101 = arith.extui %sign3A_100 : vector<16xi1> to vector<16xi32>
    %sign3A_102 = arith.constant 0 : i32
    %sign3A_103 = vector.broadcast %sign3A_102 : i32 to vector<16xi32>
    %sign3A_104 = arith.cmpi slt, %get3A_94, %sign3A_103 : vector<16xi32>
    %sign3A_105 = arith.extui %sign3A_104 : vector<16xi1> to vector<16xi32>
    %sign3A_106 = arith.subi %sign3A_101, %sign3A_105 : vector<16xi32>
    %sign3A_107 = arith.constant 0 : i32
    %sign3A_108 = arith.cmpi sgt, %jit3A_95, %sign3A_107 : i32
    %sign3A_109 = arith.extui %sign3A_108 : i1 to i32
    %sign3A_110 = arith.constant 0 : i32
    %sign3A_111 = arith.cmpi slt, %jit3A_95, %sign3A_110 : i32
    %sign3A_112 = arith.extui %sign3A_111 : i1 to i32
    %sign3A_113 = arith.subi %sign3A_109, %sign3A_112 : i32
    %ne3A_114 = vector.broadcast %sign3A_113 : i32 to vector<16xi32>
    %ne3A_115 = arith.cmpi ne, %sign3A_106, %ne3A_114 : vector<16xi32>
    %rem3A_116 = vector.broadcast %jit3A_95 : i32 to vector<16xi32>
    %rem3A_117 = arith.remsi %get3A_94, %rem3A_116 : vector<16xi32>
    %ne3A_118 = arith.constant 0 : i32
    %ne3A_119 = vector.broadcast %ne3A_118 : i32 to vector<16xi32>
    %ne3A_120 = arith.cmpi ne, %rem3A_117, %ne3A_119 : vector<16xi32>
    %and3A_121 = arith.andi %ne3A_115, %ne3A_120 : vector<16xi1>
    %sub3A_122 = arith.constant 1 : i32
    %sub3A_123 = vector.broadcast %sub3A_122 : i32 to vector<16xi32>
    %sub3A_124 = arith.subi %div3A_97, %sub3A_123 : vector<16xi32>
    %select_n3A_125 = arith.select %and3A_121, %sub3A_124, %div3A_97 : vector<16xi1>, vector<16xi32>
    %min3A_126 = arith.constant 9999 : i32
    %min3A_127 = vector.broadcast %min3A_126 : i32 to vector<16xi32>
    %min3A_128 = arith.minsi %select_n3A_125, %min3A_127 : vector<16xi32>
    %swap3A = arith.constant 0 : index
    %swap3A_129 = tpu.vector_load %arg13[%swap3A] {strides = array<i32>} : memref<16xi32, #tpu.memory_space<vmem>>, vector<16xi32>,
    tpu.vector_store %arg13[%swap3A], %min3A_128 {strides = array<i32>} : memref<16xi32, #tpu.memory_space<vmem>>, vector<16xi32>,
    %jit3A_130 = arith.constant 16384 : i32
    %eq3A_131 = arith.constant 0 : i32
    %eq3A_132 = arith.cmpi eq, %jit3A_130, %eq3A_131 : i32
    %jit3A_133 = arith.constant 1 : i32
    %select_n3A_134 = arith.select %eq3A_132, %jit3A_133, %jit3A_130 : i32
    %rem3A_135 = vector.broadcast %select_n3A_134 : i32 to vector<16xi32>
    %rem3A_136 = arith.remsi %get3A_94, %rem3A_135 : vector<16xi32>
    %ne3A_137 = arith.constant 0 : i32
    %ne3A_138 = vector.broadcast %ne3A_137 : i32 to vector<16xi32>
    %ne3A_139 = arith.cmpi ne, %rem3A_136, %ne3A_138 : vector<16xi32>
    %lt3A = arith.constant 0 : i32
    %lt3A_140 = vector.broadcast %lt3A : i32 to vector<16xi32>
    %lt3A_141 = arith.cmpi slt, %rem3A_136, %lt3A_140 : vector<16xi32>
    %lt3A_142 = arith.constant 0 : i32
    %lt3A_143 = arith.cmpi slt, %select_n3A_134, %lt3A_142 : i32
    %ne3A_144 = vector.broadcast %lt3A_143 : i1 to vector<16xi1>
    %ne3A_145 = vector.broadcast %ne3A_144 : vector<16xi1> to vector<16xi1>
    %ne3A_146 = arith.xori %lt3A_141, %ne3A_145 : vector<16xi1>
    %and3A_147 = arith.andi %ne3A_146, %ne3A_139 : vector<16xi1>
    %add3A_148 = vector.broadcast %select_n3A_134 : i32 to vector<16xi32>
    %add3A_149 = arith.addi %rem3A_136, %add3A_148 : vector<16xi32>
    %select_n3A_150 = arith.select %and3A_147, %add3A_149, %rem3A_136 : vector<16xi1>, vector<16xi32>
    %swap3A_151 = arith.constant 0 : index
    %swap3A_152 = tpu.vector_load %arg15[%swap3A_151] {strides = array<i32>} : memref<16xi32, #tpu.memory_space<vmem>>, vector<16xi32>,
    tpu.vector_store %arg15[%swap3A_151], %select_n3A_150 {strides = array<i32>} : memref<16xi32, #tpu.memory_space<vmem>>, vector<16xi32>,
    %dma_start3A_153 = arith.constant 0 : i32
    %dma_start3A_154 = arith.constant 0 : i32
    %dma_start3A_155 = tpu.memref_slice %arg4[%dma_start3A_153, %dma_start3A_154] : memref<10000x256xf32, #tpu.memory_space<hbm>> -> memref<10000x256xf32, #tpu.memory_space<hbm>>
    tpu.enqueue_indirect_dma source(%dma_start3A_155 : memref<10000x256xf32, #tpu.memory_space<hbm>>) target(%arg17 : memref<16x256xf32, #tpu.memory_space<vmem>>) offsets(%arg13 : memref<16xi32, #tpu.memory_space<vmem>>) semaphore(%arg23 : memref<!tpu.dma_semaphore, #tpu.memory_space<semaphore_mem>>)
    %dma_start3A_156 = arith.constant 0 : i32
    %dma_start3A_157 = arith.constant 0 : i32
    %dma_start3A_158 = tpu.memref_slice %arg5[%dma_start3A_156, %dma_start3A_157] : memref<10000x256xi32, #tpu.memory_space<hbm>> -> memref<10000x256xi32, #tpu.memory_space<hbm>>
    tpu.enqueue_indirect_dma source(%dma_start3A_158 : memref<10000x256xi32, #tpu.memory_space<hbm>>) target(%arg19 : memref<16x256xi32, #tpu.memory_space<vmem>>) offsets(%arg15 : memref<16xi32, #tpu.memory_space<vmem>>) semaphore(%arg24 : memref<!tpu.dma_semaphore, #tpu.memory_space<semaphore_mem>>)
    %while3A = arith.constant 0 : i32
    %while3A_159 = arith.constant 0 : i32
    %while3A_160 = arith.subi %select_n3A_93, %while3A_159 : i32
    %while3A_161 = arith.addi %while3A_159, %while3A_160 : i32
    %while3A_162 = arith.constant 1 : i32
    %while3A_163 = arith.divsi %while3A_160, %while3A_162 : i32
    %while3A_164 = arith.muli %while3A_163, %while3A_162 : i32
    %while3A_165 = arith.addi %while3A_159, %while3A_164 : i32
    %while3A_166 = arith.constant 1 : i32
    scf.for %while3A_174 = %while3A_159 to %while3A_165 step %while3A_166  : i32 {
      %mul3A_175 = arith.constant 2 : i32
      %mul3A_176 = arith.muli %while3A_174, %mul3A_175 : i32
      %add3A_177 = arith.constant 1 : i32
      %add3A_178 = arith.addi %mul3A_176, %add3A_177 : i32
      %mul3A_179 = arith.constant 16 : i32
      %mul3A_180 = arith.muli %add3A_178, %mul3A_179 : i32
      %add3A_181 = arith.constant 0 : i32
      %add3A_182 = arith.addi %mul3A_180, %add3A_181 : i32
      %get3A_183 = arith.index_cast %add3A_182 : i32 to index
      %get3A_184 = tpu.vector_load %arg12[%get3A_183] {strides = array<i32>} : memref<5664xi32, #tpu.memory_space<vmem>>, vector<16xi32>,
      %jit3A_185 = arith.constant 16384 : i32
      %div3A_186 = vector.broadcast %jit3A_185 : i32 to vector<16xi32>
      %div3A_187 = arith.divsi %get3A_184, %div3A_186 : vector<16xi32>
      %sign3A_188 = arith.constant 0 : i32
      %sign3A_189 = vector.broadcast %sign3A_188 : i32 to vector<16xi32>
      %sign3A_190 = arith.cmpi sgt, %get3A_184, %sign3A_189 : vector<16xi32>
      %sign3A_191 = arith.extui %sign3A_190 : vector<16xi1> to vector<16xi32>
      %sign3A_192 = arith.constant 0 : i32
      %sign3A_193 = vector.broadcast %sign3A_192 : i32 to vector<16xi32>
      %sign3A_194 = arith.cmpi slt, %get3A_184, %sign3A_193 : vector<16xi32>
      %sign3A_195 = arith.extui %sign3A_194 : vector<16xi1> to vector<16xi32>
      %sign3A_196 = arith.subi %sign3A_191, %sign3A_195 : vector<16xi32>
      %sign3A_197 = arith.constant 0 : i32
      %sign3A_198 = arith.cmpi sgt, %jit3A_185, %sign3A_197 : i32
      %sign3A_199 = arith.extui %sign3A_198 : i1 to i32
      %sign3A_200 = arith.constant 0 : i32
      %sign3A_201 = arith.cmpi slt, %jit3A_185, %sign3A_200 : i32
      %sign3A_202 = arith.extui %sign3A_201 : i1 to i32
      %sign3A_203 = arith.subi %sign3A_199, %sign3A_202 : i32
      %ne3A_204 = vector.broadcast %sign3A_203 : i32 to vector<16xi32>
      %ne3A_205 = arith.cmpi ne, %sign3A_196, %ne3A_204 : vector<16xi32>
      %rem3A_206 = vector.broadcast %jit3A_185 : i32 to vector<16xi32>
      %rem3A_207 = arith.remsi %get3A_184, %rem3A_206 : vector<16xi32>
      %ne3A_208 = arith.constant 0 : i32
      %ne3A_209 = vector.broadcast %ne3A_208 : i32 to vector<16xi32>
      %ne3A_210 = arith.cmpi ne, %rem3A_207, %ne3A_209 : vector<16xi32>
      %and3A_211 = arith.andi %ne3A_205, %ne3A_210 : vector<16xi1>
      %sub3A_212 = arith.constant 1 : i32
      %sub3A_213 = vector.broadcast %sub3A_212 : i32 to vector<16xi32>
      %sub3A_214 = arith.subi %div3A_187, %sub3A_213 : vector<16xi32>
      %select_n3A_215 = arith.select %and3A_211, %sub3A_214, %div3A_187 : vector<16xi1>, vector<16xi32>
      %min3A_216 = arith.constant 9999 : i32
      %min3A_217 = vector.broadcast %min3A_216 : i32 to vector<16xi32>
      %min3A_218 = arith.minsi %select_n3A_215, %min3A_217 : vector<16xi32>
      %swap3A_219 = arith.constant 0 : index
      %swap3A_220 = tpu.vector_load %arg14[%swap3A_219] {strides = array<i32>} : memref<16xi32, #tpu.memory_space<vmem>>, vector<16xi32>,
      tpu.vector_store %arg14[%swap3A_219], %min3A_218 {strides = array<i32>} : memref<16xi32, #tpu.memory_space<vmem>>, vector<16xi32>,
      %jit3A_221 = arith.constant 16384 : i32
      %eq3A_222 = arith.constant 0 : i32
      %eq3A_223 = arith.cmpi eq, %jit3A_221, %eq3A_222 : i32
      %jit3A_224 = arith.constant 1 : i32
      %select_n3A_225 = arith.select %eq3A_223, %jit3A_224, %jit3A_221 : i32
      %rem3A_226 = vector.broadcast %select_n3A_225 : i32 to vector<16xi32>
      %rem3A_227 = arith.remsi %get3A_184, %rem3A_226 : vector<16xi32>
      %ne3A_228 = arith.constant 0 : i32
      %ne3A_229 = vector.broadcast %ne3A_228 : i32 to vector<16xi32>
      %ne3A_230 = arith.cmpi ne, %rem3A_227, %ne3A_229 : vector<16xi32>
      %lt3A_231 = arith.constant 0 : i32
      %lt3A_232 = vector.broadcast %lt3A_231 : i32 to vector<16xi32>
      %lt3A_233 = arith.cmpi slt, %rem3A_227, %lt3A_232 : vector<16xi32>
      %lt3A_234 = arith.constant 0 : i32
      %lt3A_235 = arith.cmpi slt, %select_n3A_225, %lt3A_234 : i32
      %ne3A_236 = vector.broadcast %lt3A_235 : i1 to vector<16xi1>
      %ne3A_237 = vector.broadcast %ne3A_236 : vector<16xi1> to vector<16xi1>
      %ne3A_238 = arith.xori %lt3A_233, %ne3A_237 : vector<16xi1>
      %and3A_239 = arith.andi %ne3A_238, %ne3A_230 : vector<16xi1>
      %add3A_240 = vector.broadcast %select_n3A_225 : i32 to vector<16xi32>
      %add3A_241 = arith.addi %rem3A_227, %add3A_240 : vector<16xi32>
      %select_n3A_242 = arith.select %and3A_239, %add3A_241, %rem3A_227 : vector<16xi1>, vector<16xi32>
      %swap3A_243 = arith.constant 0 : index
      %swap3A_244 = tpu.vector_load %arg16[%swap3A_243] {strides = array<i32>} : memref<16xi32, #tpu.memory_space<vmem>>, vector<16xi32>,
      tpu.vector_store %arg16[%swap3A_243], %select_n3A_242 {strides = array<i32>} : memref<16xi32, #tpu.memory_space<vmem>>, vector<16xi32>,
      %dma_wait3A_245 = arith.constant 0 : i32
      %dma_wait3A_246 = arith.constant 0 : i32
      %dma_wait3A_247 = tpu.memref_slice %arg4[%dma_wait3A_245, %dma_wait3A_246] : memref<10000x256xf32, #tpu.memory_space<hbm>> -> memref<10000x256xf32, #tpu.memory_space<hbm>>
      tpu.wait_indirect_dma semaphore(%arg23 : memref<!tpu.dma_semaphore, #tpu.memory_space<semaphore_mem>>) src(%dma_wait3A_247 : memref<10000x256xf32, #tpu.memory_space<hbm>>) dst(%arg17 : memref<16x256xf32, #tpu.memory_space<vmem>>)
      %dma_wait3A_248 = arith.constant 0 : i32
      %dma_wait3A_249 = arith.constant 0 : i32
      %dma_wait3A_250 = tpu.memref_slice %arg5[%dma_wait3A_248, %dma_wait3A_249] : memref<10000x256xi32, #tpu.memory_space<hbm>> -> memref<10000x256xi32, #tpu.memory_space<hbm>>
      tpu.wait_indirect_dma semaphore(%arg24 : memref<!tpu.dma_semaphore, #tpu.memory_space<semaphore_mem>>) src(%dma_wait3A_250 : memref<10000x256xi32, #tpu.memory_space<hbm>>) dst(%arg19 : memref<16x256xi32, #tpu.memory_space<vmem>>)
      %dma_start3A_251 = arith.constant 0 : i32
      %dma_start3A_252 = arith.constant 0 : i32
      %dma_start3A_253 = tpu.memref_slice %arg4[%dma_start3A_251, %dma_start3A_252] : memref<10000x256xf32, #tpu.memory_space<hbm>> -> memref<10000x256xf32, #tpu.memory_space<hbm>>
      tpu.enqueue_indirect_dma source(%dma_start3A_253 : memref<10000x256xf32, #tpu.memory_space<hbm>>) target(%arg18 : memref<16x256xf32, #tpu.memory_space<vmem>>) offsets(%arg14 : memref<16xi32, #tpu.memory_space<vmem>>) semaphore(%arg25 : memref<!tpu.dma_semaphore, #tpu.memory_space<semaphore_mem>>)
      %dma_start3A_254 = arith.constant 0 : i32
      %dma_start3A_255 = arith.constant 0 : i32
      %dma_start3A_256 = tpu.memref_slice %arg5[%dma_start3A_254, %dma_start3A_255] : memref<10000x256xi32, #tpu.memory_space<hbm>> -> memref<10000x256xi32, #tpu.memory_space<hbm>>
      tpu.enqueue_indirect_dma source(%dma_start3A_256 : memref<10000x256xi32, #tpu.memory_space<hbm>>) target(%arg20 : memref<16x256xi32, #tpu.memory_space<vmem>>) offsets(%arg16 : memref<16xi32, #tpu.memory_space<vmem>>) semaphore(%arg26 : memref<!tpu.dma_semaphore, #tpu.memory_space<semaphore_mem>>)
      %mul3A_257 = arith.constant 16 : i32
      %mul3A_258 = arith.muli %mul3A_176, %mul3A_257 : i32
      %parallel_loop3A = arith.constant 0 : i32
      %parallel_loop3A_259 = arith.constant 16 : i32
      %parallel_loop3A_260 = arith.constant 1 : i32
      scf.for %parallel_loop3A_348 = %parallel_loop3A to %parallel_loop3A_259 step %parallel_loop3A_260  : i32 {
        %parallel_loop3A_349 = arith.index_cast %parallel_loop3A_348 : i32 to index
        %parallel_loop3A_350 = arith.constant 0 : index
        %parallel_loop3A_351 = tpu.vector_load %arg19[%parallel_loop3A_349, %parallel_loop3A_350] {strides = array<i32>} : memref<16x256xi32, #tpu.memory_space<vmem>>, vector<16xi32>,
        %parallel_loop3A_352 = vector.bitcast %parallel_loop3A_351 : vector<16xi32> to vector<32xbf16>
        %parallel_loop3A_353 = tpu.unpack_subelements %parallel_loop3A_352, 0 {pack_format = #tpu.pack_format<interleaved>} : vector<32xbf16> -> vector<16xf32>
        %parallel_loop3A_354 = tpu.unpack_subelements %parallel_loop3A_352, 1 {pack_format = #tpu.pack_format<interleaved>} : vector<32xbf16> -> vector<16xf32>
        %parallel_loop3A_355 = arith.index_cast %parallel_loop3A_348 : i32 to index
        %parallel_loop3A_356 = arith.constant 0 : index
        %parallel_loop3A_357 = tpu.vector_load %arg17[%parallel_loop3A_355, %parallel_loop3A_356] {strides = array<i32>} : memref<16x256xf32, #tpu.memory_space<vmem>>, vector<16xf32>,
        %parallel_loop3A_358 = arith.mulf %parallel_loop3A_357, %parallel_loop3A_353 : vector<16xf32>
        %parallel_loop3A_359 = arith.addf %broadcast_in_dim3A_3, %parallel_loop3A_358 : vector<16xf32>
        %parallel_loop3A_360 = arith.index_cast %parallel_loop3A_348 : i32 to index
        %parallel_loop3A_361 = arith.constant 16 : index
        %parallel_loop3A_362 = tpu.vector_load %arg17[%parallel_loop3A_360, %parallel_loop3A_361] {strides = array<i32>} : memref<16x256xf32, #tpu.memory_space<vmem>>, vector<16xf32>,
        %parallel_loop3A_363 = arith.mulf %parallel_loop3A_362, %parallel_loop3A_354 : vector<16xf32>
        %parallel_loop3A_364 = arith.addf %parallel_loop3A_359, %parallel_loop3A_363 : vector<16xf32>
        %parallel_loop3A_365 = arith.index_cast %parallel_loop3A_348 : i32 to index
        %parallel_loop3A_366 = arith.constant 16 : index
        %parallel_loop3A_367 = tpu.vector_load %arg19[%parallel_loop3A_365, %parallel_loop3A_366] {strides = array<i32>} : memref<16x256xi32, #tpu.memory_space<vmem>>, vector<16xi32>,
        %parallel_loop3A_368 = vector.bitcast %parallel_loop3A_367 : vector<16xi32> to vector<32xbf16>
        %parallel_loop3A_369 = tpu.unpack_subelements %parallel_loop3A_368, 0 {pack_format = #tpu.pack_format<interleaved>} : vector<32xbf16> -> vector<16xf32>
        %parallel_loop3A_370 = tpu.unpack_subelements %parallel_loop3A_368, 1 {pack_format = #tpu.pack_format<interleaved>} : vector<32xbf16> -> vector<16xf32>
        %parallel_loop3A_371 = arith.index_cast %parallel_loop3A_348 : i32 to index
        %parallel_loop3A_372 = arith.constant 32 : index
        %parallel_loop3A_373 = tpu.vector_load %arg17[%parallel_loop3A_371, %parallel_loop3A_372] {strides = array<i32>} : memref<16x256xf32, #tpu.memory_space<vmem>>, vector<16xf32>,
        %parallel_loop3A_374 = arith.mulf %parallel_loop3A_373, %parallel_loop3A_369 : vector<16xf32>
        %parallel_loop3A_375 = arith.addf %parallel_loop3A_364, %parallel_loop3A_374 : vector<16xf32>
        %parallel_loop3A_376 = arith.index_cast %parallel_loop3A_348 : i32 to index
        %parallel_loop3A_377 = arith.constant 48 : index
        %parallel_loop3A_378 = tpu.vector_load %arg17[%parallel_loop3A_376, %parallel_loop3A_377] {strides = array<i32>} : memref<16x256xf32, #tpu.memory_space<vmem>>, vector<16xf32>,
        %parallel_loop3A_379 = arith.mulf %parallel_loop3A_378, %parallel_loop3A_370 : vector<16xf32>
        %parallel_loop3A_380 = arith.addf %parallel_loop3A_375, %parallel_loop3A_379 : vector<16xf32>
        %parallel_loop3A_381 = arith.index_cast %parallel_loop3A_348 : i32 to index
        %parallel_loop3A_382 = arith.constant 32 : index
        %parallel_loop3A_383 = tpu.vector_load %arg19[%parallel_loop3A_381, %parallel_loop3A_382] {strides = array<i32>} : memref<16x256xi32, #tpu.memory_space<vmem>>, vector<16xi32>,
        %parallel_loop3A_384 = vector.bitcast %parallel_loop3A_383 : vector<16xi32> to vector<32xbf16>
        %parallel_loop3A_385 = tpu.unpack_subelements %parallel_loop3A_384, 0 {pack_format = #tpu.pack_format<interleaved>} : vector<32xbf16> -> vector<16xf32>
        %parallel_loop3A_386 = tpu.unpack_subelements %parallel_loop3A_384, 1 {pack_format = #tpu.pack_format<interleaved>} : vector<32xbf16> -> vector<16xf32>
        %parallel_loop3A_387 = arith.index_cast %parallel_loop3A_348 : i32 to index
        %parallel_loop3A_388 = arith.constant 64 : index
        %parallel_loop3A_389 = tpu.vector_load %arg17[%parallel_loop3A_387, %parallel_loop3A_388] {strides = array<i32>} : memref<16x256xf32, #tpu.memory_space<vmem>>, vector<16xf32>,
        %parallel_loop3A_390 = arith.mulf %parallel_loop3A_389, %parallel_loop3A_385 : vector<16xf32>
        %parallel_loop3A_391 = arith.addf %parallel_loop3A_380, %parallel_loop3A_390 : vector<16xf32>
        %parallel_loop3A_392 = arith.index_cast %parallel_loop3A_348 : i32 to index
        %parallel_loop3A_393 = arith.constant 80 : index
        %parallel_loop3A_394 = tpu.vector_load %arg17[%parallel_loop3A_392, %parallel_loop3A_393] {strides = array<i32>} : memref<16x256xf32, #tpu.memory_space<vmem>>, vector<16xf32>,
        %parallel_loop3A_395 = arith.mulf %parallel_loop3A_394, %parallel_loop3A_386 : vector<16xf32>
        %parallel_loop3A_396 = arith.addf %parallel_loop3A_391, %parallel_loop3A_395 : vector<16xf32>
        %parallel_loop3A_397 = arith.index_cast %parallel_loop3A_348 : i32 to index
        %parallel_loop3A_398 = arith.constant 48 : index
        %parallel_loop3A_399 = tpu.vector_load %arg19[%parallel_loop3A_397, %parallel_loop3A_398] {strides = array<i32>} : memref<16x256xi32, #tpu.memory_space<vmem>>, vector<16xi32>,
        %parallel_loop3A_400 = vector.bitcast %parallel_loop3A_399 : vector<16xi32> to vector<32xbf16>
        %parallel_loop3A_401 = tpu.unpack_subelements %parallel_loop3A_400, 0 {pack_format = #tpu.pack_format<interleaved>} : vector<32xbf16> -> vector<16xf32>
        %parallel_loop3A_402 = tpu.unpack_subelements %parallel_loop3A_400, 1 {pack_format = #tpu.pack_format<interleaved>} : vector<32xbf16> -> vector<16xf32>
        %parallel_loop3A_403 = arith.index_cast %parallel_loop3A_348 : i32 to index
        %parallel_loop3A_404 = arith.constant 96 : index
        %parallel_loop3A_405 = tpu.vector_load %arg17[%parallel_loop3A_403, %parallel_loop3A_404] {strides = array<i32>} : memref<16x256xf32, #tpu.memory_space<vmem>>, vector<16xf32>,
        %parallel_loop3A_406 = arith.mulf %parallel_loop3A_405, %parallel_loop3A_401 : vector<16xf32>
        %parallel_loop3A_407 = arith.addf %parallel_loop3A_396, %parallel_loop3A_406 : vector<16xf32>
        %parallel_loop3A_408 = arith.index_cast %parallel_loop3A_348 : i32 to index
        %parallel_loop3A_409 = arith.constant 112 : index
        %parallel_loop3A_410 = tpu.vector_load %arg17[%parallel_loop3A_408, %parallel_loop3A_409] {strides = array<i32>} : memref<16x256xf32, #tpu.memory_space<vmem>>, vector<16xf32>,
        %parallel_loop3A_411 = arith.mulf %parallel_loop3A_410, %parallel_loop3A_402 : vector<16xf32>
        %parallel_loop3A_412 = arith.addf %parallel_loop3A_407, %parallel_loop3A_411 : vector<16xf32>
        %parallel_loop3A_413 = arith.index_cast %parallel_loop3A_348 : i32 to index
        %parallel_loop3A_414 = arith.constant 64 : index
        %parallel_loop3A_415 = tpu.vector_load %arg19[%parallel_loop3A_413, %parallel_loop3A_414] {strides = array<i32>} : memref<16x256xi32, #tpu.memory_space<vmem>>, vector<16xi32>,
        %parallel_loop3A_416 = vector.bitcast %parallel_loop3A_415 : vector<16xi32> to vector<32xbf16>
        %parallel_loop3A_417 = tpu.unpack_subelements %parallel_loop3A_416, 0 {pack_format = #tpu.pack_format<interleaved>} : vector<32xbf16> -> vector<16xf32>
        %parallel_loop3A_418 = tpu.unpack_subelements %parallel_loop3A_416, 1 {pack_format = #tpu.pack_format<interleaved>} : vector<32xbf16> -> vector<16xf32>
        %parallel_loop3A_419 = arith.index_cast %parallel_loop3A_348 : i32 to index
        %parallel_loop3A_420 = arith.constant 128 : index
        %parallel_loop3A_421 = tpu.vector_load %arg17[%parallel_loop3A_419, %parallel_loop3A_420] {strides = array<i32>} : memref<16x256xf32, #tpu.memory_space<vmem>>, vector<16xf32>,
        %parallel_loop3A_422 = arith.mulf %parallel_loop3A_421, %parallel_loop3A_417 : vector<16xf32>
        %parallel_loop3A_423 = arith.addf %parallel_loop3A_412, %parallel_loop3A_422 : vector<16xf32>
        %parallel_loop3A_424 = arith.index_cast %parallel_loop3A_348 : i32 to index
        %parallel_loop3A_425 = arith.constant 144 : index
        %parallel_loop3A_426 = tpu.vector_load %arg17[%parallel_loop3A_424, %parallel_loop3A_425] {strides = array<i32>} : memref<16x256xf32, #tpu.memory_space<vmem>>, vector<16xf32>,
        %parallel_loop3A_427 = arith.mulf %parallel_loop3A_426, %parallel_loop3A_418 : vector<16xf32>
        %parallel_loop3A_428 = arith.addf %parallel_loop3A_423, %parallel_loop3A_427 : vector<16xf32>
        %parallel_loop3A_429 = arith.index_cast %parallel_loop3A_348 : i32 to index
        %parallel_loop3A_430 = arith.constant 80 : index
        %parallel_loop3A_431 = tpu.vector_load %arg19[%parallel_loop3A_429, %parallel_loop3A_430] {strides = array<i32>} : memref<16x256xi32, #tpu.memory_space<vmem>>, vector<16xi32>,
        %parallel_loop3A_432 = vector.bitcast %parallel_loop3A_431 : vector<16xi32> to vector<32xbf16>
        %parallel_loop3A_433 = tpu.unpack_subelements %parallel_loop3A_432, 0 {pack_format = #tpu.pack_format<interleaved>} : vector<32xbf16> -> vector<16xf32>
        %parallel_loop3A_434 = tpu.unpack_subelements %parallel_loop3A_432, 1 {pack_format = #tpu.pack_format<interleaved>} : vector<32xbf16> -> vector<16xf32>
        %parallel_loop3A_435 = arith.index_cast %parallel_loop3A_348 : i32 to index
        %parallel_loop3A_436 = arith.constant 160 : index
        %parallel_loop3A_437 = tpu.vector_load %arg17[%parallel_loop3A_435, %parallel_loop3A_436] {strides = array<i32>} : memref<16x256xf32, #tpu.memory_space<vmem>>, vector<16xf32>,
        %parallel_loop3A_438 = arith.mulf %parallel_loop3A_437, %parallel_loop3A_433 : vector<16xf32>
        %parallel_loop3A_439 = arith.addf %parallel_loop3A_428, %parallel_loop3A_438 : vector<16xf32>
        %parallel_loop3A_440 = arith.index_cast %parallel_loop3A_348 : i32 to index
        %parallel_loop3A_441 = arith.constant 176 : index
        %parallel_loop3A_442 = tpu.vector_load %arg17[%parallel_loop3A_440, %parallel_loop3A_441] {strides = array<i32>} : memref<16x256xf32, #tpu.memory_space<vmem>>, vector<16xf32>,
        %parallel_loop3A_443 = arith.mulf %parallel_loop3A_442, %parallel_loop3A_434 : vector<16xf32>
        %parallel_loop3A_444 = arith.addf %parallel_loop3A_439, %parallel_loop3A_443 : vector<16xf32>
        %parallel_loop3A_445 = arith.index_cast %parallel_loop3A_348 : i32 to index
        %parallel_loop3A_446 = arith.constant 96 : index
        %parallel_loop3A_447 = tpu.vector_load %arg19[%parallel_loop3A_445, %parallel_loop3A_446] {strides = array<i32>} : memref<16x256xi32, #tpu.memory_space<vmem>>, vector<16xi32>,
        %parallel_loop3A_448 = vector.bitcast %parallel_loop3A_447 : vector<16xi32> to vector<32xbf16>
        %parallel_loop3A_449 = tpu.unpack_subelements %parallel_loop3A_448, 0 {pack_format = #tpu.pack_format<interleaved>} : vector<32xbf16> -> vector<16xf32>
        %parallel_loop3A_450 = tpu.unpack_subelements %parallel_loop3A_448, 1 {pack_format = #tpu.pack_format<interleaved>} : vector<32xbf16> -> vector<16xf32>
        %parallel_loop3A_451 = arith.index_cast %parallel_loop3A_348 : i32 to index
        %parallel_loop3A_452 = arith.constant 192 : index
        %parallel_loop3A_453 = tpu.vector_load %arg17[%parallel_loop3A_451, %parallel_loop3A_452] {strides = array<i32>} : memref<16x256xf32, #tpu.memory_space<vmem>>, vector<16xf32>,
        %parallel_loop3A_454 = arith.mulf %parallel_loop3A_453, %parallel_loop3A_449 : vector<16xf32>
        %parallel_loop3A_455 = arith.addf %parallel_loop3A_444, %parallel_loop3A_454 : vector<16xf32>
        %parallel_loop3A_456 = arith.index_cast %parallel_loop3A_348 : i32 to index
        %parallel_loop3A_457 = arith.constant 208 : index
        %parallel_loop3A_458 = tpu.vector_load %arg17[%parallel_loop3A_456, %parallel_loop3A_457] {strides = array<i32>} : memref<16x256xf32, #tpu.memory_space<vmem>>, vector<16xf32>,
        %parallel_loop3A_459 = arith.mulf %parallel_loop3A_458, %parallel_loop3A_450 : vector<16xf32>
        %parallel_loop3A_460 = arith.addf %parallel_loop3A_455, %parallel_loop3A_459 : vector<16xf32>
        %parallel_loop3A_461 = arith.index_cast %parallel_loop3A_348 : i32 to index
        %parallel_loop3A_462 = arith.constant 112 : index
        %parallel_loop3A_463 = tpu.vector_load %arg19[%parallel_loop3A_461, %parallel_loop3A_462] {strides = array<i32>} : memref<16x256xi32, #tpu.memory_space<vmem>>, vector<16xi32>,
        %parallel_loop3A_464 = vector.bitcast %parallel_loop3A_463 : vector<16xi32> to vector<32xbf16>
        %parallel_loop3A_465 = tpu.unpack_subelements %parallel_loop3A_464, 0 {pack_format = #tpu.pack_format<interleaved>} : vector<32xbf16> -> vector<16xf32>
        %parallel_loop3A_466 = tpu.unpack_subelements %parallel_loop3A_464, 1 {pack_format = #tpu.pack_format<interleaved>} : vector<32xbf16> -> vector<16xf32>
        %parallel_loop3A_467 = arith.index_cast %parallel_loop3A_348 : i32 to index
        %parallel_loop3A_468 = arith.constant 224 : index
        %parallel_loop3A_469 = tpu.vector_load %arg17[%parallel_loop3A_467, %parallel_loop3A_468] {strides = array<i32>} : memref<16x256xf32, #tpu.memory_space<vmem>>, vector<16xf32>,
        %parallel_loop3A_470 = arith.mulf %parallel_loop3A_469, %parallel_loop3A_465 : vector<16xf32>
        %parallel_loop3A_471 = arith.addf %parallel_loop3A_460, %parallel_loop3A_470 : vector<16xf32>
        %parallel_loop3A_472 = arith.index_cast %parallel_loop3A_348 : i32 to index
        %parallel_loop3A_473 = arith.constant 240 : index
        %parallel_loop3A_474 = tpu.vector_load %arg17[%parallel_loop3A_472, %parallel_loop3A_473] {strides = array<i32>} : memref<16x256xf32, #tpu.memory_space<vmem>>, vector<16xf32>,
        %parallel_loop3A_475 = arith.mulf %parallel_loop3A_474, %parallel_loop3A_466 : vector<16xf32>
        %parallel_loop3A_476 = arith.addf %parallel_loop3A_471, %parallel_loop3A_475 : vector<16xf32>
        %parallel_loop3A_477 = arith.constant true
        %parallel_loop3A_478 = vector.broadcast %parallel_loop3A_477 : i1 to vector<16xi1>
        %parallel_loop3A_479 = tpu.scan <sum>, %parallel_loop3A_476 masked %parallel_loop3A_478 : vector<16xf32>, vector<16xi1> -> vector<16xf32>
        %parallel_loop3A_480 = vector.extract %parallel_loop3A_479[15] : f32 from vector<16xf32>
        %parallel_loop3A_481 = arith.constant 6.250000e-02 : f32
        %parallel_loop3A_482 = arith.mulf %parallel_loop3A_480, %parallel_loop3A_481 : f32
        %parallel_loop3A_483 = vector.broadcast %parallel_loop3A_482 : f32 to vector<16xf32>
        %parallel_loop3A_484 = math.exp %parallel_loop3A_483 : vector<16xf32>
        %parallel_loop3A_485 = arith.addi %mul3A_258, %parallel_loop3A_348 : i32
        %parallel_loop3A_486 = vector.broadcast %parallel_loop3A_485 : i32 to vector<16xi32>
        %parallel_loop3A_487 = tpu.vector_load_idx %arg12[%parallel_loop3A_486] : memref<5664xi32, #tpu.memory_space<vmem>>[vector<16xi32>], vector<16xi32>,
        %parallel_loop3A_488 = arith.constant 16384 : i32
        %parallel_loop3A_489 = vector.broadcast %parallel_loop3A_488 : i32 to vector<16xi32>
        %parallel_loop3A_490 = arith.divsi %parallel_loop3A_487, %parallel_loop3A_489 : vector<16xi32>
        %parallel_loop3A_491 = arith.constant 0 : i32
        %parallel_loop3A_492 = vector.broadcast %parallel_loop3A_491 : i32 to vector<16xi32>
        %parallel_loop3A_493 = arith.cmpi sgt, %parallel_loop3A_487, %parallel_loop3A_492 : vector<16xi32>
        %parallel_loop3A_494 = arith.extui %parallel_loop3A_493 : vector<16xi1> to vector<16xi32>
        %parallel_loop3A_495 = arith.constant 0 : i32
        %parallel_loop3A_496 = vector.broadcast %parallel_loop3A_495 : i32 to vector<16xi32>
        %parallel_loop3A_497 = arith.cmpi slt, %parallel_loop3A_487, %parallel_loop3A_496 : vector<16xi32>
        %parallel_loop3A_498 = arith.extui %parallel_loop3A_497 : vector<16xi1> to vector<16xi32>
        %parallel_loop3A_499 = arith.subi %parallel_loop3A_494, %parallel_loop3A_498 : vector<16xi32>
        %parallel_loop3A_500 = arith.constant 0 : i32
        %parallel_loop3A_501 = arith.cmpi sgt, %parallel_loop3A_488, %parallel_loop3A_500 : i32
        %parallel_loop3A_502 = arith.extui %parallel_loop3A_501 : i1 to i32
        %parallel_loop3A_503 = arith.constant 0 : i32
        %parallel_loop3A_504 = arith.cmpi slt, %parallel_loop3A_488, %parallel_loop3A_503 : i32
        %parallel_loop3A_505 = arith.extui %parallel_loop3A_504 : i1 to i32
        %parallel_loop3A_506 = arith.subi %parallel_loop3A_502, %parallel_loop3A_505 : i32
        %parallel_loop3A_507 = vector.broadcast %parallel_loop3A_506 : i32 to vector<16xi32>
        %parallel_loop3A_508 = arith.cmpi ne, %parallel_loop3A_499, %parallel_loop3A_507 : vector<16xi32>
        %parallel_loop3A_509 = vector.broadcast %parallel_loop3A_488 : i32 to vector<16xi32>
        %parallel_loop3A_510 = arith.remsi %parallel_loop3A_487, %parallel_loop3A_509 : vector<16xi32>
        %parallel_loop3A_511 = arith.constant 0 : i32
        %parallel_loop3A_512 = vector.broadcast %parallel_loop3A_511 : i32 to vector<16xi32>
        %parallel_loop3A_513 = arith.cmpi ne, %parallel_loop3A_510, %parallel_loop3A_512 : vector<16xi32>
        %parallel_loop3A_514 = arith.andi %parallel_loop3A_508, %parallel_loop3A_513 : vector<16xi1>
        %parallel_loop3A_515 = arith.constant 1 : i32
        %parallel_loop3A_516 = vector.broadcast %parallel_loop3A_515 : i32 to vector<16xi32>
        %parallel_loop3A_517 = arith.subi %parallel_loop3A_490, %parallel_loop3A_516 : vector<16xi32>
        %parallel_loop3A_518 = arith.select %parallel_loop3A_514, %parallel_loop3A_517, %parallel_loop3A_490 : vector<16xi1>, vector<16xi32>
        %parallel_loop3A_519 = vector.broadcast %mul3A_2 : i32 to vector<16xi32>
        %parallel_loop3A_520 = arith.subi %parallel_loop3A_518, %parallel_loop3A_519 : vector<16xi32>
        %parallel_loop3A_521 = arith.constant 0 : i32
        %parallel_loop3A_522 = vector.broadcast %parallel_loop3A_521 : i32 to vector<16xi32>
        %parallel_loop3A_523 = arith.maxsi %parallel_loop3A_520, %parallel_loop3A_522 : vector<16xi32>
        %parallel_loop3A_524 = arith.constant 320 : i32
        %parallel_loop3A_525 = vector.broadcast %parallel_loop3A_524 : i32 to vector<16xi32>
        %parallel_loop3A_526 = arith.minsi %parallel_loop3A_523, %parallel_loop3A_525 : vector<16xi32>
        %parallel_loop3A_527 = arith.index_cast %parallel_loop3A_348 : i32 to index
        %parallel_loop3A_528 = arith.constant 128 : index
        %parallel_loop3A_529 = tpu.vector_load %arg19[%parallel_loop3A_527, %parallel_loop3A_528] {strides = array<i32>} : memref<16x256xi32, #tpu.memory_space<vmem>>, vector<16xi32>,
        %parallel_loop3A_530 = vector.bitcast %parallel_loop3A_529 : vector<16xi32> to vector<32xbf16>
        %parallel_loop3A_531 = tpu.unpack_subelements %parallel_loop3A_530, 0 {pack_format = #tpu.pack_format<interleaved>} : vector<32xbf16> -> vector<16xf32>
        %parallel_loop3A_532 = tpu.unpack_subelements %parallel_loop3A_530, 1 {pack_format = #tpu.pack_format<interleaved>} : vector<32xbf16> -> vector<16xf32>
        %parallel_loop3A_533 = arith.constant 0 : i32
        %parallel_loop3A_534 = vector.broadcast %parallel_loop3A_533 : i32 to vector<16xi32>
        %parallel_loop3A_535 = arith.addi %parallel_loop3A_534, %iota3A : vector<16xi32>
        %parallel_loop3A_536 = arith.mulf %parallel_loop3A_484, %parallel_loop3A_531 : vector<16xf32>
        tpu.vector_store_idx %arg21[%parallel_loop3A_526, %parallel_loop3A_535], %parallel_loop3A_536 {add = true} : memref<321x256xf32, #tpu.memory_space<vmem>>[vector<16xi32>, vector<16xi32>], vector<16xf32>,
        %parallel_loop3A_537 = arith.constant 16 : i32
        %parallel_loop3A_538 = vector.broadcast %parallel_loop3A_537 : i32 to vector<16xi32>
        %parallel_loop3A_539 = arith.addi %parallel_loop3A_538, %iota3A : vector<16xi32>
        %parallel_loop3A_540 = arith.mulf %parallel_loop3A_484, %parallel_loop3A_532 : vector<16xf32>
        tpu.vector_store_idx %arg21[%parallel_loop3A_526, %parallel_loop3A_539], %parallel_loop3A_540 {add = true} : memref<321x256xf32, #tpu.memory_space<vmem>>[vector<16xi32>, vector<16xi32>], vector<16xf32>,
        %parallel_loop3A_541 = arith.index_cast %parallel_loop3A_348 : i32 to index
        %parallel_loop3A_542 = arith.constant 144 : index
        %parallel_loop3A_543 = tpu.vector_load %arg19[%parallel_loop3A_541, %parallel_loop3A_542] {strides = array<i32>} : memref<16x256xi32, #tpu.memory_space<vmem>>, vector<16xi32>,
        %parallel_loop3A_544 = vector.bitcast %parallel_loop3A_543 : vector<16xi32> to vector<32xbf16>
        %parallel_loop3A_545 = tpu.unpack_subelements %parallel_loop3A_544, 0 {pack_format = #tpu.pack_format<interleaved>} : vector<32xbf16> -> vector<16xf32>
        %parallel_loop3A_546 = tpu.unpack_subelements %parallel_loop3A_544, 1 {pack_format = #tpu.pack_format<interleaved>} : vector<32xbf16> -> vector<16xf32>
        %parallel_loop3A_547 = arith.constant 32 : i32
        %parallel_loop3A_548 = vector.broadcast %parallel_loop3A_547 : i32 to vector<16xi32>
        %parallel_loop3A_549 = arith.addi %parallel_loop3A_548, %iota3A : vector<16xi32>
        %parallel_loop3A_550 = arith.mulf %parallel_loop3A_484, %parallel_loop3A_545 : vector<16xf32>
        tpu.vector_store_idx %arg21[%parallel_loop3A_526, %parallel_loop3A_549], %parallel_loop3A_550 {add = true} : memref<321x256xf32, #tpu.memory_space<vmem>>[vector<16xi32>, vector<16xi32>], vector<16xf32>,
        %parallel_loop3A_551 = arith.constant 48 : i32
        %parallel_loop3A_552 = vector.broadcast %parallel_loop3A_551 : i32 to vector<16xi32>
        %parallel_loop3A_553 = arith.addi %parallel_loop3A_552, %iota3A : vector<16xi32>
        %parallel_loop3A_554 = arith.mulf %parallel_loop3A_484, %parallel_loop3A_546 : vector<16xf32>
        tpu.vector_store_idx %arg21[%parallel_loop3A_526, %parallel_loop3A_553], %parallel_loop3A_554 {add = true} : memref<321x256xf32, #tpu.memory_space<vmem>>[vector<16xi32>, vector<16xi32>], vector<16xf32>,
        %parallel_loop3A_555 = arith.index_cast %parallel_loop3A_348 : i32 to index
        %parallel_loop3A_556 = arith.constant 160 : index
        %parallel_loop3A_557 = tpu.vector_load %arg19[%parallel_loop3A_555, %parallel_loop3A_556] {strides = array<i32>} : memref<16x256xi32, #tpu.memory_space<vmem>>, vector<16xi32>,
        %parallel_loop3A_558 = vector.bitcast %parallel_loop3A_557 : vector<16xi32> to vector<32xbf16>
        %parallel_loop3A_559 = tpu.unpack_subelements %parallel_loop3A_558, 0 {pack_format = #tpu.pack_format<interleaved>} : vector<32xbf16> -> vector<16xf32>
        %parallel_loop3A_560 = tpu.unpack_subelements %parallel_loop3A_558, 1 {pack_format = #tpu.pack_format<interleaved>} : vector<32xbf16> -> vector<16xf32>
        %parallel_loop3A_561 = arith.constant 64 : i32
        %parallel_loop3A_562 = vector.broadcast %parallel_loop3A_561 : i32 to vector<16xi32>
        %parallel_loop3A_563 = arith.addi %parallel_loop3A_562, %iota3A : vector<16xi32>
        %parallel_loop3A_564 = arith.mulf %parallel_loop3A_484, %parallel_loop3A_559 : vector<16xf32>
        tpu.vector_store_idx %arg21[%parallel_loop3A_526, %parallel_loop3A_563], %parallel_loop3A_564 {add = true} : memref<321x256xf32, #tpu.memory_space<vmem>>[vector<16xi32>, vector<16xi32>], vector<16xf32>,
        %parallel_loop3A_565 = arith.constant 80 : i32
        %parallel_loop3A_566 = vector.broadcast %parallel_loop3A_565 : i32 to vector<16xi32>
        %parallel_loop3A_567 = arith.addi %parallel_loop3A_566, %iota3A : vector<16xi32>
        %parallel_loop3A_568 = arith.mulf %parallel_loop3A_484, %parallel_loop3A_560 : vector<16xf32>
        tpu.vector_store_idx %arg21[%parallel_loop3A_526, %parallel_loop3A_567], %parallel_loop3A_568 {add = true} : memref<321x256xf32, #tpu.memory_space<vmem>>[vector<16xi32>, vector<16xi32>], vector<16xf32>,
        %parallel_loop3A_569 = arith.index_cast %parallel_loop3A_348 : i32 to index
        %parallel_loop3A_570 = arith.constant 176 : index
        %parallel_loop3A_571 = tpu.vector_load %arg19[%parallel_loop3A_569, %parallel_loop3A_570] {strides = array<i32>} : memref<16x256xi32, #tpu.memory_space<vmem>>, vector<16xi32>,
        %parallel_loop3A_572 = vector.bitcast %parallel_loop3A_571 : vector<16xi32> to vector<32xbf16>
        %parallel_loop3A_573 = tpu.unpack_subelements %parallel_loop3A_572, 0 {pack_format = #tpu.pack_format<interleaved>} : vector<32xbf16> -> vector<16xf32>
        %parallel_loop3A_574 = tpu.unpack_subelements %parallel_loop3A_572, 1 {pack_format = #tpu.pack_format<interleaved>} : vector<32xbf16> -> vector<16xf32>
        %parallel_loop3A_575 = arith.constant 96 : i32
        %parallel_loop3A_576 = vector.broadcast %parallel_loop3A_575 : i32 to vector<16xi32>
        %parallel_loop3A_577 = arith.addi %parallel_loop3A_576, %iota3A : vector<16xi32>
        %parallel_loop3A_578 = arith.mulf %parallel_loop3A_484, %parallel_loop3A_573 : vector<16xf32>
        tpu.vector_store_idx %arg21[%parallel_loop3A_526, %parallel_loop3A_577], %parallel_loop3A_578 {add = true} : memref<321x256xf32, #tpu.memory_space<vmem>>[vector<16xi32>, vector<16xi32>], vector<16xf32>,
        %parallel_loop3A_579 = arith.constant 112 : i32
        %parallel_loop3A_580 = vector.broadcast %parallel_loop3A_579 : i32 to vector<16xi32>
        %parallel_loop3A_581 = arith.addi %parallel_loop3A_580, %iota3A : vector<16xi32>
        %parallel_loop3A_582 = arith.mulf %parallel_loop3A_484, %parallel_loop3A_574 : vector<16xf32>
        tpu.vector_store_idx %arg21[%parallel_loop3A_526, %parallel_loop3A_581], %parallel_loop3A_582 {add = true} : memref<321x256xf32, #tpu.memory_space<vmem>>[vector<16xi32>, vector<16xi32>], vector<16xf32>,
        %parallel_loop3A_583 = arith.index_cast %parallel_loop3A_348 : i32 to index
        %parallel_loop3A_584 = arith.constant 192 : index
        %parallel_loop3A_585 = tpu.vector_load %arg19[%parallel_loop3A_583, %parallel_loop3A_584] {strides = array<i32>} : memref<16x256xi32, #tpu.memory_space<vmem>>, vector<16xi32>,
        %parallel_loop3A_586 = vector.bitcast %parallel_loop3A_585 : vector<16xi32> to vector<32xbf16>
        %parallel_loop3A_587 = tpu.unpack_subelements %parallel_loop3A_586, 0 {pack_format = #tpu.pack_format<interleaved>} : vector<32xbf16> -> vector<16xf32>
        %parallel_loop3A_588 = tpu.unpack_subelements %parallel_loop3A_586, 1 {pack_format = #tpu.pack_format<interleaved>} : vector<32xbf16> -> vector<16xf32>
        %parallel_loop3A_589 = arith.constant 128 : i32
        %parallel_loop3A_590 = vector.broadcast %parallel_loop3A_589 : i32 to vector<16xi32>
        %parallel_loop3A_591 = arith.addi %parallel_loop3A_590, %iota3A : vector<16xi32>
        %parallel_loop3A_592 = arith.mulf %parallel_loop3A_484, %parallel_loop3A_587 : vector<16xf32>
        tpu.vector_store_idx %arg21[%parallel_loop3A_526, %parallel_loop3A_591], %parallel_loop3A_592 {add = true} : memref<321x256xf32, #tpu.memory_space<vmem>>[vector<16xi32>, vector<16xi32>], vector<16xf32>,
        %parallel_loop3A_593 = arith.constant 144 : i32
        %parallel_loop3A_594 = vector.broadcast %parallel_loop3A_593 : i32 to vector<16xi32>
        %parallel_loop3A_595 = arith.addi %parallel_loop3A_594, %iota3A : vector<16xi32>
        %parallel_loop3A_596 = arith.mulf %parallel_loop3A_484, %parallel_loop3A_588 : vector<16xf32>
        tpu.vector_store_idx %arg21[%parallel_loop3A_526, %parallel_loop3A_595], %parallel_loop3A_596 {add = true} : memref<321x256xf32, #tpu.memory_space<vmem>>[vector<16xi32>, vector<16xi32>], vector<16xf32>,
        %parallel_loop3A_597 = arith.index_cast %parallel_loop3A_348 : i32 to index
        %parallel_loop3A_598 = arith.constant 208 : index
        %parallel_loop3A_599 = tpu.vector_load %arg19[%parallel_loop3A_597, %parallel_loop3A_598] {strides = array<i32>} : memref<16x256xi32, #tpu.memory_space<vmem>>, vector<16xi32>,
        %parallel_loop3A_600 = vector.bitcast %parallel_loop3A_599 : vector<16xi32> to vector<32xbf16>
        %parallel_loop3A_601 = tpu.unpack_subelements %parallel_loop3A_600, 0 {pack_format = #tpu.pack_format<interleaved>} : vector<32xbf16> -> vector<16xf32>
        %parallel_loop3A_602 = tpu.unpack_subelements %parallel_loop3A_600, 1 {pack_format = #tpu.pack_format<interleaved>} : vector<32xbf16> -> vector<16xf32>
        %parallel_loop3A_603 = arith.constant 160 : i32
        %parallel_loop3A_604 = vector.broadcast %parallel_loop3A_603 : i32 to vector<16xi32>
        %parallel_loop3A_605 = arith.addi %parallel_loop3A_604, %iota3A : vector<16xi32>
        %parallel_loop3A_606 = arith.mulf %parallel_loop3A_484, %parallel_loop3A_601 : vector<16xf32>
        tpu.vector_store_idx %arg21[%parallel_loop3A_526, %parallel_loop3A_605], %parallel_loop3A_606 {add = true} : memref<321x256xf32, #tpu.memory_space<vmem>>[vector<16xi32>, vector<16xi32>], vector<16xf32>,
        %parallel_loop3A_607 = arith.constant 176 : i32
        %parallel_loop3A_608 = vector.broadcast %parallel_loop3A_607 : i32 to vector<16xi32>
        %parallel_loop3A_609 = arith.addi %parallel_loop3A_608, %iota3A : vector<16xi32>
        %parallel_loop3A_610 = arith.mulf %parallel_loop3A_484, %parallel_loop3A_602 : vector<16xf32>
        tpu.vector_store_idx %arg21[%parallel_loop3A_526, %parallel_loop3A_609], %parallel_loop3A_610 {add = true} : memref<321x256xf32, #tpu.memory_space<vmem>>[vector<16xi32>, vector<16xi32>], vector<16xf32>,
        %parallel_loop3A_611 = arith.index_cast %parallel_loop3A_348 : i32 to index
        %parallel_loop3A_612 = arith.constant 224 : index
        %parallel_loop3A_613 = tpu.vector_load %arg19[%parallel_loop3A_611, %parallel_loop3A_612] {strides = array<i32>} : memref<16x256xi32, #tpu.memory_space<vmem>>, vector<16xi32>,
        %parallel_loop3A_614 = vector.bitcast %parallel_loop3A_613 : vector<16xi32> to vector<32xbf16>
        %parallel_loop3A_615 = tpu.unpack_subelements %parallel_loop3A_614, 0 {pack_format = #tpu.pack_format<interleaved>} : vector<32xbf16> -> vector<16xf32>
        %parallel_loop3A_616 = tpu.unpack_subelements %parallel_loop3A_614, 1 {pack_format = #tpu.pack_format<interleaved>} : vector<32xbf16> -> vector<16xf32>
        %parallel_loop3A_617 = arith.constant 192 : i32
        %parallel_loop3A_618 = vector.broadcast %parallel_loop3A_617 : i32 to vector<16xi32>
        %parallel_loop3A_619 = arith.addi %parallel_loop3A_618, %iota3A : vector<16xi32>
        %parallel_loop3A_620 = arith.mulf %parallel_loop3A_484, %parallel_loop3A_615 : vector<16xf32>
        tpu.vector_store_idx %arg21[%parallel_loop3A_526, %parallel_loop3A_619], %parallel_loop3A_620 {add = true} : memref<321x256xf32, #tpu.memory_space<vmem>>[vector<16xi32>, vector<16xi32>], vector<16xf32>,
        %parallel_loop3A_621 = arith.constant 208 : i32
        %parallel_loop3A_622 = vector.broadcast %parallel_loop3A_621 : i32 to vector<16xi32>
        %parallel_loop3A_623 = arith.addi %parallel_loop3A_622, %iota3A : vector<16xi32>
        %parallel_loop3A_624 = arith.mulf %parallel_loop3A_484, %parallel_loop3A_616 : vector<16xf32>
        tpu.vector_store_idx %arg21[%parallel_loop3A_526, %parallel_loop3A_623], %parallel_loop3A_624 {add = true} : memref<321x256xf32, #tpu.memory_space<vmem>>[vector<16xi32>, vector<16xi32>], vector<16xf32>,
        %parallel_loop3A_625 = arith.index_cast %parallel_loop3A_348 : i32 to index
        %parallel_loop3A_626 = arith.constant 240 : index
        %parallel_loop3A_627 = tpu.vector_load %arg19[%parallel_loop3A_625, %parallel_loop3A_626] {strides = array<i32>} : memref<16x256xi32, #tpu.memory_space<vmem>>, vector<16xi32>,
        %parallel_loop3A_628 = vector.bitcast %parallel_loop3A_627 : vector<16xi32> to vector<32xbf16>
        %parallel_loop3A_629 = tpu.unpack_subelements %parallel_loop3A_628, 0 {pack_format = #tpu.pack_format<interleaved>} : vector<32xbf16> -> vector<16xf32>
        %parallel_loop3A_630 = tpu.unpack_subelements %parallel_loop3A_628, 1 {pack_format = #tpu.pack_format<interleaved>} : vector<32xbf16> -> vector<16xf32>
        %parallel_loop3A_631 = arith.constant 224 : i32
        %parallel_loop3A_632 = vector.broadcast %parallel_loop3A_631 : i32 to vector<16xi32>
        %parallel_loop3A_633 = arith.addi %parallel_loop3A_632, %iota3A : vector<16xi32>
        %parallel_loop3A_634 = arith.mulf %parallel_loop3A_484, %parallel_loop3A_629 : vector<16xf32>
        tpu.vector_store_idx %arg21[%parallel_loop3A_526, %parallel_loop3A_633], %parallel_loop3A_634 {add = true} : memref<321x256xf32, #tpu.memory_space<vmem>>[vector<16xi32>, vector<16xi32>], vector<16xf32>,
        %parallel_loop3A_635 = arith.constant 240 : i32
        %parallel_loop3A_636 = vector.broadcast %parallel_loop3A_635 : i32 to vector<16xi32>
        %parallel_loop3A_637 = arith.addi %parallel_loop3A_636, %iota3A : vector<16xi32>
        %parallel_loop3A_638 = arith.mulf %parallel_loop3A_484, %parallel_loop3A_630 : vector<16xf32>
        tpu.vector_store_idx %arg21[%parallel_loop3A_526, %parallel_loop3A_637], %parallel_loop3A_638 {add = true} : memref<321x256xf32, #tpu.memory_space<vmem>>[vector<16xi32>, vector<16xi32>], vector<16xf32>,
        tpu.vector_store_idx %arg22[%parallel_loop3A_526], %parallel_loop3A_484 masked %eq3A_5 {add = true} : memref<337xf32, #tpu.memory_space<vmem>>[vector<16xi32>], vector<16xf32>, vector<16xi1>
      } {sc.loop_unroll_factor = 2 : i64, sc.parallel_access}
      %add3A_261 = arith.constant 2 : i32
      %add3A_262 = arith.addi %mul3A_176, %add3A_261 : i32
      %mul3A_263 = arith.constant 16 : i32
      %mul3A_264 = arith.muli %add3A_262, %mul3A_263 : i32
      %add3A_265 = arith.constant 0 : i32
      %add3A_266 = arith.addi %mul3A_264, %add3A_265 : i32
      %get3A_267 = arith.index_cast %add3A_266 : i32 to index
      %get3A_268 = tpu.vector_load %arg12[%get3A_267] {strides = array<i32>} : memref<5664xi32, #tpu.memory_space<vmem>>, vector<16xi32>,
      %jit3A_269 = arith.constant 16384 : i32
      %div3A_270 = vector.broadcast %jit3A_269 : i32 to vector<16xi32>
      %div3A_271 = arith.divsi %get3A_268, %div3A_270 : vector<16xi32>
      %sign3A_272 = arith.constant 0 : i32
      %sign3A_273 = vector.broadcast %sign3A_272 : i32 to vector<16xi32>
      %sign3A_274 = arith.cmpi sgt, %get3A_268, %sign3A_273 : vector<16xi32>
      %sign3A_275 = arith.extui %sign3A_274 : vector<16xi1> to vector<16xi32>
      %sign3A_276 = arith.constant 0 : i32
      %sign3A_277 = vector.broadcast %sign3A_276 : i32 to vector<16xi32>
      %sign3A_278 = arith.cmpi slt, %get3A_268, %sign3A_277 : vector<16xi32>
      %sign3A_279 = arith.extui %sign3A_278 : vector<16xi1> to vector<16xi32>
      %sign3A_280 = arith.subi %sign3A_275, %sign3A_279 : vector<16xi32>
      %sign3A_281 = arith.constant 0 : i32
      %sign3A_282 = arith.cmpi sgt, %jit3A_269, %sign3A_281 : i32
      %sign3A_283 = arith.extui %sign3A_282 : i1 to i32
      %sign3A_284 = arith.constant 0 : i32
      %sign3A_285 = arith.cmpi slt, %jit3A_269, %sign3A_284 : i32
      %sign3A_286 = arith.extui %sign3A_285 : i1 to i32
      %sign3A_287 = arith.subi %sign3A_283, %sign3A_286 : i32
      %ne3A_288 = vector.broadcast %sign3A_287 : i32 to vector<16xi32>
      %ne3A_289 = arith.cmpi ne, %sign3A_280, %ne3A_288 : vector<16xi32>
      %rem3A_290 = vector.broadcast %jit3A_269 : i32 to vector<16xi32>
      %rem3A_291 = arith.remsi %get3A_268, %rem3A_290 : vector<16xi32>
      %ne3A_292 = arith.constant 0 : i32
      %ne3A_293 = vector.broadcast %ne3A_292 : i32 to vector<16xi32>
      %ne3A_294 = arith.cmpi ne, %rem3A_291, %ne3A_293 : vector<16xi32>
      %and3A_295 = arith.andi %ne3A_289, %ne3A_294 : vector<16xi1>
      %sub3A_296 = arith.constant 1 : i32
      %sub3A_297 = vector.broadcast %sub3A_296 : i32 to vector<16xi32>
      %sub3A_298 = arith.subi %div3A_271, %sub3A_297 : vector<16xi32>
      %select_n3A_299 = arith.select %and3A_295, %sub3A_298, %div3A_271 : vector<16xi1>, vector<16xi32>
      %min3A_300 = arith.constant 9999 : i32
      %min3A_301 = vector.broadcast %min3A_300 : i32 to vector<16xi32>
      %min3A_302 = arith.minsi %select_n3A_299, %min3A_301 : vector<16xi32>
      %swap3A_303 = arith.constant 0 : index
      %swap3A_304 = tpu.vector_load %arg13[%swap3A_303] {strides = array<i32>} : memref<16xi32, #tpu.memory_space<vmem>>, vector<16xi32>,
      tpu.vector_store %arg13[%swap3A_303], %min3A_302 {strides = array<i32>} : memref<16xi32, #tpu.memory_space<vmem>>, vector<16xi32>,
      %jit3A_305 = arith.constant 16384 : i32
      %eq3A_306 = arith.constant 0 : i32
      %eq3A_307 = arith.cmpi eq, %jit3A_305, %eq3A_306 : i32
      %jit3A_308 = arith.constant 1 : i32
      %select_n3A_309 = arith.select %eq3A_307, %jit3A_308, %jit3A_305 : i32
      %rem3A_310 = vector.broadcast %select_n3A_309 : i32 to vector<16xi32>
      %rem3A_311 = arith.remsi %get3A_268, %rem3A_310 : vector<16xi32>
      %ne3A_312 = arith.constant 0 : i32
      %ne3A_313 = vector.broadcast %ne3A_312 : i32 to vector<16xi32>
      %ne3A_314 = arith.cmpi ne, %rem3A_311, %ne3A_313 : vector<16xi32>
      %lt3A_315 = arith.constant 0 : i32
      %lt3A_316 = vector.broadcast %lt3A_315 : i32 to vector<16xi32>
      %lt3A_317 = arith.cmpi slt, %rem3A_311, %lt3A_316 : vector<16xi32>
      %lt3A_318 = arith.constant 0 : i32
      %lt3A_319 = arith.cmpi slt, %select_n3A_309, %lt3A_318 : i32
      %ne3A_320 = vector.broadcast %lt3A_319 : i1 to vector<16xi1>
      %ne3A_321 = vector.broadcast %ne3A_320 : vector<16xi1> to vector<16xi1>
      %ne3A_322 = arith.xori %lt3A_317, %ne3A_321 : vector<16xi1>
      %and3A_323 = arith.andi %ne3A_322, %ne3A_314 : vector<16xi1>
      %add3A_324 = vector.broadcast %select_n3A_309 : i32 to vector<16xi32>
      %add3A_325 = arith.addi %rem3A_311, %add3A_324 : vector<16xi32>
      %select_n3A_326 = arith.select %and3A_323, %add3A_325, %rem3A_311 : vector<16xi1>, vector<16xi32>
      %swap3A_327 = arith.constant 0 : index
      %swap3A_328 = tpu.vector_load %arg15[%swap3A_327] {strides = array<i32>} : memref<16xi32, #tpu.memory_space<vmem>>, vector<16xi32>,
      tpu.vector_store %arg15[%swap3A_327], %select_n3A_326 {strides = array<i32>} : memref<16xi32, #tpu.memory_space<vmem>>, vector<16xi32>,
      %dma_wait3A_329 = arith.constant 0 : i32
      %dma_wait3A_330 = arith.constant 0 : i32
      %dma_wait3A_331 = tpu.memref_slice %arg4[%dma_wait3A_329, %dma_wait3A_330] : memref<10000x256xf32, #tpu.memory_space<hbm>> -> memref<10000x256xf32, #tpu.memory_space<hbm>>
      tpu.wait_indirect_dma semaphore(%arg25 : memref<!tpu.dma_semaphore, #tpu.memory_space<semaphore_mem>>) src(%dma_wait3A_331 : memref<10000x256xf32, #tpu.memory_space<hbm>>) dst(%arg18 : memref<16x256xf32, #tpu.memory_space<vmem>>)
      %dma_wait3A_332 = arith.constant 0 : i32
      %dma_wait3A_333 = arith.constant 0 : i32
      %dma_wait3A_334 = tpu.memref_slice %arg5[%dma_wait3A_332, %dma_wait3A_333] : memref<10000x256xi32, #tpu.memory_space<hbm>> -> memref<10000x256xi32, #tpu.memory_space<hbm>>
      tpu.wait_indirect_dma semaphore(%arg26 : memref<!tpu.dma_semaphore, #tpu.memory_space<semaphore_mem>>) src(%dma_wait3A_334 : memref<10000x256xi32, #tpu.memory_space<hbm>>) dst(%arg20 : memref<16x256xi32, #tpu.memory_space<vmem>>)
      %dma_start3A_335 = arith.constant 0 : i32
      %dma_start3A_336 = arith.constant 0 : i32
      %dma_start3A_337 = tpu.memref_slice %arg4[%dma_start3A_335, %dma_start3A_336] : memref<10000x256xf32, #tpu.memory_space<hbm>> -> memref<10000x256xf32, #tpu.memory_space<hbm>>
      tpu.enqueue_indirect_dma source(%dma_start3A_337 : memref<10000x256xf32, #tpu.memory_space<hbm>>) target(%arg17 : memref<16x256xf32, #tpu.memory_space<vmem>>) offsets(%arg13 : memref<16xi32, #tpu.memory_space<vmem>>) semaphore(%arg23 : memref<!tpu.dma_semaphore, #tpu.memory_space<semaphore_mem>>)
      %dma_start3A_338 = arith.constant 0 : i32
      %dma_start3A_339 = arith.constant 0 : i32
      %dma_start3A_340 = tpu.memref_slice %arg5[%dma_start3A_338, %dma_start3A_339] : memref<10000x256xi32, #tpu.memory_space<hbm>> -> memref<10000x256xi32, #tpu.memory_space<hbm>>
      tpu.enqueue_indirect_dma source(%dma_start3A_340 : memref<10000x256xi32, #tpu.memory_space<hbm>>) target(%arg19 : memref<16x256xi32, #tpu.memory_space<vmem>>) offsets(%arg15 : memref<16xi32, #tpu.memory_space<vmem>>) semaphore(%arg24 : memref<!tpu.dma_semaphore, #tpu.memory_space<semaphore_mem>>)
      %add3A_341 = arith.constant 1 : i32
      %add3A_342 = arith.addi %mul3A_176, %add3A_341 : i32
      %mul3A_343 = arith.constant 16 : i32
      %mul3A_344 = arith.muli %add3A_342, %mul3A_343 : i32
      %parallel_loop3A_345 = arith.constant 0 : i32
      %parallel_loop3A_346 = arith.constant 16 : i32
      %parallel_loop3A_347 = arith.constant 1 : i32
      scf.for %parallel_loop3A_348 = %parallel_loop3A_345 to %parallel_loop3A_346 step %parallel_loop3A_347  : i32 {
        %parallel_loop3A_349 = arith.index_cast %parallel_loop3A_348 : i32 to index
        %parallel_loop3A_350 = arith.constant 0 : index
        %parallel_loop3A_351 = tpu.vector_load %arg20[%parallel_loop3A_349, %parallel_loop3A_350] {strides = array<i32>} : memref<16x256xi32, #tpu.memory_space<vmem>>, vector<16xi32>,
        %parallel_loop3A_352 = vector.bitcast %parallel_loop3A_351 : vector<16xi32> to vector<32xbf16>
        %parallel_loop3A_353 = tpu.unpack_subelements %parallel_loop3A_352, 0 {pack_format = #tpu.pack_format<interleaved>} : vector<32xbf16> -> vector<16xf32>
        %parallel_loop3A_354 = tpu.unpack_subelements %parallel_loop3A_352, 1 {pack_format = #tpu.pack_format<interleaved>} : vector<32xbf16> -> vector<16xf32>
        %parallel_loop3A_355 = arith.index_cast %parallel_loop3A_348 : i32 to index
        %parallel_loop3A_356 = arith.constant 0 : index
        %parallel_loop3A_357 = tpu.vector_load %arg18[%parallel_loop3A_355, %parallel_loop3A_356] {strides = array<i32>} : memref<16x256xf32, #tpu.memory_space<vmem>>, vector<16xf32>,
        %parallel_loop3A_358 = arith.mulf %parallel_loop3A_357, %parallel_loop3A_353 : vector<16xf32>
        %parallel_loop3A_359 = arith.addf %broadcast_in_dim3A_3, %parallel_loop3A_358 : vector<16xf32>
        %parallel_loop3A_360 = arith.index_cast %parallel_loop3A_348 : i32 to index
        %parallel_loop3A_361 = arith.constant 16 : index
        %parallel_loop3A_362 = tpu.vector_load %arg18[%parallel_loop3A_360, %parallel_loop3A_361] {strides = array<i32>} : memref<16x256xf32, #tpu.memory_space<vmem>>, vector<16xf32>,
        %parallel_loop3A_363 = arith.mulf %parallel_loop3A_362, %parallel_loop3A_354 : vector<16xf32>
        %parallel_loop3A_364 = arith.addf %parallel_loop3A_359, %parallel_loop3A_363 : vector<16xf32>
        %parallel_loop3A_365 = arith.index_cast %parallel_loop3A_348 : i32 to index
        %parallel_loop3A_366 = arith.constant 16 : index
        %parallel_loop3A_367 = tpu.vector_load %arg20[%parallel_loop3A_365, %parallel_loop3A_366] {strides = array<i32>} : memref<16x256xi32, #tpu.memory_space<vmem>>, vector<16xi32>,
        %parallel_loop3A_368 = vector.bitcast %parallel_loop3A_367 : vector<16xi32> to vector<32xbf16>
        %parallel_loop3A_369 = tpu.unpack_subelements %parallel_loop3A_368, 0 {pack_format = #tpu.pack_format<interleaved>} : vector<32xbf16> -> vector<16xf32>
        %parallel_loop3A_370 = tpu.unpack_subelements %parallel_loop3A_368, 1 {pack_format = #tpu.pack_format<interleaved>} : vector<32xbf16> -> vector<16xf32>
        %parallel_loop3A_371 = arith.index_cast %parallel_loop3A_348 : i32 to index
        %parallel_loop3A_372 = arith.constant 32 : index
        %parallel_loop3A_373 = tpu.vector_load %arg18[%parallel_loop3A_371, %parallel_loop3A_372] {strides = array<i32>} : memref<16x256xf32, #tpu.memory_space<vmem>>, vector<16xf32>,
        %parallel_loop3A_374 = arith.mulf %parallel_loop3A_373, %parallel_loop3A_369 : vector<16xf32>
        %parallel_loop3A_375 = arith.addf %parallel_loop3A_364, %parallel_loop3A_374 : vector<16xf32>
        %parallel_loop3A_376 = arith.index_cast %parallel_loop3A_348 : i32 to index
        %parallel_loop3A_377 = arith.constant 48 : index
        %parallel_loop3A_378 = tpu.vector_load %arg18[%parallel_loop3A_376, %parallel_loop3A_377] {strides = array<i32>} : memref<16x256xf32, #tpu.memory_space<vmem>>, vector<16xf32>,
        %parallel_loop3A_379 = arith.mulf %parallel_loop3A_378, %parallel_loop3A_370 : vector<16xf32>
        %parallel_loop3A_380 = arith.addf %parallel_loop3A_375, %parallel_loop3A_379 : vector<16xf32>
        %parallel_loop3A_381 = arith.index_cast %parallel_loop3A_348 : i32 to index
        %parallel_loop3A_382 = arith.constant 32 : index
        %parallel_loop3A_383 = tpu.vector_load %arg20[%parallel_loop3A_381, %parallel_loop3A_382] {strides = array<i32>} : memref<16x256xi32, #tpu.memory_space<vmem>>, vector<16xi32>,
        %parallel_loop3A_384 = vector.bitcast %parallel_loop3A_383 : vector<16xi32> to vector<32xbf16>
        %parallel_loop3A_385 = tpu.unpack_subelements %parallel_loop3A_384, 0 {pack_format = #tpu.pack_format<interleaved>} : vector<32xbf16> -> vector<16xf32>
        %parallel_loop3A_386 = tpu.unpack_subelements %parallel_loop3A_384, 1 {pack_format = #tpu.pack_format<interleaved>} : vector<32xbf16> -> vector<16xf32>
        %parallel_loop3A_387 = arith.index_cast %parallel_loop3A_348 : i32 to index
        %parallel_loop3A_388 = arith.constant 64 : index
        %parallel_loop3A_389 = tpu.vector_load %arg18[%parallel_loop3A_387, %parallel_loop3A_388] {strides = array<i32>} : memref<16x256xf32, #tpu.memory_space<vmem>>, vector<16xf32>,
        %parallel_loop3A_390 = arith.mulf %parallel_loop3A_389, %parallel_loop3A_385 : vector<16xf32>
        %parallel_loop3A_391 = arith.addf %parallel_loop3A_380, %parallel_loop3A_390 : vector<16xf32>
        %parallel_loop3A_392 = arith.index_cast %parallel_loop3A_348 : i32 to index
        %parallel_loop3A_393 = arith.constant 80 : index
        %parallel_loop3A_394 = tpu.vector_load %arg18[%parallel_loop3A_392, %parallel_loop3A_393] {strides = array<i32>} : memref<16x256xf32, #tpu.memory_space<vmem>>, vector<16xf32>,
        %parallel_loop3A_395 = arith.mulf %parallel_loop3A_394, %parallel_loop3A_386 : vector<16xf32>
        %parallel_loop3A_396 = arith.addf %parallel_loop3A_391, %parallel_loop3A_395 : vector<16xf32>
        %parallel_loop3A_397 = arith.index_cast %parallel_loop3A_348 : i32 to index
        %parallel_loop3A_398 = arith.constant 48 : index
        %parallel_loop3A_399 = tpu.vector_load %arg20[%parallel_loop3A_397, %parallel_loop3A_398] {strides = array<i32>} : memref<16x256xi32, #tpu.memory_space<vmem>>, vector<16xi32>,
        %parallel_loop3A_400 = vector.bitcast %parallel_loop3A_399 : vector<16xi32> to vector<32xbf16>
        %parallel_loop3A_401 = tpu.unpack_subelements %parallel_loop3A_400, 0 {pack_format = #tpu.pack_format<interleaved>} : vector<32xbf16> -> vector<16xf32>
        %parallel_loop3A_402 = tpu.unpack_subelements %parallel_loop3A_400, 1 {pack_format = #tpu.pack_format<interleaved>} : vector<32xbf16> -> vector<16xf32>
        %parallel_loop3A_403 = arith.index_cast %parallel_loop3A_348 : i32 to index
        %parallel_loop3A_404 = arith.constant 96 : index
        %parallel_loop3A_405 = tpu.vector_load %arg18[%parallel_loop3A_403, %parallel_loop3A_404] {strides = array<i32>} : memref<16x256xf32, #tpu.memory_space<vmem>>, vector<16xf32>,
        %parallel_loop3A_406 = arith.mulf %parallel_loop3A_405, %parallel_loop3A_401 : vector<16xf32>
        %parallel_loop3A_407 = arith.addf %parallel_loop3A_396, %parallel_loop3A_406 : vector<16xf32>
        %parallel_loop3A_408 = arith.index_cast %parallel_loop3A_348 : i32 to index
        %parallel_loop3A_409 = arith.constant 112 : index
        %parallel_loop3A_410 = tpu.vector_load %arg18[%parallel_loop3A_408, %parallel_loop3A_409] {strides = array<i32>} : memref<16x256xf32, #tpu.memory_space<vmem>>, vector<16xf32>,
        %parallel_loop3A_411 = arith.mulf %parallel_loop3A_410, %parallel_loop3A_402 : vector<16xf32>
        %parallel_loop3A_412 = arith.addf %parallel_loop3A_407, %parallel_loop3A_411 : vector<16xf32>
        %parallel_loop3A_413 = arith.index_cast %parallel_loop3A_348 : i32 to index
        %parallel_loop3A_414 = arith.constant 64 : index
        %parallel_loop3A_415 = tpu.vector_load %arg20[%parallel_loop3A_413, %parallel_loop3A_414] {strides = array<i32>} : memref<16x256xi32, #tpu.memory_space<vmem>>, vector<16xi32>,
        %parallel_loop3A_416 = vector.bitcast %parallel_loop3A_415 : vector<16xi32> to vector<32xbf16>
        %parallel_loop3A_417 = tpu.unpack_subelements %parallel_loop3A_416, 0 {pack_format = #tpu.pack_format<interleaved>} : vector<32xbf16> -> vector<16xf32>
        %parallel_loop3A_418 = tpu.unpack_subelements %parallel_loop3A_416, 1 {pack_format = #tpu.pack_format<interleaved>} : vector<32xbf16> -> vector<16xf32>
        %parallel_loop3A_419 = arith.index_cast %parallel_loop3A_348 : i32 to index
        %parallel_loop3A_420 = arith.constant 128 : index
        %parallel_loop3A_421 = tpu.vector_load %arg18[%parallel_loop3A_419, %parallel_loop3A_420] {strides = array<i32>} : memref<16x256xf32, #tpu.memory_space<vmem>>, vector<16xf32>,
        %parallel_loop3A_422 = arith.mulf %parallel_loop3A_421, %parallel_loop3A_417 : vector<16xf32>
        %parallel_loop3A_423 = arith.addf %parallel_loop3A_412, %parallel_loop3A_422 : vector<16xf32>
        %parallel_loop3A_424 = arith.index_cast %parallel_loop3A_348 : i32 to index
        %parallel_loop3A_425 = arith.constant 144 : index
        %parallel_loop3A_426 = tpu.vector_load %arg18[%parallel_loop3A_424, %parallel_loop3A_425] {strides = array<i32>} : memref<16x256xf32, #tpu.memory_space<vmem>>, vector<16xf32>,
        %parallel_loop3A_427 = arith.mulf %parallel_loop3A_426, %parallel_loop3A_418 : vector<16xf32>
        %parallel_loop3A_428 = arith.addf %parallel_loop3A_423, %parallel_loop3A_427 : vector<16xf32>
        %parallel_loop3A_429 = arith.index_cast %parallel_loop3A_348 : i32 to index
        %parallel_loop3A_430 = arith.constant 80 : index
        %parallel_loop3A_431 = tpu.vector_load %arg20[%parallel_loop3A_429, %parallel_loop3A_430] {strides = array<i32>} : memref<16x256xi32, #tpu.memory_space<vmem>>, vector<16xi32>,
        %parallel_loop3A_432 = vector.bitcast %parallel_loop3A_431 : vector<16xi32> to vector<32xbf16>
        %parallel_loop3A_433 = tpu.unpack_subelements %parallel_loop3A_432, 0 {pack_format = #tpu.pack_format<interleaved>} : vector<32xbf16> -> vector<16xf32>
        %parallel_loop3A_434 = tpu.unpack_subelements %parallel_loop3A_432, 1 {pack_format = #tpu.pack_format<interleaved>} : vector<32xbf16> -> vector<16xf32>
        %parallel_loop3A_435 = arith.index_cast %parallel_loop3A_348 : i32 to index
        %parallel_loop3A_436 = arith.constant 160 : index
        %parallel_loop3A_437 = tpu.vector_load %arg18[%parallel_loop3A_435, %parallel_loop3A_436] {strides = array<i32>} : memref<16x256xf32, #tpu.memory_space<vmem>>, vector<16xf32>,
        %parallel_loop3A_438 = arith.mulf %parallel_loop3A_437, %parallel_loop3A_433 : vector<16xf32>
        %parallel_loop3A_439 = arith.addf %parallel_loop3A_428, %parallel_loop3A_438 : vector<16xf32>
        %parallel_loop3A_440 = arith.index_cast %parallel_loop3A_348 : i32 to index
        %parallel_loop3A_441 = arith.constant 176 : index
        %parallel_loop3A_442 = tpu.vector_load %arg18[%parallel_loop3A_440, %parallel_loop3A_441] {strides = array<i32>} : memref<16x256xf32, #tpu.memory_space<vmem>>, vector<16xf32>,
        %parallel_loop3A_443 = arith.mulf %parallel_loop3A_442, %parallel_loop3A_434 : vector<16xf32>
        %parallel_loop3A_444 = arith.addf %parallel_loop3A_439, %parallel_loop3A_443 : vector<16xf32>
        %parallel_loop3A_445 = arith.index_cast %parallel_loop3A_348 : i32 to index
        %parallel_loop3A_446 = arith.constant 96 : index
        %parallel_loop3A_447 = tpu.vector_load %arg20[%parallel_loop3A_445, %parallel_loop3A_446] {strides = array<i32>} : memref<16x256xi32, #tpu.memory_space<vmem>>, vector<16xi32>,
        %parallel_loop3A_448 = vector.bitcast %parallel_loop3A_447 : vector<16xi32> to vector<32xbf16>
        %parallel_loop3A_449 = tpu.unpack_subelements %parallel_loop3A_448, 0 {pack_format = #tpu.pack_format<interleaved>} : vector<32xbf16> -> vector<16xf32>
        %parallel_loop3A_450 = tpu.unpack_subelements %parallel_loop3A_448, 1 {pack_format = #tpu.pack_format<interleaved>} : vector<32xbf16> -> vector<16xf32>
        %parallel_loop3A_451 = arith.index_cast %parallel_loop3A_348 : i32 to index
        %parallel_loop3A_452 = arith.constant 192 : index
        %parallel_loop3A_453 = tpu.vector_load %arg18[%parallel_loop3A_451, %parallel_loop3A_452] {strides = array<i32>} : memref<16x256xf32, #tpu.memory_space<vmem>>, vector<16xf32>,
        %parallel_loop3A_454 = arith.mulf %parallel_loop3A_453, %parallel_loop3A_449 : vector<16xf32>
        %parallel_loop3A_455 = arith.addf %parallel_loop3A_444, %parallel_loop3A_454 : vector<16xf32>
        %parallel_loop3A_456 = arith.index_cast %parallel_loop3A_348 : i32 to index
        %parallel_loop3A_457 = arith.constant 208 : index
        %parallel_loop3A_458 = tpu.vector_load %arg18[%parallel_loop3A_456, %parallel_loop3A_457] {strides = array<i32>} : memref<16x256xf32, #tpu.memory_space<vmem>>, vector<16xf32>,
        %parallel_loop3A_459 = arith.mulf %parallel_loop3A_458, %parallel_loop3A_450 : vector<16xf32>
        %parallel_loop3A_460 = arith.addf %parallel_loop3A_455, %parallel_loop3A_459 : vector<16xf32>
        %parallel_loop3A_461 = arith.index_cast %parallel_loop3A_348 : i32 to index
        %parallel_loop3A_462 = arith.constant 112 : index
        %parallel_loop3A_463 = tpu.vector_load %arg20[%parallel_loop3A_461, %parallel_loop3A_462] {strides = array<i32>} : memref<16x256xi32, #tpu.memory_space<vmem>>, vector<16xi32>,
        %parallel_loop3A_464 = vector.bitcast %parallel_loop3A_463 : vector<16xi32> to vector<32xbf16>
        %parallel_loop3A_465 = tpu.unpack_subelements %parallel_loop3A_464, 0 {pack_format = #tpu.pack_format<interleaved>} : vector<32xbf16> -> vector<16xf32>
        %parallel_loop3A_466 = tpu.unpack_subelements %parallel_loop3A_464, 1 {pack_format = #tpu.pack_format<interleaved>} : vector<32xbf16> -> vector<16xf32>
        %parallel_loop3A_467 = arith.index_cast %parallel_loop3A_348 : i32 to index
        %parallel_loop3A_468 = arith.constant 224 : index
        %parallel_loop3A_469 = tpu.vector_load %arg18[%parallel_loop3A_467, %parallel_loop3A_468] {strides = array<i32>} : memref<16x256xf32, #tpu.memory_space<vmem>>, vector<16xf32>,
        %parallel_loop3A_470 = arith.mulf %parallel_loop3A_469, %parallel_loop3A_465 : vector<16xf32>
        %parallel_loop3A_471 = arith.addf %parallel_loop3A_460, %parallel_loop3A_470 : vector<16xf32>
        %parallel_loop3A_472 = arith.index_cast %parallel_loop3A_348 : i32 to index
        %parallel_loop3A_473 = arith.constant 240 : index
        %parallel_loop3A_474 = tpu.vector_load %arg18[%parallel_loop3A_472, %parallel_loop3A_473] {strides = array<i32>} : memref<16x256xf32, #tpu.memory_space<vmem>>, vector<16xf32>,
        %parallel_loop3A_475 = arith.mulf %parallel_loop3A_474, %parallel_loop3A_466 : vector<16xf32>
        %parallel_loop3A_476 = arith.addf %parallel_loop3A_471, %parallel_loop3A_475 : vector<16xf32>
        %parallel_loop3A_477 = arith.constant true
        %parallel_loop3A_478 = vector.broadcast %parallel_loop3A_477 : i1 to vector<16xi1>
        %parallel_loop3A_479 = tpu.scan <sum>, %parallel_loop3A_476 masked %parallel_loop3A_478 : vector<16xf32>, vector<16xi1> -> vector<16xf32>
        %parallel_loop3A_480 = vector.extract %parallel_loop3A_479[15] : f32 from vector<16xf32>
        %parallel_loop3A_481 = arith.constant 6.250000e-02 : f32
        %parallel_loop3A_482 = arith.mulf %parallel_loop3A_480, %parallel_loop3A_481 : f32
        %parallel_loop3A_483 = vector.broadcast %parallel_loop3A_482 : f32 to vector<16xf32>
        %parallel_loop3A_484 = math.exp %parallel_loop3A_483 : vector<16xf32>
        %parallel_loop3A_485 = arith.addi %mul3A_344, %parallel_loop3A_348 : i32
        %parallel_loop3A_486 = vector.broadcast %parallel_loop3A_485 : i32 to vector<16xi32>
        %parallel_loop3A_487 = tpu.vector_load_idx %arg12[%parallel_loop3A_486] : memref<5664xi32, #tpu.memory_space<vmem>>[vector<16xi32>], vector<16xi32>,
        %parallel_loop3A_488 = arith.constant 16384 : i32
        %parallel_loop3A_489 = vector.broadcast %parallel_loop3A_488 : i32 to vector<16xi32>
        %parallel_loop3A_490 = arith.divsi %parallel_loop3A_487, %parallel_loop3A_489 : vector<16xi32>
        %parallel_loop3A_491 = arith.constant 0 : i32
        %parallel_loop3A_492 = vector.broadcast %parallel_loop3A_491 : i32 to vector<16xi32>
        %parallel_loop3A_493 = arith.cmpi sgt, %parallel_loop3A_487, %parallel_loop3A_492 : vector<16xi32>
        %parallel_loop3A_494 = arith.extui %parallel_loop3A_493 : vector<16xi1> to vector<16xi32>
        %parallel_loop3A_495 = arith.constant 0 : i32
        %parallel_loop3A_496 = vector.broadcast %parallel_loop3A_495 : i32 to vector<16xi32>
        %parallel_loop3A_497 = arith.cmpi slt, %parallel_loop3A_487, %parallel_loop3A_496 : vector<16xi32>
        %parallel_loop3A_498 = arith.extui %parallel_loop3A_497 : vector<16xi1> to vector<16xi32>
        %parallel_loop3A_499 = arith.subi %parallel_loop3A_494, %parallel_loop3A_498 : vector<16xi32>
        %parallel_loop3A_500 = arith.constant 0 : i32
        %parallel_loop3A_501 = arith.cmpi sgt, %parallel_loop3A_488, %parallel_loop3A_500 : i32
        %parallel_loop3A_502 = arith.extui %parallel_loop3A_501 : i1 to i32
        %parallel_loop3A_503 = arith.constant 0 : i32
        %parallel_loop3A_504 = arith.cmpi slt, %parallel_loop3A_488, %parallel_loop3A_503 : i32
        %parallel_loop3A_505 = arith.extui %parallel_loop3A_504 : i1 to i32
        %parallel_loop3A_506 = arith.subi %parallel_loop3A_502, %parallel_loop3A_505 : i32
        %parallel_loop3A_507 = vector.broadcast %parallel_loop3A_506 : i32 to vector<16xi32>
        %parallel_loop3A_508 = arith.cmpi ne, %parallel_loop3A_499, %parallel_loop3A_507 : vector<16xi32>
        %parallel_loop3A_509 = vector.broadcast %parallel_loop3A_488 : i32 to vector<16xi32>
        %parallel_loop3A_510 = arith.remsi %parallel_loop3A_487, %parallel_loop3A_509 : vector<16xi32>
        %parallel_loop3A_511 = arith.constant 0 : i32
        %parallel_loop3A_512 = vector.broadcast %parallel_loop3A_511 : i32 to vector<16xi32>
        %parallel_loop3A_513 = arith.cmpi ne, %parallel_loop3A_510, %parallel_loop3A_512 : vector<16xi32>
        %parallel_loop3A_514 = arith.andi %parallel_loop3A_508, %parallel_loop3A_513 : vector<16xi1>
        %parallel_loop3A_515 = arith.constant 1 : i32
        %parallel_loop3A_516 = vector.broadcast %parallel_loop3A_515 : i32 to vector<16xi32>
        %parallel_loop3A_517 = arith.subi %parallel_loop3A_490, %parallel_loop3A_516 : vector<16xi32>
        %parallel_loop3A_518 = arith.select %parallel_loop3A_514, %parallel_loop3A_517, %parallel_loop3A_490 : vector<16xi1>, vector<16xi32>
        %parallel_loop3A_519 = vector.broadcast %mul3A_2 : i32 to vector<16xi32>
        %parallel_loop3A_520 = arith.subi %parallel_loop3A_518, %parallel_loop3A_519 : vector<16xi32>
        %parallel_loop3A_521 = arith.constant 0 : i32
        %parallel_loop3A_522 = vector.broadcast %parallel_loop3A_521 : i32 to vector<16xi32>
        %parallel_loop3A_523 = arith.maxsi %parallel_loop3A_520, %parallel_loop3A_522 : vector<16xi32>
        %parallel_loop3A_524 = arith.constant 320 : i32
        %parallel_loop3A_525 = vector.broadcast %parallel_loop3A_524 : i32 to vector<16xi32>
        %parallel_loop3A_526 = arith.minsi %parallel_loop3A_523, %parallel_loop3A_525 : vector<16xi32>
        %parallel_loop3A_527 = arith.index_cast %parallel_loop3A_348 : i32 to index
        %parallel_loop3A_528 = arith.constant 128 : index
        %parallel_loop3A_529 = tpu.vector_load %arg20[%parallel_loop3A_527, %parallel_loop3A_528] {strides = array<i32>} : memref<16x256xi32, #tpu.memory_space<vmem>>, vector<16xi32>,
        %parallel_loop3A_530 = vector.bitcast %parallel_loop3A_529 : vector<16xi32> to vector<32xbf16>
        %parallel_loop3A_531 = tpu.unpack_subelements %parallel_loop3A_530, 0 {pack_format = #tpu.pack_format<interleaved>} : vector<32xbf16> -> vector<16xf32>
        %parallel_loop3A_532 = tpu.unpack_subelements %parallel_loop3A_530, 1 {pack_format = #tpu.pack_format<interleaved>} : vector<32xbf16> -> vector<16xf32>
        %parallel_loop3A_533 = arith.constant 0 : i32
        %parallel_loop3A_534 = vector.broadcast %parallel_loop3A_533 : i32 to vector<16xi32>
        %parallel_loop3A_535 = arith.addi %parallel_loop3A_534, %iota3A : vector<16xi32>
        %parallel_loop3A_536 = arith.mulf %parallel_loop3A_484, %parallel_loop3A_531 : vector<16xf32>
        tpu.vector_store_idx %arg21[%parallel_loop3A_526, %parallel_loop3A_535], %parallel_loop3A_536 {add = true} : memref<321x256xf32, #tpu.memory_space<vmem>>[vector<16xi32>, vector<16xi32>], vector<16xf32>,
        %parallel_loop3A_537 = arith.constant 16 : i32
        %parallel_loop3A_538 = vector.broadcast %parallel_loop3A_537 : i32 to vector<16xi32>
        %parallel_loop3A_539 = arith.addi %parallel_loop3A_538, %iota3A : vector<16xi32>
        %parallel_loop3A_540 = arith.mulf %parallel_loop3A_484, %parallel_loop3A_532 : vector<16xf32>
        tpu.vector_store_idx %arg21[%parallel_loop3A_526, %parallel_loop3A_539], %parallel_loop3A_540 {add = true} : memref<321x256xf32, #tpu.memory_space<vmem>>[vector<16xi32>, vector<16xi32>], vector<16xf32>,
        %parallel_loop3A_541 = arith.index_cast %parallel_loop3A_348 : i32 to index
        %parallel_loop3A_542 = arith.constant 144 : index
        %parallel_loop3A_543 = tpu.vector_load %arg20[%parallel_loop3A_541, %parallel_loop3A_542] {strides = array<i32>} : memref<16x256xi32, #tpu.memory_space<vmem>>, vector<16xi32>,
        %parallel_loop3A_544 = vector.bitcast %parallel_loop3A_543 : vector<16xi32> to vector<32xbf16>
        %parallel_loop3A_545 = tpu.unpack_subelements %parallel_loop3A_544, 0 {pack_format = #tpu.pack_format<interleaved>} : vector<32xbf16> -> vector<16xf32>
        %parallel_loop3A_546 = tpu.unpack_subelements %parallel_loop3A_544, 1 {pack_format = #tpu.pack_format<interleaved>} : vector<32xbf16> -> vector<16xf32>
        %parallel_loop3A_547 = arith.constant 32 : i32
        %parallel_loop3A_548 = vector.broadcast %parallel_loop3A_547 : i32 to vector<16xi32>
        %parallel_loop3A_549 = arith.addi %parallel_loop3A_548, %iota3A : vector<16xi32>
        %parallel_loop3A_550 = arith.mulf %parallel_loop3A_484, %parallel_loop3A_545 : vector<16xf32>
        tpu.vector_store_idx %arg21[%parallel_loop3A_526, %parallel_loop3A_549], %parallel_loop3A_550 {add = true} : memref<321x256xf32, #tpu.memory_space<vmem>>[vector<16xi32>, vector<16xi32>], vector<16xf32>,
        %parallel_loop3A_551 = arith.constant 48 : i32
        %parallel_loop3A_552 = vector.broadcast %parallel_loop3A_551 : i32 to vector<16xi32>
        %parallel_loop3A_553 = arith.addi %parallel_loop3A_552, %iota3A : vector<16xi32>
        %parallel_loop3A_554 = arith.mulf %parallel_loop3A_484, %parallel_loop3A_546 : vector<16xf32>
        tpu.vector_store_idx %arg21[%parallel_loop3A_526, %parallel_loop3A_553], %parallel_loop3A_554 {add = true} : memref<321x256xf32, #tpu.memory_space<vmem>>[vector<16xi32>, vector<16xi32>], vector<16xf32>,
        %parallel_loop3A_555 = arith.index_cast %parallel_loop3A_348 : i32 to index
        %parallel_loop3A_556 = arith.constant 160 : index
        %parallel_loop3A_557 = tpu.vector_load %arg20[%parallel_loop3A_555, %parallel_loop3A_556] {strides = array<i32>} : memref<16x256xi32, #tpu.memory_space<vmem>>, vector<16xi32>,
        %parallel_loop3A_558 = vector.bitcast %parallel_loop3A_557 : vector<16xi32> to vector<32xbf16>
        %parallel_loop3A_559 = tpu.unpack_subelements %parallel_loop3A_558, 0 {pack_format = #tpu.pack_format<interleaved>} : vector<32xbf16> -> vector<16xf32>
        %parallel_loop3A_560 = tpu.unpack_subelements %parallel_loop3A_558, 1 {pack_format = #tpu.pack_format<interleaved>} : vector<32xbf16> -> vector<16xf32>
        %parallel_loop3A_561 = arith.constant 64 : i32
        %parallel_loop3A_562 = vector.broadcast %parallel_loop3A_561 : i32 to vector<16xi32>
        %parallel_loop3A_563 = arith.addi %parallel_loop3A_562, %iota3A : vector<16xi32>
        %parallel_loop3A_564 = arith.mulf %parallel_loop3A_484, %parallel_loop3A_559 : vector<16xf32>
        tpu.vector_store_idx %arg21[%parallel_loop3A_526, %parallel_loop3A_563], %parallel_loop3A_564 {add = true} : memref<321x256xf32, #tpu.memory_space<vmem>>[vector<16xi32>, vector<16xi32>], vector<16xf32>,
        %parallel_loop3A_565 = arith.constant 80 : i32
        %parallel_loop3A_566 = vector.broadcast %parallel_loop3A_565 : i32 to vector<16xi32>
        %parallel_loop3A_567 = arith.addi %parallel_loop3A_566, %iota3A : vector<16xi32>
        %parallel_loop3A_568 = arith.mulf %parallel_loop3A_484, %parallel_loop3A_560 : vector<16xf32>
        tpu.vector_store_idx %arg21[%parallel_loop3A_526, %parallel_loop3A_567], %parallel_loop3A_568 {add = true} : memref<321x256xf32, #tpu.memory_space<vmem>>[vector<16xi32>, vector<16xi32>], vector<16xf32>,
        %parallel_loop3A_569 = arith.index_cast %parallel_loop3A_348 : i32 to index
        %parallel_loop3A_570 = arith.constant 176 : index
        %parallel_loop3A_571 = tpu.vector_load %arg20[%parallel_loop3A_569, %parallel_loop3A_570] {strides = array<i32>} : memref<16x256xi32, #tpu.memory_space<vmem>>, vector<16xi32>,
        %parallel_loop3A_572 = vector.bitcast %parallel_loop3A_571 : vector<16xi32> to vector<32xbf16>
        %parallel_loop3A_573 = tpu.unpack_subelements %parallel_loop3A_572, 0 {pack_format = #tpu.pack_format<interleaved>} : vector<32xbf16> -> vector<16xf32>
        %parallel_loop3A_574 = tpu.unpack_subelements %parallel_loop3A_572, 1 {pack_format = #tpu.pack_format<interleaved>} : vector<32xbf16> -> vector<16xf32>
        %parallel_loop3A_575 = arith.constant 96 : i32
        %parallel_loop3A_576 = vector.broadcast %parallel_loop3A_575 : i32 to vector<16xi32>
        %parallel_loop3A_577 = arith.addi %parallel_loop3A_576, %iota3A : vector<16xi32>
        %parallel_loop3A_578 = arith.mulf %parallel_loop3A_484, %parallel_loop3A_573 : vector<16xf32>
        tpu.vector_store_idx %arg21[%parallel_loop3A_526, %parallel_loop3A_577], %parallel_loop3A_578 {add = true} : memref<321x256xf32, #tpu.memory_space<vmem>>[vector<16xi32>, vector<16xi32>], vector<16xf32>,
        %parallel_loop3A_579 = arith.constant 112 : i32
        %parallel_loop3A_580 = vector.broadcast %parallel_loop3A_579 : i32 to vector<16xi32>
        %parallel_loop3A_581 = arith.addi %parallel_loop3A_580, %iota3A : vector<16xi32>
        %parallel_loop3A_582 = arith.mulf %parallel_loop3A_484, %parallel_loop3A_574 : vector<16xf32>
        tpu.vector_store_idx %arg21[%parallel_loop3A_526, %parallel_loop3A_581], %parallel_loop3A_582 {add = true} : memref<321x256xf32, #tpu.memory_space<vmem>>[vector<16xi32>, vector<16xi32>], vector<16xf32>,
        %parallel_loop3A_583 = arith.index_cast %parallel_loop3A_348 : i32 to index
        %parallel_loop3A_584 = arith.constant 192 : index
        %parallel_loop3A_585 = tpu.vector_load %arg20[%parallel_loop3A_583, %parallel_loop3A_584] {strides = array<i32>} : memref<16x256xi32, #tpu.memory_space<vmem>>, vector<16xi32>,
        %parallel_loop3A_586 = vector.bitcast %parallel_loop3A_585 : vector<16xi32> to vector<32xbf16>
        %parallel_loop3A_587 = tpu.unpack_subelements %parallel_loop3A_586, 0 {pack_format = #tpu.pack_format<interleaved>} : vector<32xbf16> -> vector<16xf32>
        %parallel_loop3A_588 = tpu.unpack_subelements %parallel_loop3A_586, 1 {pack_format = #tpu.pack_format<interleaved>} : vector<32xbf16> -> vector<16xf32>
        %parallel_loop3A_589 = arith.constant 128 : i32
        %parallel_loop3A_590 = vector.broadcast %parallel_loop3A_589 : i32 to vector<16xi32>
        %parallel_loop3A_591 = arith.addi %parallel_loop3A_590, %iota3A : vector<16xi32>
        %parallel_loop3A_592 = arith.mulf %parallel_loop3A_484, %parallel_loop3A_587 : vector<16xf32>
        tpu.vector_store_idx %arg21[%parallel_loop3A_526, %parallel_loop3A_591], %parallel_loop3A_592 {add = true} : memref<321x256xf32, #tpu.memory_space<vmem>>[vector<16xi32>, vector<16xi32>], vector<16xf32>,
        %parallel_loop3A_593 = arith.constant 144 : i32
        %parallel_loop3A_594 = vector.broadcast %parallel_loop3A_593 : i32 to vector<16xi32>
        %parallel_loop3A_595 = arith.addi %parallel_loop3A_594, %iota3A : vector<16xi32>
        %parallel_loop3A_596 = arith.mulf %parallel_loop3A_484, %parallel_loop3A_588 : vector<16xf32>
        tpu.vector_store_idx %arg21[%parallel_loop3A_526, %parallel_loop3A_595], %parallel_loop3A_596 {add = true} : memref<321x256xf32, #tpu.memory_space<vmem>>[vector<16xi32>, vector<16xi32>], vector<16xf32>,
        %parallel_loop3A_597 = arith.index_cast %parallel_loop3A_348 : i32 to index
        %parallel_loop3A_598 = arith.constant 208 : index
        %parallel_loop3A_599 = tpu.vector_load %arg20[%parallel_loop3A_597, %parallel_loop3A_598] {strides = array<i32>} : memref<16x256xi32, #tpu.memory_space<vmem>>, vector<16xi32>,
        %parallel_loop3A_600 = vector.bitcast %parallel_loop3A_599 : vector<16xi32> to vector<32xbf16>
        %parallel_loop3A_601 = tpu.unpack_subelements %parallel_loop3A_600, 0 {pack_format = #tpu.pack_format<interleaved>} : vector<32xbf16> -> vector<16xf32>
        %parallel_loop3A_602 = tpu.unpack_subelements %parallel_loop3A_600, 1 {pack_format = #tpu.pack_format<interleaved>} : vector<32xbf16> -> vector<16xf32>
        %parallel_loop3A_603 = arith.constant 160 : i32
        %parallel_loop3A_604 = vector.broadcast %parallel_loop3A_603 : i32 to vector<16xi32>
        %parallel_loop3A_605 = arith.addi %parallel_loop3A_604, %iota3A : vector<16xi32>
        %parallel_loop3A_606 = arith.mulf %parallel_loop3A_484, %parallel_loop3A_601 : vector<16xf32>
        tpu.vector_store_idx %arg21[%parallel_loop3A_526, %parallel_loop3A_605], %parallel_loop3A_606 {add = true} : memref<321x256xf32, #tpu.memory_space<vmem>>[vector<16xi32>, vector<16xi32>], vector<16xf32>,
        %parallel_loop3A_607 = arith.constant 176 : i32
        %parallel_loop3A_608 = vector.broadcast %parallel_loop3A_607 : i32 to vector<16xi32>
        %parallel_loop3A_609 = arith.addi %parallel_loop3A_608, %iota3A : vector<16xi32>
        %parallel_loop3A_610 = arith.mulf %parallel_loop3A_484, %parallel_loop3A_602 : vector<16xf32>
        tpu.vector_store_idx %arg21[%parallel_loop3A_526, %parallel_loop3A_609], %parallel_loop3A_610 {add = true} : memref<321x256xf32, #tpu.memory_space<vmem>>[vector<16xi32>, vector<16xi32>], vector<16xf32>,
        %parallel_loop3A_611 = arith.index_cast %parallel_loop3A_348 : i32 to index
        %parallel_loop3A_612 = arith.constant 224 : index
        %parallel_loop3A_613 = tpu.vector_load %arg20[%parallel_loop3A_611, %parallel_loop3A_612] {strides = array<i32>} : memref<16x256xi32, #tpu.memory_space<vmem>>, vector<16xi32>,
        %parallel_loop3A_614 = vector.bitcast %parallel_loop3A_613 : vector<16xi32> to vector<32xbf16>
        %parallel_loop3A_615 = tpu.unpack_subelements %parallel_loop3A_614, 0 {pack_format = #tpu.pack_format<interleaved>} : vector<32xbf16> -> vector<16xf32>
        %parallel_loop3A_616 = tpu.unpack_subelements %parallel_loop3A_614, 1 {pack_format = #tpu.pack_format<interleaved>} : vector<32xbf16> -> vector<16xf32>
        %parallel_loop3A_617 = arith.constant 192 : i32
        %parallel_loop3A_618 = vector.broadcast %parallel_loop3A_617 : i32 to vector<16xi32>
        %parallel_loop3A_619 = arith.addi %parallel_loop3A_618, %iota3A : vector<16xi32>
        %parallel_loop3A_620 = arith.mulf %parallel_loop3A_484, %parallel_loop3A_615 : vector<16xf32>
        tpu.vector_store_idx %arg21[%parallel_loop3A_526, %parallel_loop3A_619], %parallel_loop3A_620 {add = true} : memref<321x256xf32, #tpu.memory_space<vmem>>[vector<16xi32>, vector<16xi32>], vector<16xf32>,
        %parallel_loop3A_621 = arith.constant 208 : i32
        %parallel_loop3A_622 = vector.broadcast %parallel_loop3A_621 : i32 to vector<16xi32>
        %parallel_loop3A_623 = arith.addi %parallel_loop3A_622, %iota3A : vector<16xi32>
        %parallel_loop3A_624 = arith.mulf %parallel_loop3A_484, %parallel_loop3A_616 : vector<16xf32>
        tpu.vector_store_idx %arg21[%parallel_loop3A_526, %parallel_loop3A_623], %parallel_loop3A_624 {add = true} : memref<321x256xf32, #tpu.memory_space<vmem>>[vector<16xi32>, vector<16xi32>], vector<16xf32>,
        %parallel_loop3A_625 = arith.index_cast %parallel_loop3A_348 : i32 to index
        %parallel_loop3A_626 = arith.constant 240 : index
        %parallel_loop3A_627 = tpu.vector_load %arg20[%parallel_loop3A_625, %parallel_loop3A_626] {strides = array<i32>} : memref<16x256xi32, #tpu.memory_space<vmem>>, vector<16xi32>,
        %parallel_loop3A_628 = vector.bitcast %parallel_loop3A_627 : vector<16xi32> to vector<32xbf16>
        %parallel_loop3A_629 = tpu.unpack_subelements %parallel_loop3A_628, 0 {pack_format = #tpu.pack_format<interleaved>} : vector<32xbf16> -> vector<16xf32>
        %parallel_loop3A_630 = tpu.unpack_subelements %parallel_loop3A_628, 1 {pack_format = #tpu.pack_format<interleaved>} : vector<32xbf16> -> vector<16xf32>
        %parallel_loop3A_631 = arith.constant 224 : i32
        %parallel_loop3A_632 = vector.broadcast %parallel_loop3A_631 : i32 to vector<16xi32>
        %parallel_loop3A_633 = arith.addi %parallel_loop3A_632, %iota3A : vector<16xi32>
        %parallel_loop3A_634 = arith.mulf %parallel_loop3A_484, %parallel_loop3A_629 : vector<16xf32>
        tpu.vector_store_idx %arg21[%parallel_loop3A_526, %parallel_loop3A_633], %parallel_loop3A_634 {add = true} : memref<321x256xf32, #tpu.memory_space<vmem>>[vector<16xi32>, vector<16xi32>], vector<16xf32>,
        %parallel_loop3A_635 = arith.constant 240 : i32
        %parallel_loop3A_636 = vector.broadcast %parallel_loop3A_635 : i32 to vector<16xi32>
        %parallel_loop3A_637 = arith.addi %parallel_loop3A_636, %iota3A : vector<16xi32>
        %parallel_loop3A_638 = arith.mulf %parallel_loop3A_484, %parallel_loop3A_630 : vector<16xf32>
        tpu.vector_store_idx %arg21[%parallel_loop3A_526, %parallel_loop3A_637], %parallel_loop3A_638 {add = true} : memref<321x256xf32, #tpu.memory_space<vmem>>[vector<16xi32>, vector<16xi32>], vector<16xf32>,
        tpu.vector_store_idx %arg22[%parallel_loop3A_526], %parallel_loop3A_484 masked %eq3A_5 {add = true} : memref<337xf32, #tpu.memory_space<vmem>>[vector<16xi32>], vector<16xf32>, vector<16xi1>
      } {sc.loop_unroll_factor = 2 : i64, sc.parallel_access}
    }
    %while3A_167 = arith.constant 1 : i32
    scf.for %while3A_174 = %while3A_165 to %while3A_161 step %while3A_167  : i32 {
      %mul3A_175 = arith.constant 2 : i32
      %mul3A_176 = arith.muli %while3A_174, %mul3A_175 : i32
      %add3A_177 = arith.constant 1 : i32
      %add3A_178 = arith.addi %mul3A_176, %add3A_177 : i32
      %mul3A_179 = arith.constant 16 : i32
      %mul3A_180 = arith.muli %add3A_178, %mul3A_179 : i32
      %add3A_181 = arith.constant 0 : i32
      %add3A_182 = arith.addi %mul3A_180, %add3A_181 : i32
      %get3A_183 = arith.index_cast %add3A_182 : i32 to index
      %get3A_184 = tpu.vector_load %arg12[%get3A_183] {strides = array<i32>} : memref<5664xi32, #tpu.memory_space<vmem>>, vector<16xi32>,
      %jit3A_185 = arith.constant 16384 : i32
      %div3A_186 = vector.broadcast %jit3A_185 : i32 to vector<16xi32>
      %div3A_187 = arith.divsi %get3A_184, %div3A_186 : vector<16xi32>
      %sign3A_188 = arith.constant 0 : i32
      %sign3A_189 = vector.broadcast %sign3A_188 : i32 to vector<16xi32>
      %sign3A_190 = arith.cmpi sgt, %get3A_184, %sign3A_189 : vector<16xi32>
      %sign3A_191 = arith.extui %sign3A_190 : vector<16xi1> to vector<16xi32>
      %sign3A_192 = arith.constant 0 : i32
      %sign3A_193 = vector.broadcast %sign3A_192 : i32 to vector<16xi32>
      %sign3A_194 = arith.cmpi slt, %get3A_184, %sign3A_193 : vector<16xi32>
      %sign3A_195 = arith.extui %sign3A_194 : vector<16xi1> to vector<16xi32>
      %sign3A_196 = arith.subi %sign3A_191, %sign3A_195 : vector<16xi32>
      %sign3A_197 = arith.constant 0 : i32
      %sign3A_198 = arith.cmpi sgt, %jit3A_185, %sign3A_197 : i32
      %sign3A_199 = arith.extui %sign3A_198 : i1 to i32
      %sign3A_200 = arith.constant 0 : i32
      %sign3A_201 = arith.cmpi slt, %jit3A_185, %sign3A_200 : i32
      %sign3A_202 = arith.extui %sign3A_201 : i1 to i32
      %sign3A_203 = arith.subi %sign3A_199, %sign3A_202 : i32
      %ne3A_204 = vector.broadcast %sign3A_203 : i32 to vector<16xi32>
      %ne3A_205 = arith.cmpi ne, %sign3A_196, %ne3A_204 : vector<16xi32>
      %rem3A_206 = vector.broadcast %jit3A_185 : i32 to vector<16xi32>
      %rem3A_207 = arith.remsi %get3A_184, %rem3A_206 : vector<16xi32>
      %ne3A_208 = arith.constant 0 : i32
      %ne3A_209 = vector.broadcast %ne3A_208 : i32 to vector<16xi32>
      %ne3A_210 = arith.cmpi ne, %rem3A_207, %ne3A_209 : vector<16xi32>
      %and3A_211 = arith.andi %ne3A_205, %ne3A_210 : vector<16xi1>
      %sub3A_212 = arith.constant 1 : i32
      %sub3A_213 = vector.broadcast %sub3A_212 : i32 to vector<16xi32>
      %sub3A_214 = arith.subi %div3A_187, %sub3A_213 : vector<16xi32>
      %select_n3A_215 = arith.select %and3A_211, %sub3A_214, %div3A_187 : vector<16xi1>, vector<16xi32>
      %min3A_216 = arith.constant 9999 : i32
      %min3A_217 = vector.broadcast %min3A_216 : i32 to vector<16xi32>
      %min3A_218 = arith.minsi %select_n3A_215, %min3A_217 : vector<16xi32>
      %swap3A_219 = arith.constant 0 : index
      %swap3A_220 = tpu.vector_load %arg14[%swap3A_219] {strides = array<i32>} : memref<16xi32, #tpu.memory_space<vmem>>, vector<16xi32>,
      tpu.vector_store %arg14[%swap3A_219], %min3A_218 {strides = array<i32>} : memref<16xi32, #tpu.memory_space<vmem>>, vector<16xi32>,
      %jit3A_221 = arith.constant 16384 : i32
      %eq3A_222 = arith.constant 0 : i32
      %eq3A_223 = arith.cmpi eq, %jit3A_221, %eq3A_222 : i32
      %jit3A_224 = arith.constant 1 : i32
      %select_n3A_225 = arith.select %eq3A_223, %jit3A_224, %jit3A_221 : i32
      %rem3A_226 = vector.broadcast %select_n3A_225 : i32 to vector<16xi32>
      %rem3A_227 = arith.remsi %get3A_184, %rem3A_226 : vector<16xi32>
      %ne3A_228 = arith.constant 0 : i32
      %ne3A_229 = vector.broadcast %ne3A_228 : i32 to vector<16xi32>
      %ne3A_230 = arith.cmpi ne, %rem3A_227, %ne3A_229 : vector<16xi32>
      %lt3A_231 = arith.constant 0 : i32
      %lt3A_232 = vector.broadcast %lt3A_231 : i32 to vector<16xi32>
      %lt3A_233 = arith.cmpi slt, %rem3A_227, %lt3A_232 : vector<16xi32>
      %lt3A_234 = arith.constant 0 : i32
      %lt3A_235 = arith.cmpi slt, %select_n3A_225, %lt3A_234 : i32
      %ne3A_236 = vector.broadcast %lt3A_235 : i1 to vector<16xi1>
      %ne3A_237 = vector.broadcast %ne3A_236 : vector<16xi1> to vector<16xi1>
      %ne3A_238 = arith.xori %lt3A_233, %ne3A_237 : vector<16xi1>
      %and3A_239 = arith.andi %ne3A_238, %ne3A_230 : vector<16xi1>
      %add3A_240 = vector.broadcast %select_n3A_225 : i32 to vector<16xi32>
      %add3A_241 = arith.addi %rem3A_227, %add3A_240 : vector<16xi32>
      %select_n3A_242 = arith.select %and3A_239, %add3A_241, %rem3A_227 : vector<16xi1>, vector<16xi32>
      %swap3A_243 = arith.constant 0 : index
      %swap3A_244 = tpu.vector_load %arg16[%swap3A_243] {strides = array<i32>} : memref<16xi32, #tpu.memory_space<vmem>>, vector<16xi32>,
      tpu.vector_store %arg16[%swap3A_243], %select_n3A_242 {strides = array<i32>} : memref<16xi32, #tpu.memory_space<vmem>>, vector<16xi32>,
      %dma_wait3A_245 = arith.constant 0 : i32
      %dma_wait3A_246 = arith.constant 0 : i32
      %dma_wait3A_247 = tpu.memref_slice %arg4[%dma_wait3A_245, %dma_wait3A_246] : memref<10000x256xf32, #tpu.memory_space<hbm>> -> memref<10000x256xf32, #tpu.memory_space<hbm>>
      tpu.wait_indirect_dma semaphore(%arg23 : memref<!tpu.dma_semaphore, #tpu.memory_space<semaphore_mem>>) src(%dma_wait3A_247 : memref<10000x256xf32, #tpu.memory_space<hbm>>) dst(%arg17 : memref<16x256xf32, #tpu.memory_space<vmem>>)
      %dma_wait3A_248 = arith.constant 0 : i32
      %dma_wait3A_249 = arith.constant 0 : i32
      %dma_wait3A_250 = tpu.memref_slice %arg5[%dma_wait3A_248, %dma_wait3A_249] : memref<10000x256xi32, #tpu.memory_space<hbm>> -> memref<10000x256xi32, #tpu.memory_space<hbm>>
      tpu.wait_indirect_dma semaphore(%arg24 : memref<!tpu.dma_semaphore, #tpu.memory_space<semaphore_mem>>) src(%dma_wait3A_250 : memref<10000x256xi32, #tpu.memory_space<hbm>>) dst(%arg19 : memref<16x256xi32, #tpu.memory_space<vmem>>)
      %dma_start3A_251 = arith.constant 0 : i32
      %dma_start3A_252 = arith.constant 0 : i32
      %dma_start3A_253 = tpu.memref_slice %arg4[%dma_start3A_251, %dma_start3A_252] : memref<10000x256xf32, #tpu.memory_space<hbm>> -> memref<10000x256xf32, #tpu.memory_space<hbm>>
      tpu.enqueue_indirect_dma source(%dma_start3A_253 : memref<10000x256xf32, #tpu.memory_space<hbm>>) target(%arg18 : memref<16x256xf32, #tpu.memory_space<vmem>>) offsets(%arg14 : memref<16xi32, #tpu.memory_space<vmem>>) semaphore(%arg25 : memref<!tpu.dma_semaphore, #tpu.memory_space<semaphore_mem>>)
      %dma_start3A_254 = arith.constant 0 : i32
      %dma_start3A_255 = arith.constant 0 : i32
      %dma_start3A_256 = tpu.memref_slice %arg5[%dma_start3A_254, %dma_start3A_255] : memref<10000x256xi32, #tpu.memory_space<hbm>> -> memref<10000x256xi32, #tpu.memory_space<hbm>>
      tpu.enqueue_indirect_dma source(%dma_start3A_256 : memref<10000x256xi32, #tpu.memory_space<hbm>>) target(%arg20 : memref<16x256xi32, #tpu.memory_space<vmem>>) offsets(%arg16 : memref<16xi32, #tpu.memory_space<vmem>>) semaphore(%arg26 : memref<!tpu.dma_semaphore, #tpu.memory_space<semaphore_mem>>)
      %mul3A_257 = arith.constant 16 : i32
      %mul3A_258 = arith.muli %mul3A_176, %mul3A_257 : i32
      %parallel_loop3A = arith.constant 0 : i32
      %parallel_loop3A_259 = arith.constant 16 : i32
      %parallel_loop3A_260 = arith.constant 1 : i32
      scf.for %parallel_loop3A_348 = %parallel_loop3A to %parallel_loop3A_259 step %parallel_loop3A_260  : i32 {
        %parallel_loop3A_349 = arith.index_cast %parallel_loop3A_348 : i32 to index
        %parallel_loop3A_350 = arith.constant 0 : index
        %parallel_loop3A_351 = tpu.vector_load %arg19[%parallel_loop3A_349, %parallel_loop3A_350] {strides = array<i32>} : memref<16x256xi32, #tpu.memory_space<vmem>>, vector<16xi32>,
        %parallel_loop3A_352 = vector.bitcast %parallel_loop3A_351 : vector<16xi32> to vector<32xbf16>
        %parallel_loop3A_353 = tpu.unpack_subelements %parallel_loop3A_352, 0 {pack_format = #tpu.pack_format<interleaved>} : vector<32xbf16> -> vector<16xf32>
        %parallel_loop3A_354 = tpu.unpack_subelements %parallel_loop3A_352, 1 {pack_format = #tpu.pack_format<interleaved>} : vector<32xbf16> -> vector<16xf32>
        %parallel_loop3A_355 = arith.index_cast %parallel_loop3A_348 : i32 to index
        %parallel_loop3A_356 = arith.constant 0 : index
        %parallel_loop3A_357 = tpu.vector_load %arg17[%parallel_loop3A_355, %parallel_loop3A_356] {strides = array<i32>} : memref<16x256xf32, #tpu.memory_space<vmem>>, vector<16xf32>,
        %parallel_loop3A_358 = arith.mulf %parallel_loop3A_357, %parallel_loop3A_353 : vector<16xf32>
        %parallel_loop3A_359 = arith.addf %broadcast_in_dim3A_3, %parallel_loop3A_358 : vector<16xf32>
        %parallel_loop3A_360 = arith.index_cast %parallel_loop3A_348 : i32 to index
        %parallel_loop3A_361 = arith.constant 16 : index
        %parallel_loop3A_362 = tpu.vector_load %arg17[%parallel_loop3A_360, %parallel_loop3A_361] {strides = array<i32>} : memref<16x256xf32, #tpu.memory_space<vmem>>, vector<16xf32>,
        %parallel_loop3A_363 = arith.mulf %parallel_loop3A_362, %parallel_loop3A_354 : vector<16xf32>
        %parallel_loop3A_364 = arith.addf %parallel_loop3A_359, %parallel_loop3A_363 : vector<16xf32>
        %parallel_loop3A_365 = arith.index_cast %parallel_loop3A_348 : i32 to index
        %parallel_loop3A_366 = arith.constant 16 : index
        %parallel_loop3A_367 = tpu.vector_load %arg19[%parallel_loop3A_365, %parallel_loop3A_366] {strides = array<i32>} : memref<16x256xi32, #tpu.memory_space<vmem>>, vector<16xi32>,
        %parallel_loop3A_368 = vector.bitcast %parallel_loop3A_367 : vector<16xi32> to vector<32xbf16>
        %parallel_loop3A_369 = tpu.unpack_subelements %parallel_loop3A_368, 0 {pack_format = #tpu.pack_format<interleaved>} : vector<32xbf16> -> vector<16xf32>
        %parallel_loop3A_370 = tpu.unpack_subelements %parallel_loop3A_368, 1 {pack_format = #tpu.pack_format<interleaved>} : vector<32xbf16> -> vector<16xf32>
        %parallel_loop3A_371 = arith.index_cast %parallel_loop3A_348 : i32 to index
        %parallel_loop3A_372 = arith.constant 32 : index
        %parallel_loop3A_373 = tpu.vector_load %arg17[%parallel_loop3A_371, %parallel_loop3A_372] {strides = array<i32>} : memref<16x256xf32, #tpu.memory_space<vmem>>, vector<16xf32>,
        %parallel_loop3A_374 = arith.mulf %parallel_loop3A_373, %parallel_loop3A_369 : vector<16xf32>
        %parallel_loop3A_375 = arith.addf %parallel_loop3A_364, %parallel_loop3A_374 : vector<16xf32>
        %parallel_loop3A_376 = arith.index_cast %parallel_loop3A_348 : i32 to index
        %parallel_loop3A_377 = arith.constant 48 : index
        %parallel_loop3A_378 = tpu.vector_load %arg17[%parallel_loop3A_376, %parallel_loop3A_377] {strides = array<i32>} : memref<16x256xf32, #tpu.memory_space<vmem>>, vector<16xf32>,
        %parallel_loop3A_379 = arith.mulf %parallel_loop3A_378, %parallel_loop3A_370 : vector<16xf32>
        %parallel_loop3A_380 = arith.addf %parallel_loop3A_375, %parallel_loop3A_379 : vector<16xf32>
        %parallel_loop3A_381 = arith.index_cast %parallel_loop3A_348 : i32 to index
        %parallel_loop3A_382 = arith.constant 32 : index
        %parallel_loop3A_383 = tpu.vector_load %arg19[%parallel_loop3A_381, %parallel_loop3A_382] {strides = array<i32>} : memref<16x256xi32, #tpu.memory_space<vmem>>, vector<16xi32>,
        %parallel_loop3A_384 = vector.bitcast %parallel_loop3A_383 : vector<16xi32> to vector<32xbf16>
        %parallel_loop3A_385 = tpu.unpack_subelements %parallel_loop3A_384, 0 {pack_format = #tpu.pack_format<interleaved>} : vector<32xbf16> -> vector<16xf32>
        %parallel_loop3A_386 = tpu.unpack_subelements %parallel_loop3A_384, 1 {pack_format = #tpu.pack_format<interleaved>} : vector<32xbf16> -> vector<16xf32>
        %parallel_loop3A_387 = arith.index_cast %parallel_loop3A_348 : i32 to index
        %parallel_loop3A_388 = arith.constant 64 : index
        %parallel_loop3A_389 = tpu.vector_load %arg17[%parallel_loop3A_387, %parallel_loop3A_388] {strides = array<i32>} : memref<16x256xf32, #tpu.memory_space<vmem>>, vector<16xf32>,
        %parallel_loop3A_390 = arith.mulf %parallel_loop3A_389, %parallel_loop3A_385 : vector<16xf32>
        %parallel_loop3A_391 = arith.addf %parallel_loop3A_380, %parallel_loop3A_390 : vector<16xf32>
        %parallel_loop3A_392 = arith.index_cast %parallel_loop3A_348 : i32 to index
        %parallel_loop3A_393 = arith.constant 80 : index
        %parallel_loop3A_394 = tpu.vector_load %arg17[%parallel_loop3A_392, %parallel_loop3A_393] {strides = array<i32>} : memref<16x256xf32, #tpu.memory_space<vmem>>, vector<16xf32>,
        %parallel_loop3A_395 = arith.mulf %parallel_loop3A_394, %parallel_loop3A_386 : vector<16xf32>
        %parallel_loop3A_396 = arith.addf %parallel_loop3A_391, %parallel_loop3A_395 : vector<16xf32>
        %parallel_loop3A_397 = arith.index_cast %parallel_loop3A_348 : i32 to index
        %parallel_loop3A_398 = arith.constant 48 : index
        %parallel_loop3A_399 = tpu.vector_load %arg19[%parallel_loop3A_397, %parallel_loop3A_398] {strides = array<i32>} : memref<16x256xi32, #tpu.memory_space<vmem>>, vector<16xi32>,
        %parallel_loop3A_400 = vector.bitcast %parallel_loop3A_399 : vector<16xi32> to vector<32xbf16>
        %parallel_loop3A_401 = tpu.unpack_subelements %parallel_loop3A_400, 0 {pack_format = #tpu.pack_format<interleaved>} : vector<32xbf16> -> vector<16xf32>
        %parallel_loop3A_402 = tpu.unpack_subelements %parallel_loop3A_400, 1 {pack_format = #tpu.pack_format<interleaved>} : vector<32xbf16> -> vector<16xf32>
        %parallel_loop3A_403 = arith.index_cast %parallel_loop3A_348 : i32 to index
        %parallel_loop3A_404 = arith.constant 96 : index
        %parallel_loop3A_405 = tpu.vector_load %arg17[%parallel_loop3A_403, %parallel_loop3A_404] {strides = array<i32>} : memref<16x256xf32, #tpu.memory_space<vmem>>, vector<16xf32>,
        %parallel_loop3A_406 = arith.mulf %parallel_loop3A_405, %parallel_loop3A_401 : vector<16xf32>
        %parallel_loop3A_407 = arith.addf %parallel_loop3A_396, %parallel_loop3A_406 : vector<16xf32>
        %parallel_loop3A_408 = arith.index_cast %parallel_loop3A_348 : i32 to index
        %parallel_loop3A_409 = arith.constant 112 : index
        %parallel_loop3A_410 = tpu.vector_load %arg17[%parallel_loop3A_408, %parallel_loop3A_409] {strides = array<i32>} : memref<16x256xf32, #tpu.memory_space<vmem>>, vector<16xf32>,
        %parallel_loop3A_411 = arith.mulf %parallel_loop3A_410, %parallel_loop3A_402 : vector<16xf32>
        %parallel_loop3A_412 = arith.addf %parallel_loop3A_407, %parallel_loop3A_411 : vector<16xf32>
        %parallel_loop3A_413 = arith.index_cast %parallel_loop3A_348 : i32 to index
        %parallel_loop3A_414 = arith.constant 64 : index
        %parallel_loop3A_415 = tpu.vector_load %arg19[%parallel_loop3A_413, %parallel_loop3A_414] {strides = array<i32>} : memref<16x256xi32, #tpu.memory_space<vmem>>, vector<16xi32>,
        %parallel_loop3A_416 = vector.bitcast %parallel_loop3A_415 : vector<16xi32> to vector<32xbf16>
        %parallel_loop3A_417 = tpu.unpack_subelements %parallel_loop3A_416, 0 {pack_format = #tpu.pack_format<interleaved>} : vector<32xbf16> -> vector<16xf32>
        %parallel_loop3A_418 = tpu.unpack_subelements %parallel_loop3A_416, 1 {pack_format = #tpu.pack_format<interleaved>} : vector<32xbf16> -> vector<16xf32>
        %parallel_loop3A_419 = arith.index_cast %parallel_loop3A_348 : i32 to index
        %parallel_loop3A_420 = arith.constant 128 : index
        %parallel_loop3A_421 = tpu.vector_load %arg17[%parallel_loop3A_419, %parallel_loop3A_420] {strides = array<i32>} : memref<16x256xf32, #tpu.memory_space<vmem>>, vector<16xf32>,
        %parallel_loop3A_422 = arith.mulf %parallel_loop3A_421, %parallel_loop3A_417 : vector<16xf32>
        %parallel_loop3A_423 = arith.addf %parallel_loop3A_412, %parallel_loop3A_422 : vector<16xf32>
        %parallel_loop3A_424 = arith.index_cast %parallel_loop3A_348 : i32 to index
        %parallel_loop3A_425 = arith.constant 144 : index
        %parallel_loop3A_426 = tpu.vector_load %arg17[%parallel_loop3A_424, %parallel_loop3A_425] {strides = array<i32>} : memref<16x256xf32, #tpu.memory_space<vmem>>, vector<16xf32>,
        %parallel_loop3A_427 = arith.mulf %parallel_loop3A_426, %parallel_loop3A_418 : vector<16xf32>
        %parallel_loop3A_428 = arith.addf %parallel_loop3A_423, %parallel_loop3A_427 : vector<16xf32>
        %parallel_loop3A_429 = arith.index_cast %parallel_loop3A_348 : i32 to index
        %parallel_loop3A_430 = arith.constant 80 : index
        %parallel_loop3A_431 = tpu.vector_load %arg19[%parallel_loop3A_429, %parallel_loop3A_430] {strides = array<i32>} : memref<16x256xi32, #tpu.memory_space<vmem>>, vector<16xi32>,
        %parallel_loop3A_432 = vector.bitcast %parallel_loop3A_431 : vector<16xi32> to vector<32xbf16>
        %parallel_loop3A_433 = tpu.unpack_subelements %parallel_loop3A_432, 0 {pack_format = #tpu.pack_format<interleaved>} : vector<32xbf16> -> vector<16xf32>
        %parallel_loop3A_434 = tpu.unpack_subelements %parallel_loop3A_432, 1 {pack_format = #tpu.pack_format<interleaved>} : vector<32xbf16> -> vector<16xf32>
        %parallel_loop3A_435 = arith.index_cast %parallel_loop3A_348 : i32 to index
        %parallel_loop3A_436 = arith.constant 160 : index
        %parallel_loop3A_437 = tpu.vector_load %arg17[%parallel_loop3A_435, %parallel_loop3A_436] {strides = array<i32>} : memref<16x256xf32, #tpu.memory_space<vmem>>, vector<16xf32>,
        %parallel_loop3A_438 = arith.mulf %parallel_loop3A_437, %parallel_loop3A_433 : vector<16xf32>
        %parallel_loop3A_439 = arith.addf %parallel_loop3A_428, %parallel_loop3A_438 : vector<16xf32>
        %parallel_loop3A_440 = arith.index_cast %parallel_loop3A_348 : i32 to index
        %parallel_loop3A_441 = arith.constant 176 : index
        %parallel_loop3A_442 = tpu.vector_load %arg17[%parallel_loop3A_440, %parallel_loop3A_441] {strides = array<i32>} : memref<16x256xf32, #tpu.memory_space<vmem>>, vector<16xf32>,
        %parallel_loop3A_443 = arith.mulf %parallel_loop3A_442, %parallel_loop3A_434 : vector<16xf32>
        %parallel_loop3A_444 = arith.addf %parallel_loop3A_439, %parallel_loop3A_443 : vector<16xf32>
        %parallel_loop3A_445 = arith.index_cast %parallel_loop3A_348 : i32 to index
        %parallel_loop3A_446 = arith.constant 96 : index
        %parallel_loop3A_447 = tpu.vector_load %arg19[%parallel_loop3A_445, %parallel_loop3A_446] {strides = array<i32>} : memref<16x256xi32, #tpu.memory_space<vmem>>, vector<16xi32>,
        %parallel_loop3A_448 = vector.bitcast %parallel_loop3A_447 : vector<16xi32> to vector<32xbf16>
        %parallel_loop3A_449 = tpu.unpack_subelements %parallel_loop3A_448, 0 {pack_format = #tpu.pack_format<interleaved>} : vector<32xbf16> -> vector<16xf32>
        %parallel_loop3A_450 = tpu.unpack_subelements %parallel_loop3A_448, 1 {pack_format = #tpu.pack_format<interleaved>} : vector<32xbf16> -> vector<16xf32>
        %parallel_loop3A_451 = arith.index_cast %parallel_loop3A_348 : i32 to index
        %parallel_loop3A_452 = arith.constant 192 : index
        %parallel_loop3A_453 = tpu.vector_load %arg17[%parallel_loop3A_451, %parallel_loop3A_452] {strides = array<i32>} : memref<16x256xf32, #tpu.memory_space<vmem>>, vector<16xf32>,
        %parallel_loop3A_454 = arith.mulf %parallel_loop3A_453, %parallel_loop3A_449 : vector<16xf32>
        %parallel_loop3A_455 = arith.addf %parallel_loop3A_444, %parallel_loop3A_454 : vector<16xf32>
        %parallel_loop3A_456 = arith.index_cast %parallel_loop3A_348 : i32 to index
        %parallel_loop3A_457 = arith.constant 208 : index
        %parallel_loop3A_458 = tpu.vector_load %arg17[%parallel_loop3A_456, %parallel_loop3A_457] {strides = array<i32>} : memref<16x256xf32, #tpu.memory_space<vmem>>, vector<16xf32>,
        %parallel_loop3A_459 = arith.mulf %parallel_loop3A_458, %parallel_loop3A_450 : vector<16xf32>
        %parallel_loop3A_460 = arith.addf %parallel_loop3A_455, %parallel_loop3A_459 : vector<16xf32>
        %parallel_loop3A_461 = arith.index_cast %parallel_loop3A_348 : i32 to index
        %parallel_loop3A_462 = arith.constant 112 : index
        %parallel_loop3A_463 = tpu.vector_load %arg19[%parallel_loop3A_461, %parallel_loop3A_462] {strides = array<i32>} : memref<16x256xi32, #tpu.memory_space<vmem>>, vector<16xi32>,
        %parallel_loop3A_464 = vector.bitcast %parallel_loop3A_463 : vector<16xi32> to vector<32xbf16>
        %parallel_loop3A_465 = tpu.unpack_subelements %parallel_loop3A_464, 0 {pack_format = #tpu.pack_format<interleaved>} : vector<32xbf16> -> vector<16xf32>
        %parallel_loop3A_466 = tpu.unpack_subelements %parallel_loop3A_464, 1 {pack_format = #tpu.pack_format<interleaved>} : vector<32xbf16> -> vector<16xf32>
        %parallel_loop3A_467 = arith.index_cast %parallel_loop3A_348 : i32 to index
        %parallel_loop3A_468 = arith.constant 224 : index
        %parallel_loop3A_469 = tpu.vector_load %arg17[%parallel_loop3A_467, %parallel_loop3A_468] {strides = array<i32>} : memref<16x256xf32, #tpu.memory_space<vmem>>, vector<16xf32>,
        %parallel_loop3A_470 = arith.mulf %parallel_loop3A_469, %parallel_loop3A_465 : vector<16xf32>
        %parallel_loop3A_471 = arith.addf %parallel_loop3A_460, %parallel_loop3A_470 : vector<16xf32>
        %parallel_loop3A_472 = arith.index_cast %parallel_loop3A_348 : i32 to index
        %parallel_loop3A_473 = arith.constant 240 : index
        %parallel_loop3A_474 = tpu.vector_load %arg17[%parallel_loop3A_472, %parallel_loop3A_473] {strides = array<i32>} : memref<16x256xf32, #tpu.memory_space<vmem>>, vector<16xf32>,
        %parallel_loop3A_475 = arith.mulf %parallel_loop3A_474, %parallel_loop3A_466 : vector<16xf32>
        %parallel_loop3A_476 = arith.addf %parallel_loop3A_471, %parallel_loop3A_475 : vector<16xf32>
        %parallel_loop3A_477 = arith.constant true
        %parallel_loop3A_478 = vector.broadcast %parallel_loop3A_477 : i1 to vector<16xi1>
        %parallel_loop3A_479 = tpu.scan <sum>, %parallel_loop3A_476 masked %parallel_loop3A_478 : vector<16xf32>, vector<16xi1> -> vector<16xf32>
        %parallel_loop3A_480 = vector.extract %parallel_loop3A_479[15] : f32 from vector<16xf32>
        %parallel_loop3A_481 = arith.constant 6.250000e-02 : f32
        %parallel_loop3A_482 = arith.mulf %parallel_loop3A_480, %parallel_loop3A_481 : f32
        %parallel_loop3A_483 = vector.broadcast %parallel_loop3A_482 : f32 to vector<16xf32>
        %parallel_loop3A_484 = math.exp %parallel_loop3A_483 : vector<16xf32>
        %parallel_loop3A_485 = arith.addi %mul3A_258, %parallel_loop3A_348 : i32
        %parallel_loop3A_486 = vector.broadcast %parallel_loop3A_485 : i32 to vector<16xi32>
        %parallel_loop3A_487 = tpu.vector_load_idx %arg12[%parallel_loop3A_486] : memref<5664xi32, #tpu.memory_space<vmem>>[vector<16xi32>], vector<16xi32>,
        %parallel_loop3A_488 = arith.constant 16384 : i32
        %parallel_loop3A_489 = vector.broadcast %parallel_loop3A_488 : i32 to vector<16xi32>
        %parallel_loop3A_490 = arith.divsi %parallel_loop3A_487, %parallel_loop3A_489 : vector<16xi32>
        %parallel_loop3A_491 = arith.constant 0 : i32
        %parallel_loop3A_492 = vector.broadcast %parallel_loop3A_491 : i32 to vector<16xi32>
        %parallel_loop3A_493 = arith.cmpi sgt, %parallel_loop3A_487, %parallel_loop3A_492 : vector<16xi32>
        %parallel_loop3A_494 = arith.extui %parallel_loop3A_493 : vector<16xi1> to vector<16xi32>
        %parallel_loop3A_495 = arith.constant 0 : i32
        %parallel_loop3A_496 = vector.broadcast %parallel_loop3A_495 : i32 to vector<16xi32>
        %parallel_loop3A_497 = arith.cmpi slt, %parallel_loop3A_487, %parallel_loop3A_496 : vector<16xi32>
        %parallel_loop3A_498 = arith.extui %parallel_loop3A_497 : vector<16xi1> to vector<16xi32>
        %parallel_loop3A_499 = arith.subi %parallel_loop3A_494, %parallel_loop3A_498 : vector<16xi32>
        %parallel_loop3A_500 = arith.constant 0 : i32
        %parallel_loop3A_501 = arith.cmpi sgt, %parallel_loop3A_488, %parallel_loop3A_500 : i32
        %parallel_loop3A_502 = arith.extui %parallel_loop3A_501 : i1 to i32
        %parallel_loop3A_503 = arith.constant 0 : i32
        %parallel_loop3A_504 = arith.cmpi slt, %parallel_loop3A_488, %parallel_loop3A_503 : i32
        %parallel_loop3A_505 = arith.extui %parallel_loop3A_504 : i1 to i32
        %parallel_loop3A_506 = arith.subi %parallel_loop3A_502, %parallel_loop3A_505 : i32
        %parallel_loop3A_507 = vector.broadcast %parallel_loop3A_506 : i32 to vector<16xi32>
        %parallel_loop3A_508 = arith.cmpi ne, %parallel_loop3A_499, %parallel_loop3A_507 : vector<16xi32>
        %parallel_loop3A_509 = vector.broadcast %parallel_loop3A_488 : i32 to vector<16xi32>
        %parallel_loop3A_510 = arith.remsi %parallel_loop3A_487, %parallel_loop3A_509 : vector<16xi32>
        %parallel_loop3A_511 = arith.constant 0 : i32
        %parallel_loop3A_512 = vector.broadcast %parallel_loop3A_511 : i32 to vector<16xi32>
        %parallel_loop3A_513 = arith.cmpi ne, %parallel_loop3A_510, %parallel_loop3A_512 : vector<16xi32>
        %parallel_loop3A_514 = arith.andi %parallel_loop3A_508, %parallel_loop3A_513 : vector<16xi1>
        %parallel_loop3A_515 = arith.constant 1 : i32
        %parallel_loop3A_516 = vector.broadcast %parallel_loop3A_515 : i32 to vector<16xi32>
        %parallel_loop3A_517 = arith.subi %parallel_loop3A_490, %parallel_loop3A_516 : vector<16xi32>
        %parallel_loop3A_518 = arith.select %parallel_loop3A_514, %parallel_loop3A_517, %parallel_loop3A_490 : vector<16xi1>, vector<16xi32>
        %parallel_loop3A_519 = vector.broadcast %mul3A_2 : i32 to vector<16xi32>
        %parallel_loop3A_520 = arith.subi %parallel_loop3A_518, %parallel_loop3A_519 : vector<16xi32>
        %parallel_loop3A_521 = arith.constant 0 : i32
        %parallel_loop3A_522 = vector.broadcast %parallel_loop3A_521 : i32 to vector<16xi32>
        %parallel_loop3A_523 = arith.maxsi %parallel_loop3A_520, %parallel_loop3A_522 : vector<16xi32>
        %parallel_loop3A_524 = arith.constant 320 : i32
        %parallel_loop3A_525 = vector.broadcast %parallel_loop3A_524 : i32 to vector<16xi32>
        %parallel_loop3A_526 = arith.minsi %parallel_loop3A_523, %parallel_loop3A_525 : vector<16xi32>
        %parallel_loop3A_527 = arith.index_cast %parallel_loop3A_348 : i32 to index
        %parallel_loop3A_528 = arith.constant 128 : index
        %parallel_loop3A_529 = tpu.vector_load %arg19[%parallel_loop3A_527, %parallel_loop3A_528] {strides = array<i32>} : memref<16x256xi32, #tpu.memory_space<vmem>>, vector<16xi32>,
        %parallel_loop3A_530 = vector.bitcast %parallel_loop3A_529 : vector<16xi32> to vector<32xbf16>
        %parallel_loop3A_531 = tpu.unpack_subelements %parallel_loop3A_530, 0 {pack_format = #tpu.pack_format<interleaved>} : vector<32xbf16> -> vector<16xf32>
        %parallel_loop3A_532 = tpu.unpack_subelements %parallel_loop3A_530, 1 {pack_format = #tpu.pack_format<interleaved>} : vector<32xbf16> -> vector<16xf32>
        %parallel_loop3A_533 = arith.constant 0 : i32
        %parallel_loop3A_534 = vector.broadcast %parallel_loop3A_533 : i32 to vector<16xi32>
        %parallel_loop3A_535 = arith.addi %parallel_loop3A_534, %iota3A : vector<16xi32>
        %parallel_loop3A_536 = arith.mulf %parallel_loop3A_484, %parallel_loop3A_531 : vector<16xf32>
        tpu.vector_store_idx %arg21[%parallel_loop3A_526, %parallel_loop3A_535], %parallel_loop3A_536 {add = true} : memref<321x256xf32, #tpu.memory_space<vmem>>[vector<16xi32>, vector<16xi32>], vector<16xf32>,
        %parallel_loop3A_537 = arith.constant 16 : i32
        %parallel_loop3A_538 = vector.broadcast %parallel_loop3A_537 : i32 to vector<16xi32>
        %parallel_loop3A_539 = arith.addi %parallel_loop3A_538, %iota3A : vector<16xi32>
        %parallel_loop3A_540 = arith.mulf %parallel_loop3A_484, %parallel_loop3A_532 : vector<16xf32>
        tpu.vector_store_idx %arg21[%parallel_loop3A_526, %parallel_loop3A_539], %parallel_loop3A_540 {add = true} : memref<321x256xf32, #tpu.memory_space<vmem>>[vector<16xi32>, vector<16xi32>], vector<16xf32>,
        %parallel_loop3A_541 = arith.index_cast %parallel_loop3A_348 : i32 to index
        %parallel_loop3A_542 = arith.constant 144 : index
        %parallel_loop3A_543 = tpu.vector_load %arg19[%parallel_loop3A_541, %parallel_loop3A_542] {strides = array<i32>} : memref<16x256xi32, #tpu.memory_space<vmem>>, vector<16xi32>,
        %parallel_loop3A_544 = vector.bitcast %parallel_loop3A_543 : vector<16xi32> to vector<32xbf16>
        %parallel_loop3A_545 = tpu.unpack_subelements %parallel_loop3A_544, 0 {pack_format = #tpu.pack_format<interleaved>} : vector<32xbf16> -> vector<16xf32>
        %parallel_loop3A_546 = tpu.unpack_subelements %parallel_loop3A_544, 1 {pack_format = #tpu.pack_format<interleaved>} : vector<32xbf16> -> vector<16xf32>
        %parallel_loop3A_547 = arith.constant 32 : i32
        %parallel_loop3A_548 = vector.broadcast %parallel_loop3A_547 : i32 to vector<16xi32>
        %parallel_loop3A_549 = arith.addi %parallel_loop3A_548, %iota3A : vector<16xi32>
        %parallel_loop3A_550 = arith.mulf %parallel_loop3A_484, %parallel_loop3A_545 : vector<16xf32>
        tpu.vector_store_idx %arg21[%parallel_loop3A_526, %parallel_loop3A_549], %parallel_loop3A_550 {add = true} : memref<321x256xf32, #tpu.memory_space<vmem>>[vector<16xi32>, vector<16xi32>], vector<16xf32>,
        %parallel_loop3A_551 = arith.constant 48 : i32
        %parallel_loop3A_552 = vector.broadcast %parallel_loop3A_551 : i32 to vector<16xi32>
        %parallel_loop3A_553 = arith.addi %parallel_loop3A_552, %iota3A : vector<16xi32>
        %parallel_loop3A_554 = arith.mulf %parallel_loop3A_484, %parallel_loop3A_546 : vector<16xf32>
        tpu.vector_store_idx %arg21[%parallel_loop3A_526, %parallel_loop3A_553], %parallel_loop3A_554 {add = true} : memref<321x256xf32, #tpu.memory_space<vmem>>[vector<16xi32>, vector<16xi32>], vector<16xf32>,
        %parallel_loop3A_555 = arith.index_cast %parallel_loop3A_348 : i32 to index
        %parallel_loop3A_556 = arith.constant 160 : index
        %parallel_loop3A_557 = tpu.vector_load %arg19[%parallel_loop3A_555, %parallel_loop3A_556] {strides = array<i32>} : memref<16x256xi32, #tpu.memory_space<vmem>>, vector<16xi32>,
        %parallel_loop3A_558 = vector.bitcast %parallel_loop3A_557 : vector<16xi32> to vector<32xbf16>
        %parallel_loop3A_559 = tpu.unpack_subelements %parallel_loop3A_558, 0 {pack_format = #tpu.pack_format<interleaved>} : vector<32xbf16> -> vector<16xf32>
        %parallel_loop3A_560 = tpu.unpack_subelements %parallel_loop3A_558, 1 {pack_format = #tpu.pack_format<interleaved>} : vector<32xbf16> -> vector<16xf32>
        %parallel_loop3A_561 = arith.constant 64 : i32
        %parallel_loop3A_562 = vector.broadcast %parallel_loop3A_561 : i32 to vector<16xi32>
        %parallel_loop3A_563 = arith.addi %parallel_loop3A_562, %iota3A : vector<16xi32>
        %parallel_loop3A_564 = arith.mulf %parallel_loop3A_484, %parallel_loop3A_559 : vector<16xf32>
        tpu.vector_store_idx %arg21[%parallel_loop3A_526, %parallel_loop3A_563], %parallel_loop3A_564 {add = true} : memref<321x256xf32, #tpu.memory_space<vmem>>[vector<16xi32>, vector<16xi32>], vector<16xf32>,
        %parallel_loop3A_565 = arith.constant 80 : i32
        %parallel_loop3A_566 = vector.broadcast %parallel_loop3A_565 : i32 to vector<16xi32>
        %parallel_loop3A_567 = arith.addi %parallel_loop3A_566, %iota3A : vector<16xi32>
        %parallel_loop3A_568 = arith.mulf %parallel_loop3A_484, %parallel_loop3A_560 : vector<16xf32>
        tpu.vector_store_idx %arg21[%parallel_loop3A_526, %parallel_loop3A_567], %parallel_loop3A_568 {add = true} : memref<321x256xf32, #tpu.memory_space<vmem>>[vector<16xi32>, vector<16xi32>], vector<16xf32>,
        %parallel_loop3A_569 = arith.index_cast %parallel_loop3A_348 : i32 to index
        %parallel_loop3A_570 = arith.constant 176 : index
        %parallel_loop3A_571 = tpu.vector_load %arg19[%parallel_loop3A_569, %parallel_loop3A_570] {strides = array<i32>} : memref<16x256xi32, #tpu.memory_space<vmem>>, vector<16xi32>,
        %parallel_loop3A_572 = vector.bitcast %parallel_loop3A_571 : vector<16xi32> to vector<32xbf16>
        %parallel_loop3A_573 = tpu.unpack_subelements %parallel_loop3A_572, 0 {pack_format = #tpu.pack_format<interleaved>} : vector<32xbf16> -> vector<16xf32>
        %parallel_loop3A_574 = tpu.unpack_subelements %parallel_loop3A_572, 1 {pack_format = #tpu.pack_format<interleaved>} : vector<32xbf16> -> vector<16xf32>
        %parallel_loop3A_575 = arith.constant 96 : i32
        %parallel_loop3A_576 = vector.broadcast %parallel_loop3A_575 : i32 to vector<16xi32>
        %parallel_loop3A_577 = arith.addi %parallel_loop3A_576, %iota3A : vector<16xi32>
        %parallel_loop3A_578 = arith.mulf %parallel_loop3A_484, %parallel_loop3A_573 : vector<16xf32>
        tpu.vector_store_idx %arg21[%parallel_loop3A_526, %parallel_loop3A_577], %parallel_loop3A_578 {add = true} : memref<321x256xf32, #tpu.memory_space<vmem>>[vector<16xi32>, vector<16xi32>], vector<16xf32>,
        %parallel_loop3A_579 = arith.constant 112 : i32
        %parallel_loop3A_580 = vector.broadcast %parallel_loop3A_579 : i32 to vector<16xi32>
        %parallel_loop3A_581 = arith.addi %parallel_loop3A_580, %iota3A : vector<16xi32>
        %parallel_loop3A_582 = arith.mulf %parallel_loop3A_484, %parallel_loop3A_574 : vector<16xf32>
        tpu.vector_store_idx %arg21[%parallel_loop3A_526, %parallel_loop3A_581], %parallel_loop3A_582 {add = true} : memref<321x256xf32, #tpu.memory_space<vmem>>[vector<16xi32>, vector<16xi32>], vector<16xf32>,
        %parallel_loop3A_583 = arith.index_cast %parallel_loop3A_348 : i32 to index
        %parallel_loop3A_584 = arith.constant 192 : index
        %parallel_loop3A_585 = tpu.vector_load %arg19[%parallel_loop3A_583, %parallel_loop3A_584] {strides = array<i32>} : memref<16x256xi32, #tpu.memory_space<vmem>>, vector<16xi32>,
        %parallel_loop3A_586 = vector.bitcast %parallel_loop3A_585 : vector<16xi32> to vector<32xbf16>
        %parallel_loop3A_587 = tpu.unpack_subelements %parallel_loop3A_586, 0 {pack_format = #tpu.pack_format<interleaved>} : vector<32xbf16> -> vector<16xf32>
        %parallel_loop3A_588 = tpu.unpack_subelements %parallel_loop3A_586, 1 {pack_format = #tpu.pack_format<interleaved>} : vector<32xbf16> -> vector<16xf32>
        %parallel_loop3A_589 = arith.constant 128 : i32
        %parallel_loop3A_590 = vector.broadcast %parallel_loop3A_589 : i32 to vector<16xi32>
        %parallel_loop3A_591 = arith.addi %parallel_loop3A_590, %iota3A : vector<16xi32>
        %parallel_loop3A_592 = arith.mulf %parallel_loop3A_484, %parallel_loop3A_587 : vector<16xf32>
        tpu.vector_store_idx %arg21[%parallel_loop3A_526, %parallel_loop3A_591], %parallel_loop3A_592 {add = true} : memref<321x256xf32, #tpu.memory_space<vmem>>[vector<16xi32>, vector<16xi32>], vector<16xf32>,
        %parallel_loop3A_593 = arith.constant 144 : i32
        %parallel_loop3A_594 = vector.broadcast %parallel_loop3A_593 : i32 to vector<16xi32>
        %parallel_loop3A_595 = arith.addi %parallel_loop3A_594, %iota3A : vector<16xi32>
        %parallel_loop3A_596 = arith.mulf %parallel_loop3A_484, %parallel_loop3A_588 : vector<16xf32>
        tpu.vector_store_idx %arg21[%parallel_loop3A_526, %parallel_loop3A_595], %parallel_loop3A_596 {add = true} : memref<321x256xf32, #tpu.memory_space<vmem>>[vector<16xi32>, vector<16xi32>], vector<16xf32>,
        %parallel_loop3A_597 = arith.index_cast %parallel_loop3A_348 : i32 to index
        %parallel_loop3A_598 = arith.constant 208 : index
        %parallel_loop3A_599 = tpu.vector_load %arg19[%parallel_loop3A_597, %parallel_loop3A_598] {strides = array<i32>} : memref<16x256xi32, #tpu.memory_space<vmem>>, vector<16xi32>,
        %parallel_loop3A_600 = vector.bitcast %parallel_loop3A_599 : vector<16xi32> to vector<32xbf16>
        %parallel_loop3A_601 = tpu.unpack_subelements %parallel_loop3A_600, 0 {pack_format = #tpu.pack_format<interleaved>} : vector<32xbf16> -> vector<16xf32>
        %parallel_loop3A_602 = tpu.unpack_subelements %parallel_loop3A_600, 1 {pack_format = #tpu.pack_format<interleaved>} : vector<32xbf16> -> vector<16xf32>
        %parallel_loop3A_603 = arith.constant 160 : i32
        %parallel_loop3A_604 = vector.broadcast %parallel_loop3A_603 : i32 to vector<16xi32>
        %parallel_loop3A_605 = arith.addi %parallel_loop3A_604, %iota3A : vector<16xi32>
        %parallel_loop3A_606 = arith.mulf %parallel_loop3A_484, %parallel_loop3A_601 : vector<16xf32>
        tpu.vector_store_idx %arg21[%parallel_loop3A_526, %parallel_loop3A_605], %parallel_loop3A_606 {add = true} : memref<321x256xf32, #tpu.memory_space<vmem>>[vector<16xi32>, vector<16xi32>], vector<16xf32>,
        %parallel_loop3A_607 = arith.constant 176 : i32
        %parallel_loop3A_608 = vector.broadcast %parallel_loop3A_607 : i32 to vector<16xi32>
        %parallel_loop3A_609 = arith.addi %parallel_loop3A_608, %iota3A : vector<16xi32>
        %parallel_loop3A_610 = arith.mulf %parallel_loop3A_484, %parallel_loop3A_602 : vector<16xf32>
        tpu.vector_store_idx %arg21[%parallel_loop3A_526, %parallel_loop3A_609], %parallel_loop3A_610 {add = true} : memref<321x256xf32, #tpu.memory_space<vmem>>[vector<16xi32>, vector<16xi32>], vector<16xf32>,
        %parallel_loop3A_611 = arith.index_cast %parallel_loop3A_348 : i32 to index
        %parallel_loop3A_612 = arith.constant 224 : index
        %parallel_loop3A_613 = tpu.vector_load %arg19[%parallel_loop3A_611, %parallel_loop3A_612] {strides = array<i32>} : memref<16x256xi32, #tpu.memory_space<vmem>>, vector<16xi32>,
        %parallel_loop3A_614 = vector.bitcast %parallel_loop3A_613 : vector<16xi32> to vector<32xbf16>
        %parallel_loop3A_615 = tpu.unpack_subelements %parallel_loop3A_614, 0 {pack_format = #tpu.pack_format<interleaved>} : vector<32xbf16> -> vector<16xf32>
        %parallel_loop3A_616 = tpu.unpack_subelements %parallel_loop3A_614, 1 {pack_format = #tpu.pack_format<interleaved>} : vector<32xbf16> -> vector<16xf32>
        %parallel_loop3A_617 = arith.constant 192 : i32
        %parallel_loop3A_618 = vector.broadcast %parallel_loop3A_617 : i32 to vector<16xi32>
        %parallel_loop3A_619 = arith.addi %parallel_loop3A_618, %iota3A : vector<16xi32>
        %parallel_loop3A_620 = arith.mulf %parallel_loop3A_484, %parallel_loop3A_615 : vector<16xf32>
        tpu.vector_store_idx %arg21[%parallel_loop3A_526, %parallel_loop3A_619], %parallel_loop3A_620 {add = true} : memref<321x256xf32, #tpu.memory_space<vmem>>[vector<16xi32>, vector<16xi32>], vector<16xf32>,
        %parallel_loop3A_621 = arith.constant 208 : i32
        %parallel_loop3A_622 = vector.broadcast %parallel_loop3A_621 : i32 to vector<16xi32>
        %parallel_loop3A_623 = arith.addi %parallel_loop3A_622, %iota3A : vector<16xi32>
        %parallel_loop3A_624 = arith.mulf %parallel_loop3A_484, %parallel_loop3A_616 : vector<16xf32>
        tpu.vector_store_idx %arg21[%parallel_loop3A_526, %parallel_loop3A_623], %parallel_loop3A_624 {add = true} : memref<321x256xf32, #tpu.memory_space<vmem>>[vector<16xi32>, vector<16xi32>], vector<16xf32>,
        %parallel_loop3A_625 = arith.index_cast %parallel_loop3A_348 : i32 to index
        %parallel_loop3A_626 = arith.constant 240 : index
        %parallel_loop3A_627 = tpu.vector_load %arg19[%parallel_loop3A_625, %parallel_loop3A_626] {strides = array<i32>} : memref<16x256xi32, #tpu.memory_space<vmem>>, vector<16xi32>,
        %parallel_loop3A_628 = vector.bitcast %parallel_loop3A_627 : vector<16xi32> to vector<32xbf16>
        %parallel_loop3A_629 = tpu.unpack_subelements %parallel_loop3A_628, 0 {pack_format = #tpu.pack_format<interleaved>} : vector<32xbf16> -> vector<16xf32>
        %parallel_loop3A_630 = tpu.unpack_subelements %parallel_loop3A_628, 1 {pack_format = #tpu.pack_format<interleaved>} : vector<32xbf16> -> vector<16xf32>
        %parallel_loop3A_631 = arith.constant 224 : i32
        %parallel_loop3A_632 = vector.broadcast %parallel_loop3A_631 : i32 to vector<16xi32>
        %parallel_loop3A_633 = arith.addi %parallel_loop3A_632, %iota3A : vector<16xi32>
        %parallel_loop3A_634 = arith.mulf %parallel_loop3A_484, %parallel_loop3A_629 : vector<16xf32>
        tpu.vector_store_idx %arg21[%parallel_loop3A_526, %parallel_loop3A_633], %parallel_loop3A_634 {add = true} : memref<321x256xf32, #tpu.memory_space<vmem>>[vector<16xi32>, vector<16xi32>], vector<16xf32>,
        %parallel_loop3A_635 = arith.constant 240 : i32
        %parallel_loop3A_636 = vector.broadcast %parallel_loop3A_635 : i32 to vector<16xi32>
        %parallel_loop3A_637 = arith.addi %parallel_loop3A_636, %iota3A : vector<16xi32>
        %parallel_loop3A_638 = arith.mulf %parallel_loop3A_484, %parallel_loop3A_630 : vector<16xf32>
        tpu.vector_store_idx %arg21[%parallel_loop3A_526, %parallel_loop3A_637], %parallel_loop3A_638 {add = true} : memref<321x256xf32, #tpu.memory_space<vmem>>[vector<16xi32>, vector<16xi32>], vector<16xf32>,
        tpu.vector_store_idx %arg22[%parallel_loop3A_526], %parallel_loop3A_484 masked %eq3A_5 {add = true} : memref<337xf32, #tpu.memory_space<vmem>>[vector<16xi32>], vector<16xf32>, vector<16xi1>
      } {sc.loop_unroll_factor = 2 : i64, sc.parallel_access}
      %add3A_261 = arith.constant 2 : i32
      %add3A_262 = arith.addi %mul3A_176, %add3A_261 : i32
      %mul3A_263 = arith.constant 16 : i32
      %mul3A_264 = arith.muli %add3A_262, %mul3A_263 : i32
      %add3A_265 = arith.constant 0 : i32
      %add3A_266 = arith.addi %mul3A_264, %add3A_265 : i32
      %get3A_267 = arith.index_cast %add3A_266 : i32 to index
      %get3A_268 = tpu.vector_load %arg12[%get3A_267] {strides = array<i32>} : memref<5664xi32, #tpu.memory_space<vmem>>, vector<16xi32>,
      %jit3A_269 = arith.constant 16384 : i32
      %div3A_270 = vector.broadcast %jit3A_269 : i32 to vector<16xi32>
      %div3A_271 = arith.divsi %get3A_268, %div3A_270 : vector<16xi32>
      %sign3A_272 = arith.constant 0 : i32
      %sign3A_273 = vector.broadcast %sign3A_272 : i32 to vector<16xi32>
      %sign3A_274 = arith.cmpi sgt, %get3A_268, %sign3A_273 : vector<16xi32>
      %sign3A_275 = arith.extui %sign3A_274 : vector<16xi1> to vector<16xi32>
      %sign3A_276 = arith.constant 0 : i32
      %sign3A_277 = vector.broadcast %sign3A_276 : i32 to vector<16xi32>
      %sign3A_278 = arith.cmpi slt, %get3A_268, %sign3A_277 : vector<16xi32>
      %sign3A_279 = arith.extui %sign3A_278 : vector<16xi1> to vector<16xi32>
      %sign3A_280 = arith.subi %sign3A_275, %sign3A_279 : vector<16xi32>
      %sign3A_281 = arith.constant 0 : i32
      %sign3A_282 = arith.cmpi sgt, %jit3A_269, %sign3A_281 : i32
      %sign3A_283 = arith.extui %sign3A_282 : i1 to i32
      %sign3A_284 = arith.constant 0 : i32
      %sign3A_285 = arith.cmpi slt, %jit3A_269, %sign3A_284 : i32
      %sign3A_286 = arith.extui %sign3A_285 : i1 to i32
      %sign3A_287 = arith.subi %sign3A_283, %sign3A_286 : i32
      %ne3A_288 = vector.broadcast %sign3A_287 : i32 to vector<16xi32>
      %ne3A_289 = arith.cmpi ne, %sign3A_280, %ne3A_288 : vector<16xi32>
      %rem3A_290 = vector.broadcast %jit3A_269 : i32 to vector<16xi32>
      %rem3A_291 = arith.remsi %get3A_268, %rem3A_290 : vector<16xi32>
      %ne3A_292 = arith.constant 0 : i32
      %ne3A_293 = vector.broadcast %ne3A_292 : i32 to vector<16xi32>
      %ne3A_294 = arith.cmpi ne, %rem3A_291, %ne3A_293 : vector<16xi32>
      %and3A_295 = arith.andi %ne3A_289, %ne3A_294 : vector<16xi1>
      %sub3A_296 = arith.constant 1 : i32
      %sub3A_297 = vector.broadcast %sub3A_296 : i32 to vector<16xi32>
      %sub3A_298 = arith.subi %div3A_271, %sub3A_297 : vector<16xi32>
      %select_n3A_299 = arith.select %and3A_295, %sub3A_298, %div3A_271 : vector<16xi1>, vector<16xi32>
      %min3A_300 = arith.constant 9999 : i32
      %min3A_301 = vector.broadcast %min3A_300 : i32 to vector<16xi32>
      %min3A_302 = arith.minsi %select_n3A_299, %min3A_301 : vector<16xi32>
      %swap3A_303 = arith.constant 0 : index
      %swap3A_304 = tpu.vector_load %arg13[%swap3A_303] {strides = array<i32>} : memref<16xi32, #tpu.memory_space<vmem>>, vector<16xi32>,
      tpu.vector_store %arg13[%swap3A_303], %min3A_302 {strides = array<i32>} : memref<16xi32, #tpu.memory_space<vmem>>, vector<16xi32>,
      %jit3A_305 = arith.constant 16384 : i32
      %eq3A_306 = arith.constant 0 : i32
      %eq3A_307 = arith.cmpi eq, %jit3A_305, %eq3A_306 : i32
      %jit3A_308 = arith.constant 1 : i32
      %select_n3A_309 = arith.select %eq3A_307, %jit3A_308, %jit3A_305 : i32
      %rem3A_310 = vector.broadcast %select_n3A_309 : i32 to vector<16xi32>
      %rem3A_311 = arith.remsi %get3A_268, %rem3A_310 : vector<16xi32>
      %ne3A_312 = arith.constant 0 : i32
      %ne3A_313 = vector.broadcast %ne3A_312 : i32 to vector<16xi32>
      %ne3A_314 = arith.cmpi ne, %rem3A_311, %ne3A_313 : vector<16xi32>
      %lt3A_315 = arith.constant 0 : i32
      %lt3A_316 = vector.broadcast %lt3A_315 : i32 to vector<16xi32>
      %lt3A_317 = arith.cmpi slt, %rem3A_311, %lt3A_316 : vector<16xi32>
      %lt3A_318 = arith.constant 0 : i32
      %lt3A_319 = arith.cmpi slt, %select_n3A_309, %lt3A_318 : i32
      %ne3A_320 = vector.broadcast %lt3A_319 : i1 to vector<16xi1>
      %ne3A_321 = vector.broadcast %ne3A_320 : vector<16xi1> to vector<16xi1>
      %ne3A_322 = arith.xori %lt3A_317, %ne3A_321 : vector<16xi1>
      %and3A_323 = arith.andi %ne3A_322, %ne3A_314 : vector<16xi1>
      %add3A_324 = vector.broadcast %select_n3A_309 : i32 to vector<16xi32>
      %add3A_325 = arith.addi %rem3A_311, %add3A_324 : vector<16xi32>
      %select_n3A_326 = arith.select %and3A_323, %add3A_325, %rem3A_311 : vector<16xi1>, vector<16xi32>
      %swap3A_327 = arith.constant 0 : index
      %swap3A_328 = tpu.vector_load %arg15[%swap3A_327] {strides = array<i32>} : memref<16xi32, #tpu.memory_space<vmem>>, vector<16xi32>,
      tpu.vector_store %arg15[%swap3A_327], %select_n3A_326 {strides = array<i32>} : memref<16xi32, #tpu.memory_space<vmem>>, vector<16xi32>,
      %dma_wait3A_329 = arith.constant 0 : i32
      %dma_wait3A_330 = arith.constant 0 : i32
      %dma_wait3A_331 = tpu.memref_slice %arg4[%dma_wait3A_329, %dma_wait3A_330] : memref<10000x256xf32, #tpu.memory_space<hbm>> -> memref<10000x256xf32, #tpu.memory_space<hbm>>
      tpu.wait_indirect_dma semaphore(%arg25 : memref<!tpu.dma_semaphore, #tpu.memory_space<semaphore_mem>>) src(%dma_wait3A_331 : memref<10000x256xf32, #tpu.memory_space<hbm>>) dst(%arg18 : memref<16x256xf32, #tpu.memory_space<vmem>>)
      %dma_wait3A_332 = arith.constant 0 : i32
      %dma_wait3A_333 = arith.constant 0 : i32
      %dma_wait3A_334 = tpu.memref_slice %arg5[%dma_wait3A_332, %dma_wait3A_333] : memref<10000x256xi32, #tpu.memory_space<hbm>> -> memref<10000x256xi32, #tpu.memory_space<hbm>>
      tpu.wait_indirect_dma semaphore(%arg26 : memref<!tpu.dma_semaphore, #tpu.memory_space<semaphore_mem>>) src(%dma_wait3A_334 : memref<10000x256xi32, #tpu.memory_space<hbm>>) dst(%arg20 : memref<16x256xi32, #tpu.memory_space<vmem>>)
      %dma_start3A_335 = arith.constant 0 : i32
      %dma_start3A_336 = arith.constant 0 : i32
      %dma_start3A_337 = tpu.memref_slice %arg4[%dma_start3A_335, %dma_start3A_336] : memref<10000x256xf32, #tpu.memory_space<hbm>> -> memref<10000x256xf32, #tpu.memory_space<hbm>>
      tpu.enqueue_indirect_dma source(%dma_start3A_337 : memref<10000x256xf32, #tpu.memory_space<hbm>>) target(%arg17 : memref<16x256xf32, #tpu.memory_space<vmem>>) offsets(%arg13 : memref<16xi32, #tpu.memory_space<vmem>>) semaphore(%arg23 : memref<!tpu.dma_semaphore, #tpu.memory_space<semaphore_mem>>)
      %dma_start3A_338 = arith.constant 0 : i32
      %dma_start3A_339 = arith.constant 0 : i32
      %dma_start3A_340 = tpu.memref_slice %arg5[%dma_start3A_338, %dma_start3A_339] : memref<10000x256xi32, #tpu.memory_space<hbm>> -> memref<10000x256xi32, #tpu.memory_space<hbm>>
      tpu.enqueue_indirect_dma source(%dma_start3A_340 : memref<10000x256xi32, #tpu.memory_space<hbm>>) target(%arg19 : memref<16x256xi32, #tpu.memory_space<vmem>>) offsets(%arg15 : memref<16xi32, #tpu.memory_space<vmem>>) semaphore(%arg24 : memref<!tpu.dma_semaphore, #tpu.memory_space<semaphore_mem>>)
      %add3A_341 = arith.constant 1 : i32
      %add3A_342 = arith.addi %mul3A_176, %add3A_341 : i32
      %mul3A_343 = arith.constant 16 : i32
      %mul3A_344 = arith.muli %add3A_342, %mul3A_343 : i32
      %parallel_loop3A_345 = arith.constant 0 : i32
      %parallel_loop3A_346 = arith.constant 16 : i32
      %parallel_loop3A_347 = arith.constant 1 : i32
      scf.for %parallel_loop3A_348 = %parallel_loop3A_345 to %parallel_loop3A_346 step %parallel_loop3A_347  : i32 {
        %parallel_loop3A_349 = arith.index_cast %parallel_loop3A_348 : i32 to index
        %parallel_loop3A_350 = arith.constant 0 : index
        %parallel_loop3A_351 = tpu.vector_load %arg20[%parallel_loop3A_349, %parallel_loop3A_350] {strides = array<i32>} : memref<16x256xi32, #tpu.memory_space<vmem>>, vector<16xi32>,
        %parallel_loop3A_352 = vector.bitcast %parallel_loop3A_351 : vector<16xi32> to vector<32xbf16>
        %parallel_loop3A_353 = tpu.unpack_subelements %parallel_loop3A_352, 0 {pack_format = #tpu.pack_format<interleaved>} : vector<32xbf16> -> vector<16xf32>
        %parallel_loop3A_354 = tpu.unpack_subelements %parallel_loop3A_352, 1 {pack_format = #tpu.pack_format<interleaved>} : vector<32xbf16> -> vector<16xf32>
        %parallel_loop3A_355 = arith.index_cast %parallel_loop3A_348 : i32 to index
        %parallel_loop3A_356 = arith.constant 0 : index
        %parallel_loop3A_357 = tpu.vector_load %arg18[%parallel_loop3A_355, %parallel_loop3A_356] {strides = array<i32>} : memref<16x256xf32, #tpu.memory_space<vmem>>, vector<16xf32>,
        %parallel_loop3A_358 = arith.mulf %parallel_loop3A_357, %parallel_loop3A_353 : vector<16xf32>
        %parallel_loop3A_359 = arith.addf %broadcast_in_dim3A_3, %parallel_loop3A_358 : vector<16xf32>
        %parallel_loop3A_360 = arith.index_cast %parallel_loop3A_348 : i32 to index
        %parallel_loop3A_361 = arith.constant 16 : index
        %parallel_loop3A_362 = tpu.vector_load %arg18[%parallel_loop3A_360, %parallel_loop3A_361] {strides = array<i32>} : memref<16x256xf32, #tpu.memory_space<vmem>>, vector<16xf32>,
        %parallel_loop3A_363 = arith.mulf %parallel_loop3A_362, %parallel_loop3A_354 : vector<16xf32>
        %parallel_loop3A_364 = arith.addf %parallel_loop3A_359, %parallel_loop3A_363 : vector<16xf32>
        %parallel_loop3A_365 = arith.index_cast %parallel_loop3A_348 : i32 to index
        %parallel_loop3A_366 = arith.constant 16 : index
        %parallel_loop3A_367 = tpu.vector_load %arg20[%parallel_loop3A_365, %parallel_loop3A_366] {strides = array<i32>} : memref<16x256xi32, #tpu.memory_space<vmem>>, vector<16xi32>,
        %parallel_loop3A_368 = vector.bitcast %parallel_loop3A_367 : vector<16xi32> to vector<32xbf16>
        %parallel_loop3A_369 = tpu.unpack_subelements %parallel_loop3A_368, 0 {pack_format = #tpu.pack_format<interleaved>} : vector<32xbf16> -> vector<16xf32>
        %parallel_loop3A_370 = tpu.unpack_subelements %parallel_loop3A_368, 1 {pack_format = #tpu.pack_format<interleaved>} : vector<32xbf16> -> vector<16xf32>
        %parallel_loop3A_371 = arith.index_cast %parallel_loop3A_348 : i32 to index
        %parallel_loop3A_372 = arith.constant 32 : index
        %parallel_loop3A_373 = tpu.vector_load %arg18[%parallel_loop3A_371, %parallel_loop3A_372] {strides = array<i32>} : memref<16x256xf32, #tpu.memory_space<vmem>>, vector<16xf32>,
        %parallel_loop3A_374 = arith.mulf %parallel_loop3A_373, %parallel_loop3A_369 : vector<16xf32>
        %parallel_loop3A_375 = arith.addf %parallel_loop3A_364, %parallel_loop3A_374 : vector<16xf32>
        %parallel_loop3A_376 = arith.index_cast %parallel_loop3A_348 : i32 to index
        %parallel_loop3A_377 = arith.constant 48 : index
        %parallel_loop3A_378 = tpu.vector_load %arg18[%parallel_loop3A_376, %parallel_loop3A_377] {strides = array<i32>} : memref<16x256xf32, #tpu.memory_space<vmem>>, vector<16xf32>,
        %parallel_loop3A_379 = arith.mulf %parallel_loop3A_378, %parallel_loop3A_370 : vector<16xf32>
        %parallel_loop3A_380 = arith.addf %parallel_loop3A_375, %parallel_loop3A_379 : vector<16xf32>
        %parallel_loop3A_381 = arith.index_cast %parallel_loop3A_348 : i32 to index
        %parallel_loop3A_382 = arith.constant 32 : index
        %parallel_loop3A_383 = tpu.vector_load %arg20[%parallel_loop3A_381, %parallel_loop3A_382] {strides = array<i32>} : memref<16x256xi32, #tpu.memory_space<vmem>>, vector<16xi32>,
        %parallel_loop3A_384 = vector.bitcast %parallel_loop3A_383 : vector<16xi32> to vector<32xbf16>
        %parallel_loop3A_385 = tpu.unpack_subelements %parallel_loop3A_384, 0 {pack_format = #tpu.pack_format<interleaved>} : vector<32xbf16> -> vector<16xf32>
        %parallel_loop3A_386 = tpu.unpack_subelements %parallel_loop3A_384, 1 {pack_format = #tpu.pack_format<interleaved>} : vector<32xbf16> -> vector<16xf32>
        %parallel_loop3A_387 = arith.index_cast %parallel_loop3A_348 : i32 to index
        %parallel_loop3A_388 = arith.constant 64 : index
        %parallel_loop3A_389 = tpu.vector_load %arg18[%parallel_loop3A_387, %parallel_loop3A_388] {strides = array<i32>} : memref<16x256xf32, #tpu.memory_space<vmem>>, vector<16xf32>,
        %parallel_loop3A_390 = arith.mulf %parallel_loop3A_389, %parallel_loop3A_385 : vector<16xf32>
        %parallel_loop3A_391 = arith.addf %parallel_loop3A_380, %parallel_loop3A_390 : vector<16xf32>
        %parallel_loop3A_392 = arith.index_cast %parallel_loop3A_348 : i32 to index
        %parallel_loop3A_393 = arith.constant 80 : index
        %parallel_loop3A_394 = tpu.vector_load %arg18[%parallel_loop3A_392, %parallel_loop3A_393] {strides = array<i32>} : memref<16x256xf32, #tpu.memory_space<vmem>>, vector<16xf32>,
        %parallel_loop3A_395 = arith.mulf %parallel_loop3A_394, %parallel_loop3A_386 : vector<16xf32>
        %parallel_loop3A_396 = arith.addf %parallel_loop3A_391, %parallel_loop3A_395 : vector<16xf32>
        %parallel_loop3A_397 = arith.index_cast %parallel_loop3A_348 : i32 to index
        %parallel_loop3A_398 = arith.constant 48 : index
        %parallel_loop3A_399 = tpu.vector_load %arg20[%parallel_loop3A_397, %parallel_loop3A_398] {strides = array<i32>} : memref<16x256xi32, #tpu.memory_space<vmem>>, vector<16xi32>,
        %parallel_loop3A_400 = vector.bitcast %parallel_loop3A_399 : vector<16xi32> to vector<32xbf16>
        %parallel_loop3A_401 = tpu.unpack_subelements %parallel_loop3A_400, 0 {pack_format = #tpu.pack_format<interleaved>} : vector<32xbf16> -> vector<16xf32>
        %parallel_loop3A_402 = tpu.unpack_subelements %parallel_loop3A_400, 1 {pack_format = #tpu.pack_format<interleaved>} : vector<32xbf16> -> vector<16xf32>
        %parallel_loop3A_403 = arith.index_cast %parallel_loop3A_348 : i32 to index
        %parallel_loop3A_404 = arith.constant 96 : index
        %parallel_loop3A_405 = tpu.vector_load %arg18[%parallel_loop3A_403, %parallel_loop3A_404] {strides = array<i32>} : memref<16x256xf32, #tpu.memory_space<vmem>>, vector<16xf32>,
        %parallel_loop3A_406 = arith.mulf %parallel_loop3A_405, %parallel_loop3A_401 : vector<16xf32>
        %parallel_loop3A_407 = arith.addf %parallel_loop3A_396, %parallel_loop3A_406 : vector<16xf32>
        %parallel_loop3A_408 = arith.index_cast %parallel_loop3A_348 : i32 to index
        %parallel_loop3A_409 = arith.constant 112 : index
        %parallel_loop3A_410 = tpu.vector_load %arg18[%parallel_loop3A_408, %parallel_loop3A_409] {strides = array<i32>} : memref<16x256xf32, #tpu.memory_space<vmem>>, vector<16xf32>,
        %parallel_loop3A_411 = arith.mulf %parallel_loop3A_410, %parallel_loop3A_402 : vector<16xf32>
        %parallel_loop3A_412 = arith.addf %parallel_loop3A_407, %parallel_loop3A_411 : vector<16xf32>
        %parallel_loop3A_413 = arith.index_cast %parallel_loop3A_348 : i32 to index
        %parallel_loop3A_414 = arith.constant 64 : index
        %parallel_loop3A_415 = tpu.vector_load %arg20[%parallel_loop3A_413, %parallel_loop3A_414] {strides = array<i32>} : memref<16x256xi32, #tpu.memory_space<vmem>>, vector<16xi32>,
        %parallel_loop3A_416 = vector.bitcast %parallel_loop3A_415 : vector<16xi32> to vector<32xbf16>
        %parallel_loop3A_417 = tpu.unpack_subelements %parallel_loop3A_416, 0 {pack_format = #tpu.pack_format<interleaved>} : vector<32xbf16> -> vector<16xf32>
        %parallel_loop3A_418 = tpu.unpack_subelements %parallel_loop3A_416, 1 {pack_format = #tpu.pack_format<interleaved>} : vector<32xbf16> -> vector<16xf32>
        %parallel_loop3A_419 = arith.index_cast %parallel_loop3A_348 : i32 to index
        %parallel_loop3A_420 = arith.constant 128 : index
        %parallel_loop3A_421 = tpu.vector_load %arg18[%parallel_loop3A_419, %parallel_loop3A_420] {strides = array<i32>} : memref<16x256xf32, #tpu.memory_space<vmem>>, vector<16xf32>,
        %parallel_loop3A_422 = arith.mulf %parallel_loop3A_421, %parallel_loop3A_417 : vector<16xf32>
        %parallel_loop3A_423 = arith.addf %parallel_loop3A_412, %parallel_loop3A_422 : vector<16xf32>
        %parallel_loop3A_424 = arith.index_cast %parallel_loop3A_348 : i32 to index
        %parallel_loop3A_425 = arith.constant 144 : index
        %parallel_loop3A_426 = tpu.vector_load %arg18[%parallel_loop3A_424, %parallel_loop3A_425] {strides = array<i32>} : memref<16x256xf32, #tpu.memory_space<vmem>>, vector<16xf32>,
        %parallel_loop3A_427 = arith.mulf %parallel_loop3A_426, %parallel_loop3A_418 : vector<16xf32>
        %parallel_loop3A_428 = arith.addf %parallel_loop3A_423, %parallel_loop3A_427 : vector<16xf32>
        %parallel_loop3A_429 = arith.index_cast %parallel_loop3A_348 : i32 to index
        %parallel_loop3A_430 = arith.constant 80 : index
        %parallel_loop3A_431 = tpu.vector_load %arg20[%parallel_loop3A_429, %parallel_loop3A_430] {strides = array<i32>} : memref<16x256xi32, #tpu.memory_space<vmem>>, vector<16xi32>,
        %parallel_loop3A_432 = vector.bitcast %parallel_loop3A_431 : vector<16xi32> to vector<32xbf16>
        %parallel_loop3A_433 = tpu.unpack_subelements %parallel_loop3A_432, 0 {pack_format = #tpu.pack_format<interleaved>} : vector<32xbf16> -> vector<16xf32>
        %parallel_loop3A_434 = tpu.unpack_subelements %parallel_loop3A_432, 1 {pack_format = #tpu.pack_format<interleaved>} : vector<32xbf16> -> vector<16xf32>
        %parallel_loop3A_435 = arith.index_cast %parallel_loop3A_348 : i32 to index
        %parallel_loop3A_436 = arith.constant 160 : index
        %parallel_loop3A_437 = tpu.vector_load %arg18[%parallel_loop3A_435, %parallel_loop3A_436] {strides = array<i32>} : memref<16x256xf32, #tpu.memory_space<vmem>>, vector<16xf32>,
        %parallel_loop3A_438 = arith.mulf %parallel_loop3A_437, %parallel_loop3A_433 : vector<16xf32>
        %parallel_loop3A_439 = arith.addf %parallel_loop3A_428, %parallel_loop3A_438 : vector<16xf32>
        %parallel_loop3A_440 = arith.index_cast %parallel_loop3A_348 : i32 to index
        %parallel_loop3A_441 = arith.constant 176 : index
        %parallel_loop3A_442 = tpu.vector_load %arg18[%parallel_loop3A_440, %parallel_loop3A_441] {strides = array<i32>} : memref<16x256xf32, #tpu.memory_space<vmem>>, vector<16xf32>,
        %parallel_loop3A_443 = arith.mulf %parallel_loop3A_442, %parallel_loop3A_434 : vector<16xf32>
        %parallel_loop3A_444 = arith.addf %parallel_loop3A_439, %parallel_loop3A_443 : vector<16xf32>
        %parallel_loop3A_445 = arith.index_cast %parallel_loop3A_348 : i32 to index
        %parallel_loop3A_446 = arith.constant 96 : index
        %parallel_loop3A_447 = tpu.vector_load %arg20[%parallel_loop3A_445, %parallel_loop3A_446] {strides = array<i32>} : memref<16x256xi32, #tpu.memory_space<vmem>>, vector<16xi32>,
        %parallel_loop3A_448 = vector.bitcast %parallel_loop3A_447 : vector<16xi32> to vector<32xbf16>
        %parallel_loop3A_449 = tpu.unpack_subelements %parallel_loop3A_448, 0 {pack_format = #tpu.pack_format<interleaved>} : vector<32xbf16> -> vector<16xf32>
        %parallel_loop3A_450 = tpu.unpack_subelements %parallel_loop3A_448, 1 {pack_format = #tpu.pack_format<interleaved>} : vector<32xbf16> -> vector<16xf32>
        %parallel_loop3A_451 = arith.index_cast %parallel_loop3A_348 : i32 to index
        %parallel_loop3A_452 = arith.constant 192 : index
        %parallel_loop3A_453 = tpu.vector_load %arg18[%parallel_loop3A_451, %parallel_loop3A_452] {strides = array<i32>} : memref<16x256xf32, #tpu.memory_space<vmem>>, vector<16xf32>,
        %parallel_loop3A_454 = arith.mulf %parallel_loop3A_453, %parallel_loop3A_449 : vector<16xf32>
        %parallel_loop3A_455 = arith.addf %parallel_loop3A_444, %parallel_loop3A_454 : vector<16xf32>
        %parallel_loop3A_456 = arith.index_cast %parallel_loop3A_348 : i32 to index
        %parallel_loop3A_457 = arith.constant 208 : index
        %parallel_loop3A_458 = tpu.vector_load %arg18[%parallel_loop3A_456, %parallel_loop3A_457] {strides = array<i32>} : memref<16x256xf32, #tpu.memory_space<vmem>>, vector<16xf32>,
        %parallel_loop3A_459 = arith.mulf %parallel_loop3A_458, %parallel_loop3A_450 : vector<16xf32>
        %parallel_loop3A_460 = arith.addf %parallel_loop3A_455, %parallel_loop3A_459 : vector<16xf32>
        %parallel_loop3A_461 = arith.index_cast %parallel_loop3A_348 : i32 to index
        %parallel_loop3A_462 = arith.constant 112 : index
        %parallel_loop3A_463 = tpu.vector_load %arg20[%parallel_loop3A_461, %parallel_loop3A_462] {strides = array<i32>} : memref<16x256xi32, #tpu.memory_space<vmem>>, vector<16xi32>,
        %parallel_loop3A_464 = vector.bitcast %parallel_loop3A_463 : vector<16xi32> to vector<32xbf16>
        %parallel_loop3A_465 = tpu.unpack_subelements %parallel_loop3A_464, 0 {pack_format = #tpu.pack_format<interleaved>} : vector<32xbf16> -> vector<16xf32>
        %parallel_loop3A_466 = tpu.unpack_subelements %parallel_loop3A_464, 1 {pack_format = #tpu.pack_format<interleaved>} : vector<32xbf16> -> vector<16xf32>
        %parallel_loop3A_467 = arith.index_cast %parallel_loop3A_348 : i32 to index
        %parallel_loop3A_468 = arith.constant 224 : index
        %parallel_loop3A_469 = tpu.vector_load %arg18[%parallel_loop3A_467, %parallel_loop3A_468] {strides = array<i32>} : memref<16x256xf32, #tpu.memory_space<vmem>>, vector<16xf32>,
        %parallel_loop3A_470 = arith.mulf %parallel_loop3A_469, %parallel_loop3A_465 : vector<16xf32>
        %parallel_loop3A_471 = arith.addf %parallel_loop3A_460, %parallel_loop3A_470 : vector<16xf32>
        %parallel_loop3A_472 = arith.index_cast %parallel_loop3A_348 : i32 to index
        %parallel_loop3A_473 = arith.constant 240 : index
        %parallel_loop3A_474 = tpu.vector_load %arg18[%parallel_loop3A_472, %parallel_loop3A_473] {strides = array<i32>} : memref<16x256xf32, #tpu.memory_space<vmem>>, vector<16xf32>,
        %parallel_loop3A_475 = arith.mulf %parallel_loop3A_474, %parallel_loop3A_466 : vector<16xf32>
        %parallel_loop3A_476 = arith.addf %parallel_loop3A_471, %parallel_loop3A_475 : vector<16xf32>
        %parallel_loop3A_477 = arith.constant true
        %parallel_loop3A_478 = vector.broadcast %parallel_loop3A_477 : i1 to vector<16xi1>
        %parallel_loop3A_479 = tpu.scan <sum>, %parallel_loop3A_476 masked %parallel_loop3A_478 : vector<16xf32>, vector<16xi1> -> vector<16xf32>
        %parallel_loop3A_480 = vector.extract %parallel_loop3A_479[15] : f32 from vector<16xf32>
        %parallel_loop3A_481 = arith.constant 6.250000e-02 : f32
        %parallel_loop3A_482 = arith.mulf %parallel_loop3A_480, %parallel_loop3A_481 : f32
        %parallel_loop3A_483 = vector.broadcast %parallel_loop3A_482 : f32 to vector<16xf32>
        %parallel_loop3A_484 = math.exp %parallel_loop3A_483 : vector<16xf32>
        %parallel_loop3A_485 = arith.addi %mul3A_344, %parallel_loop3A_348 : i32
        %parallel_loop3A_486 = vector.broadcast %parallel_loop3A_485 : i32 to vector<16xi32>
        %parallel_loop3A_487 = tpu.vector_load_idx %arg12[%parallel_loop3A_486] : memref<5664xi32, #tpu.memory_space<vmem>>[vector<16xi32>], vector<16xi32>,
        %parallel_loop3A_488 = arith.constant 16384 : i32
        %parallel_loop3A_489 = vector.broadcast %parallel_loop3A_488 : i32 to vector<16xi32>
        %parallel_loop3A_490 = arith.divsi %parallel_loop3A_487, %parallel_loop3A_489 : vector<16xi32>
        %parallel_loop3A_491 = arith.constant 0 : i32
        %parallel_loop3A_492 = vector.broadcast %parallel_loop3A_491 : i32 to vector<16xi32>
        %parallel_loop3A_493 = arith.cmpi sgt, %parallel_loop3A_487, %parallel_loop3A_492 : vector<16xi32>
        %parallel_loop3A_494 = arith.extui %parallel_loop3A_493 : vector<16xi1> to vector<16xi32>
        %parallel_loop3A_495 = arith.constant 0 : i32
        %parallel_loop3A_496 = vector.broadcast %parallel_loop3A_495 : i32 to vector<16xi32>
        %parallel_loop3A_497 = arith.cmpi slt, %parallel_loop3A_487, %parallel_loop3A_496 : vector<16xi32>
        %parallel_loop3A_498 = arith.extui %parallel_loop3A_497 : vector<16xi1> to vector<16xi32>
        %parallel_loop3A_499 = arith.subi %parallel_loop3A_494, %parallel_loop3A_498 : vector<16xi32>
        %parallel_loop3A_500 = arith.constant 0 : i32
        %parallel_loop3A_501 = arith.cmpi sgt, %parallel_loop3A_488, %parallel_loop3A_500 : i32
        %parallel_loop3A_502 = arith.extui %parallel_loop3A_501 : i1 to i32
        %parallel_loop3A_503 = arith.constant 0 : i32
        %parallel_loop3A_504 = arith.cmpi slt, %parallel_loop3A_488, %parallel_loop3A_503 : i32
        %parallel_loop3A_505 = arith.extui %parallel_loop3A_504 : i1 to i32
        %parallel_loop3A_506 = arith.subi %parallel_loop3A_502, %parallel_loop3A_505 : i32
        %parallel_loop3A_507 = vector.broadcast %parallel_loop3A_506 : i32 to vector<16xi32>
        %parallel_loop3A_508 = arith.cmpi ne, %parallel_loop3A_499, %parallel_loop3A_507 : vector<16xi32>
        %parallel_loop3A_509 = vector.broadcast %parallel_loop3A_488 : i32 to vector<16xi32>
        %parallel_loop3A_510 = arith.remsi %parallel_loop3A_487, %parallel_loop3A_509 : vector<16xi32>
        %parallel_loop3A_511 = arith.constant 0 : i32
        %parallel_loop3A_512 = vector.broadcast %parallel_loop3A_511 : i32 to vector<16xi32>
        %parallel_loop3A_513 = arith.cmpi ne, %parallel_loop3A_510, %parallel_loop3A_512 : vector<16xi32>
        %parallel_loop3A_514 = arith.andi %parallel_loop3A_508, %parallel_loop3A_513 : vector<16xi1>
        %parallel_loop3A_515 = arith.constant 1 : i32
        %parallel_loop3A_516 = vector.broadcast %parallel_loop3A_515 : i32 to vector<16xi32>
        %parallel_loop3A_517 = arith.subi %parallel_loop3A_490, %parallel_loop3A_516 : vector<16xi32>
        %parallel_loop3A_518 = arith.select %parallel_loop3A_514, %parallel_loop3A_517, %parallel_loop3A_490 : vector<16xi1>, vector<16xi32>
        %parallel_loop3A_519 = vector.broadcast %mul3A_2 : i32 to vector<16xi32>
        %parallel_loop3A_520 = arith.subi %parallel_loop3A_518, %parallel_loop3A_519 : vector<16xi32>
        %parallel_loop3A_521 = arith.constant 0 : i32
        %parallel_loop3A_522 = vector.broadcast %parallel_loop3A_521 : i32 to vector<16xi32>
        %parallel_loop3A_523 = arith.maxsi %parallel_loop3A_520, %parallel_loop3A_522 : vector<16xi32>
        %parallel_loop3A_524 = arith.constant 320 : i32
        %parallel_loop3A_525 = vector.broadcast %parallel_loop3A_524 : i32 to vector<16xi32>
        %parallel_loop3A_526 = arith.minsi %parallel_loop3A_523, %parallel_loop3A_525 : vector<16xi32>
        %parallel_loop3A_527 = arith.index_cast %parallel_loop3A_348 : i32 to index
        %parallel_loop3A_528 = arith.constant 128 : index
        %parallel_loop3A_529 = tpu.vector_load %arg20[%parallel_loop3A_527, %parallel_loop3A_528] {strides = array<i32>} : memref<16x256xi32, #tpu.memory_space<vmem>>, vector<16xi32>,
        %parallel_loop3A_530 = vector.bitcast %parallel_loop3A_529 : vector<16xi32> to vector<32xbf16>
        %parallel_loop3A_531 = tpu.unpack_subelements %parallel_loop3A_530, 0 {pack_format = #tpu.pack_format<interleaved>} : vector<32xbf16> -> vector<16xf32>
        %parallel_loop3A_532 = tpu.unpack_subelements %parallel_loop3A_530, 1 {pack_format = #tpu.pack_format<interleaved>} : vector<32xbf16> -> vector<16xf32>
        %parallel_loop3A_533 = arith.constant 0 : i32
        %parallel_loop3A_534 = vector.broadcast %parallel_loop3A_533 : i32 to vector<16xi32>
        %parallel_loop3A_535 = arith.addi %parallel_loop3A_534, %iota3A : vector<16xi32>
        %parallel_loop3A_536 = arith.mulf %parallel_loop3A_484, %parallel_loop3A_531 : vector<16xf32>
        tpu.vector_store_idx %arg21[%parallel_loop3A_526, %parallel_loop3A_535], %parallel_loop3A_536 {add = true} : memref<321x256xf32, #tpu.memory_space<vmem>>[vector<16xi32>, vector<16xi32>], vector<16xf32>,
        %parallel_loop3A_537 = arith.constant 16 : i32
        %parallel_loop3A_538 = vector.broadcast %parallel_loop3A_537 : i32 to vector<16xi32>
        %parallel_loop3A_539 = arith.addi %parallel_loop3A_538, %iota3A : vector<16xi32>
        %parallel_loop3A_540 = arith.mulf %parallel_loop3A_484, %parallel_loop3A_532 : vector<16xf32>
        tpu.vector_store_idx %arg21[%parallel_loop3A_526, %parallel_loop3A_539], %parallel_loop3A_540 {add = true} : memref<321x256xf32, #tpu.memory_space<vmem>>[vector<16xi32>, vector<16xi32>], vector<16xf32>,
        %parallel_loop3A_541 = arith.index_cast %parallel_loop3A_348 : i32 to index
        %parallel_loop3A_542 = arith.constant 144 : index
        %parallel_loop3A_543 = tpu.vector_load %arg20[%parallel_loop3A_541, %parallel_loop3A_542] {strides = array<i32>} : memref<16x256xi32, #tpu.memory_space<vmem>>, vector<16xi32>,
        %parallel_loop3A_544 = vector.bitcast %parallel_loop3A_543 : vector<16xi32> to vector<32xbf16>
        %parallel_loop3A_545 = tpu.unpack_subelements %parallel_loop3A_544, 0 {pack_format = #tpu.pack_format<interleaved>} : vector<32xbf16> -> vector<16xf32>
        %parallel_loop3A_546 = tpu.unpack_subelements %parallel_loop3A_544, 1 {pack_format = #tpu.pack_format<interleaved>} : vector<32xbf16> -> vector<16xf32>
        %parallel_loop3A_547 = arith.constant 32 : i32
        %parallel_loop3A_548 = vector.broadcast %parallel_loop3A_547 : i32 to vector<16xi32>
        %parallel_loop3A_549 = arith.addi %parallel_loop3A_548, %iota3A : vector<16xi32>
        %parallel_loop3A_550 = arith.mulf %parallel_loop3A_484, %parallel_loop3A_545 : vector<16xf32>
        tpu.vector_store_idx %arg21[%parallel_loop3A_526, %parallel_loop3A_549], %parallel_loop3A_550 {add = true} : memref<321x256xf32, #tpu.memory_space<vmem>>[vector<16xi32>, vector<16xi32>], vector<16xf32>,
        %parallel_loop3A_551 = arith.constant 48 : i32
        %parallel_loop3A_552 = vector.broadcast %parallel_loop3A_551 : i32 to vector<16xi32>
        %parallel_loop3A_553 = arith.addi %parallel_loop3A_552, %iota3A : vector<16xi32>
        %parallel_loop3A_554 = arith.mulf %parallel_loop3A_484, %parallel_loop3A_546 : vector<16xf32>
        tpu.vector_store_idx %arg21[%parallel_loop3A_526, %parallel_loop3A_553], %parallel_loop3A_554 {add = true} : memref<321x256xf32, #tpu.memory_space<vmem>>[vector<16xi32>, vector<16xi32>], vector<16xf32>,
        %parallel_loop3A_555 = arith.index_cast %parallel_loop3A_348 : i32 to index
        %parallel_loop3A_556 = arith.constant 160 : index
        %parallel_loop3A_557 = tpu.vector_load %arg20[%parallel_loop3A_555, %parallel_loop3A_556] {strides = array<i32>} : memref<16x256xi32, #tpu.memory_space<vmem>>, vector<16xi32>,
        %parallel_loop3A_558 = vector.bitcast %parallel_loop3A_557 : vector<16xi32> to vector<32xbf16>
        %parallel_loop3A_559 = tpu.unpack_subelements %parallel_loop3A_558, 0 {pack_format = #tpu.pack_format<interleaved>} : vector<32xbf16> -> vector<16xf32>
        %parallel_loop3A_560 = tpu.unpack_subelements %parallel_loop3A_558, 1 {pack_format = #tpu.pack_format<interleaved>} : vector<32xbf16> -> vector<16xf32>
        %parallel_loop3A_561 = arith.constant 64 : i32
        %parallel_loop3A_562 = vector.broadcast %parallel_loop3A_561 : i32 to vector<16xi32>
        %parallel_loop3A_563 = arith.addi %parallel_loop3A_562, %iota3A : vector<16xi32>
        %parallel_loop3A_564 = arith.mulf %parallel_loop3A_484, %parallel_loop3A_559 : vector<16xf32>
        tpu.vector_store_idx %arg21[%parallel_loop3A_526, %parallel_loop3A_563], %parallel_loop3A_564 {add = true} : memref<321x256xf32, #tpu.memory_space<vmem>>[vector<16xi32>, vector<16xi32>], vector<16xf32>,
        %parallel_loop3A_565 = arith.constant 80 : i32
        %parallel_loop3A_566 = vector.broadcast %parallel_loop3A_565 : i32 to vector<16xi32>
        %parallel_loop3A_567 = arith.addi %parallel_loop3A_566, %iota3A : vector<16xi32>
        %parallel_loop3A_568 = arith.mulf %parallel_loop3A_484, %parallel_loop3A_560 : vector<16xf32>
        tpu.vector_store_idx %arg21[%parallel_loop3A_526, %parallel_loop3A_567], %parallel_loop3A_568 {add = true} : memref<321x256xf32, #tpu.memory_space<vmem>>[vector<16xi32>, vector<16xi32>], vector<16xf32>,
        %parallel_loop3A_569 = arith.index_cast %parallel_loop3A_348 : i32 to index
        %parallel_loop3A_570 = arith.constant 176 : index
        %parallel_loop3A_571 = tpu.vector_load %arg20[%parallel_loop3A_569, %parallel_loop3A_570] {strides = array<i32>} : memref<16x256xi32, #tpu.memory_space<vmem>>, vector<16xi32>,
        %parallel_loop3A_572 = vector.bitcast %parallel_loop3A_571 : vector<16xi32> to vector<32xbf16>
        %parallel_loop3A_573 = tpu.unpack_subelements %parallel_loop3A_572, 0 {pack_format = #tpu.pack_format<interleaved>} : vector<32xbf16> -> vector<16xf32>
        %parallel_loop3A_574 = tpu.unpack_subelements %parallel_loop3A_572, 1 {pack_format = #tpu.pack_format<interleaved>} : vector<32xbf16> -> vector<16xf32>
        %parallel_loop3A_575 = arith.constant 96 : i32
        %parallel_loop3A_576 = vector.broadcast %parallel_loop3A_575 : i32 to vector<16xi32>
        %parallel_loop3A_577 = arith.addi %parallel_loop3A_576, %iota3A : vector<16xi32>
        %parallel_loop3A_578 = arith.mulf %parallel_loop3A_484, %parallel_loop3A_573 : vector<16xf32>
        tpu.vector_store_idx %arg21[%parallel_loop3A_526, %parallel_loop3A_577], %parallel_loop3A_578 {add = true} : memref<321x256xf32, #tpu.memory_space<vmem>>[vector<16xi32>, vector<16xi32>], vector<16xf32>,
        %parallel_loop3A_579 = arith.constant 112 : i32
        %parallel_loop3A_580 = vector.broadcast %parallel_loop3A_579 : i32 to vector<16xi32>
        %parallel_loop3A_581 = arith.addi %parallel_loop3A_580, %iota3A : vector<16xi32>
        %parallel_loop3A_582 = arith.mulf %parallel_loop3A_484, %parallel_loop3A_574 : vector<16xf32>
        tpu.vector_store_idx %arg21[%parallel_loop3A_526, %parallel_loop3A_581], %parallel_loop3A_582 {add = true} : memref<321x256xf32, #tpu.memory_space<vmem>>[vector<16xi32>, vector<16xi32>], vector<16xf32>,
        %parallel_loop3A_583 = arith.index_cast %parallel_loop3A_348 : i32 to index
        %parallel_loop3A_584 = arith.constant 192 : index
        %parallel_loop3A_585 = tpu.vector_load %arg20[%parallel_loop3A_583, %parallel_loop3A_584] {strides = array<i32>} : memref<16x256xi32, #tpu.memory_space<vmem>>, vector<16xi32>,
        %parallel_loop3A_586 = vector.bitcast %parallel_loop3A_585 : vector<16xi32> to vector<32xbf16>
        %parallel_loop3A_587 = tpu.unpack_subelements %parallel_loop3A_586, 0 {pack_format = #tpu.pack_format<interleaved>} : vector<32xbf16> -> vector<16xf32>
        %parallel_loop3A_588 = tpu.unpack_subelements %parallel_loop3A_586, 1 {pack_format = #tpu.pack_format<interleaved>} : vector<32xbf16> -> vector<16xf32>
        %parallel_loop3A_589 = arith.constant 128 : i32
        %parallel_loop3A_590 = vector.broadcast %parallel_loop3A_589 : i32 to vector<16xi32>
        %parallel_loop3A_591 = arith.addi %parallel_loop3A_590, %iota3A : vector<16xi32>
        %parallel_loop3A_592 = arith.mulf %parallel_loop3A_484, %parallel_loop3A_587 : vector<16xf32>
        tpu.vector_store_idx %arg21[%parallel_loop3A_526, %parallel_loop3A_591], %parallel_loop3A_592 {add = true} : memref<321x256xf32, #tpu.memory_space<vmem>>[vector<16xi32>, vector<16xi32>], vector<16xf32>,
        %parallel_loop3A_593 = arith.constant 144 : i32
        %parallel_loop3A_594 = vector.broadcast %parallel_loop3A_593 : i32 to vector<16xi32>
        %parallel_loop3A_595 = arith.addi %parallel_loop3A_594, %iota3A : vector<16xi32>
        %parallel_loop3A_596 = arith.mulf %parallel_loop3A_484, %parallel_loop3A_588 : vector<16xf32>
        tpu.vector_store_idx %arg21[%parallel_loop3A_526, %parallel_loop3A_595], %parallel_loop3A_596 {add = true} : memref<321x256xf32, #tpu.memory_space<vmem>>[vector<16xi32>, vector<16xi32>], vector<16xf32>,
        %parallel_loop3A_597 = arith.index_cast %parallel_loop3A_348 : i32 to index
        %parallel_loop3A_598 = arith.constant 208 : index
        %parallel_loop3A_599 = tpu.vector_load %arg20[%parallel_loop3A_597, %parallel_loop3A_598] {strides = array<i32>} : memref<16x256xi32, #tpu.memory_space<vmem>>, vector<16xi32>,
        %parallel_loop3A_600 = vector.bitcast %parallel_loop3A_599 : vector<16xi32> to vector<32xbf16>
        %parallel_loop3A_601 = tpu.unpack_subelements %parallel_loop3A_600, 0 {pack_format = #tpu.pack_format<interleaved>} : vector<32xbf16> -> vector<16xf32>
        %parallel_loop3A_602 = tpu.unpack_subelements %parallel_loop3A_600, 1 {pack_format = #tpu.pack_format<interleaved>} : vector<32xbf16> -> vector<16xf32>
        %parallel_loop3A_603 = arith.constant 160 : i32
        %parallel_loop3A_604 = vector.broadcast %parallel_loop3A_603 : i32 to vector<16xi32>
        %parallel_loop3A_605 = arith.addi %parallel_loop3A_604, %iota3A : vector<16xi32>
        %parallel_loop3A_606 = arith.mulf %parallel_loop3A_484, %parallel_loop3A_601 : vector<16xf32>
        tpu.vector_store_idx %arg21[%parallel_loop3A_526, %parallel_loop3A_605], %parallel_loop3A_606 {add = true} : memref<321x256xf32, #tpu.memory_space<vmem>>[vector<16xi32>, vector<16xi32>], vector<16xf32>,
        %parallel_loop3A_607 = arith.constant 176 : i32
        %parallel_loop3A_608 = vector.broadcast %parallel_loop3A_607 : i32 to vector<16xi32>
        %parallel_loop3A_609 = arith.addi %parallel_loop3A_608, %iota3A : vector<16xi32>
        %parallel_loop3A_610 = arith.mulf %parallel_loop3A_484, %parallel_loop3A_602 : vector<16xf32>
        tpu.vector_store_idx %arg21[%parallel_loop3A_526, %parallel_loop3A_609], %parallel_loop3A_610 {add = true} : memref<321x256xf32, #tpu.memory_space<vmem>>[vector<16xi32>, vector<16xi32>], vector<16xf32>,
        %parallel_loop3A_611 = arith.index_cast %parallel_loop3A_348 : i32 to index
        %parallel_loop3A_612 = arith.constant 224 : index
        %parallel_loop3A_613 = tpu.vector_load %arg20[%parallel_loop3A_611, %parallel_loop3A_612] {strides = array<i32>} : memref<16x256xi32, #tpu.memory_space<vmem>>, vector<16xi32>,
        %parallel_loop3A_614 = vector.bitcast %parallel_loop3A_613 : vector<16xi32> to vector<32xbf16>
        %parallel_loop3A_615 = tpu.unpack_subelements %parallel_loop3A_614, 0 {pack_format = #tpu.pack_format<interleaved>} : vector<32xbf16> -> vector<16xf32>
        %parallel_loop3A_616 = tpu.unpack_subelements %parallel_loop3A_614, 1 {pack_format = #tpu.pack_format<interleaved>} : vector<32xbf16> -> vector<16xf32>
        %parallel_loop3A_617 = arith.constant 192 : i32
        %parallel_loop3A_618 = vector.broadcast %parallel_loop3A_617 : i32 to vector<16xi32>
        %parallel_loop3A_619 = arith.addi %parallel_loop3A_618, %iota3A : vector<16xi32>
        %parallel_loop3A_620 = arith.mulf %parallel_loop3A_484, %parallel_loop3A_615 : vector<16xf32>
        tpu.vector_store_idx %arg21[%parallel_loop3A_526, %parallel_loop3A_619], %parallel_loop3A_620 {add = true} : memref<321x256xf32, #tpu.memory_space<vmem>>[vector<16xi32>, vector<16xi32>], vector<16xf32>,
        %parallel_loop3A_621 = arith.constant 208 : i32
        %parallel_loop3A_622 = vector.broadcast %parallel_loop3A_621 : i32 to vector<16xi32>
        %parallel_loop3A_623 = arith.addi %parallel_loop3A_622, %iota3A : vector<16xi32>
        %parallel_loop3A_624 = arith.mulf %parallel_loop3A_484, %parallel_loop3A_616 : vector<16xf32>
        tpu.vector_store_idx %arg21[%parallel_loop3A_526, %parallel_loop3A_623], %parallel_loop3A_624 {add = true} : memref<321x256xf32, #tpu.memory_space<vmem>>[vector<16xi32>, vector<16xi32>], vector<16xf32>,
        %parallel_loop3A_625 = arith.index_cast %parallel_loop3A_348 : i32 to index
        %parallel_loop3A_626 = arith.constant 240 : index
        %parallel_loop3A_627 = tpu.vector_load %arg20[%parallel_loop3A_625, %parallel_loop3A_626] {strides = array<i32>} : memref<16x256xi32, #tpu.memory_space<vmem>>, vector<16xi32>,
        %parallel_loop3A_628 = vector.bitcast %parallel_loop3A_627 : vector<16xi32> to vector<32xbf16>
        %parallel_loop3A_629 = tpu.unpack_subelements %parallel_loop3A_628, 0 {pack_format = #tpu.pack_format<interleaved>} : vector<32xbf16> -> vector<16xf32>
        %parallel_loop3A_630 = tpu.unpack_subelements %parallel_loop3A_628, 1 {pack_format = #tpu.pack_format<interleaved>} : vector<32xbf16> -> vector<16xf32>
        %parallel_loop3A_631 = arith.constant 224 : i32
        %parallel_loop3A_632 = vector.broadcast %parallel_loop3A_631 : i32 to vector<16xi32>
        %parallel_loop3A_633 = arith.addi %parallel_loop3A_632, %iota3A : vector<16xi32>
        %parallel_loop3A_634 = arith.mulf %parallel_loop3A_484, %parallel_loop3A_629 : vector<16xf32>
        tpu.vector_store_idx %arg21[%parallel_loop3A_526, %parallel_loop3A_633], %parallel_loop3A_634 {add = true} : memref<321x256xf32, #tpu.memory_space<vmem>>[vector<16xi32>, vector<16xi32>], vector<16xf32>,
        %parallel_loop3A_635 = arith.constant 240 : i32
        %parallel_loop3A_636 = vector.broadcast %parallel_loop3A_635 : i32 to vector<16xi32>
        %parallel_loop3A_637 = arith.addi %parallel_loop3A_636, %iota3A : vector<16xi32>
        %parallel_loop3A_638 = arith.mulf %parallel_loop3A_484, %parallel_loop3A_630 : vector<16xf32>
        tpu.vector_store_idx %arg21[%parallel_loop3A_526, %parallel_loop3A_637], %parallel_loop3A_638 {add = true} : memref<321x256xf32, #tpu.memory_space<vmem>>[vector<16xi32>, vector<16xi32>], vector<16xf32>,
        tpu.vector_store_idx %arg22[%parallel_loop3A_526], %parallel_loop3A_484 masked %eq3A_5 {add = true} : memref<337xf32, #tpu.memory_space<vmem>>[vector<16xi32>], vector<16xf32>, vector<16xi1>
      } {sc.loop_unroll_factor = 2 : i64, sc.parallel_access}
    }
    %dma_wait3A_168 = arith.constant 0 : i32
    %dma_wait3A_169 = arith.constant 0 : i32
    %dma_wait3A_170 = tpu.memref_slice %arg4[%dma_wait3A_168, %dma_wait3A_169] : memref<10000x256xf32, #tpu.memory_space<hbm>> -> memref<10000x256xf32, #tpu.memory_space<hbm>>
    tpu.wait_indirect_dma semaphore(%arg23 : memref<!tpu.dma_semaphore, #tpu.memory_space<semaphore_mem>>) src(%dma_wait3A_170 : memref<10000x256xf32, #tpu.memory_space<hbm>>) dst(%arg17 : memref<16x256xf32, #tpu.memory_space<vmem>>)
    %dma_wait3A_171 = arith.constant 0 : i32
    %dma_wait3A_172 = arith.constant 0 : i32
    %dma_wait3A_173 = tpu.memref_slice %arg5[%dma_wait3A_171, %dma_wait3A_172] : memref<10000x256xi32, #tpu.memory_space<hbm>> -> memref<10000x256xi32, #tpu.memory_space<hbm>>
    tpu.wait_indirect_dma semaphore(%arg24 : memref<!tpu.dma_semaphore, #tpu.memory_space<semaphore_mem>>) src(%dma_wait3A_173 : memref<10000x256xi32, #tpu.memory_space<hbm>>) dst(%arg19 : memref<16x256xi32, #tpu.memory_space<vmem>>)
    "tpu.region"() ({
      %run_scoped3A = tpu.sem_alloc : memref<!tpu.dma_semaphore, #tpu.memory_space<semaphore_mem>>
      %dma_start3A_174 = arith.constant 0 : i32
      %dma_start3A_175 = arith.constant 0 : i32
      %dma_start3A_176 = tpu.memref_slice %arg21[%dma_start3A_174, %dma_start3A_175] : memref<321x256xf32, #tpu.memory_space<vmem>> -> memref<320x256xf32, #tpu.memory_space<vmem>>
      %dma_start3A_177 = arith.constant 0 : i32
      %dma_start3A_178 = tpu.memref_slice %arg6[%mul3A_2, %dma_start3A_177] : memref<10240x256xf32, #tpu.memory_space<hbm>> -> memref<320x256xf32, #tpu.memory_space<hbm>>
      %dma_start3A_179 = arith.constant 0 : i32
      %dma_start3A_180 = tpu.memref_slice %arg6[%mul3A_2, %dma_start3A_179] : memref<10240x256xf32, #tpu.memory_space<hbm>> -> memref<320x256xf32, #tpu.memory_space<hbm>>
      %dma_start3A_181 = arith.constant 0 : i32
      %dma_start3A_182 = arith.constant 0 : i32
      %dma_start3A_183 = tpu.memref_slice %arg21[%dma_start3A_181, %dma_start3A_182] : memref<321x256xf32, #tpu.memory_space<vmem>> -> memref<320x256xf32, #tpu.memory_space<vmem>>
      tpu.enqueue_dma source(%dma_start3A_183 : memref<320x256xf32, #tpu.memory_space<vmem>>) target(%dma_start3A_180 : memref<320x256xf32, #tpu.memory_space<hbm>>) target_semaphore(%run_scoped3A : memref<!tpu.dma_semaphore, #tpu.memory_space<semaphore_mem>>)
      %dma_wait3A_184 = arith.constant 0 : i32
      %dma_wait3A_185 = arith.constant 0 : i32
      %dma_wait3A_186 = tpu.memref_slice %arg21[%dma_wait3A_184, %dma_wait3A_185] : memref<321x256xf32, #tpu.memory_space<vmem>> -> memref<320x256xf32, #tpu.memory_space<vmem>>
      %dma_wait3A_187 = arith.constant 0 : i32
      %dma_wait3A_188 = tpu.memref_slice %arg6[%mul3A_2, %dma_wait3A_187] : memref<10240x256xf32, #tpu.memory_space<hbm>> -> memref<320x256xf32, #tpu.memory_space<hbm>>
      %dma_wait3A_189 = arith.constant 0 : i32
      %dma_wait3A_190 = tpu.memref_slice %arg6[%mul3A_2, %dma_wait3A_189] : memref<10240x256xf32, #tpu.memory_space<hbm>> -> memref<320x256xf32, #tpu.memory_space<hbm>>
      %dma_wait3A_191 = arith.constant 0 : i32
      %dma_wait3A_192 = arith.constant 0 : i32
      %dma_wait3A_193 = tpu.memref_slice %arg21[%dma_wait3A_191, %dma_wait3A_192] : memref<321x256xf32, #tpu.memory_space<vmem>> -> memref<320x256xf32, #tpu.memory_space<vmem>>
      tpu.wait_dma2 semaphore(%run_scoped3A : memref<!tpu.dma_semaphore, #tpu.memory_space<semaphore_mem>>) src(%dma_wait3A_193 : memref<320x256xf32, #tpu.memory_space<vmem>>) dst(%dma_wait3A_190 : memref<320x256xf32, #tpu.memory_space<hbm>>)
      tpu.yield
    }) : () -> ()
    "tpu.region"() ({
      %run_scoped3A = tpu.sem_alloc : memref<!tpu.dma_semaphore, #tpu.memory_space<semaphore_mem>>
      %dma_start3A_174 = arith.constant 0 : i32
      %dma_start3A_175 = tpu.memref_slice %arg22[%dma_start3A_174] : memref<337xf32, #tpu.memory_space<vmem>> -> memref<320xf32, #tpu.memory_space<vmem>>
      %dma_start3A_176 = tpu.memref_slice %arg7[%mul3A_2] : memref<10240xf32, #tpu.memory_space<hbm>> -> memref<320xf32, #tpu.memory_space<hbm>>
      %dma_start3A_177 = tpu.memref_slice %arg7[%mul3A_2] : memref<10240xf32, #tpu.memory_space<hbm>> -> memref<320xf32, #tpu.memory_space<hbm>>
      %dma_start3A_178 = arith.constant 0 : i32
      %dma_start3A_179 = tpu.memref_slice %arg22[%dma_start3A_178] : memref<337xf32, #tpu.memory_space<vmem>> -> memref<320xf32, #tpu.memory_space<vmem>>
      tpu.enqueue_dma source(%dma_start3A_179 : memref<320xf32, #tpu.memory_space<vmem>>) target(%dma_start3A_177 : memref<320xf32, #tpu.memory_space<hbm>>) target_semaphore(%run_scoped3A : memref<!tpu.dma_semaphore, #tpu.memory_space<semaphore_mem>>)
      %dma_wait3A_180 = arith.constant 0 : i32
      %dma_wait3A_181 = tpu.memref_slice %arg22[%dma_wait3A_180] : memref<337xf32, #tpu.memory_space<vmem>> -> memref<320xf32, #tpu.memory_space<vmem>>
      %dma_wait3A_182 = tpu.memref_slice %arg7[%mul3A_2] : memref<10240xf32, #tpu.memory_space<hbm>> -> memref<320xf32, #tpu.memory_space<hbm>>
      %dma_wait3A_183 = tpu.memref_slice %arg7[%mul3A_2] : memref<10240xf32, #tpu.memory_space<hbm>> -> memref<320xf32, #tpu.memory_space<hbm>>
      %dma_wait3A_184 = arith.constant 0 : i32
      %dma_wait3A_185 = tpu.memref_slice %arg22[%dma_wait3A_184] : memref<337xf32, #tpu.memory_space<vmem>> -> memref<320xf32, #tpu.memory_space<vmem>>
      tpu.wait_dma2 semaphore(%run_scoped3A : memref<!tpu.dma_semaphore, #tpu.memory_space<semaphore_mem>>) src(%dma_wait3A_185 : memref<320xf32, #tpu.memory_space<vmem>>) dst(%dma_wait3A_183 : memref<320xf32, #tpu.memory_space<hbm>>)
      tpu.yield
    }) : () -> ()
    return
  }
}

module attributes {stable_mosaic.version = 14 : i64} {
  func.func @_qkv_body(%arg0: i32, %arg1: memref<2000x256xf32, #tpu.memory_space<vmem>>, %arg2: memref<256x256xf32, #tpu.memory_space<vmem>>, %arg3: memref<256x512xf32, #tpu.memory_space<vmem>>, %arg4: memref<2000x256xf32, #tpu.memory_space<vmem>>, %arg5: memref<2000x512xbf16, #tpu.memory_space<vmem>>) attributes {dimension_semantics = [#tpu.dimension_semantics<arbitrary>], iteration_bounds = array<i64: 5>, scalar_prefetch = 0 : i64, scratch_operands = 0 : i64, tpu.core_type = #tpu.core_type<tc>, window_params = [{transform_indices = @transform_0, window_bounds = array<i64: 2000, 256>}, {pipeline_mode = #tpu.pipeline_mode<synchronous>, transform_indices = @transform_1, window_bounds = array<i64: 256, 256>}, {pipeline_mode = #tpu.pipeline_mode<synchronous>, transform_indices = @transform_2, window_bounds = array<i64: 256, 512>}, {transform_indices = @transform_3, window_bounds = array<i64: 2000, 256>}, {transform_indices = @transform_4, window_bounds = array<i64: 2000, 512>}]} {
    %get3A = arith.constant 0 : index
    %get3A_0 = arith.constant 0 : index
    %get3A_1 = vector.load %arg1[%get3A, %get3A_0] : memref<2000x256xf32, #tpu.memory_space<vmem>>, vector<2000x256xf32>
    %get3A_2 = arith.constant 0 : index
    %get3A_3 = arith.constant 0 : index
    %get3A_4 = vector.load %arg2[%get3A_2, %get3A_3] : memref<256x256xf32, #tpu.memory_space<vmem>>, vector<256x256xf32>
    %dot_general3A = arith.constant dense<0.000000e+00> : vector<2000x256xf32>
    %dot_general3A_5 = tpu.matmul %get3A_1, %get3A_4, %dot_general3A {dimension_numbers = #tpu.dot_dimension_numbers<[1], [0], [0], [1], [0, 0, 1, 1], [], []>, transpose_lhs_hint = false} : vector<2000x256xf32>, vector<256x256xf32>, vector<2000x256xf32> -> vector<2000x256xf32>
    %swap3A = arith.constant 0 : index
    %swap3A_6 = arith.constant 0 : index
    %swap3A_7 = vector.load %arg4[%swap3A, %swap3A_6] : memref<2000x256xf32, #tpu.memory_space<vmem>>, vector<2000x256xf32>
    tpu.vector_store %arg4[%swap3A, %swap3A_6], %dot_general3A_5 {strides = array<i32>} : memref<2000x256xf32, #tpu.memory_space<vmem>>, vector<2000x256xf32>,
    %get3A_8 = arith.constant 0 : index
    %get3A_9 = arith.constant 0 : index
    %get3A_10 = vector.load %arg3[%get3A_8, %get3A_9] : memref<256x512xf32, #tpu.memory_space<vmem>>, vector<256x512xf32>
    %dot_general3A_11 = arith.constant dense<0.000000e+00> : vector<2000x512xf32>
    %dot_general3A_12 = tpu.matmul %get3A_1, %get3A_10, %dot_general3A_11 {dimension_numbers = #tpu.dot_dimension_numbers<[1], [0], [0], [1], [0, 0, 1, 1], [], []>, transpose_lhs_hint = false} : vector<2000x256xf32>, vector<256x512xf32>, vector<2000x512xf32> -> vector<2000x512xf32>
    %convert_element_type3A = arith.truncf %dot_general3A_12 : vector<2000x512xf32> to vector<2000x512xbf16>
    %swap3A_13 = arith.constant 0 : index
    %swap3A_14 = arith.constant 0 : index
    %swap3A_15 = vector.load %arg5[%swap3A_13, %swap3A_14] : memref<2000x512xbf16, #tpu.memory_space<vmem>>, vector<2000x512xbf16>
    tpu.vector_store %arg5[%swap3A_13, %swap3A_14], %convert_element_type3A {strides = array<i32>} : memref<2000x512xbf16, #tpu.memory_space<vmem>>, vector<2000x512xbf16>,
    return
  }
  func.func @transform_0(%arg0: i32) -> (i32, i32) {
    %c0_i32 = arith.constant 0 : i32
    %c0_i32_0 = arith.constant 0 : i32
    return %arg0, %c0_i32 : i32, i32
  }
  func.func @transform_1(%arg0: i32) -> (i32, i32) {
    %c0_i32 = arith.constant 0 : i32
    %c0_i32_0 = arith.constant 0 : i32
    %c0_i32_1 = arith.constant 0 : i32
    return %c0_i32, %c0_i32_0 : i32, i32
  }
  func.func @transform_2(%arg0: i32) -> (i32, i32) {
    %c0_i32 = arith.constant 0 : i32
    %c0_i32_0 = arith.constant 0 : i32
    %c0_i32_1 = arith.constant 0 : i32
    return %c0_i32, %c0_i32_0 : i32, i32
  }
  func.func @transform_3(%arg0: i32) -> (i32, i32) {
    %c0_i32 = arith.constant 0 : i32
    %c0_i32_0 = arith.constant 0 : i32
    return %arg0, %c0_i32 : i32, i32
  }
  func.func @transform_4(%arg0: i32) -> (i32, i32) {
    %c0_i32 = arith.constant 0 : i32
    %c0_i32_0 = arith.constant 0 : i32
    return %arg0, %c0_i32 : i32, i32
  }
}

module attributes {stable_mosaic.version = 14 : i64} {
  func.func @_final_body(%arg0: i32, %arg1: memref<1024x256xf32, #tpu.memory_space<vmem>>, %arg2: memref<1024x1xf32, #tpu.memory_space<vmem>>, %arg3: memref<1024x256xf32, #tpu.memory_space<vmem>>, %arg4: memref<256x256xf32, #tpu.memory_space<vmem>>, %arg5: memref<1024x256xf32, #tpu.memory_space<vmem>>) attributes {dimension_semantics = [#tpu.dimension_semantics<arbitrary>], iteration_bounds = array<i64: 10>, scalar_prefetch = 0 : i64, scratch_operands = 0 : i64, tpu.core_type = #tpu.core_type<tc>, window_params = [{transform_indices = @transform_0, window_bounds = array<i64: 1024, 256>}, {transform_indices = @transform_1, window_bounds = array<i64: 1024, 1>}, {transform_indices = @transform_2, window_bounds = array<i64: 1024, 256>}, {pipeline_mode = #tpu.pipeline_mode<synchronous>, transform_indices = @transform_3, window_bounds = array<i64: 256, 256>}, {transform_indices = @transform_4, window_bounds = array<i64: 1024, 256>}]} {
    %get3A = arith.constant 0 : index
    %get3A_0 = arith.constant 0 : index
    %get3A_1 = vector.load %arg1[%get3A, %get3A_0] : memref<1024x256xf32, #tpu.memory_space<vmem>>, vector<1024x256xf32>
    %get3A_2 = arith.constant 0 : index
    %get3A_3 = arith.constant 0 : index
    %get3A_4 = vector.load %arg2[%get3A_2, %get3A_3] : memref<1024x1xf32, #tpu.memory_space<vmem>>, vector<1024x1xf32>
    %gt3A = arith.constant 0.000000e+00 : f32
    %gt3A_5 = vector.broadcast %gt3A : f32 to vector<1024x1xf32>
    %gt3A_6 = arith.cmpf ogt, %get3A_4, %gt3A_5 : vector<1024x1xf32>
    %jit3A = arith.constant 1.000000e+00 : f32
    %broadcast_in_dim3A = vector.broadcast %jit3A : f32 to vector<1024x1xf32>
    %select_n3A = arith.select %gt3A_6, %get3A_4, %broadcast_in_dim3A : vector<1024x1xi1>, vector<1024x1xf32>
    %gt3A_7 = arith.constant 0.000000e+00 : f32
    %gt3A_8 = vector.broadcast %gt3A_7 : f32 to vector<1024x1xf32>
    %gt3A_9 = arith.cmpf ogt, %get3A_4, %gt3A_8 : vector<1024x1xf32>
    %div3A = vector.broadcast %select_n3A : vector<1024x1xf32> to vector<1024x256xf32>
    %div3A_10 = arith.divf %get3A_1, %div3A : vector<1024x256xf32>
    %jit3A_11 = arith.constant 0.000000e+00 : f32
    %broadcast_in_dim3A_12 = vector.shape_cast %gt3A_9 : vector<1024x1xi1> to vector<1024x1xi1>
    %broadcast_in_dim3A_13 = vector.broadcast %broadcast_in_dim3A_12 : vector<1024x1xi1> to vector<1024x256xi1>
    %broadcast_in_dim3A_14 = vector.broadcast %jit3A_11 : f32 to vector<1024x256xf32>
    %select_n3A_15 = arith.select %broadcast_in_dim3A_13, %div3A_10, %broadcast_in_dim3A_14 : vector<1024x256xi1>, vector<1024x256xf32>
    %get3A_16 = arith.constant 0 : index
    %get3A_17 = arith.constant 0 : index
    %get3A_18 = vector.load %arg3[%get3A_16, %get3A_17] : memref<1024x256xf32, #tpu.memory_space<vmem>>, vector<1024x256xf32>
    %get3A_19 = arith.constant 0 : index
    %get3A_20 = arith.constant 0 : index
    %get3A_21 = vector.load %arg4[%get3A_19, %get3A_20] : memref<256x256xf32, #tpu.memory_space<vmem>>, vector<256x256xf32>
    %dot_general3A = arith.constant dense<0.000000e+00> : vector<1024x256xf32>
    %dot_general3A_22 = tpu.matmul %select_n3A_15, %get3A_21, %dot_general3A {dimension_numbers = #tpu.dot_dimension_numbers<[1], [0], [0], [1], [0, 0, 1, 1], [], []>, transpose_lhs_hint = false} : vector<1024x256xf32>, vector<256x256xf32>, vector<1024x256xf32> -> vector<1024x256xf32>
    %add3A = arith.addf %get3A_18, %dot_general3A_22 : vector<1024x256xf32>
    %swap3A = arith.constant 0 : index
    %swap3A_23 = arith.constant 0 : index
    %swap3A_24 = vector.load %arg5[%swap3A, %swap3A_23] : memref<1024x256xf32, #tpu.memory_space<vmem>>, vector<1024x256xf32>
    tpu.vector_store %arg5[%swap3A, %swap3A_23], %add3A {strides = array<i32>} : memref<1024x256xf32, #tpu.memory_space<vmem>>, vector<1024x256xf32>,
    return
  }
  func.func @transform_0(%arg0: i32) -> (i32, i32) {
    %c0_i32 = arith.constant 0 : i32
    %c0_i32_0 = arith.constant 0 : i32
    return %arg0, %c0_i32 : i32, i32
  }
  func.func @transform_1(%arg0: i32) -> (i32, i32) {
    %c0_i32 = arith.constant 0 : i32
    %c0_i32_0 = arith.constant 0 : i32
    return %arg0, %c0_i32 : i32, i32
  }
  func.func @transform_2(%arg0: i32) -> (i32, i32) {
    %c0_i32 = arith.constant 0 : i32
    %c0_i32_0 = arith.constant 0 : i32
    return %arg0, %c0_i32 : i32, i32
  }
  func.func @transform_3(%arg0: i32) -> (i32, i32) {
    %c0_i32 = arith.constant 0 : i32
    %c0_i32_0 = arith.constant 0 : i32
    %c0_i32_1 = arith.constant 0 : i32
    return %c0_i32, %c0_i32_0 : i32, i32
  }
  func.func @transform_4(%arg0: i32) -> (i32, i32) {
    %c0_i32 = arith.constant 0 : i32
    %c0_i32_0 = arith.constant 0 : i32
    return %arg0, %c0_i32 : i32, i32
  }
}

</mosaic_0001>

<sc_bundles>
// kernel: kernel.5.cloned.1.call-start
scs
__scs_entry_jumppad:
0x0: {  	(pc) =	sbr.rel $0x88, $3  }
0x1: {  	(tag) =	ssettag $0x0;
	lr =	simm.s32 $0x1  }
0x2: {  	[smem:$0x3F9B] =	sst lr;
	_ =	strace $0xD0000000  }
0x3: {  	_ = 	snop  }
0x4: {  	_ = 	snop  }
0x5: {  	_ = 	snop  }
0x6: {  	_ = 	snop  }
0x7: {  	_ = 	snop  }
__scs_overlays_trampoline_lowered:
0x8: {  	[smem:$0x3FAA] =	sst s0  }
0x9: {  	[smem:$0x3FAB] =	sst s1  }
0xa: {  	[smem:$0x3FAC] =	sst s2  }
0xb: {  	[smem:$0x3FAD] =	sst s3  }
0xc: {  	[smem:$0x3FAE] =	sst s4  }
0xd: {  	[smem:$0x3FAF] =	sst s5  }
0xe: {  	[smem:$0x3FB0] =	sst s6  }
0xf: {  	[smem:$0x3FB1] =	sst s7  }
0x10: {  	[smem:$0x3FB2] =	sst s8  }
0x11: {  	[smem:$0x3FB3] =	sst s9;
	s0 =	simm.s32 @!p0 $0x0  }
0x12: {  	s1 =	sld [smem:$0x3F99];
	s0 =	simm.s32 @p0 $0x1  }
0x13: {  	[smem:$0x3FB4] =	sst s0;
	s0 =	simm.s32 @!p1 $0x0  }
0x14: {  	s2 =	sld [smem:$0x3F98];
	s0 =	simm.s32 @p1 $0x1  }
0x15: {  	[smem:$0x3FB5] =	sst s0;
	s0 =	simm.s32 @!p2 $0x0  }
0x16: {  	s3 =	sld [smem:$0x3FDB];
	s0 =	simm.s32 @p2 $0x1  }
0x17: {  	s4 =	simm.s32 $0x1BF5;
	[smem:$0x3FB7] =	sst s0  }
0x18: {  	s0 =	sld [smem:$0x3F9A];
	_ =	swait.ge [sflag:s4], $0x0  }
0x19: {  	s7 =	sld [smem:$0x3F9B]  }
0x1a: {  	s8 =	sadd.s32 $0xFFFFE003, lr  }
0x1b: {  	s9 =	sadd.s32 $0xFFFFFEF7, lr;
	s5 =	simm.s32 $0xFFFFFFFF;
	p2 =	slt.u32 s8, $0xFFFFF086  }
0x1c: {  	p1 =	slt.u32 s9, $0xF7A;
	s5 =	simm.s32 @!p2 $0x0  }
0x1d: {  	s5 =	simm.s32 @p1 $0x1;
	p0 =	seq.s32 s7, s2  }
0x1e: {  	s7 =	smul.u32 @!p0 $0xF7A, s2;
	p2 =	seq.s32 @!p0 s5, $0x0  }
0x1f: {  	s9 =	smul.u32 $0xF7A, s1;
	s8 =	simm.s32 @!p0 $0x1BF5;
	p2 =	por !p2, p0  }
0x20: {  	[sflag:s8] =	ssyncset.s32 @!p0 $0xFFFFF086;
	s6 =	sadd.s32 @!p0 s3, s7;
	s7 =	simm.s32 @!p0 $0x108  }
0x21: {  	s3 =	sadd.s32 s3, s9;
	s6 =	sadd.s32 @!p0 $0x88, s6;
	s7 =	simm.s32 @p2 $0x1082  }
0x22: {  	[simem:s7], [sflag:s8] =	dma.local @!p0 [hbm:s6], $0xF7A  }
0x23: {  	s9 =	sor.u32 $0xD0000000, s2;
	s6 =	simm.s32 $0x108;
	_ =	swait.ge @!p0 [sflag:s8], $0x0  }
0x24: {  	s3 =	sadd.s32 $0x88, s3;
	s6 =	simm.s32 @!p1 $0x1082;
	[sflag:s4] =	ssyncset.s32 $0xFFFFF086  }
0x25: {  	[simem:s6], [sflag:s4] =	dma.local [hbm:s3], $0xF7A  }
0x26: {  	[smem:$0x3F9B] =	sst s1;
	(tag) =	ssettag s2;
	_ =	strace s9  }
0x27: {  	s1 =	sld [smem:$0x3FAB]  }
0x28: {  	s2 =	sld [smem:$0x3FAC]  }
0x29: {  	s4 =	sld [smem:$0x3FAE]  }
0x2a: {  	p0 =	seq.s32 s5, $0x0;
	s5 =	sld [smem:$0x3FAF]  }
0x2b: {  	s6 =	sld [smem:$0x3FB0]  }
0x2c: {  	s7 =	sld [smem:$0x3FB1]  }
0x2d: {  	s3 =	simm.s32 $0x108;
	s8 =	sld [smem:$0x3FB2]  }
0x2e: {  	s3 =	simm.s32 @!p0 $0x1082;
	s9 =	sld [smem:$0x3FB3]  }
0x2f: {  	lr =	sadd.s32 s0, s3;
	s0 =	sld [smem:$0x3FAA]  }
0x30: {  	s3 =	sld [smem:$0x3FAD]  }
0x31: {  	[smem:$0x3FB6] =	sst s10  }
0x32: {  	s10 =	sld [smem:$0x3FB4];
	_ =	sdelay $0x3  }
0x33: {  	p0 =	seq.s32 s10, $0x1;
	s10 =	sld [smem:$0x3FB6];
	_ =	sdelay $0x3  }
0x34: {  	[smem:$0x3FB6] =	sst s10  }
0x35: {  	s10 =	sld [smem:$0x3FB5];
	_ =	sdelay $0x3  }
0x36: {  	p1 =	seq.s32 s10, $0x1;
	s10 =	sld [smem:$0x3FB6];
	_ =	sdelay $0x3  }
0x37: {  	[smem:$0x3FB6] =	sst s10  }
0x38: {  	s10 =	sld [smem:$0x3FB7]  }
0x39: {  	_ = 	snop;
	(pc) =	sbr.ind lr, $3  }
0x3a: {  	_ = 	snop  }
0x3b: {  	_ = 	snop  }
0x3c: {  	p2 =	seq.s32 s10, $0x1;
	s10 =	sld [smem:$0x3FB6]  }
0x3d: {  	_ =	shalt  }
0x3e: {  	_ =	shalt  }
0x3f: {  	_ =	shalt  }
0x40: {  	_ =	shalt  }
0x41: {  	_ =	shalt  }
0x42: {  	_ =	shalt  }
0x43: {  	_ =	shalt  }
0x44: {  	_ =	shalt  }
0x45: {  	_ =	shalt  }
0x46: {  	_ =	shalt  }
0x47: {  	_ =	shalt  }
0x48: {  	_ =	shalt  }
0x49: {  	_ =	shalt  }
0x4a: {  	_ =	shalt  }
0x4b: {  	_ =	shalt  }
0x4c: {  	_ =	shalt  }
0x4d: {  	_ =	shalt  }
0x4e: {  	_ =	shalt  }
0x4f: {  	_ =	shalt  }
0x50: {  	_ =	shalt  }
0x51: {  	_ =	shalt  }
0x52: {  	_ =	shalt  }
0x53: {  	_ =	shalt  }
0x54: {  	_ =	shalt  }
0x55: {  	_ =	shalt  }
0x56: {  	_ =	shalt  }
0x57: {  	_ =	shalt  }
0x58: {  	_ =	shalt  }
0x59: {  	_ =	shalt  }
0x5a: {  	_ =	shalt  }
0x5b: {  	_ =	shalt  }
0x5c: {  	_ =	shalt  }
0x5d: {  	_ =	shalt  }
0x5e: {  	_ =	shalt  }
0x5f: {  	_ =	shalt  }
0x60: {  	_ =	shalt  }
0x61: {  	_ =	shalt  }
0x62: {  	_ =	shalt  }
0x63: {  	_ =	shalt  }
0x64: {  	_ =	shalt  }
0x65: {  	_ =	shalt  }
0x66: {  	_ =	shalt  }
0x67: {  	_ =	shalt  }
0x68: {  	_ =	shalt  }
0x69: {  	_ =	shalt  }
0x6a: {  	_ =	shalt  }
0x6b: {  	_ =	shalt  }
0x6c: {  	_ =	shalt  }
0x6d: {  	_ =	shalt  }
0x6e: {  	_ =	shalt  }
0x6f: {  	_ =	shalt  }
0x70: {  	_ =	shalt  }
0x71: {  	_ =	shalt  }
0x72: {  	_ =	shalt  }
0x73: {  	_ =	shalt  }
0x74: {  	_ =	shalt  }
0x75: {  	_ =	shalt  }
0x76: {  	_ =	shalt  }
0x77: {  	_ =	shalt  }
0x78: {  	_ =	shalt  }
0x79: {  	_ =	shalt  }
0x7a: {  	_ =	shalt  }
0x7b: {  	_ =	shalt  }
0x7c: {  	_ =	shalt  }
0x7d: {  	_ =	shalt  }
0x7e: {  	_ =	shalt  }
0x7f: {  	_ =	shalt  }
0x80: {  	_ =	shalt  }
0x81: {  	_ =	shalt  }
0x82: {  	_ =	shalt  }
0x83: {  	_ =	shalt  }
0x84: {  	_ =	shalt  }
0x85: {  	_ =	shalt  }
0x86: {  	_ =	shalt  }
0x87: {  	_ =	shalt  }
.Lfunc_end0:
.L_simem_size_0:
called_computation_lowered:
.L_overlay_start_0:
0x88: {  	s2 =	sld [smem:$0x3FD9]  }
0x89: {  	s3 =	sld [smem:$0x3FFE];
	_ =	sdelay $0x1  }
0x8a: {  	s1 =	srdreg.scid  }
0x8b: {  	s0 =	sand.u32 $0x1, s1  }
0x8c: {  	s17 =	sshll.u32 s0, $0xA;
	s2 =	sadd.s32 s3, s2  }
0x8d: {  	s2 =	sadd.s32 s2, s17  }
0x8e: {  	[smem:$0x3FC2] =	sst s2  }
0x8f: {  	_ = 	snop  }
0x90: {  	s2 =	sld [smem:$0x3FD0];
	(tm) =	ssettm $0x1  }
0x91: {  	s18 =	sld [smem:$0x3FFB];
	_ =	sdelay $0x3  }
0x92: {  	_ =	strace s18  }
0x93: {  	s3 =	sld [smem:$0x3FFC];
	_ =	sdelay $0x3  }
0x94: {  	_ =	strace s3  }
0x95: {  	s3 =	sld [smem:$0x3FFD];
	_ =	sdelay $0x3  }
0x96: {  	_ =	strace s3  }
0x97: {  	_ =	strace $0x8FFFFFFF  }
0x98: {  	s19 =	sld [smem:$0x3FDB];
	_ =	sdelay $0x1  }
0x99: {  	s4 =	simm.s32 $_scs_section_size  }
0x9a: {  	s5 =	simm.s32 $_size__tile_overlayer_lowered;
	s6 =	simm.s32 $_tile_overlayer_lowered  }
0x9b: {  	s22 =	simm.s32 $0x1BFF;
	s21 =	sshll.u32 s6, $0x1;
	s3 =	sadd.s32 s4, s19  }
0x9c: {  	s7 =	simm.s32 $0x0;
	s20 =	sshll.u32 s5, $0x1;
	s5 =	sadd.s32 s21, s3  }
0x9d: {  	[timem:s7], [sflag:s22] =	dma.local [hbm:s5], s20  }
0x9e: {  	_ =	swait.ge [sflag:s22], s20  }
0x9f: {  	s4 =	ssub.s32 $0x0, s20;
	[sflag:s22] =	ssyncset.done $0x0  }
0xa0: {  	[sflag:s22] =	ssyncadd.s32 s4;
	_ =	sdelay $0x1  }
0xa1: {  	s23 =	simm.s32 $0x1B8B  }
0xa2: {  	_ =	swait.ge [sflag:s23], $0x1  }
0xa3: {  	[sflag:s23] =	ssyncset.done $0x0  }
0xa4: {  	s25 =	simm.s32 $0x1B8E;
	s24 =	sld [smem:$0x3FFE];
	[sflag:s23] =	ssyncadd.s32 $0xFFFFFFFF  }
0xa5: {  	s26 =	simm.s32 $execute0_lowered;
	[smem:$0x3FD2] =	sst s25  }
0xa6: {  	s5 =	sshll.u32 s26, $0x1;
	_ =	strace $0x80000046;
	[dreg:$0x1] =	wrdreg $0xFFFFFFFF  }
0xa7: {  	s28 =	simm.s32 $_size_execute0_lowered;
	s3 =	sadd.s32 s3, s5;
	[dreg:$0x0] =	wrdreg $0x0  }
0xa8: {  	s5 =	sshll.u32 s28, $0x1;
	[dreg:$0x2] =	wrdreg s3  }
0xa9: {  	[dreg:$0x3] =	wrdreg s5  }
0xaa: {  	[dreg:$0x4] =	wrdreg $0xC0  }
0xab: {  	_ =	task [dreg:s7], $0x5FFFF  }
0xac: {  	[dreg:$0x1] =	wrdreg $0xFFFFFFFF  }
0xad: {  	[dreg:$0x0] =	wrdreg $0x60  }
0xae: {  	[dreg:$0x2] =	wrdreg s24  }
0xaf: {  	[dreg:$0x3] =	wrdreg s2  }
0xb0: {  	[dreg:$0x4] =	wrdreg $0x9  }
0xb1: {  	_ =	task.clear_ibuf [dreg:s7], $0x5FFFF;
	_ =	strace $0x90000046  }
0xb2: {  	s29 =	simm.s32 $0x9;
	_ =	strace $0x80000048  }
0xb3: {  	_ =	swait.ge [sflag:s29], $0x1  }
0xb4: {  	[sflag:s29] =	ssyncadd.s32 $0xFFFFFFFF  }
0xb5: {  	_ =	strace $0x90000048  }
0xb6: {  	_ =	sfence  }
0xb7: {  	s30 =	sld [smem:$0x0];
	_ =	sdelay $0x2  }
0xb8: {  	s31 =	sshll.u32 s1, $0xD;
	s1 =	sshrl.u32 s1, $0x2  }
0xb9: {  	s3 =	sand.u32 $0x4000, s31;
	s1 =	sadd.s32 s1, s30  }
0xba: {  	s0 =	sor.u32 s3, s0;
	s1 =	sshll.u32 s1, $0x11  }
0xbb: {  	s0 =	sor.u32 s1, s0  }
0xbc: {  	s0 =	sadd.s32 $0x8F2B, s0  }
0xbd: {  	[sflag:s0] =	ssyncadd.remote.s32 $0x1  }
0xbe: {  	_ =	sfence.sel $0xFFFF  }
0xbf: {  	[dreg:$0x0] =	wrdreg $0xFFFFFFFF;
	(pc) =	sbr.abs _section_cstart, $3  }
0xc0: {  	[dreg:$0x1] =	wrdreg $0xFFFFFFFF  }
0xc1: {  	_ =	task.clear_ibuf [dreg:s7], $0x2FFFF;
	_ =	strace $0x9FFFFFFF  }
0xc2: {  	(tm) =	ssettm $0x7FFFFFFF  }
0xc3: {  	_ =	shalt  }
tec
execute0_lowered:
.L_overlay_start_1:
0x0: {  	(tag) =	ssettag $0x1  }
0x1: {  	s1 =	rddreg [dreg:$0x0];
	s17 =	simm.s32 $0x0;
	v52 =	vlaneseq.u32  }
0x2: {  	[smem:$0x7FF] =	sst s17;
	v28 =	vor.u32 $0x10, v52  }
0x3: {  	s2 =	rddreg [dreg:$0x1];
	v26 =	vor.u32 $0x20, v52;
	_ =	strace $0x80000047;
	[tilespmem:$0x1FF10] =	vst v28  }
0x4: {  	v25 =	vor.u32 $0x30, v52;
	[tilespmem:$0x1FF20] =	vst v26  }
0x5: {  	v31 =	vor.u32 $0x40, v52;
	[tilespmem:$0x1FF30] =	vst v25  }
0x6: {  	v49 =	vor.u32 $0x50, v52;
	[tilespmem:$0x1FF40] =	vst v31  }
0x7: {  	v50 =	vor.u32 $0x440, v52;
	[tilespmem:$0x1FF50] =	vst v49  }
0x8: {  	v6 =	vor.u32 $0x60, v52;
	[tilespmem:$0x1FF60] =	vst v50  }
0x9: {  	v7 =	vor.u32 $0x70, v52;
	[tilespmem:$0x1FF70] =	vst v6  }
0xa: {  	v8 =	vor.u32 $0x400, v52;
	[tilespmem:$0x1FF80] =	vst v7  }
0xb: {  	s0 =	srdreg.scid;
	v9 =	vor.u32 $0x410, v52;
	[tilespmem:$0x1FF90] =	vst v8  }
0xc: {  	s0 =	sand.u32 $0x1, s0;
	v10 =	vor.u32 $0x420, v52;
	[tilespmem:$0x1FFA0] =	vst v9  }
0xd: {  	s4 =	stileid.u32;
	v18 =	vor.u32 $0x430, v52;
	s3 =	sshll.u32 s0, $0x4;
	[tilespmem:$0x1FFB0] =	vst v10  }
0xe: {  	s11 =	simm.s32 $0x1;
	s12 =	simm.s32 $0x2;
	v56 =	vor.u32 $0x470, v52;
	[tilespmem:$0x1FFC0] =	vst v18;
	s3 =	sor.u32 s4, s3  }
0xf: {  	s13 =	simm.s32 $0x680;
	s14 =	simm.s32 $0x1380;
	v23 =	vor.u32 $0x450, v52;
	[tilespmem:$0x1FFD0] =	vst v56;
	s7 =	smul.u32 $0x140, s3  }
0x10: {  	s15 =	simm.s32 $0x3;
	s16 =	simm.s32 $0x4;
	s25 =	simm.s32 $0x1A00;
	v61 =	vor.u32 $0x460, v52;
	[tilespmem:$0x1FFE0] =	vst v23  }
0x11: {  	s26 =	simm.s32 $0x7280;
	s28 =	simm.s32 $0x1BA80;
	[tilespmem:$0x1FFF0] =	vst v61;
	s8 =	sadd.s32 $0x140, s7;
	v3 =	vmov s7  }
0x12: {  	s5 =	sadd.s32 $0x4F200, s1;
	s6 =	sadd.s32 $0x1000, s1;
	s0 =	ssub.s32 $0x2, s0;
	v4 =	vmov s8;
	v0 =	vsub.s32 $0x0, v3;
	[tilespmem:$0x1FED0] =	vst v3  }
0x13: {  	s30 =	sshrl.u32 s0, $0x1;
	s3 =	smul.u32 $0x2800, s3;
	s10 =	sshll.u32 s8, $0xE;
	v51 =	vbroadcast v0, $0x0;
	v0 =	vand.u32 $0x7, v52;
	[tilespmem:$0x1FEF0] =	vst v4  }
.Ltmp0:
0x14: {  	s4 =	sadd.s32 $0x54200, s1;
	s0 =	ssub.s32 s0, s30;
	v1 =	vmov s10;
	[tilespmem:$0x1FEA0] =	vst v0;
	v0 =	vshrl.u32 v52, $0x3;
	(pc) =	sbr.rel .LBB2_1-.Ltmp0, $4  }
0x15: {  	s0 =	smax.u32 s0, $0x1;
	s9 =	sshrl.u32 s7, $0x3;
	s3 =	sadd.s32 s3, s1;
	[tilespmem:$0x1FEE0] =	vst v1;
	v0 =	vmul.u32 $0x8, v0  }
0x16: {  	[dreg:$0x5] =	wrdreg s0;
	s1 =	sadd.s32 s9, s1;
	s3 =	sadd.s32 $0x59800, s3;
	[tilespmem:$0x1FF00] =	vst v51  }
0x17: {  	s31 =	simm.s32 $0x0;
	[dreg:$0x3] =	wrdreg s3;
	s1 =	sadd.s32 $0x59200, s1;
	[tilespmem:$0x1FEB0] =	vst v0;
	v0 =	vor.u32 $0x8, v52  }
0x18: {  	v2 =	vimm.f32 $0.0e+00;
	v35 =	vimm.s32 $0x0;
	vm0 =	vmmov $0xffff;
	s10 =	simm.s32 $0xD00;
	s3 =	simm.s32 $0x0;
	[dreg:$0x4] =	wrdreg s1;
	[tilespmem:$0x1FEC0] =	vst v0  }
.LBB2_17:
0x19: {  	_ =	swait.ge [sflag:s11], $0x1000  }
0x1a: {  	[sflag:s11] =	ssyncset.done $0x0  }
0x1b: {  	[sflag:s11] =	ssyncadd.s32 $0xFFFFF000  }
0x1c: {  	_ =	swait.ge [sflag:s12], $0x1000  }
0x1d: {  	s17 =	simm.s32 $0x0;
	[sflag:s12] =	ssyncset.done $0x0  }
0x1e: {  	s1 =	simm.s32 $0x5;
	s0 =	rddreg [dreg:$0x3];
	[sflag:s12] =	ssyncadd.s32 $0xFFFFF000  }
0x1f: {  	[hbm4b:s0+s17] =	stream.linear.scatter [tilespmem:s26], [sflag:$0x5], $0x14000, $0x38;
	[tilespmem:$0x1BC00] =	vst v63  }
0x20: {  	_ =	swait.ge [sflag:s1], $0x14000  }
0x21: {  	[sflag:s1] =	ssyncset.done $0x0  }
0x22: {  	s29 =	rddreg [dreg:$0x4];
	[sflag:s1] =	ssyncadd.s32 $0xFFFEC000  }
0x23: {  	[hbm4b:s29+s17] =	stream.linear.scatter [tilespmem:s28], [sflag:$0x5], $0x140, $0x38;
	[tilespmem:$0x1BC00] =	vst v63  }
0x24: {  	_ =	swait.ge [sflag:s1], $0x140  }
0x25: {  	s3 =	rddreg [dreg:$0x6]  }
0x26: {  	s30 =	rddreg [dreg:$0x5];
	s3 =	sadd.s32 $0x1, s3  }
0x27: {  	p0 =	sne.s32 s3, s30  }
.Ltmp1:
0x28: {  	v1 =	vld [tilespmem:$0x1FEE0];
	(pc) =	sbr.rel @!p0 .LBB2_18-.Ltmp1, $3  }
0x29: {  	_ =	sdelay $0x1  }
0x2a: {  	[sflag:s1] =	ssyncset.done $0x0;
	v3 =	vld [tilespmem:$0x1FED0]  }
0x2b: {  	v2 =	vimm.f32 $0.0e+00;
	v4 =	vld [tilespmem:$0x1FEF0];
	[sflag:s1] =	ssyncadd.s32 $0xFFFFFEC0  }
.LBB2_1:
0x2c: {  	s0 =	sand.u32 $0x1F800, s17;
	s1 =	sand.u32 $0x380, s17  }
0x2d: {  	s0 =	sor.u32 s1, s0  }
0x2e: {  	[tilespmem:s0+$0x76F0] =	vst v2  }
0x2f: {  	[tilespmem:s0+$0x7280] =	vst v2  }
0x30: {  	[tilespmem:s0+$0x7290] =	vst v2  }
0x31: {  	[tilespmem:s0+$0x72A0] =	vst v2  }
0x32: {  	[tilespmem:s0+$0x72B0] =	vst v2  }
0x33: {  	[tilespmem:s0+$0x72C0] =	vst v2  }
0x34: {  	[tilespmem:s0+$0x72D0] =	vst v2  }
0x35: {  	[tilespmem:s0+$0x72E0] =	vst v2  }
0x36: {  	[tilespmem:s0+$0x72F0] =	vst v2  }
0x37: {  	[tilespmem:s0+$0x7680] =	vst v2  }
0x38: {  	[tilespmem:s0+$0x7690] =	vst v2  }
0x39: {  	[tilespmem:s0+$0x76A0] =	vst v2  }
0x3a: {  	[tilespmem:s0+$0x76B0] =	vst v2  }
0x3b: {  	[dreg:$0x6] =	wrdreg s3;
	s30 =	simm.s32 $0x100;
	s1 =	simm.s32 $0x80;
	[tilespmem:s0+$0x76C0] =	vst v2  }
0x3c: {  	s3 =	simm.s32 $0x200;
	s7 =	sand.u32 $0x1F800, s30;
	s8 =	sand.u32 $0x380, s1;
	[tilespmem:s0+$0x76D0] =	vst v2  }
.LBB2_2:
0x3d: {  	p0 =	sne.s32 s3, $0x14000;
	[tilespmem:s0+$0x76E0] =	vst v2;
	s0 =	sor.u32 s8, s7  }
0x3e: {  	[tilespmem:s0+$0x76F0] =	vst v2  }
0x3f: {  	[tilespmem:s0+$0x7280] =	vst v2  }
0x40: {  	[tilespmem:s0+$0x7290] =	vst v2  }
0x41: {  	[tilespmem:s0+$0x72A0] =	vst v2  }
0x42: {  	[tilespmem:s0+$0x72B0] =	vst v2  }
0x43: {  	[tilespmem:s0+$0x72C0] =	vst v2  }
0x44: {  	[tilespmem:s0+$0x72D0] =	vst v2  }
0x45: {  	[tilespmem:s0+$0x72E0] =	vst v2  }
0x46: {  	[tilespmem:s0+$0x72F0] =	vst v2  }
0x47: {  	[tilespmem:s0+$0x7680] =	vst v2  }
.Ltmp2:
0x48: {  	[tilespmem:s0+$0x7690] =	vst v2;
	(pc) =	sbr.rel @p0 .LBB2_2-.Ltmp2, $4  }
0x49: {  	[tilespmem:s0+$0x76A0] =	vst v2  }
0x4a: {  	[tilespmem:s0+$0x76B0] =	vst v2  }
0x4b: {  	s1 =	sadd.s32 $0x80, s1;
	[tilespmem:s0+$0x76C0] =	vst v2  }
0x4c: {  	s7 =	sand.u32 $0x1F800, s3;
	s3 =	sadd.s32 $0x100, s3;
	s8 =	sand.u32 $0x380, s1;
	[tilespmem:s0+$0x76D0] =	vst v2  }
0x4d: {  	s1 =	sor.u32 s8, s7;
	[tilespmem:s0+$0x76E0] =	vst v2  }
0x4e: {  	[tilespmem:s1+$0x76F0] =	vst v2  }
0x4f: {  	[tilespmem:s1+$0x7280] =	vst v2  }
0x50: {  	[tilespmem:s1+$0x7290] =	vst v2  }
0x51: {  	[tilespmem:s1+$0x72A0] =	vst v2  }
0x52: {  	[tilespmem:s1+$0x72B0] =	vst v2  }
0x53: {  	[tilespmem:s1+$0x72C0] =	vst v2  }
0x54: {  	[tilespmem:s1+$0x72D0] =	vst v2  }
0x55: {  	[tilespmem:s1+$0x72E0] =	vst v2  }
0x56: {  	[tilespmem:s1+$0x72F0] =	vst v2  }
0x57: {  	[tilespmem:s1+$0x7680] =	vst v2  }
0x58: {  	[tilespmem:s1+$0x7690] =	vst v2  }
0x59: {  	[tilespmem:s1+$0x76A0] =	vst v2  }
0x5a: {  	[tilespmem:s1+$0x76B0] =	vst v2  }
0x5b: {  	[tilespmem:s1+$0x76C0] =	vst v2  }
0x5c: {  	[tilespmem:s1+$0x76D0] =	vst v2  }
0x5d: {  	[tilespmem:s1+$0x76E0] =	vst v2  }
0x5e: {  	[tilespmem:$0x1BA80] =	vst v2  }
0x5f: {  	[tilespmem:$0x1BA90] =	vst v2  }
0x60: {  	[tilespmem:$0x1BAA0] =	vst v2  }
0x61: {  	[tilespmem:$0x1BAB0] =	vst v2  }
0x62: {  	[tilespmem:$0x1BAC0] =	vst v2  }
0x63: {  	[tilespmem:$0x1BAD0] =	vst v2  }
0x64: {  	[tilespmem:$0x1BAE0] =	vst v2  }
0x65: {  	[tilespmem:$0x1BAF0] =	vst v2  }
0x66: {  	[tilespmem:$0x1BB00] =	vst v2  }
0x67: {  	[tilespmem:$0x1BB10] =	vst v2  }
0x68: {  	[tilespmem:$0x1BB20] =	vst v2  }
0x69: {  	[tilespmem:$0x1BB30] =	vst v2  }
0x6a: {  	[tilespmem:$0x1BB40] =	vst v2  }
0x6b: {  	[tilespmem:$0x1BB50] =	vst v2  }
0x6c: {  	[tilespmem:$0x1BB60] =	vst v2  }
0x6d: {  	[tilespmem:$0x1BB70] =	vst v2  }
0x6e: {  	[tilespmem:$0x1BB80] =	vst v2  }
0x6f: {  	[tilespmem:$0x1BB90] =	vst v2  }
0x70: {  	[tilespmem:$0x1BBA0] =	vst v2  }
0x71: {  	[tilespmem:$0x1BBB0] =	vst v2  }
0x72: {  	s0 =	simm.s32 $0x40;
	s1 =	simm.s32 $0x0;
	[tilespmem:$0x1BBC0] =	vst v2  }
.LBB2_4:
0x73: {  	p0 =	sne.s32 s0, $0x5840;
	[tilespmem:s1+$0x1A00] =	vst v1;
	s1 =	smov.u32 s0;
	s0 =	sadd.s32 $0x40, s0  }
.Ltmp3:
0x74: {  	(pc) =	sbr.rel @p0 .LBB2_4-.Ltmp3, $2  }
0x75: {  	_ =	sdelay $0x2  }
0x76: {  	s1 =	sshra.s32 s1, $0x2  }
0x77: {  	[tilespmem:s1+$0x1A00] =	vst v1;
	s0 =	simm.s32 $0x0  }
0x78: {  	[tilespmem:s0], [sflag:$0x1] =	stream.linear.gather [hbm4b:s4+s0], $0x640, $0x38;
	[tilespmem:$0x1BC00] =	vst v63  }
0x79: {  	s3 =	simm.s32 $0x0;
	s1 =	simm.s32 $0x0  }
0x7a: {  	[tilespmem:s10], [sflag:$0x2] =	stream.linear.gather [hbm4b:s5+s0], $0x640, $0x38;
	[tilespmem:$0x1BC00] =	vst v63  }
.LBB2_6:
0x7b: {  	_ =	swait.ge [sflag:s11], $0x640  }
0x7c: {  	[sflag:s11] =	ssyncset.done $0x0  }
0x7d: {  	s7 =	smul.u32 $0x190, s1;
	[sflag:s11] =	ssyncadd.s32 $0xFFFFF9C0  }
0x7e: {  	_ =	swait.ge [sflag:s12], $0x640  }
0x7f: {  	s7 =	sadd.s32 $0xC8, s7;
	[sflag:s12] =	ssyncset.done $0x0  }
0x80: {  	s8 =	sadd.s32 s4, s7;
	[sflag:s12] =	ssyncadd.s32 $0xFFFFF9C0  }
0x81: {  	[tilespmem:s13], [sflag:$0x3] =	stream.linear.gather [hbm4b:s8+s0], $0x640, $0x38;
	[tilespmem:$0x1BC00] =	vst v63  }
0x82: {  	s30 =	simm.s32 $0x0;
	s7 =	sadd.s32 s5, s7  }
0x83: {  	[tilespmem:s14], [sflag:$0x4] =	stream.linear.gather [hbm4b:s7+s0], $0x640, $0x38;
	[tilespmem:$0x1BC00] =	vst v63  }
0x84: {  	v0 =	vld [tilespmem:s30+$0x0];
	_ =	sdelay $0x4  }
0x85: {  	vm1 =	vge.s32 v0, v3;
	vm2 =	vlt.s32 v0, v4  }
0x86: {  	vm1 =	vmand vm1, vm2  }
0x87: {  	v2 =	vmpcnt.ones.xlane vm1;
	_ =	sdelay $0x1  }
0x88: {  	v1 =	vld [tilespmem:s30+$0xD00];
	(v2sf) =	vpush v2, $0x0;
	_ =	sdelay $0x3  }
0x89: {  	p0 =	slt.s32 s3, $0x15E0;
	s7 =	smov.u32 s3;
	v0 =	vshll.u32 v0, $0xE  }
0x8a: {  	s7 =	simm.s32 @!p0 $0x15E0;
	v0 =	vadd.s32 v1, v0  }
0x8b: {  	s8 =	simm.s32 $0x10;
	[tilespmem:s7+$0x1A00] =	vst.msk vm1, v0;
	s7 =	simm.s32 $0x80  }
.LBB2_7:
0x8c: {  	p0 =	sne.s32 s7, $0x18C0;
	v0 =	vld [tilespmem:s8+$0x0];
	_ =	sdelay $0x4  }
0x8d: {  	vm1 =	vge.s32 v0, v3;
	vm2 =	vlt.s32 v0, v4;
	v0 =	vshll.u32 v0, $0xE  }
0x8e: {  	v1 =	vld [tilespmem:s8+$0xD00];
	vm1 =	vmand vm1, vm2  }
0x8f: {  	v2 =	vmpcnt.ones.xlane vm1  }
0x90: {  	s8 =	spop (v2sf)  }
0x91: {  	(v2sf) =	vpush v2, $0x0;
	s3 =	sadd.s32 s3, s8  }
0x92: {  	p1 =	slt.s32 s3, $0x15E0;
	s8 =	smov.u32 s3  }
.Ltmp4:
0x93: {  	s8 =	simm.s32 @!p1 $0x15E0;
	v0 =	vadd.s32 v1, v0;
	(pc) =	sbr.rel @p0 .LBB2_7-.Ltmp4, $2  }
0x94: {  	[tilespmem:s8+$0x1A00] =	vst.msk vm1, v0;
	_ =	sdelay $0x2  }
0x95: {  	s8 =	sshra.s32 s7, $0x2;
	s7 =	sadd.s32 $0x40, s7  }
0x96: {  	v0 =	vld [tilespmem:s8+$0x0];
	_ =	sdelay $0x4  }
0x97: {  	vm1 =	vge.s32 v0, v3;
	vm2 =	vlt.s32 v0, v4  }
0x98: {  	vm1 =	vmand vm1, vm2  }
0x99: {  	v1 =	vmpcnt.ones.xlane vm1;
	_ =	sdelay $0x1  }
0x9a: {  	(v2sf) =	vpush v1, $0x0;
	_ =	sdelay $0x8  }
0x9b: {  	v1 =	vld [tilespmem:s8+$0xD00];
	_ =	sdelay $0x1  }
0x9c: {  	s7 =	spop (v2sf)  }
0x9d: {  	s3 =	sadd.s32 s3, s7  }
0x9e: {  	v0 =	vshll.u32 v0, $0xE;
	p0 =	slt.s32 s3, $0x15E0;
	s7 =	smov.u32 s3  }
0x9f: {  	s7 =	simm.s32 @!p0 $0x15E0;
	v0 =	vadd.s32 v1, v0  }
0xa0: {  	s29 =	sshll.u32 s1, $0x1;
	[tilespmem:s7+$0x1A00] =	vst.msk vm1, v0;
	s24 =	spop (v2sf)  }
0xa1: {  	s8 =	smin.u32 s29, $0x61;
	_ =	swait.ge [sflag:s15], $0x640  }
0xa2: {  	s8 =	smul.u32 $0x640, s8;
	[sflag:s15] =	ssyncset.done $0x0  }
0xa3: {  	[sflag:s15] =	ssyncadd.s32 $0xFFFFF9C0  }
0xa4: {  	s8 =	sshrl.u32 s8, $0x3;
	_ =	swait.ge [sflag:s16], $0x640  }
0xa5: {  	s8 =	sadd.s32 $0x190, s8;
	[sflag:s16] =	ssyncset.done $0x0  }
0xa6: {  	s17 =	simm.s32 $0x0;
	s9 =	sadd.s32 s4, s8;
	[sflag:s16] =	ssyncadd.s32 $0xFFFFF9C0  }
0xa7: {  	[tilespmem:s17], [sflag:$0x1] =	stream.linear.gather [hbm4b:s9+s17], $0x640, $0x38;
	[tilespmem:$0x1BC00] =	vst v63  }
0xa8: {  	s30 =	simm.s32 $0x0;
	s8 =	sadd.s32 s5, s8  }
0xa9: {  	[tilespmem:s10], [sflag:$0x2] =	stream.linear.gather [hbm4b:s8+s17], $0x640, $0x38;
	[tilespmem:$0x1BC00] =	vst v63  }
0xaa: {  	v0 =	vld [tilespmem:s30+$0x680];
	_ =	sdelay $0x4  }
0xab: {  	vm1 =	vge.s32 v0, v3;
	vm2 =	vlt.s32 v0, v4  }
0xac: {  	vm1 =	vmand vm1, vm2  }
0xad: {  	v2 =	vmpcnt.ones.xlane vm1;
	_ =	sdelay $0x1  }
0xae: {  	v1 =	vld [tilespmem:s30+$0x1380];
	(v2sf) =	vpush v2, $0x0;
	_ =	sdelay $0x2  }
0xaf: {  	s3 =	sadd.s32 s3, s24  }
0xb0: {  	p0 =	slt.s32 s3, $0x15E0;
	s7 =	smov.u32 s3;
	v0 =	vshll.u32 v0, $0xE  }
0xb1: {  	s7 =	simm.s32 @!p0 $0x15E0;
	v0 =	vadd.s32 v1, v0  }
0xb2: {  	s8 =	simm.s32 $0x10;
	[tilespmem:s7+$0x1A00] =	vst.msk vm1, v0;
	s7 =	simm.s32 $0x80  }
.LBB2_9:
0xb3: {  	p0 =	sne.s32 s7, $0x18C0;
	v0 =	vld [tilespmem:s8+$0x680];
	_ =	sdelay $0x4  }
0xb4: {  	vm1 =	vge.s32 v0, v3;
	vm2 =	vlt.s32 v0, v4;
	v0 =	vshll.u32 v0, $0xE  }
0xb5: {  	v1 =	vld [tilespmem:s8+$0x1380];
	vm1 =	vmand vm1, vm2  }
0xb6: {  	v2 =	vmpcnt.ones.xlane vm1  }
0xb7: {  	s8 =	spop (v2sf)  }
0xb8: {  	(v2sf) =	vpush v2, $0x0;
	s3 =	sadd.s32 s3, s8  }
0xb9: {  	p1 =	slt.s32 s3, $0x15E0;
	s8 =	smov.u32 s3  }
.Ltmp5:
0xba: {  	s8 =	simm.s32 @!p1 $0x15E0;
	v0 =	vadd.s32 v1, v0;
	(pc) =	sbr.rel @p0 .LBB2_9-.Ltmp5, $2  }
0xbb: {  	[tilespmem:s8+$0x1A00] =	vst.msk vm1, v0;
	_ =	sdelay $0x2  }
0xbc: {  	s8 =	sshra.s32 s7, $0x2;
	s7 =	sadd.s32 $0x40, s7  }
0xbd: {  	v0 =	vld [tilespmem:s8+$0x680];
	_ =	sdelay $0x4  }
0xbe: {  	vm1 =	vge.s32 v0, v3;
	vm2 =	vlt.s32 v0, v4  }
0xbf: {  	vm1 =	vmand vm1, vm2  }
0xc0: {  	v1 =	vmpcnt.ones.xlane vm1;
	_ =	sdelay $0x1  }
0xc1: {  	(v2sf) =	vpush v1, $0x0;
	_ =	sdelay $0x7  }
0xc2: {  	s7 =	spop (v2sf)  }
0xc3: {  	s3 =	sadd.s32 s3, s7  }
0xc4: {  	s1 =	sadd.s32 $0x1, s1;
	v1 =	vld [tilespmem:s8+$0x1380];
	p0 =	slt.s32 s3, $0x15E0;
	s7 =	smov.u32 s3  }
0xc5: {  	s7 =	simm.s32 @!p0 $0x15E0;
	p0 =	sne.s32 s1, $0x32  }
.Ltmp6:
0xc6: {  	_ = 	snop;
	(pc) =	sbr.rel @p0 .LBB2_6-.Ltmp6, $4  }
0xc7: {  	_ = 	snop  }
0xc8: {  	v0 =	vshll.u32 v0, $0xE  }
0xc9: {  	v0 =	vadd.s32 v1, v0;
	s30 =	spop (v2sf)  }
0xca: {  	[tilespmem:s7+$0x1A00] =	vst.msk vm1, v0;
	s3 =	sadd.s32 s3, s30  }
0xcb: {  	_ =	swait.ge [sflag:s11], $0x640  }
0xcc: {  	[sflag:s11] =	ssyncset.done $0x0  }
0xcd: {  	[sflag:s11] =	ssyncadd.s32 $0xFFFFF9C0  }
0xce: {  	_ =	swait.ge [sflag:s12], $0x640  }
0xcf: {  	[sflag:s12] =	ssyncset.done $0x0  }
0xd0: {  	[sflag:s12] =	ssyncadd.s32 $0xFFFFF9C0  }
0xd1: {  	v0 =	vld [tilespmem:$0x1A00];
	_ =	sdelay $0x4  }
0xd2: {  	v1 =	vshra.s32 v0, $0x1F  }
0xd3: {  	v1 =	vshrl.u32 v1, $0x12  }
0xd4: {  	v1 =	vadd.s32 v1, v0  }
0xd5: {  	v1 =	vshra.s32 v1, $0xE  }
0xd6: {  	v2 =	vshll.u32 v1, $0xE  }
0xd7: {  	vm1 =	vlt.s32 v0, $0x1;
	vm2 =	vne.s32 v0, v2  }
0xd8: {  	vm1 =	vmand vm1, vm2  }
0xd9: {  	v60 =	vsel vm1, $0xFFFFFFFF, v35  }
0xda: {  	v1 =	vadd.s32 v60, v1  }
0xdb: {  	vm1 =	vlt.s32 v1, $0x270F  }
0xdc: {  	v1 =	vnsel vm1, $0x270F, v1  }
0xdd: {  	[tilespmem:$0x3080] =	vst v1  }
0xde: {  	v1 =	vld [tilespmem:$0x3080];
	_ =	sdelay $0x2  }
0xdf: {  	v3 =	vld [tilespmem:$0x1FEA0]  }
0xe0: {  	v4 =	vld [tilespmem:$0x1FEB0]  }
0xe1: {  	v5 =	vld [tilespmem:$0x1FEC0];
	v62 =	vshll.u32 v1, $0x1  }
0xe2: {  	v1 =	vand.u32 $0x7, v1;
	v2 =	vand.u32 $0xFFFFFFF0, v62  }
0xe3: {  	v1 =	vor.u32 v1, v2  }
0xe4: {  	v2 =	vperm.xlane v1, v3;
	_ =	sdelay $0x1  }
0xe5: {  	v1 =	vperm.xlane v1, v5;
	v2 =	vadd.s32 v4, v2;
	_ =	sdelay $0x1  }
0xe6: {  	p0 =	slt.s32 s3, $0x15E0;
	v1 =	vadd.s32 v4, v1  }
0xe7: {  	p1 =	slt.s32 s3, $0xFFFFFFF2;
	s3 =	simm.s32 @!p0 $0x15E0;
	v0 =	vand.u32 $0x3FFF, v0  }
0xe8: {  	s0 =	simm.s32 $0x3280;
	s21 =	sadd.s32 $0xF, s3;
	[tilespmem:$0x3180] =	vst v0  }
0xe9: {  	[tilespmem:s0], [sflag:$0x1] =	stream.indirect_vreg.gather [hbm4b:s2+s31], $0x80, v2, vm0, $0xb8;
	[tilespmem:$0x1BC00] =	vst v63  }
0xea: {  	s20 =	simm.s32 $0x3A80;
	s1 =	sand.u32 $0xF, s21  }
0xeb: {  	[tilespmem:s20], [sflag:$0x1] =	stream.indirect_vreg.gather [hbm4b:s2+s31], $0x80, v1, vm0, $0xb8;
	[tilespmem:$0x1BC00] =	vst v63  }
0xec: {  	s3 =	sshra.s32 s21, $0x1F;
	p4 =	sne.s32 s1, $0x0;
	v0 =	vld [tilespmem:$0x3180]  }
0xed: {  	s22 =	sshrl.u32 s3, $0x1C;
	p0 =	por !p1, !p4  }
0xee: {  	s1 =	simm.s32 $0x1;
	p0 =	por !p0, !p0;
	s0 =	sadd.s32 s22, s21  }
0xef: {  	s1 =	simm.s32 @!p0 $0x0;
	s0 =	sshra.s32 s0, $0x4  }
0xf0: {  	s0 =	ssub.s32 s0, s1  }
0xf1: {  	s1 =	sadd.s32 $0x1, s0;
	v63 =	vshll.u32 v0, $0x1  }
0xf2: {  	s23 =	sand.u32 $0x1, s1;
	v0 =	vand.u32 $0x7, v0;
	v1 =	vand.u32 $0xFFFFFFF0, v63  }
0xf3: {  	p5 =	slt.s32 s0, $0x0;
	p6 =	seq.s32 s23, $0x1;
	v0 =	vor.u32 v0, v1  }
0xf4: {  	s24 =	sshrl.u32 s1, $0x1F;
	p0 =	por !p5, !p6;
	v1 =	vperm.xlane v0, v3  }
0xf5: {  	s0 =	sadd.s32 s24, s1;
	s1 =	simm.s32 $0x1;
	p0 =	por !p0, !p0  }
0xf6: {  	s0 =	sshra.s32 s0, $0x1;
	s1 =	simm.s32 @!p0 $0x0;
	v0 =	vperm.xlane v0, v5;
	v1 =	vadd.s32 v4, v1  }
0xf7: {  	s0 =	ssub.s32 s0, s1  }
0xf8: {  	p0 =	slt.s32 s0, $0x1;
	v0 =	vadd.s32 v4, v0  }
.Ltmp7:
0xf9: {  	_ = 	snop;
	(pc) =	sbr.rel @p0 .LBB2_17-.Ltmp7, $4  }
0xfa: {  	s29 =	simm.s32 $0x5280  }
0xfb: {  	[tilespmem:s29], [sflag:$0x2] =	stream.indirect_vreg.gather [hbm4b:s6+s31], $0x80, v1, vm0, $0xb8;
	[tilespmem:$0x1BC00] =	vst v63  }
0xfc: {  	s30 =	simm.s32 $0x5A80;
	s7 =	simm.s32 $0x0;
	s1 =	simm.s32 $0x0  }
0xfd: {  	[tilespmem:s30], [sflag:$0x2] =	stream.indirect_vreg.gather [hbm4b:s6+s31], $0x80, v0, vm0, $0xb8;
	[tilespmem:$0x1BC00] =	vst v63  }
.LBB2_12:
0xfe: {  	s3 =	sshll.u32 s7, $0x5  }
0xff: {  	v0 =	vld [tilespmem:s3+$0x1A10];
	_ =	sdelay $0x4  }
0x100: {  	v1 =	vshra.s32 v0, $0x1F  }
0x101: {  	v1 =	vshrl.u32 v1, $0x12  }
0x102: {  	v1 =	vadd.s32 v1, v0  }
0x103: {  	v1 =	vshra.s32 v1, $0xE  }
0x104: {  	v2 =	vshll.u32 v1, $0xE  }
0x105: {  	vm1 =	vlt.s32 v0, $0x1;
	vm2 =	vne.s32 v0, v2  }
0x106: {  	vm1 =	vmand vm1, vm2  }
0x107: {  	v2 =	vsel vm1, $0xFFFFFFFF, v35  }
0x108: {  	v1 =	vadd.s32 v2, v1  }
0x109: {  	v0 =	vand.u32 $0x3FFF, v0;
	vm1 =	vlt.s32 v1, $0x270F  }
0x10a: {  	[tilespmem:$0x3200] =	vst v0;
	v1 =	vnsel vm1, $0x270F, v1  }
0x10b: {  	[tilespmem:$0x3100] =	vst v1  }
0x10c: {  	_ =	swait.ge [sflag:s11], $0x1000  }
0x10d: {  	[sflag:s11] =	ssyncset.done $0x0  }
0x10e: {  	[sflag:s11] =	ssyncadd.s32 $0xFFFFF000  }
0x10f: {  	_ =	swait.ge [sflag:s12], $0x1000  }
0x110: {  	[sflag:s12] =	ssyncset.done $0x0  }
0x111: {  	[sflag:s12] =	ssyncadd.s32 $0xFFFFF000  }
0x112: {  	v0 =	vld [tilespmem:$0x3100];
	_ =	sdelay $0x2  }
0x113: {  	v2 =	vld [tilespmem:$0x1FEA0]  }
0x114: {  	v3 =	vld [tilespmem:$0x1FEB0]  }
0x115: {  	v4 =	vld [tilespmem:$0x1FEC0];
	v1 =	vshll.u32 v0, $0x1  }
0x116: {  	v0 =	vand.u32 $0x7, v0;
	v1 =	vand.u32 $0xFFFFFFF0, v1  }
0x117: {  	v0 =	vor.u32 v0, v1  }
0x118: {  	v1 =	vperm.xlane v0, v2;
	_ =	sdelay $0x1  }
0x119: {  	v0 =	vperm.xlane v0, v4;
	v1 =	vadd.s32 v3, v1;
	_ =	sdelay $0x1  }
0x11a: {  	v0 =	vadd.s32 v3, v0;
	_ =	sdelay $0x1  }
0x11b: {  	s24 =	simm.s32 $0x4280  }
0x11c: {  	[tilespmem:s24], [sflag:$0x3] =	stream.indirect_vreg.gather [hbm4b:s2+s31], $0x80, v1, vm0, $0xb8;
	[tilespmem:$0x1BC00] =	vst v63  }
0x11d: {  	s8 =	simm.s32 $0x4A80  }
0x11e: {  	[tilespmem:s8], [sflag:$0x3] =	stream.indirect_vreg.gather [hbm4b:s2+s31], $0x80, v0, vm0, $0xb8;
	[tilespmem:$0x1BC00] =	vst v63  }
0x11f: {  	v0 =	vld [tilespmem:$0x3200];
	_ =	sdelay $0x4  }
0x120: {  	v1 =	vshll.u32 v0, $0x1  }
0x121: {  	v0 =	vand.u32 $0x7, v0;
	v1 =	vand.u32 $0xFFFFFFF0, v1  }
0x122: {  	v0 =	vor.u32 v0, v1  }
0x123: {  	v1 =	vperm.xlane v0, v2;
	_ =	sdelay $0x1  }
0x124: {  	v0 =	vperm.xlane v0, v4;
	v1 =	vadd.s32 v3, v1;
	_ =	sdelay $0x1  }
0x125: {  	v0 =	vadd.s32 v3, v0  }
0x126: {  	s8 =	simm.s32 $0x0  }
0x127: {  	s9 =	simm.s32 $0x6280;
	s18 =	sand.u32 $0x800, s31;
	s8 =	sand.u32 $0x300, s8  }
0x128: {  	[tilespmem:s9], [sflag:$0x4] =	stream.indirect_vreg.gather [hbm4b:s6+s31], $0x80, v1, vm0, $0xb8;
	[tilespmem:$0x1BC00] =	vst v63  }
0x129: {  	s17 =	simm.s32 $0x6A80;
	s9 =	sor.u32 s8, s18  }
0x12a: {  	[tilespmem:s17], [sflag:$0x4] =	stream.indirect_vreg.gather [hbm4b:s6+s31], $0x80, v0, vm0, $0xb8;
	[tilespmem:$0x1BC00] =	vst v63  }
0x12b: {  	v0 =	vld [tilespmem:s9+$0x5280]  }
0x12c: {  	v1 =	vld [tilespmem:s9+$0x3280];
	_ =	sdelay $0x1  }
0x12d: {  	v2 =	vld [tilespmem:s9+$0x3290]  }
0x12e: {  	v3 =	vld [tilespmem:s9+$0x5290]  }
0x12f: {  	v4 =	vld [tilespmem:s9+$0x32A0];
	v5 =	vunpack.i.l.bf16.f32 v0  }
0x130: {  	v1 =	vmul.f32 v1, v5  }
0x131: {  	v0 =	vunpack.i.u.bf16.f32 v0;
	v5 =	vld [tilespmem:s9+$0x32B0]  }
0x132: {  	v0 =	vmul.f32 v2, v0;
	v2 =	vld [tilespmem:s9+$0x52A0];
	v1 =	vadd.f32 $0.0e+00, v1  }
0x133: {  	v7 =	vld [tilespmem:s9+$0x32C0];
	v6 =	vunpack.i.l.bf16.f32 v3  }
0x134: {  	v0 =	vadd.f32 v0, v1;
	v1 =	vmul.f32 v4, v6  }
0x135: {  	v3 =	vunpack.i.u.bf16.f32 v3;
	v4 =	vld [tilespmem:s9+$0x32D0]  }
0x136: {  	v3 =	vmul.f32 v5, v3;
	v0 =	vadd.f32 v1, v0;
	v1 =	vld [tilespmem:s9+$0x52B0]  }
0x137: {  	v6 =	vld [tilespmem:s9+$0x32E0];
	v5 =	vunpack.i.l.bf16.f32 v2  }
0x138: {  	v0 =	vadd.f32 v3, v0;
	v3 =	vmul.f32 v7, v5  }
0x139: {  	v2 =	vunpack.i.u.bf16.f32 v2;
	v5 =	vld [tilespmem:s9+$0x32F0]  }
0x13a: {  	v7 =	vld [tilespmem:s9+$0x52C0];
	v2 =	vmul.f32 v4, v2;
	v0 =	vadd.f32 v3, v0  }
0x13b: {  	v3 =	vld [tilespmem:s9+$0x3680];
	v4 =	vunpack.i.l.bf16.f32 v1  }
0x13c: {  	v0 =	vadd.f32 v2, v0;
	v2 =	vmul.f32 v6, v4  }
0x13d: {  	v1 =	vunpack.i.u.bf16.f32 v1;
	v4 =	vld [tilespmem:s9+$0x3690]  }
0x13e: {  	v1 =	vmul.f32 v5, v1;
	v0 =	vadd.f32 v2, v0;
	v2 =	vld [tilespmem:s9+$0x52D0]  }
0x13f: {  	v6 =	vld [tilespmem:s9+$0x36A0];
	v5 =	vunpack.i.l.bf16.f32 v7  }
0x140: {  	v3 =	vmul.f32 v3, v5;
	v0 =	vadd.f32 v1, v0  }
0x141: {  	v5 =	vld [tilespmem:s9+$0x36B0];
	v1 =	vunpack.i.u.bf16.f32 v7  }
0x142: {  	v7 =	vld [tilespmem:s9+$0x52E0];
	v1 =	vmul.f32 v4, v1;
	v0 =	vadd.f32 v3, v0  }
0x143: {  	v3 =	vld [tilespmem:s9+$0x36C0];
	v4 =	vunpack.i.l.bf16.f32 v2  }
0x144: {  	v0 =	vadd.f32 v1, v0;
	v1 =	vmul.f32 v6, v4  }
0x145: {  	v2 =	vunpack.i.u.bf16.f32 v2;
	v4 =	vld [tilespmem:s9+$0x36D0]  }
0x146: {  	v0 =	vadd.f32 v1, v0;
	v1 =	vmul.f32 v5, v2;
	v2 =	vld [tilespmem:s9+$0x52F0]  }
0x147: {  	v6 =	vld [tilespmem:s9+$0x36E0];
	v5 =	vunpack.i.l.bf16.f32 v7  }
0x148: {  	v0 =	vadd.f32 v1, v0;
	v1 =	vmul.f32 v3, v5  }
0x149: {  	v3 =	vunpack.i.u.bf16.f32 v7;
	v5 =	vld [tilespmem:s9+$0x36F0]  }
0x14a: {  	s19 =	simm.s32 $0x80;
	v3 =	vmul.f32 v4, v3;
	v0 =	vadd.f32 v1, v0  }
0x14b: {  	s8 =	sand.u32 $0x380, s19;
	v1 =	vunpack.i.l.bf16.f32 v2  }
0x14c: {  	s3 =	sor.u32 s18, s8;
	v0 =	vadd.f32 v3, v0;
	v1 =	vmul.f32 v6, v1  }
0x14d: {  	v2 =	vunpack.i.u.bf16.f32 v2;
	v3 =	vld [tilespmem:s3+$0x5280]  }
0x14e: {  	v0 =	vadd.f32 v1, v0;
	v1 =	vmul.f32 v5, v2;
	v2 =	vld [tilespmem:s3+$0x3280];
	_ =	sdelay $0x1  }
0x14f: {  	v4 =	vld [tilespmem:s3+$0x5290];
	v0 =	vadd.f32 v1, v0  }
0x150: {  	v1 =	vld [tilespmem:s3+$0x3290]  }
0x151: {  	v5 =	vld [tilespmem:s3+$0x32A0];
	(xrf2) =	vadd.scan.msk.f32 $0xffff, v0;
	v0 =	vunpack.i.l.bf16.f32 v3  }
0x152: {  	v0 =	vmul.f32 v2, v0;
	v2 =	vunpack.i.u.bf16.f32 v3;
	v3 =	vld [tilespmem:s3+$0x32B0];
	_ =	sdelay $0x2  }
0x153: {  	v0 =	vadd.f32 $0.0e+00, v0;
	v1 =	vmul.f32 v1, v2;
	v2 =	vld [tilespmem:s3+$0x52A0]  }
0x154: {  	v7 =	vld [tilespmem:s3+$0x32C0];
	v6 =	vunpack.i.l.bf16.f32 v4;
	v4 =	vunpack.i.u.bf16.f32 v4  }
0x155: {  	v0 =	vadd.f32 v1, v0;
	v1 =	vmul.f32 v5, v6;
	v3 =	vmul.f32 v3, v4  }
0x156: {  	v5 =	vld [tilespmem:s3+$0x32D0]  }
0x157: {  	v6 =	vld [tilespmem:s3+$0x52B0];
	v0 =	vadd.f32 v1, v0  }
0x158: {  	v1 =	vld [tilespmem:s3+$0x32E0];
	v4 =	vunpack.i.l.bf16.f32 v2  }
0x159: {  	v4 =	vmul.f32 v7, v4;
	v0 =	vadd.f32 v3, v0;
	v3, _, _ =	vpop (xrf2)  }
0x15a: {  	v2 =	vunpack.i.u.bf16.f32 v2;
	v7 =	vld [tilespmem:s3+$0x32F0];
	(v2sf) =	vpush v3, $0xF  }
0x15b: {  	v2 =	vmul.f32 v5, v2;
	v0 =	vadd.f32 v4, v0;
	v3 =	vld [tilespmem:s3+$0x52C0]  }
0x15c: {  	v5 =	vld [tilespmem:s3+$0x3680];
	v4 =	vunpack.i.l.bf16.f32 v6  }
0x15d: {  	s20 =	sadd.s32 $0xFFFFFFFE, s1;
	v1 =	vmul.f32 v1, v4;
	v0 =	vadd.f32 v2, v0  }
0x15e: {  	s17 =	sadd.s32 $0x2, s20;
	v4 =	vld [tilespmem:s3+$0x3690];
	v2 =	vunpack.i.u.bf16.f32 v6  }
0x15f: {  	v6 =	vld [tilespmem:s3+$0x52D0];
	v0 =	vadd.f32 v1, v0;
	v1 =	vmul.f32 v7, v2;
	v2 =	vmov s17  }
0x160: {  	v7 =	vld [tilespmem:s3+$0x36A0];
	v8 =	vunpack.i.l.bf16.f32 v3;
	v2 =	vand.u32 $0xFFFFFFFE, v2  }
0x161: {  	v5 =	vmul.f32 v5, v8;
	v0 =	vadd.f32 v1, v0;
	v1 =	vbroadcast v2, $0x0  }
0x162: {  	v3 =	vunpack.i.u.bf16.f32 v3;
	v2 =	vld [tilespmem:s3+$0x36B0]  }
0x163: {  	v3 =	vmul.f32 v4, v3;
	v4 =	vld [tilespmem:s3+$0x52E0];
	v0 =	vadd.f32 v5, v0  }
0x164: {  	v8 =	vld [tilespmem:s3+$0x36C0];
	v5 =	vunpack.i.l.bf16.f32 v6  }
0x165: {  	v5 =	vmul.f32 v7, v5;
	v7 =	vld [tilespmem:s3+$0x52F0];
	v0 =	vadd.f32 v3, v0  }
0x166: {  	v6 =	vunpack.i.u.bf16.f32 v6;
	v3 =	vld [tilespmem:s3+$0x36D0]  }
0x167: {  	v2 =	vmul.f32 v2, v6;
	v0 =	vadd.f32 v5, v0;
	v1 =	vld.idx.msk [tilespmem:v1+s25+$0x0], $0xffff  }
0x168: {  	v5 =	vunpack.i.l.bf16.f32 v4  }
0x169: {  	v0 =	vadd.f32 v2, v0;
	v2 =	vmul.f32 v8, v5;
	s21 =	spop (v2sf)  }
0x16a: {  	v4 =	vunpack.i.u.bf16.f32 v4;
	s17 =	smul.f32 $6.250000000e-02, s21  }
0x16b: {  	v5 =	vld [tilespmem:s3+$0x36E0];
	v3 =	vmul.f32 v3, v4;
	v0 =	vadd.f32 v2, v0  }
0x16c: {  	v2 =	vunpack.i.l.bf16.f32 v7;
	v6 =	vshra.s32 v1, $0x1F;
	v4 =	vmov s17  }
0x16d: {  	v8 =	vand.u32 $0x3FFF, v1;
	v6 =	vshrl.u32 v6, $0x12;
	v4 =	vmul.f32 $1.442695020e+00, v4  }
0x16e: {  	v9 =	vld [tilespmem:s3+$0x36F0];
	vm1 =	vlt.s32 v1, $0x1;
	vm2 =	vne.s32 v8, $0x0;
	v6 =	vadd.s32 v6, v1  }
0x16f: {  	vm1 =	vmand vm1, vm2;
	v1 =	vbroadcast v4, $0x0;
	v4 =	vshra.s32 v6, $0xE  }
0x170: {  	v2 =	vmul.f32 v5, v2;
	v5 =	vsel vm1, $0xFFFFFFFF, v35;
	v4 =	vadd.s32 v51, v4  }
0x171: {  	v0 =	vadd.f32 v3, v0;
	v3 =	vadd.s32 v5, v4;
	(erf) = vpow2.f32 v1  }
0x172: {  	v1 =	vunpack.i.u.bf16.f32 v7;
	vm1 =	vgt.s32 v3, $0x0  }
0x173: {  	v0 =	vadd.f32 v2, v0;
	v1 =	vmul.f32 v9, v1;
	v2 =	vnsel vm1, $0x0, v3  }
0x174: {  	v2 =	vmin.u32 v2, $0x140  }
0x175: {  	v0 =	vadd.f32 v1, v0;
	v1 =	vld [tilespmem:s9+$0x5680];
	v3 =	vshll.u32 v2, $0x8;
	v4 =	vshll.u32 v2, $0x7  }
0x176: {  	v3 =	vand.u32 $0x1F800, v3;
	v4 =	vand.u32 $0x380, v4  }
0x177: {  	(xrf2) =	vadd.scan.msk.f32 $0xffff, v0;
	v4 =	vor.u32 v4, v3  }
0x178: {  	v0 =	vor.u32 v52, v4  }
0x179: {  	v5 =	vor.u32 v28, v4  }
0x17a: {  	v6 =	vunpack.i.l.bf16.f32 v1;
	v3 =	vpop (erf)  }
0x17b: {  	v1 =	vunpack.i.u.bf16.f32 v1;
	v6 =	vmul.f32 v3, v6  }
0x17c: {  	v1 =	vmul.f32 v3, v1  }
0x17d: {  	[tilespmem:v0+s26+$0x0] =	vst.idx.add.f32.msk $0xffff, v6  }
0x17e: {  	[tilespmem:v5+s26+$0x0] =	vst.idx.add.f32.msk $0xffff, v1  }
0x17f: {  	v0 =	vld [tilespmem:s9+$0x5690];
	_ =	sdelay $0x1  }
0x180: {  	v5, _, _ =	vpop (xrf2)  }
0x181: {  	(v2sf) =	vpush v5, $0xF;
	v5 =	vor.u32 v26, v4  }
0x182: {  	v7 =	vor.u32 v25, v4  }
0x183: {  	v6 =	vunpack.i.l.bf16.f32 v0  }
0x184: {  	v0 =	vunpack.i.u.bf16.f32 v0;
	v8 =	vmul.f32 v3, v6  }
0x185: {  	v0 =	vmul.f32 v3, v0  }
0x186: {  	[tilespmem:v5+s26+$0x0] =	vst.idx.add.f32.msk $0xffff, v8  }
0x187: {  	s22 =	simm.s32 $0x100;
	s23 =	simm.s32 $0x200;
	s8 =	sadd.s32 $0x3, s20;
	[tilespmem:v7+s26+$0x0] =	vst.idx.add.f32.msk $0xffff, v0  }
0x188: {  	s17 =	sand.u32 $0x300, s22;
	v1 =	vmov s8;
	s8 =	sand.u32 $0x800, s23;
	v0 =	vld [tilespmem:s9+$0x56A0]  }
0x189: {  	s21 =	sor.u32 s17, s8  }
0x18a: {  	v7 =	vld [tilespmem:s21+$0x5280]  }
0x18b: {  	v9 =	vld [tilespmem:s21+$0x3280];
	v8 =	vor.u32 v31, v4  }
0x18c: {  	v11 =	vor.u32 v49, v4;
	v10 =	vld [tilespmem:s21+$0x32B0]  }
0x18d: {  	v13 =	vld [tilespmem:s21+$0x3290];
	v12 =	vunpack.i.l.bf16.f32 v0  }
0x18e: {  	v14 =	vld [tilespmem:s21+$0x5290];
	v0 =	vunpack.i.u.bf16.f32 v0;
	v12 =	vmul.f32 v12, v3  }
0x18f: {  	v15 =	vld [tilespmem:s21+$0x32A0];
	v16 =	vunpack.i.l.bf16.f32 v7;
	v0 =	vmul.f32 v0, v3  }
0x190: {  	[tilespmem:v8+s26+$0x0] =	vst.idx.add.f32.msk $0xffff, v12;
	v8 =	vmul.f32 v9, v16  }
0x191: {  	[tilespmem:v11+s26+$0x0] =	vst.idx.add.f32.msk $0xffff, v0;
	v0 =	vunpack.i.u.bf16.f32 v7  }
0x192: {  	v7 =	vadd.f32 $0.0e+00, v8;
	v0 =	vmul.f32 v13, v0;
	v8 =	vld [tilespmem:s21+$0x52A0]  }
0x193: {  	v9 =	vunpack.i.l.bf16.f32 v14;
	v11 =	vld [tilespmem:s21+$0x32C0]  }
0x194: {  	v0 =	vadd.f32 v0, v7;
	v7 =	vmul.f32 v15, v9  }
0x195: {  	v12 =	vld [tilespmem:s21+$0x32D0];
	v9 =	vunpack.i.u.bf16.f32 v14  }
0x196: {  	v9 =	vmul.f32 v10, v9;
	v0 =	vadd.f32 v7, v0;
	v7 =	vld [tilespmem:s21+$0x52B0]  }
0x197: {  	v13 =	vld [tilespmem:s21+$0x32E0];
	v10 =	vunpack.i.l.bf16.f32 v8  }
0x198: {  	v0 =	vadd.f32 v9, v0;
	v9 =	vmul.f32 v11, v10  }
0x199: {  	v8 =	vunpack.i.u.bf16.f32 v8;
	v10 =	vld [tilespmem:s21+$0x32F0]  }
0x19a: {  	v11 =	vld [tilespmem:s21+$0x52C0];
	v8 =	vmul.f32 v12, v8;
	v0 =	vadd.f32 v9, v0  }
0x19b: {  	v5 =	vld [tilespmem:s21+$0x3680];
	v9 =	vunpack.i.l.bf16.f32 v7  }
0x19c: {  	v0 =	vadd.f32 v8, v0;
	v8 =	vmul.f32 v13, v9  }
0x19d: {  	v7 =	vunpack.i.u.bf16.f32 v7;
	v9 =	vld [tilespmem:s21+$0x3690]  }
0x19e: {  	v7 =	vmul.f32 v10, v7;
	v0 =	vadd.f32 v8, v0;
	v8 =	vld [tilespmem:s21+$0x52D0]  }
0x19f: {  	v12 =	vld [tilespmem:s21+$0x36A0];
	v10 =	vunpack.i.l.bf16.f32 v11  }
0x1a0: {  	v5 =	vmul.f32 v5, v10;
	v0 =	vadd.f32 v7, v0  }
0x1a1: {  	v10 =	vld [tilespmem:s21+$0x36B0];
	v7 =	vunpack.i.u.bf16.f32 v11  }
0x1a2: {  	v11 =	vld [tilespmem:s21+$0x52E0];
	v0 =	vadd.f32 v5, v0;
	v5 =	vmul.f32 v9, v7  }
0x1a3: {  	v7 =	vld [tilespmem:s21+$0x36C0];
	v9 =	vunpack.i.l.bf16.f32 v8  }
0x1a4: {  	v0 =	vadd.f32 v5, v0;
	v5 =	vmul.f32 v12, v9  }
0x1a5: {  	v8 =	vunpack.i.u.bf16.f32 v8;
	v9 =	vld [tilespmem:s21+$0x36D0]  }
0x1a6: {  	v0 =	vadd.f32 v5, v0;
	v5 =	vmul.f32 v10, v8;
	v8 =	vld [tilespmem:s21+$0x52F0]  }
0x1a7: {  	v12 =	vld [tilespmem:s21+$0x36E0];
	v10 =	vunpack.i.l.bf16.f32 v11  }
0x1a8: {  	v0 =	vadd.f32 v5, v0;
	v5 =	vmul.f32 v7, v10  }
0x1a9: {  	v7 =	vunpack.i.u.bf16.f32 v11;
	v10 =	vld [tilespmem:s21+$0x36F0]  }
0x1aa: {  	v59 =	vld [tilespmem:$0x1FF70];
	v7 =	vmul.f32 v9, v7;
	v0 =	vadd.f32 v5, v0  }
0x1ab: {  	v55 =	vld [tilespmem:$0x1FF80];
	v5 =	vunpack.i.l.bf16.f32 v8  }
0x1ac: {  	v0 =	vadd.f32 v7, v0;
	v5 =	vmul.f32 v12, v5;
	v7 =	vld [tilespmem:s9+$0x56B0]  }
0x1ad: {  	v8 =	vunpack.i.u.bf16.f32 v8  }
0x1ae: {  	v0 =	vadd.f32 v5, v0;
	v5 =	vmul.f32 v10, v8  }
0x1af: {  	v8 =	vor.u32 v59, v4  }
0x1b0: {  	v0 =	vadd.f32 v5, v0;
	v5 =	vor.u32 v55, v4  }
0x1b1: {  	v9 =	vunpack.i.l.bf16.f32 v7  }
0x1b2: {  	(xrf2) =	vadd.scan.msk.f32 $0xffff, v0;
	v0 =	vunpack.i.u.bf16.f32 v7;
	v7 =	vmul.f32 v9, v3  }
0x1b3: {  	v0 =	vmul.f32 v0, v3  }
0x1b4: {  	[tilespmem:v8+s26+$0x0] =	vst.idx.add.f32.msk $0xffff, v7  }
0x1b5: {  	[tilespmem:v5+s26+$0x0] =	vst.idx.add.f32.msk $0xffff, v0  }
0x1b6: {  	v54 =	vld [tilespmem:$0x1FF90]  }
0x1b7: {  	v60 =	vld [tilespmem:$0x1FFA0]  }
0x1b8: {  	v0 =	vld [tilespmem:s9+$0x56C0];
	_ =	sdelay $0x2  }
0x1b9: {  	v5 =	vor.u32 v54, v4  }
0x1ba: {  	v7 =	vor.u32 v60, v4;
	v9, _, _ =	vpop (xrf2)  }
0x1bb: {  	s24 =	spop (v2sf);
	v8 =	vunpack.i.l.bf16.f32 v0;
	(v2sf) =	vpush v9, $0xF  }
0x1bc: {  	v0 =	vunpack.i.u.bf16.f32 v0;
	v8 =	vmul.f32 v8, v3  }
0x1bd: {  	s22 =	sadd.s32 $0x0, s1;
	v0 =	vmul.f32 v0, v3  }
0x1be: {  	s18 =	sadd.s32 $0x2, s22;
	[tilespmem:v5+s26+$0x0] =	vst.idx.add.f32.msk $0xffff, v8  }
0x1bf: {  	v5 =	vmov s18;
	[tilespmem:v7+s26+$0x0] =	vst.idx.add.f32.msk $0xffff, v0  }
0x1c0: {  	s19 =	simm.s32 $0x180;
	v5 =	vand.u32 $0xFFFFFFFE, v5;
	v53 =	vld [tilespmem:$0x1FFB0]  }
0x1c1: {  	s20 =	sand.u32 $0x380, s19;
	v5 =	vbroadcast v5, $0x0  }
0x1c2: {  	s8 =	sor.u32 s8, s20;
	v0 =	vld [tilespmem:s9+$0x56D0]  }
0x1c3: {  	v17 =	vld [tilespmem:s8+$0x32B0]  }
0x1c4: {  	v19 =	vld [tilespmem:s8+$0x32C0]  }
0x1c5: {  	v20 =	vld [tilespmem:s8+$0x32D0];
	v7 =	vor.u32 v53, v4  }
0x1c6: {  	v21 =	vld [tilespmem:s8+$0x52B0];
	v10 =	vor.u32 v18, v4  }
0x1c7: {  	v11 =	vunpack.i.l.bf16.f32 v0;
	v5 =	vld.idx.msk [tilespmem:v5+s25+$0x0], $0xffff  }
0x1c8: {  	v22 =	vld [tilespmem:s8+$0x32E0];
	v0 =	vunpack.i.u.bf16.f32 v0;
	v11 =	vmul.f32 v11, v3  }
0x1c9: {  	v49 =	vmov v23;
	v23 =	vld [tilespmem:s8+$0x32F0];
	s17 =	smul.f32 $6.250000000e-02, s24;
	v0 =	vmul.f32 v0, v3  }
0x1ca: {  	[tilespmem:v7+s26+$0x0] =	vst.idx.add.f32.msk $0xffff, v11;
	s23 =	spop (v2sf)  }
0x1cb: {  	[tilespmem:v10+s26+$0x0] =	vst.idx.add.f32.msk $0xffff, v0;
	v0 =	vmov s17;
	s17 =	smul.f32 $6.250000000e-02, s23  }
0x1cc: {  	v24 =	vld [tilespmem:s8+$0x52C0];
	v10 =	vshra.s32 v5, $0x1F  }
0x1cd: {  	v25 =	vld [tilespmem:s8+$0x3680];
	v11 =	vand.u32 $0x3FFF, v5;
	v0 =	vmul.f32 $1.442695020e+00, v0;
	v7 =	vmov s17  }
0x1ce: {  	v1 =	vld.idx.msk [tilespmem:v1+s25+$0x0], $0xffff;
	vm1 =	vlt.s32 v5, $0x1;
	v10 =	vshrl.u32 v10, $0x12;
	v7 =	vmul.f32 $1.442695020e+00, v7  }
0x1cf: {  	v27 =	vld [tilespmem:s8+$0x52D0];
	vm2 =	vne.s32 v11, $0x0;
	v10 =	vadd.s32 v10, v5;
	v0 =	vbroadcast v0, $0x0  }
0x1d0: {  	v28 =	vld [tilespmem:s8+$0x36A0];
	vm1 =	vmand vm1, vm2;
	v5 =	vbroadcast v7, $0x0;
	v7 =	vshra.s32 v10, $0xE  }
0x1d1: {  	v29 =	vld [tilespmem:s8+$0x36B0];
	(erf) = vpow2.f32 v0;
	v0 =	vsel vm1, $0xFFFFFFFF, v35;
	v7 =	vadd.s32 v51, v7  }
0x1d2: {  	v26 =	vld [tilespmem:s8+$0x3690];
	v0 =	vadd.s32 v0, v7  }
0x1d3: {  	v6 =	vld [tilespmem:s3+$0x5680];
	vm2 =	vlt.s32 v1, $0x1;
	v10 =	vshra.s32 v1, $0x1F;
	vm1 =	vgt.s32 v0, $0x0  }
0x1d4: {  	v16 =	vld [tilespmem:s8+$0x32A0];
	(erf) = vpow2.f32 v5;
	v5 =	vshrl.u32 v10, $0x12;
	v0 =	vnsel vm1, $0x0, v0  }
0x1d5: {  	v14 =	vld [tilespmem:s8+$0x5290];
	v7 =	vand.u32 $0x3FFF, v1;
	v5 =	vadd.s32 v5, v1;
	v0 =	vmin.u32 v0, $0x140  }
0x1d6: {  	v8 =	vld [tilespmem:s8+$0x5280];
	vm1 =	vne.s32 v7, $0x0;
	v1 =	vshll.u32 v0, $0x8;
	v10 =	vshll.u32 v0, $0x7  }
0x1d7: {  	v5 =	vshra.s32 v5, $0xE;
	v7 =	vld [tilespmem:s21+$0x5680];
	v1 =	vand.u32 $0x1F800, v1;
	v10 =	vand.u32 $0x380, v10  }
0x1d8: {  	vm1 =	vmand vm2, vm1;
	v11 =	vadd.s32 v51, v5;
	v5 =	vor.u32 v10, v1;
	v10 =	vld [tilespmem:$0x1FF10]  }
0x1d9: {  	v9 =	vld [tilespmem:s8+$0x3280];
	v12 =	vsel vm1, $0xFFFFFFFF, v35  }
0x1da: {  	v13 =	vld [tilespmem:s8+$0x3290];
	v1 =	vadd.s32 v12, v11  }
0x1db: {  	v48 =	vmov v18;
	v18 =	vld [tilespmem:s8+$0x52A0];
	v30 =	vor.u32 v52, v5  }
0x1dc: {  	v15 =	vld [tilespmem:s9+$0x56E0];
	vm1 =	vgt.s32 v1, $0x0;
	v62 =	vpop (erf);
	v33 =	vunpack.i.l.bf16.f32 v7  }
0x1dd: {  	v11 =	vld [tilespmem:s8+$0x52E0];
	v32 =	vnsel vm1, $0x0, v1;
	v1 =	vpop (erf);
	v31 =	vor.u32 v10, v5;
	v10 =	vunpack.i.l.bf16.f32 v8  }
0x1de: {  	v41 =	vunpack.i.u.bf16.f32 v8;
	v12 =	vld [tilespmem:s8+$0x36C0];
	v33 =	vmul.f32 v1, v33;
	v9 =	vmul.f32 v9, v10  }
0x1df: {  	v13 =	vmul.f32 v13, v41;
	v7 =	vunpack.i.u.bf16.f32 v7;
	v8 =	vld [tilespmem:s8+$0x52F0]  }
0x1e0: {  	s19 =	simm.s32 $0x400;
	s24 =	simm.s32 $0x200;
	v36 =	vmin.u32 v32, $0x140;
	v34 =	vmul.f32 v1, v7;
	[tilespmem:v30+s26+$0x0] =	vst.idx.add.f32.msk $0xffff, v33;
	v42 =	vadd.f32 $0.0e+00, v9  }
0x1e1: {  	s18 =	sand.u32 $0x800, s19;
	s17 =	sand.u32 $0x300, s24;
	v10 =	vld [tilespmem:s8+$0x36D0];
	v30 =	vunpack.i.u.bf16.f32 v14;
	v14 =	vunpack.i.l.bf16.f32 v14;
	[tilespmem:$0x1FCB0] =	vst v36  }
0x1e2: {  	s17 =	sor.u32 s17, s18;
	v14 =	vmul.f32 v16, v14;
	[tilespmem:v31+s26+$0x0] =	vst.idx.add.f32.msk $0xffff, v34;
	v31 =	vadd.f32 v13, v42  }
0x1e3: {  	v43 =	vld [tilespmem:s17+$0x5280]  }
0x1e4: {  	v17 =	vmul.f32 v17, v30;
	v30 =	vunpack.i.l.bf16.f32 v18;
	v16 =	vld [tilespmem:s17+$0x3280];
	v14 =	vadd.f32 v14, v31  }
0x1e5: {  	v19 =	vmul.f32 v19, v30;
	v30 =	vld [tilespmem:s17+$0x5290]  }
0x1e6: {  	v18 =	vunpack.i.u.bf16.f32 v18;
	v14 =	vadd.f32 v17, v14;
	v17 =	vld [tilespmem:$0x1FF20]  }
0x1e7: {  	v18 =	vmul.f32 v20, v18;
	v20 =	vunpack.i.l.bf16.f32 v21;
	v46 =	vld [tilespmem:s21+$0x5690]  }
0x1e8: {  	v20 =	vmul.f32 v22, v20;
	v22 =	vld [tilespmem:$0x1FF30]  }
0x1e9: {  	v31 =	vld [tilespmem:s17+$0x3290]  }
0x1ea: {  	v47 =	vld [tilespmem:s17+$0x32A0];
	v37 =	vunpack.i.l.bf16.f32 v43  }
0x1eb: {  	v38 =	vld [tilespmem:s8+$0x36E0];
	v16 =	vmul.f32 v16, v37;
	v14 =	vadd.f32 v19, v14;
	v17 =	vor.u32 v17, v5  }
0x1ec: {  	v57 =	vld [tilespmem:s17+$0x32B0];
	v21 =	vunpack.i.u.bf16.f32 v21;
	v32 =	vunpack.i.u.bf16.f32 v43  }
0x1ed: {  	v58 =	vld [tilespmem:s17+$0x52A0];
	v19 =	vunpack.i.l.bf16.f32 v46;
	v16 =	vadd.f32 $0.0e+00, v16;
	v14 =	vadd.f32 v18, v14  }
0x1ee: {  	v40 =	vld [tilespmem:s17+$0x32C0];
	v22 =	vor.u32 v22, v5;
	v19 =	vmul.f32 v1, v19;
	v31 =	vmul.f32 v31, v32  }
0x1ef: {  	v39 =	vunpack.i.l.bf16.f32 v30;
	v14 =	vadd.f32 v20, v14;
	v20 =	vmul.f32 v23, v21;
	v23 =	vld [tilespmem:s17+$0x32E0]  }
0x1f0: {  	v18 =	vunpack.i.u.bf16.f32 v46;
	v16 =	vadd.f32 v31, v16;
	[tilespmem:v17+s26+$0x0] =	vst.idx.add.f32.msk $0xffff, v19;
	v17 =	vmul.f32 v47, v39  }
0x1f1: {  	v18 =	vmul.f32 v1, v18;
	v19 =	vunpack.i.u.bf16.f32 v30;
	v30 =	vld [tilespmem:s17+$0x32D0]  }
0x1f2: {  	v19 =	vmul.f32 v57, v19;
	v16 =	vadd.f32 v17, v16;
	v17 =	vld [tilespmem:s17+$0x52B0]  }
0x1f3: {  	v31 =	vunpack.i.l.bf16.f32 v24;
	v21 =	vunpack.i.l.bf16.f32 v58;
	v14 =	vadd.f32 v20, v14;
	[tilespmem:v22+s26+$0x0] =	vst.idx.add.f32.msk $0xffff, v18  }
0x1f4: {  	v18 =	vmul.f32 v40, v21;
	v21 =	vmul.f32 v25, v31;
	v22 =	vld [tilespmem:s17+$0x32F0];
	v16 =	vadd.f32 v19, v16  }
0x1f5: {  	v20 =	vld [tilespmem:s17+$0x52C0];
	v19 =	vunpack.i.u.bf16.f32 v24;
	v24 =	vunpack.i.u.bf16.f32 v58  }
0x1f6: {  	v25 =	vld [tilespmem:s17+$0x3680];
	v14 =	vadd.f32 v21, v14;
	v16 =	vadd.f32 v18, v16;
	v18 =	vmul.f32 v30, v24  }
0x1f7: {  	v21 =	vld [tilespmem:s21+$0x56A0];
	v19 =	vmul.f32 v26, v19;
	v24 =	vunpack.i.l.bf16.f32 v27;
	v26 =	vunpack.i.l.bf16.f32 v17  }
0x1f8: {  	v17 =	vunpack.i.u.bf16.f32 v17;
	v16 =	vadd.f32 v18, v16;
	v18 =	vmul.f32 v23, v26;
	v26 =	vld [tilespmem:s17+$0x3690]  }
0x1f9: {  	v24 =	vmul.f32 v28, v24;
	v14 =	vadd.f32 v19, v14;
	v17 =	vmul.f32 v22, v17;
	v22 =	vld [tilespmem:$0x1FF40]  }
0x1fa: {  	v23 =	vunpack.i.u.bf16.f32 v27;
	v16 =	vadd.f32 v18, v16;
	v18 =	vld [tilespmem:s17+$0x52D0]  }
0x1fb: {  	v44 =	vor.u32 v50, v4;
	v19 =	vmul.f32 v29, v23;
	v14 =	vadd.f32 v24, v14;
	v27 =	vld [tilespmem:s17+$0x36A0]  }
0x1fc: {  	v45 =	vunpack.i.l.bf16.f32 v15;
	v15 =	vunpack.i.u.bf16.f32 v15;
	v13 =	vor.u32 v49, v4;
	v24 =	vld [tilespmem:s8+$0x36F0]  }
0x1fd: {  	v15 =	vmul.f32 v15, v3;
	v7 =	vshll.u32 v36, $0x8;
	v14 =	vadd.f32 v19, v14;
	v19 =	vld [tilespmem:$0x1FF50]  }
0x1fe: {  	v34 =	vmul.f32 v45, v3;
	v23 =	vunpack.i.l.bf16.f32 v20;
	v20 =	vunpack.i.u.bf16.f32 v20;
	v28 =	vld [tilespmem:s17+$0x36B0]  }
0x1ff: {  	v23 =	vmul.f32 v25, v23;
	v25 =	vunpack.i.l.bf16.f32 v21;
	v29 =	vld [tilespmem:s17+$0x52E0];
	v16 =	vadd.f32 v17, v16  }
0x200: {  	v25 =	vmul.f32 v25, v1;
	[tilespmem:v44+s26+$0x0] =	vst.idx.add.f32.msk $0xffff, v34;
	v17 =	vunpack.i.u.bf16.f32 v11;
	v22 =	vor.u32 v22, v5  }
0x201: {  	v11 =	vunpack.i.l.bf16.f32 v11;
	[tilespmem:v13+s26+$0x0] =	vst.idx.add.f32.msk $0xffff, v15;
	v20 =	vmul.f32 v26, v20;
	v16 =	vadd.f32 v23, v16  }
0x202: {  	v11 =	vmul.f32 v12, v11;
	v23 =	vld [tilespmem:s17+$0x36C0];
	v26 =	vunpack.i.l.bf16.f32 v18;
	v19 =	vor.u32 v19, v5  }
0x203: {  	v12 =	vunpack.i.u.bf16.f32 v21;
	v21 =	vld [tilespmem:s17+$0x36D0];
	v16 =	vadd.f32 v20, v16;
	v20 =	vmul.f32 v27, v26  }
0x204: {  	v10 =	vmul.f32 v10, v17;
	v17 =	vld [tilespmem:s17+$0x36E0];
	v12 =	vmul.f32 v12, v1;
	v18 =	vunpack.i.u.bf16.f32 v18  }
0x205: {  	v7 =	vand.u32 $0x1F800, v7;
	v18 =	vmul.f32 v28, v18;
	[tilespmem:v22+s26+$0x0] =	vst.idx.add.f32.msk $0xffff, v25;
	v16 =	vadd.f32 v20, v16  }
0x206: {  	v9 =	vshll.u32 v36, $0x7;
	v11 =	vadd.f32 v11, v14;
	v14 =	vunpack.i.l.bf16.f32 v29;
	v20 =	vld [tilespmem:s17+$0x52F0]  }
0x207: {  	v22 =	vunpack.i.l.bf16.f32 v8;
	v14 =	vmul.f32 v23, v14;
	[tilespmem:v19+s26+$0x0] =	vst.idx.add.f32.msk $0xffff, v12;
	v12 =	vadd.f32 v18, v16  }
0x208: {  	v10 =	vadd.f32 v10, v11;
	v11 =	vunpack.i.u.bf16.f32 v29;
	v16 =	vmul.f32 v38, v22;
	v18 =	vld [tilespmem:s17+$0x36F0]  }
0x209: {  	v8 =	vunpack.i.u.bf16.f32 v8;
	v11 =	vmul.f32 v21, v11;
	v19 =	vld [tilespmem:s21+$0x56B0];
	v12 =	vadd.f32 v14, v12  }
0x20a: {  	v9 =	vand.u32 $0x380, v9;
	v13 =	vld [tilespmem:s9+$0x56F0];
	v8 =	vmul.f32 v24, v8;
	v10 =	vadd.f32 v16, v10  }
0x20b: {  	v31 =	vor.u32 v9, v7;
	v14 =	vunpack.i.l.bf16.f32 v20;
	v11 =	vadd.f32 v11, v12  }
0x20c: {  	v12 =	vmul.f32 v17, v14;
	v8 =	vadd.f32 v8, v10;
	v10 =	vor.u32 v59, v5  }
0x20d: {  	v7 =	vor.u32 v61, v4;
	v15 =	vor.u32 v55, v5;
	v14 =	vunpack.i.u.bf16.f32 v20  }
0x20e: {  	v11 =	vadd.f32 v12, v11;
	v12 =	vmul.f32 v18, v14;
	v9 =	vunpack.i.l.bf16.f32 v19;
	v14 =	vld [tilespmem:$0x1FF10]  }
0x20f: {  	v16 =	vunpack.i.l.bf16.f32 v13;
	(xrf2) =	vadd.scan.msk.f32 $0xffff, v8;
	v8 =	vunpack.i.u.bf16.f32 v19;
	v9 =	vmul.f32 v9, v1  }
0x210: {  	v8 =	vmul.f32 v8, v1;
	v11 =	vadd.f32 v12, v11;
	v12 =	vor.u32 v52, v31  }
0x211: {  	v4 =	vor.u32 v56, v4;
	[tilespmem:v10+s26+$0x0] =	vst.idx.add.f32.msk $0xffff, v9;
	v10 =	vmul.f32 v16, v3  }
0x212: {  	v9 =	vunpack.i.l.bf16.f32 v6;
	[tilespmem:v15+s26+$0x0] =	vst.idx.add.f32.msk $0xffff, v8  }
0x213: {  	v8 =	vmul.f32 v62, v9;
	v14 =	vor.u32 v14, v31;
	[tilespmem:v7+s26+$0x0] =	vst.idx.add.f32.msk $0xffff, v10;
	v7 =	vunpack.i.u.bf16.f32 v13  }
0x214: {  	v9 =	vld [tilespmem:s21+$0x56C0];
	v7 =	vmul.f32 v7, v3  }
0x215: {  	v6 =	vunpack.i.u.bf16.f32 v6;
	[tilespmem:v12+s26+$0x0] =	vst.idx.add.f32.msk $0xffff, v8  }
0x216: {  	(xrf2) =	vadd.scan.msk.f32 $0xffff, v11;
	v6 =	vmul.f32 v62, v6;
	[tilespmem:v4+s26+$0x0] =	vst.idx.add.f32.msk $0xffff, v7  }
0x217: {  	[tilespmem:v2+s28+$0x0] =	vst.idx.add.f32.msk $0x1, v3  }
0x218: {  	s20 =	sadd.s32 $0x3, s22;
	[tilespmem:v14+s26+$0x0] =	vst.idx.add.f32.msk $0xffff, v6  }
0x219: {  	v10 =	vmov s20;
	v2, _, _ =	vpop (xrf2);
	v3 =	vunpack.i.u.bf16.f32 v9;
	v7 =	vld [tilespmem:$0x1FF20]  }
0x21a: {  	v6 =	vor.u32 v54, v5;
	(v2sf) =	vpush v2, $0xF;
	v2 =	vmul.f32 v3, v1;
	v3 =	vld [tilespmem:$0x1FF30]  }
0x21b: {  	v11 =	vor.u32 v60, v5;
	v8 =	vld [tilespmem:s3+$0x5690]  }
0x21c: {  	s22 =	simm.s32 $0x280;
	v4 =	vunpack.i.l.bf16.f32 v9  }
0x21d: {  	s9 =	sand.u32 $0x380, s22;
	v4 =	vmul.f32 v4, v1  }
0x21e: {  	s9 =	sor.u32 s18, s9;
	s18 =	sadd.s32 $0x2, s1;
	v9 =	vld.idx.msk [tilespmem:v10+s25+$0x0], $0xffff;
	v7 =	vor.u32 v7, v31  }
0x21f: {  	s23 =	sadd.s32 $0x2, s18;
	[tilespmem:v6+s26+$0x0] =	vst.idx.add.f32.msk $0xffff, v4;
	v10 =	vor.u32 v3, v31  }
0x220: {  	v3, _, _ =	vpop (xrf2);
	v4 =	vunpack.i.l.bf16.f32 v8;
	[tilespmem:v11+s26+$0x0] =	vst.idx.add.f32.msk $0xffff, v2;
	v2 =	vunpack.i.u.bf16.f32 v8;
	v11 =	vmov s23  }
0x221: {  	(v2sf) =	vpush v3, $0xF;
	v4 =	vmul.f32 v62, v4;
	v6 =	vld [tilespmem:s21+$0x56D0];
	v11 =	vand.u32 $0xFFFFFFFE, v11  }
0x222: {  	v24 =	vld [tilespmem:s9+$0x32E0];
	v2 =	vmul.f32 v62, v2;
	v11 =	vbroadcast v11, $0x0  }
0x223: {  	[tilespmem:v7+s26+$0x0] =	vst.idx.add.f32.msk $0xffff, v4  }
0x224: {  	[tilespmem:v10+s26+$0x0] =	vst.idx.add.f32.msk $0xffff, v2;
	v2 =	vor.u32 v53, v5  }
0x225: {  	v22 =	vld [tilespmem:s9+$0x52B0];
	v7 =	vor.u32 v48, v5  }
0x226: {  	v20 =	vld [tilespmem:s9+$0x32D0];
	v10 =	vunpack.i.l.bf16.f32 v6  }
0x227: {  	v18 =	vld [tilespmem:s9+$0x32C0];
	v6 =	vunpack.i.u.bf16.f32 v6;
	v10 =	vmul.f32 v10, v1  }
0x228: {  	v6 =	vmul.f32 v6, v1;
	v11 =	vld.idx.msk [tilespmem:v11+s25+$0x0], $0xffff  }
0x229: {  	[tilespmem:v2+s26+$0x0] =	vst.idx.add.f32.msk $0xffff, v10  }
0x22a: {  	[tilespmem:v7+s26+$0x0] =	vst.idx.add.f32.msk $0xffff, v6  }
0x22b: {  	v2 =	vld [tilespmem:s21+$0x56E0]  }
0x22c: {  	v13 =	vld [tilespmem:s9+$0x5290];
	s24 =	spop (v2sf)  }
0x22d: {  	v63 =	vimm.s32 $0x0;
	v19 =	vor.u32 v49, v5;
	v12 =	vld [tilespmem:s9+$0x3290];
	s19 =	smul.f32 $6.250000000e-02, s24  }
0x22e: {  	v15 =	vor.u32 v50, v5;
	v14 =	vld [tilespmem:s9+$0x52A0];
	v16 =	vand.u32 $0x3FFF, v9;
	v7 =	vshra.s32 v9, $0x1F  }
0x22f: {  	v8 =	vld [tilespmem:s9+$0x3280];
	v7 =	vshrl.u32 v7, $0x12;
	v17 =	vmov s19;
	v25 =	vshra.s32 v11, $0x1F  }
0x230: {  	v3 =	vld [tilespmem:s8+$0x5680];
	v26 =	vand.u32 $0x3FFF, v11;
	vm1 =	vlt.s32 v11, $0x1;
	s20 =	spop (v2sf);
	v21 =	vunpack.i.l.bf16.f32 v2  }
0x231: {  	v4 =	vld [tilespmem:s9+$0x5280];
	v17 =	vmul.f32 $1.442695020e+00, v17;
	s22 =	smul.f32 $6.250000000e-02, s20;
	v2 =	vunpack.i.u.bf16.f32 v2;
	v21 =	vmul.f32 v21, v1  }
0x232: {  	v10 =	vld [tilespmem:s9+$0x32B0];
	vm2 =	vne.s32 v26, $0x0;
	v7 =	vadd.s32 v7, v9;
	v2 =	vmul.f32 v2, v1  }
0x233: {  	v17 =	vbroadcast v17, $0x0;
	v23 =	vmov s22;
	[tilespmem:v15+s26+$0x0] =	vst.idx.add.f32.msk $0xffff, v21;
	v15 =	vshrl.u32 v25, $0x12  }
0x234: {  	vm1 =	vmand vm1, vm2;
	v23 =	vmul.f32 $1.442695020e+00, v23;
	[tilespmem:v19+s26+$0x0] =	vst.idx.add.f32.msk $0xffff, v2;
	v2 =	vadd.s32 v15, v11  }
0x235: {  	vm2 =	vne.s32 v16, $0x0;
	(erf) = vpow2.f32 v17;
	v11 =	vld [tilespmem:s21+$0x56F0];
	v2 =	vshra.s32 v2, $0xE  }
0x236: {  	v6 =	vld [tilespmem:s9+$0x32A0];
	v17 =	vsel vm1, $0xFFFFFFFF, v63;
	v15 =	vbroadcast v23, $0x0;
	v2 =	vadd.s32 v51, v2  }
0x237: {  	v16 =	vld [tilespmem:s9+$0x32F0];
	vm1 =	vlt.s32 v9, $0x1;
	v9 =	vor.u32 v61, v5;
	v2 =	vadd.s32 v17, v2  }
0x238: {  	vm1 =	vmand vm1, vm2;
	v19 =	vld [tilespmem:s9+$0x52C0];
	(erf) = vpow2.f32 v15;
	vm2 =	vgt.s32 v2, $0x0  }
0x239: {  	v23 =	vld [tilespmem:s9+$0x52D0];
	v2 =	vnsel vm2, $0x0, v2  }
0x23a: {  	v15 =	vld [tilespmem:s9+$0x3680];
	v27 =	vmin.u32 v2, $0x140;
	v2 =	vunpack.i.l.bf16.f32 v11  }
0x23b: {  	v7 =	vshra.s32 v7, $0xE;
	v17 =	vld [tilespmem:s9+$0x3690];
	[tilespmem:$0x1FE40] =	vst v27;
	v2 =	vmul.f32 v2, v1  }
0x23c: {  	v7 =	vadd.s32 v51, v7;
	v26 =	vshll.u32 v27, $0x8;
	v27 =	vshll.u32 v27, $0x7;
	v25 =	vld [tilespmem:s17+$0x5680]  }
0x23d: {  	v21 =	vsel vm1, $0xFFFFFFFF, v63;
	v26 =	vand.u32 $0x1F800, v26;
	v27 =	vand.u32 $0x380, v27;
	[tilespmem:v9+s26+$0x0] =	vst.idx.add.f32.msk $0xffff, v2  }
0x23e: {  	v7 =	vadd.s32 v21, v7;
	v21 =	vunpack.i.l.bf16.f32 v4;
	v47 =	vor.u32 v27, v26;
	v9 =	vld [tilespmem:$0x1FF10]  }
0x23f: {  	v8 =	vmul.f32 v8, v21;
	v28 =	vld [tilespmem:s9+$0x36A0];
	v21 =	vor.u32 v52, v47  }
0x240: {  	v42 =	vunpack.i.l.bf16.f32 v13;
	v13 =	vunpack.i.u.bf16.f32 v13;
	v4 =	vunpack.i.u.bf16.f32 v4;
	v58 =	vpop (erf);
	v29 =	vld [tilespmem:s9+$0x36B0]  }
0x241: {  	vm1 =	vgt.s32 v7, $0x0;
	v12 =	vmul.f32 v12, v4;
	v4 =	vld [tilespmem:s9+$0x36D0];
	v46 =	vpop (erf);
	v30 =	vunpack.i.l.bf16.f32 v25  }
0x242: {  	v8 =	vadd.f32 $0.0e+00, v8;
	v2 =	vnsel vm1, $0x0, v7;
	v7 =	vld [tilespmem:s9+$0x52E0];
	v30 =	vmul.f32 v46, v30  }
0x243: {  	s23 =	simm.s32 $0x300;
	s24 =	simm.s32 $0x600;
	v6 =	vmul.f32 v6, v42;
	v41 =	vmin.u32 v2, $0x140;
	v2 =	vld [tilespmem:s9+$0x52F0];
	v27 =	vor.u32 v9, v47  }
0x244: {  	s19 =	sand.u32 $0x800, s24;
	s21 =	sand.u32 $0x300, s23;
	v8 =	vadd.f32 v12, v8;
	v43 =	vshll.u32 v41, $0x8;
	v12 =	vshll.u32 v41, $0x7;
	[tilespmem:v21+s26+$0x0] =	vst.idx.add.f32.msk $0xffff, v30  }
0x245: {  	s24 =	sor.u32 s21, s19;
	v12 =	vand.u32 $0x380, v12;
	v25 =	vunpack.i.u.bf16.f32 v25;
	v9 =	vld [tilespmem:s9+$0x36C0];
	v21 =	vand.u32 $0x1F800, v43;
	[tilespmem:$0x1FCC0] =	vst v41  }
0x246: {  	v6 =	vadd.f32 v6, v8;
	v25 =	vmul.f32 v46, v25;
	v8 =	vor.u32 v12, v21;
	v12 =	vld [tilespmem:s24+$0x3280]  }
0x247: {  	v13 =	vmul.f32 v10, v13;
	v30 =	vld [tilespmem:s24+$0x3290]  }
0x248: {  	v26 =	vunpack.i.u.bf16.f32 v3;
	[tilespmem:v27+s26+$0x0] =	vst.idx.add.f32.msk $0xffff, v25;
	v27 =	vunpack.i.l.bf16.f32 v3;
	v3 =	vunpack.i.l.bf16.f32 v14  }
0x249: {  	v13 =	vadd.f32 v13, v6;
	v44 =	vld [tilespmem:s24+$0x32A0];
	v18 =	vmul.f32 v18, v3  }
0x24a: {  	v25 =	vld [tilespmem:s24+$0x5280];
	v14 =	vunpack.i.u.bf16.f32 v14  }
0x24b: {  	v6 =	vmul.f32 v58, v26;
	v14 =	vmul.f32 v20, v14;
	v26 =	vld [tilespmem:$0x1FF20];
	v13 =	vadd.f32 v18, v13  }
0x24c: {  	v57 =	vld [tilespmem:s24+$0x32B0];
	v20 =	vunpack.i.l.bf16.f32 v22  }
0x24d: {  	v21 =	vld [tilespmem:s17+$0x5690];
	v20 =	vmul.f32 v24, v20;
	v13 =	vadd.f32 v14, v13  }
0x24e: {  	v38 =	vunpack.i.l.bf16.f32 v19;
	v19 =	vunpack.i.u.bf16.f32 v19;
	v18 =	vld [tilespmem:s24+$0x5290]  }
0x24f: {  	v17 =	vmul.f32 v17, v19;
	v13 =	vadd.f32 v20, v13;
	v20 =	vld [tilespmem:$0x1FF30]  }
0x250: {  	v19 =	vunpack.i.l.bf16.f32 v23;
	v37 =	vld [tilespmem:s24+$0x32C0];
	v45 =	vunpack.i.l.bf16.f32 v25;
	v26 =	vor.u32 v26, v47  }
0x251: {  	v19 =	vmul.f32 v28, v19;
	v28 =	vld [tilespmem:s24+$0x52E0];
	v12 =	vmul.f32 v12, v45  }
0x252: {  	v3 =	vld [tilespmem:$0x1FF10];
	v25 =	vunpack.i.u.bf16.f32 v25;
	v24 =	vunpack.i.l.bf16.f32 v21  }
0x253: {  	v25 =	vmul.f32 v30, v25;
	v30 =	vld [tilespmem:s24+$0x52A0];
	v24 =	vmul.f32 v46, v24;
	v12 =	vadd.f32 $0.0e+00, v12  }
0x254: {  	v14 =	vld [tilespmem:s9+$0x36E0];
	v36 =	vunpack.i.l.bf16.f32 v18;
	v20 =	vor.u32 v20, v47  }
0x255: {  	v22 =	vunpack.i.u.bf16.f32 v22;
	v12 =	vadd.f32 v25, v12;
	[tilespmem:v26+s26+$0x0] =	vst.idx.add.f32.msk $0xffff, v24;
	v24 =	vmul.f32 v44, v36  }
0x256: {  	v16 =	vmul.f32 v16, v22;
	v21 =	vunpack.i.u.bf16.f32 v21;
	v18 =	vunpack.i.u.bf16.f32 v18;
	v25 =	vld [tilespmem:s24+$0x32D0]  }
0x257: {  	v21 =	vmul.f32 v46, v21;
	v18 =	vmul.f32 v57, v18;
	v12 =	vadd.f32 v24, v12;
	v24 =	vld [tilespmem:s24+$0x52B0]  }
0x258: {  	v15 =	vmul.f32 v15, v38;
	v13 =	vadd.f32 v16, v13;
	v22 =	vunpack.i.l.bf16.f32 v30;
	v26 =	vld [tilespmem:s24+$0x32E0]  }
0x259: {  	v12 =	vadd.f32 v18, v12;
	v18 =	vmul.f32 v37, v22;
	[tilespmem:v20+s26+$0x0] =	vst.idx.add.f32.msk $0xffff, v21  }
0x25a: {  	v13 =	vadd.f32 v15, v13;
	v20 =	vld [tilespmem:s24+$0x32F0];
	v21 =	vunpack.i.u.bf16.f32 v30  }
0x25b: {  	v16 =	vld [tilespmem:s24+$0x52C0];
	v12 =	vadd.f32 v18, v12;
	v18 =	vmul.f32 v25, v21  }
0x25c: {  	v13 =	vadd.f32 v17, v13;
	v21 =	vld [tilespmem:s24+$0x3680];
	v22 =	vunpack.i.l.bf16.f32 v24  }
0x25d: {  	v5 =	vor.u32 v56, v5;
	v15 =	vld [tilespmem:s17+$0x56A0];
	v12 =	vadd.f32 v18, v12;
	v18 =	vmul.f32 v26, v22  }
0x25e: {  	v13 =	vadd.f32 v19, v13;
	v22 =	vunpack.i.u.bf16.f32 v23;
	v23 =	vunpack.i.u.bf16.f32 v24;
	v24 =	vld [tilespmem:s24+$0x3690]  }
0x25f: {  	v12 =	vadd.f32 v18, v12;
	v17 =	vmul.f32 v20, v23;
	v18 =	vld [tilespmem:s24+$0x52D0];
	v20 =	vmul.f32 v29, v22  }
0x260: {  	v11 =	vunpack.i.u.bf16.f32 v11;
	v22 =	vld [tilespmem:$0x1FF40]  }
0x261: {  	v11 =	vmul.f32 v11, v1;
	v13 =	vadd.f32 v20, v13;
	v20 =	vld [tilespmem:$0x1FF50]  }
0x262: {  	v10 =	vor.u32 v52, v8;
	v27 =	vmul.f32 v58, v27;
	v25 =	vld [tilespmem:s24+$0x36A0];
	v23 =	vunpack.i.l.bf16.f32 v16  }
0x263: {  	v26 =	vld [tilespmem:s24+$0x36B0];
	v16 =	vunpack.i.u.bf16.f32 v16;
	v21 =	vmul.f32 v21, v23;
	v12 =	vadd.f32 v17, v12  }
0x264: {  	v23 =	vunpack.i.l.bf16.f32 v15;
	v17 =	vunpack.i.u.bf16.f32 v7;
	v7 =	vunpack.i.l.bf16.f32 v7;
	[tilespmem:v5+s26+$0x0] =	vst.idx.add.f32.msk $0xffff, v11  }
0x265: {  	v19 =	vld [tilespmem:s9+$0x36F0];
	v16 =	vmul.f32 v24, v16;
	v12 =	vadd.f32 v21, v12;
	v22 =	vor.u32 v22, v47  }
0x266: {  	v7 =	vmul.f32 v9, v7;
	v21 =	vld [tilespmem:s24+$0x36C0];
	v24 =	vunpack.i.l.bf16.f32 v18;
	v20 =	vor.u32 v20, v47  }
0x267: {  	v9 =	vunpack.i.u.bf16.f32 v15;
	v15 =	vld [tilespmem:s24+$0x36D0];
	v12 =	vadd.f32 v16, v12;
	v16 =	vmul.f32 v25, v24  }
0x268: {  	v23 =	vmul.f32 v23, v46;
	v4 =	vmul.f32 v4, v17;
	v17 =	vld [tilespmem:s24+$0x36E0];
	v18 =	vunpack.i.u.bf16.f32 v18  }
0x269: {  	v9 =	vmul.f32 v9, v46;
	v12 =	vadd.f32 v16, v12;
	v16 =	vmul.f32 v26, v18;
	v18 =	vld [tilespmem:s24+$0x52F0]  }
0x26a: {  	v3 =	vor.u32 v3, v8;
	v7 =	vadd.f32 v7, v13;
	v13 =	vunpack.i.l.bf16.f32 v28;
	[tilespmem:v22+s26+$0x0] =	vst.idx.add.f32.msk $0xffff, v23  }
0x26b: {  	v22 =	vunpack.i.l.bf16.f32 v2;
	[tilespmem:v20+s26+$0x0] =	vst.idx.add.f32.msk $0xffff, v9;
	v9 =	vadd.f32 v16, v12;
	v12 =	vmul.f32 v21, v13  }
0x26c: {  	v4 =	vadd.f32 v4, v7;
	v7 =	vunpack.i.u.bf16.f32 v28;
	v13 =	vmul.f32 v14, v22;
	v14 =	vld [tilespmem:s24+$0x36F0]  }
0x26d: {  	v7 =	vmul.f32 v15, v7;
	v2 =	vunpack.i.u.bf16.f32 v2;
	v16 =	vld [tilespmem:s17+$0x56B0];
	v9 =	vadd.f32 v12, v9  }
0x26e: {  	[tilespmem:v10+s26+$0x0] =	vst.idx.add.f32.msk $0xffff, v27;
	v2 =	vmul.f32 v19, v2;
	v5 =	vunpack.i.l.bf16.f32 v18;
	v4 =	vadd.f32 v13, v4  }
0x26f: {  	[tilespmem:v0+s28+$0x0] =	vst.idx.add.f32.msk $0x1, v1;
	v1 =	vmul.f32 v17, v5;
	v0 =	vadd.f32 v7, v9  }
0x270: {  	[tilespmem:v3+s26+$0x0] =	vst.idx.add.f32.msk $0xffff, v6;
	v5 =	vunpack.i.u.bf16.f32 v18;
	v2 =	vadd.f32 v2, v4;
	v4 =	vor.u32 v59, v47  }
0x271: {  	v9 =	vor.u32 v55, v47;
	v0 =	vadd.f32 v1, v0;
	v1 =	vmul.f32 v14, v5  }
0x272: {  	v7 =	vld [tilespmem:s3+$0x56A0];
	v3 =	vunpack.i.l.bf16.f32 v16  }
0x273: {  	(xrf2) =	vadd.scan.msk.f32 $0xffff, v2;
	v2 =	vunpack.i.u.bf16.f32 v16;
	v3 =	vmul.f32 v3, v46;
	v0 =	vadd.f32 v1, v0;
	v1 =	vld [tilespmem:$0x1FF40]  }
0x274: {  	v10 =	vld [tilespmem:$0x1FF50];
	v2 =	vmul.f32 v2, v46  }
0x275: {  	[tilespmem:v4+s26+$0x0] =	vst.idx.add.f32.msk $0xffff, v3  }
0x276: {  	[tilespmem:v9+s26+$0x0] =	vst.idx.add.f32.msk $0xffff, v2  }
0x277: {  	v4 =	vld [tilespmem:$0x1FF20]  }
0x278: {  	(xrf2) =	vadd.scan.msk.f32 $0xffff, v0;
	v0 =	vunpack.i.l.bf16.f32 v7;
	v2 =	vunpack.i.u.bf16.f32 v7;
	v7 =	vld [tilespmem:$0x1FF30];
	v1 =	vor.u32 v1, v31  }
0x279: {  	v6 =	vld [tilespmem:s8+$0x5690];
	v10 =	vor.u32 v10, v31;
	_ =	sdelay $0x1  }
0x27a: {  	v0 =	vmul.f32 v0, v62;
	v3 =	vld [tilespmem:s17+$0x56C0]  }
0x27b: {  	v2 =	vmul.f32 v2, v62;
	v4 =	vor.u32 v4, v8  }
0x27c: {  	s18 =	sadd.s32 $0x3, s18;
	s20 =	simm.s32 $0x380;
	v7 =	vor.u32 v7, v8;
	[tilespmem:v1+s26+$0x0] =	vst.idx.add.f32.msk $0xffff, v0  }
0x27d: {  	v5 =	vmov s18;
	s18 =	sand.u32 $0x380, s20;
	v0 =	vunpack.i.l.bf16.f32 v6;
	[tilespmem:v10+s26+$0x0] =	vst.idx.add.f32.msk $0xffff, v2;
	v2 =	vor.u32 v54, v47  }
0x27e: {  	s29 =	sor.u32 s19, s18;
	v6 =	vunpack.i.u.bf16.f32 v6;
	v0 =	vmul.f32 v58, v0;
	v10 =	vor.u32 v60, v47;
	v9 =	vld [tilespmem:s3+$0x56B0]  }
0x27f: {  	v13 =	vld [tilespmem:s29+$0x32B0];
	v11 =	vunpack.i.l.bf16.f32 v3;
	v12, _, _ =	vpop (xrf2);
	v6 =	vmul.f32 v58, v6  }
0x280: {  	(v2sf) =	vpush v12, $0xF;
	[tilespmem:v4+s26+$0x0] =	vst.idx.add.f32.msk $0xffff, v0;
	v0 =	vunpack.i.u.bf16.f32 v3;
	v3 =	vmul.f32 v11, v46  }
0x281: {  	v4 =	vor.u32 v59, v31;
	[tilespmem:v7+s26+$0x0] =	vst.idx.add.f32.msk $0xffff, v6;
	v0 =	vmul.f32 v0, v46  }
0x282: {  	v6 =	vor.u32 v55, v31;
	[tilespmem:v2+s26+$0x0] =	vst.idx.add.f32.msk $0xffff, v3  }
0x283: {  	v2, _, _ =	vpop (xrf2);
	v3 =	vunpack.i.l.bf16.f32 v9;
	[tilespmem:v10+s26+$0x0] =	vst.idx.add.f32.msk $0xffff, v0  }
0x284: {  	s18 =	sadd.s32 $0x4, s1;
	(v2sf) =	vpush v2, $0xF;
	v2 =	vunpack.i.u.bf16.f32 v9;
	v3 =	vmul.f32 v3, v62;
	v7 =	vld [tilespmem:s17+$0x56D0]  }
0x285: {  	s21 =	sadd.s32 $0x2, s18;
	v14 =	vld [tilespmem:s29+$0x52A0];
	v2 =	vmul.f32 v2, v62  }
0x286: {  	v10 =	vmov s21;
	[tilespmem:v4+s26+$0x0] =	vst.idx.add.f32.msk $0xffff, v3  }
0x287: {  	v10 =	vand.u32 $0xFFFFFFFE, v10;
	[tilespmem:v6+s26+$0x0] =	vst.idx.add.f32.msk $0xffff, v2;
	v2 =	vor.u32 v53, v47  }
0x288: {  	v17 =	vld [tilespmem:s29+$0x32C0];
	v10 =	vbroadcast v10, $0x0;
	v3 =	vor.u32 v48, v47  }
0x289: {  	v19 =	vld [tilespmem:s29+$0x32D0];
	v9 =	vunpack.i.l.bf16.f32 v7  }
0x28a: {  	v21 =	vld [tilespmem:s29+$0x52B0];
	v7 =	vunpack.i.u.bf16.f32 v7;
	v9 =	vmul.f32 v9, v46  }
0x28b: {  	v5 =	vld.idx.msk [tilespmem:v5+s25+$0x0], $0xffff;
	v7 =	vmul.f32 v7, v46  }
0x28c: {  	[tilespmem:v2+s26+$0x0] =	vst.idx.add.f32.msk $0xffff, v9  }
0x28d: {  	[tilespmem:v3+s26+$0x0] =	vst.idx.add.f32.msk $0xffff, v7  }
0x28e: {  	v7 =	vld.idx.msk [tilespmem:v10+s25+$0x0], $0xffff  }
0x28f: {  	s22 =	spop (v2sf);
	v2 =	vld [tilespmem:s17+$0x56E0]  }
0x290: {  	v23 =	vld [tilespmem:s29+$0x32E0];
	s19 =	smul.f32 $6.250000000e-02, s22;
	v3 =	vshra.s32 v5, $0x1F  }
0x291: {  	v15 =	vor.u32 v50, v47;
	v12 =	vld [tilespmem:s29+$0x5290];
	v3 =	vshrl.u32 v3, $0x12  }
0x292: {  	v18 =	vor.u32 v49, v47;
	v1 =	vld [tilespmem:s9+$0x5680];
	v16 =	vadd.s32 v3, v5;
	v3 =	vmov s19  }
0x293: {  	v11 =	vld [tilespmem:s29+$0x3290];
	v10 =	vand.u32 $0x3FFF, v5;
	v3 =	vmul.f32 $1.442695020e+00, v3;
	s23 =	spop (v2sf);
	v24 =	vshra.s32 v7, $0x1F  }
0x294: {  	v0 =	vld [tilespmem:s8+$0x56A0];
	v25 =	vand.u32 $0x3FFF, v7;
	vm1 =	vlt.s32 v7, $0x1;
	s20 =	smul.f32 $6.250000000e-02, s23;
	v20 =	vunpack.i.l.bf16.f32 v2  }
0x295: {  	v4 =	vld [tilespmem:s29+$0x5280];
	v2 =	vunpack.i.u.bf16.f32 v2;
	vm2 =	vne.s32 v25, $0x0;
	v20 =	vmul.f32 v20, v46  }
0x296: {  	v6 =	vld [tilespmem:s29+$0x3280];
	v2 =	vmul.f32 v2, v46;
	vm1 =	vmand vm1, vm2;
	v22 =	vmov s20  }
0x297: {  	vm2 =	vne.s32 v10, $0x0;
	v22 =	vmul.f32 $1.442695020e+00, v22;
	[tilespmem:v15+s26+$0x0] =	vst.idx.add.f32.msk $0xffff, v20;
	v15 =	vshrl.u32 v24, $0x12  }
0x298: {  	v20 =	vbroadcast v3, $0x0;
	[tilespmem:v18+s26+$0x0] =	vst.idx.add.f32.msk $0xffff, v2;
	v2 =	vadd.s32 v15, v7;
	v15 =	vsel vm1, $0xFFFFFFFF, v63  }
0x299: {  	v9 =	vld [tilespmem:s29+$0x32A0];
	vm1 =	vlt.s32 v5, $0x1;
	v7 =	vbroadcast v22, $0x0;
	v2 =	vshra.s32 v2, $0xE  }
0x29a: {  	v10 =	vld [tilespmem:s29+$0x32F0];
	(erf) = vpow2.f32 v20;
	vm1 =	vmand vm1, vm2;
	v2 =	vadd.s32 v51, v2  }
0x29b: {  	v5 =	vld [tilespmem:s29+$0x52C0];
	v2 =	vadd.s32 v15, v2;
	(erf) = vpow2.f32 v7;
	v7 =	vshra.s32 v16, $0xE  }
0x29c: {  	v18 =	vld [tilespmem:s29+$0x3690];
	v16 =	vsel vm1, $0xFFFFFFFF, v63;
	vm2 =	vgt.s32 v2, $0x0;
	v7 =	vadd.s32 v51, v7  }
0x29d: {  	v3 =	vld [tilespmem:s17+$0x56F0];
	v2 =	vnsel vm2, $0x0, v2;
	v16 =	vadd.s32 v16, v7;
	v7 =	vunpack.i.l.bf16.f32 v4  }
0x29e: {  	v20 =	vld [tilespmem:s29+$0x52D0];
	v4 =	vunpack.i.u.bf16.f32 v4;
	v22 =	vmin.u32 v2, $0x140;
	v2 =	vmul.f32 v6, v7  }
0x29f: {  	v15 =	vld [tilespmem:s29+$0x3680];
	v4 =	vmul.f32 v11, v4;
	[tilespmem:$0x1FE50] =	vst v22;
	v7 =	vshll.u32 v22, $0x8;
	v22 =	vshll.u32 v22, $0x7  }
0x2a0: {  	v6 =	vld [tilespmem:s24+$0x5680];
	v7 =	vand.u32 $0x1F800, v7;
	v22 =	vand.u32 $0x380, v22;
	v2 =	vadd.f32 $0.0e+00, v2  }
0x2a1: {  	v24 =	vld [tilespmem:s29+$0x36A0];
	v7 =	vor.u32 v22, v7;
	v22 =	vunpack.i.l.bf16.f32 v12  }
0x2a2: {  	v11 =	vld [tilespmem:s29+$0x36B0];
	v2 =	vadd.f32 v4, v2;
	v4 =	vmul.f32 v9, v22  }
0x2a3: {  	v25 =	vld [tilespmem:s29+$0x52E0]  }
0x2a4: {  	v4 =	vadd.f32 v4, v2;
	v2 =	vld [tilespmem:$0x1FF10]  }
0x2a5: {  	vm1 =	vgt.s32 v16, $0x0;
	v27 =	vld [tilespmem:s29+$0x52F0];
	v26 =	vor.u32 v52, v7  }
0x2a6: {  	v30 =	vld [tilespmem:s29+$0x36E0];
	v12 =	vunpack.i.u.bf16.f32 v12;
	v43 =	vpop (erf);
	v9 =	vnsel vm1, $0x0, v16  }
0x2a7: {  	v22 =	vld [tilespmem:s29+$0x36C0];
	v12 =	vmul.f32 v13, v12;
	v29 =	vmin.u32 v9, $0x140;
	v57 =	vpop (erf);
	v16 =	vunpack.i.l.bf16.f32 v6  }
0x2a8: {  	s21 =	simm.s32 $0x400;
	s22 =	simm.s32 $0x800;
	v13 =	vld [tilespmem:s29+$0x36D0];
	v9 =	vunpack.i.l.bf16.f32 v14;
	v14 =	vunpack.i.u.bf16.f32 v14;
	v16 =	vmul.f32 v57, v16  }
0x2a9: {  	s19 =	sand.u32 $0x800, s22;
	s17 =	sand.u32 $0x300, s21;
	v9 =	vmul.f32 v17, v9;
	v4 =	vadd.f32 v12, v4;
	v28 =	vor.u32 v2, v7;
	v2 =	vld [tilespmem:$0x1FF40]  }
0x2aa: {  	s17 =	sor.u32 s17, s19;
	v17 =	vshll.u32 v29, $0x7;
	v14 =	vmul.f32 v19, v14;
	[tilespmem:v26+s26+$0x0] =	vst.idx.add.f32.msk $0xffff, v16  }
0x2ab: {  	v6 =	vunpack.i.u.bf16.f32 v6;
	v12 =	vshll.u32 v29, $0x8;
	v4 =	vadd.f32 v9, v4;
	v16 =	vld [tilespmem:s17+$0x5280];
	[tilespmem:$0x1FCD0] =	vst v29  }
0x2ac: {  	v6 =	vmul.f32 v57, v6;
	v9 =	vand.u32 $0x1F800, v12;
	v12 =	vand.u32 $0x380, v17;
	v19 =	vld [tilespmem:s17+$0x3280]  }
0x2ad: {  	v9 =	vor.u32 v12, v9;
	v12 =	vadd.f32 v14, v4;
	v14 =	vld [tilespmem:s17+$0x3290]  }
0x2ae: {  	v17 =	vunpack.i.l.bf16.f32 v21;
	[tilespmem:v28+s26+$0x0] =	vst.idx.add.f32.msk $0xffff, v6  }
0x2af: {  	v6 =	vmul.f32 v23, v17;
	v17 =	vunpack.i.u.bf16.f32 v21;
	v23 =	vld [tilespmem:s17+$0x5290]  }
0x2b0: {  	v10 =	vmul.f32 v10, v17;
	v17 =	vunpack.i.l.bf16.f32 v5;
	v39 =	vld [tilespmem:s24+$0x5690];
	v5 =	vunpack.i.u.bf16.f32 v5  }
0x2b1: {  	v28 =	vunpack.i.l.bf16.f32 v16;
	v6 =	vadd.f32 v6, v12;
	v5 =	vmul.f32 v18, v5;
	v18 =	vld [tilespmem:$0x1FF20]  }
0x2b2: {  	v12 =	vld [tilespmem:s17+$0x32A0];
	v19 =	vmul.f32 v19, v28  }
0x2b3: {  	v16 =	vunpack.i.u.bf16.f32 v16;
	v15 =	vmul.f32 v15, v17;
	v17 =	vld [tilespmem:s17+$0x32B0];
	v6 =	vadd.f32 v10, v6  }
0x2b4: {  	v14 =	vmul.f32 v14, v16;
	v16 =	vld [tilespmem:s17+$0x52A0];
	v10 =	vadd.f32 $0.0e+00, v19  }
0x2b5: {  	v19 =	vunpack.i.l.bf16.f32 v23;
	v6 =	vadd.f32 v15, v6;
	v15 =	vunpack.i.u.bf16.f32 v23;
	v23 =	vld [tilespmem:$0x1FF30]  }
0x2b6: {  	v28 =	vld [tilespmem:s17+$0x32C0];
	v18 =	vor.u32 v18, v7  }
0x2b7: {  	v10 =	vadd.f32 v14, v10;
	v12 =	vmul.f32 v12, v19  }
0x2b8: {  	v40 =	vunpack.i.l.bf16.f32 v20;
	v14 =	vunpack.i.l.bf16.f32 v39;
	v19 =	vld [tilespmem:s17+$0x32D0]  }
0x2b9: {  	v14 =	vmul.f32 v57, v14;
	v15 =	vmul.f32 v17, v15;
	v10 =	vadd.f32 v12, v10;
	v12 =	vld [tilespmem:s17+$0x52B0]  }
0x2ba: {  	v42 =	vld [tilespmem:s17+$0x32E0];
	v17 =	vmul.f32 v24, v40;
	v24 =	vunpack.i.l.bf16.f32 v16;
	v23 =	vor.u32 v23, v7  }
0x2bb: {  	v20 =	vunpack.i.u.bf16.f32 v20;
	v10 =	vadd.f32 v15, v10;
	[tilespmem:v18+s26+$0x0] =	vst.idx.add.f32.msk $0xffff, v14;
	v14 =	vmul.f32 v28, v24  }
0x2bc: {  	v16 =	vunpack.i.u.bf16.f32 v16;
	v5 =	vadd.f32 v5, v6;
	v6 =	vunpack.i.u.bf16.f32 v39;
	v15 =	vld [tilespmem:s17+$0x32F0]  }
0x2bd: {  	v6 =	vmul.f32 v57, v6;
	v18 =	vld [tilespmem:s17+$0x52C0];
	v10 =	vadd.f32 v14, v10;
	v14 =	vmul.f32 v19, v16  }
0x2be: {  	v11 =	vmul.f32 v11, v20;
	v5 =	vadd.f32 v17, v5;
	v16 =	vld [tilespmem:s17+$0x3680];
	v17 =	vunpack.i.l.bf16.f32 v12  }
0x2bf: {  	v19 =	vunpack.i.l.bf16.f32 v25;
	[tilespmem:v23+s26+$0x0] =	vst.idx.add.f32.msk $0xffff, v6;
	v6 =	vadd.f32 v14, v10;
	v10 =	vmul.f32 v42, v17  }
0x2c0: {  	v5 =	vadd.f32 v11, v5;
	v12 =	vunpack.i.u.bf16.f32 v12;
	v11 =	vmul.f32 v22, v19;
	v14 =	vld [tilespmem:s17+$0x3690]  }
0x2c1: {  	v17 =	vunpack.i.u.bf16.f32 v25;
	v6 =	vadd.f32 v10, v6;
	v10 =	vmul.f32 v15, v12  }
0x2c2: {  	v13 =	vmul.f32 v13, v17;
	v5 =	vadd.f32 v11, v5;
	v11 =	vunpack.i.l.bf16.f32 v18  }
0x2c3: {  	v17 =	vunpack.i.l.bf16.f32 v27;
	v19 =	vld [tilespmem:s24+$0x56A0];
	v11 =	vmul.f32 v16, v11;
	v6 =	vadd.f32 v10, v6  }
0x2c4: {  	v23 =	vld [tilespmem:$0x1FF50];
	v16 =	vmul.f32 v30, v17;
	v17 =	vunpack.i.u.bf16.f32 v18  }
0x2c5: {  	v6 =	vadd.f32 v11, v6;
	v11 =	vmul.f32 v14, v17;
	v14 =	vld [tilespmem:$0x1FF40]  }
0x2c6: {  	v12 =	vld [tilespmem:s17+$0x52D0]  }
0x2c7: {  	v15 =	vld [tilespmem:s17+$0x36A0];
	_ =	sdelay $0x2  }
0x2c8: {  	v41 =	vld [tilespmem:s29+$0x36F0];
	v14 =	vor.u32 v14, v7  }
0x2c9: {  	v18 =	vld [tilespmem:s17+$0x36B0];
	v5 =	vadd.f32 v13, v5;
	v23 =	vor.u32 v23, v7;
	v20 =	vunpack.i.l.bf16.f32 v12  }
0x2ca: {  	v13 =	vld [tilespmem:s17+$0x52E0];
	v6 =	vadd.f32 v11, v6;
	v11 =	vmul.f32 v15, v20;
	v15 =	vunpack.i.l.bf16.f32 v19  }
0x2cb: {  	v17 =	vld [tilespmem:s17+$0x36C0];
	v19 =	vunpack.i.u.bf16.f32 v19;
	v15 =	vmul.f32 v15, v57  }
0x2cc: {  	v5 =	vadd.f32 v16, v5;
	v20 =	vld [tilespmem:s17+$0x36D0];
	v16 =	vmul.f32 v19, v57  }
0x2cd: {  	[tilespmem:v14+s26+$0x0] =	vst.idx.add.f32.msk $0xffff, v15  }
0x2ce: {  	v12 =	vunpack.i.u.bf16.f32 v12;
	[tilespmem:v23+s26+$0x0] =	vst.idx.add.f32.msk $0xffff, v16  }
0x2cf: {  	v10 =	vunpack.i.u.bf16.f32 v27;
	v6 =	vadd.f32 v11, v6;
	v11 =	vmul.f32 v18, v12;
	v15 =	vld [tilespmem:$0x1FF10]  }
0x2d0: {  	v26 =	vunpack.i.l.bf16.f32 v3;
	v10 =	vmul.f32 v41, v10;
	v12 =	vld [tilespmem:s17+$0x52F0];
	v18 =	vunpack.i.l.bf16.f32 v13  }
0x2d1: {  	v21 =	vor.u32 v61, v47;
	v19 =	vld [tilespmem:s17+$0x36E0];
	v6 =	vadd.f32 v11, v6;
	v11 =	vmul.f32 v17, v18  }
0x2d2: {  	v4 =	vor.u32 v52, v9;
	v5 =	vadd.f32 v10, v5;
	v10 =	vunpack.i.u.bf16.f32 v13  }
0x2d3: {  	v13 =	vld [tilespmem:s17+$0x36F0];
	v10 =	vmul.f32 v20, v10;
	v6 =	vadd.f32 v11, v6;
	v11 =	vunpack.i.u.bf16.f32 v1  }
0x2d4: {  	v1 =	vunpack.i.l.bf16.f32 v1;
	v14 =	vmul.f32 v26, v46;
	v15 =	vor.u32 v15, v9  }
0x2d5: {  	v1 =	vmul.f32 v43, v1;
	v16 =	vunpack.i.l.bf16.f32 v12  }
0x2d6: {  	v10 =	vadd.f32 v10, v6;
	[tilespmem:v21+s26+$0x0] =	vst.idx.add.f32.msk $0xffff, v14;
	v14 =	vmul.f32 v19, v16  }
0x2d7: {  	(xrf2) =	vadd.scan.msk.f32 $0xffff, v5;
	v11 =	vmul.f32 v43, v11;
	v12 =	vunpack.i.u.bf16.f32 v12;
	v5 =	vld [tilespmem:s24+$0x56B0]  }
0x2d8: {  	v12 =	vmul.f32 v13, v12;
	[tilespmem:v4+s26+$0x0] =	vst.idx.add.f32.msk $0xffff, v1;
	v10 =	vadd.f32 v14, v10  }
0x2d9: {  	[tilespmem:v15+s26+$0x0] =	vst.idx.add.f32.msk $0xffff, v11  }
0x2da: {  	v10 =	vadd.f32 v12, v10;
	v12 =	vld [tilespmem:$0x1FF50]  }
0x2db: {  	v2 =	vor.u32 v2, v8  }
0x2dc: {  	s23 =	simm.s32 $0x480;
	v17 =	vor.u32 v59, v7  }
0x2dd: {  	s21 =	sand.u32 $0x380, s23;
	v13 =	vunpack.i.l.bf16.f32 v0;
	v1 =	vor.u32 v55, v7  }
0x2de: {  	s30 =	sor.u32 s19, s21;
	v22 =	vld [tilespmem:s3+$0x56C0];
	v4 =	vmul.f32 v13, v58;
	v11 =	vunpack.i.l.bf16.f32 v5  }
0x2df: {  	v20 =	vld [tilespmem:s30+$0x3280];
	v5 =	vunpack.i.u.bf16.f32 v5;
	v11 =	vmul.f32 v11, v57;
	v12 =	vor.u32 v12, v8  }
0x2e0: {  	[tilespmem:v2+s26+$0x0] =	vst.idx.add.f32.msk $0xffff, v4;
	v2 =	vmul.f32 v5, v57  }
0x2e1: {  	v0 =	vunpack.i.u.bf16.f32 v0;
	[tilespmem:v17+s26+$0x0] =	vst.idx.add.f32.msk $0xffff, v11  }
0x2e2: {  	v0 =	vmul.f32 v0, v58;
	[tilespmem:v1+s26+$0x0] =	vst.idx.add.f32.msk $0xffff, v2  }
0x2e3: {  	s18 =	sadd.s32 $0x3, s18;
	v2 =	vld [tilespmem:$0x1FF20]  }
0x2e4: {  	v24 =	vmov s18;
	[tilespmem:v12+s26+$0x0] =	vst.idx.add.f32.msk $0xffff, v0  }
0x2e5: {  	v4 =	vor.u32 v54, v31;
	v0 =	vld [tilespmem:$0x1FF30]  }
0x2e6: {  	(xrf2) =	vadd.scan.msk.f32 $0xffff, v10;
	v13 =	vld [tilespmem:s9+$0x5690];
	v5 =	vor.u32 v60, v31  }
0x2e7: {  	v6 =	vld [tilespmem:s29+$0x5680];
	v10 =	vunpack.i.l.bf16.f32 v22  }
0x2e8: {  	v14 =	vunpack.i.u.bf16.f32 v22;
	v10 =	vmul.f32 v10, v62;
	v1, _, _ =	vpop (xrf2);
	v11 =	vld [tilespmem:s24+$0x56C0]  }
0x2e9: {  	v16 =	vld.idx.msk [tilespmem:v24+s25+$0x0], $0xffff;
	(v2sf) =	vpush v1, $0xF;
	v1 =	vmul.f32 v14, v62;
	v2 =	vor.u32 v2, v9  }
0x2ea: {  	[tilespmem:v4+s26+$0x0] =	vst.idx.add.f32.msk $0xffff, v10;
	v0 =	vor.u32 v0, v9  }
0x2eb: {  	v4 =	vunpack.i.l.bf16.f32 v13;
	v10 =	vor.u32 v54, v7;
	[tilespmem:v5+s26+$0x0] =	vst.idx.add.f32.msk $0xffff, v1;
	v1 =	vunpack.i.u.bf16.f32 v13  }
0x2ec: {  	v12 =	vld [tilespmem:s8+$0x56B0];
	v4 =	vmul.f32 v43, v4;
	v5 =	vor.u32 v60, v7;
	v1 =	vmul.f32 v43, v1  }
0x2ed: {  	v15 =	vld [tilespmem:s30+$0x5280];
	v13 =	vunpack.i.l.bf16.f32 v11  }
0x2ee: {  	[tilespmem:v2+s26+$0x0] =	vst.idx.add.f32.msk $0xffff, v4;
	v2 =	vunpack.i.u.bf16.f32 v11;
	v4 =	vmul.f32 v13, v57  }
0x2ef: {  	v11 =	vor.u32 v59, v8;
	[tilespmem:v0+s26+$0x0] =	vst.idx.add.f32.msk $0xffff, v1;
	v0 =	vmul.f32 v2, v57  }
0x2f0: {  	[tilespmem:v10+s26+$0x0] =	vst.idx.add.f32.msk $0xffff, v4;
	v1, _, _ =	vpop (xrf2);
	v2 =	vor.u32 v55, v8  }
0x2f1: {  	(v2sf) =	vpush v1, $0xF;
	v1 =	vunpack.i.l.bf16.f32 v12;
	[tilespmem:v5+s26+$0x0] =	vst.idx.add.f32.msk $0xffff, v0  }
0x2f2: {  	s18 =	sadd.s32 $0x6, s1;
	v0 =	vunpack.i.u.bf16.f32 v12;
	v1 =	vmul.f32 v1, v58;
	v4 =	vld [tilespmem:s24+$0x56D0]  }
0x2f3: {  	s20 =	sadd.s32 $0x2, s18;
	v17 =	vld [tilespmem:s3+$0x56D0];
	v0 =	vmul.f32 v0, v58  }
0x2f4: {  	[tilespmem:v11+s26+$0x0] =	vst.idx.add.f32.msk $0xffff, v1;
	v1 =	vmov s20  }
0x2f5: {  	[tilespmem:v2+s26+$0x0] =	vst.idx.add.f32.msk $0xffff, v0;
	v0 =	vor.u32 v53, v7;
	v1 =	vand.u32 $0xFFFFFFFE, v1  }
0x2f6: {  	v10 =	vld [tilespmem:s9+$0x56A0];
	v18 =	vbroadcast v1, $0x0;
	v1 =	vor.u32 v50, v31  }
0x2f7: {  	v2 =	vor.u32 v48, v7;
	v11 =	vld [tilespmem:s8+$0x56C0];
	[tilespmem:$0x1FE80] =	vst v1;
	v1 =	vor.u32 v49, v31;
	v5 =	vunpack.i.l.bf16.f32 v4  }
0x2f8: {  	v19 =	vor.u32 v61, v31;
	v21 =	vld [tilespmem:s30+$0x3290];
	[tilespmem:$0x1FE90] =	vst v1;
	v5 =	vmul.f32 v5, v57  }
0x2f9: {  	s22 =	spop (v2sf);
	v12 =	vunpack.i.u.bf16.f32 v4;
	[tilespmem:$0x1FCE0] =	vst v19  }
0x2fa: {  	s19 =	smul.f32 $6.250000000e-02, s22;
	v12 =	vmul.f32 v12, v57;
	[tilespmem:v0+s26+$0x0] =	vst.idx.add.f32.msk $0xffff, v5;
	v0 =	vor.u32 v56, v31  }
0x2fb: {  	[tilespmem:$0x1FCF0] =	vst v0  }
0x2fc: {  	v5 =	vmov s19;
	[tilespmem:v2+s26+$0x0] =	vst.idx.add.f32.msk $0xffff, v12  }
0x2fd: {  	v0 =	vshra.s32 v16, $0x1F;
	v5 =	vmul.f32 $1.442695020e+00, v5;
	v22 =	vld [tilespmem:s30+$0x5290]  }
0x2fe: {  	v0 =	vshrl.u32 v0, $0x12;
	v2 =	vand.u32 $0x3FFF, v16;
	v12 =	vld [tilespmem:s24+$0x56E0]  }
0x2ff: {  	v0 =	vadd.s32 v0, v16;
	vm1 =	vne.s32 v2, $0x0;
	v2 =	vbroadcast v5, $0x0;
	v5 =	vld.idx.msk [tilespmem:v18+s25+$0x0], $0xffff  }
0x300: {  	vm2 =	vlt.s32 v16, $0x1;
	v14 =	vor.u32 v48, v31;
	v23 =	vld [tilespmem:s30+$0x32A0];
	v0 =	vshra.s32 v0, $0xE  }
0x301: {  	v13 =	vor.u32 v53, v31;
	v24 =	vld [tilespmem:s30+$0x32B0];
	vm1 =	vmand vm2, vm1;
	v0 =	vadd.s32 v51, v0;
	s23 =	spop (v2sf)  }
0x302: {  	v25 =	vld [tilespmem:s30+$0x52A0];
	v19 =	vsel vm1, $0xFFFFFFFF, v63;
	(erf) = vpow2.f32 v2;
	v2 =	vor.u32 v50, v7;
	s19 =	smul.f32 $6.250000000e-02, s23  }
0x303: {  	v27 =	vld [tilespmem:s30+$0x32C0];
	v0 =	vadd.s32 v19, v0;
	v19 =	vor.u32 v49, v7;
	v26 =	vunpack.i.l.bf16.f32 v12  }
0x304: {  	v30 =	vld [tilespmem:s30+$0x32D0];
	v12 =	vunpack.i.u.bf16.f32 v12;
	v28 =	vmov s19;
	v31 =	vshra.s32 v5, $0x1F  }
0x305: {  	v33 =	vld [tilespmem:s30+$0x52B0];
	v44 =	vand.u32 $0x3FFF, v5;
	vm1 =	vlt.s32 v5, $0x1;
	v26 =	vmul.f32 v26, v57  }
0x306: {  	v34 =	vld [tilespmem:s30+$0x32E0];
	v28 =	vmul.f32 $1.442695020e+00, v28;
	v31 =	vshrl.u32 v31, $0x12;
	vm2 =	vne.s32 v44, $0x0  }
0x307: {  	v12 =	vmul.f32 v12, v57;
	vm1 =	vmand vm1, vm2;
	vm2 =	vgt.s32 v0, $0x0;
	[tilespmem:v2+s26+$0x0] =	vst.idx.add.f32.msk $0xffff, v26  }
0x308: {  	v5 =	vadd.s32 v31, v5;
	v0 =	vnsel vm2, $0x0, v0;
	v26 =	vld [tilespmem:s30+$0x32F0]  }
0x309: {  	v2 =	vbroadcast v28, $0x0;
	v5 =	vshra.s32 v5, $0xE;
	[tilespmem:v19+s26+$0x0] =	vst.idx.add.f32.msk $0xffff, v12;
	v19 =	vmin.u32 v0, $0x140  }
0x30a: {  	v12 =	vsel vm1, $0xFFFFFFFF, v63;
	v5 =	vadd.s32 v51, v5;
	[tilespmem:$0x1FD00] =	vst v19;
	v29 =	vld [tilespmem:$0x1FF10]  }
0x30b: {  	v41 =	vunpack.i.l.bf16.f32 v6;
	v0 =	vadd.s32 v12, v5;
	(erf) = vpow2.f32 v2;
	v28 =	vld [tilespmem:s30+$0x52C0]  }
0x30c: {  	v2 =	vshll.u32 v19, $0x8;
	v5 =	vshll.u32 v19, $0x7;
	vm1 =	vgt.s32 v0, $0x0;
	v31 =	vld [tilespmem:s30+$0x3680]  }
0x30d: {  	v2 =	vand.u32 $0x1F800, v2;
	v5 =	vand.u32 $0x380, v5;
	v35 =	vld [tilespmem:s30+$0x3690];
	v12 =	vnsel vm1, $0x0, v0  }
0x30e: {  	v6 =	vunpack.i.u.bf16.f32 v6;
	v37 =	vld [tilespmem:s17+$0x5680];
	v32 =	vpop (erf);
	v19 =	vor.u32 v5, v2;
	v5 =	vmin.u32 v12, $0x140  }
0x30f: {  	v39 =	vld [tilespmem:s30+$0x52D0];
	v40 =	vmul.f32 v32, v41;
	v36 =	vor.u32 v52, v19;
	v2 =	vshll.u32 v5, $0x8  }
0x310: {  	v42 =	vld [tilespmem:s30+$0x36A0];
	v12 =	vshll.u32 v5, $0x7;
	v38 =	vor.u32 v29, v19;
	v29 =	vor.u32 v50, v8  }
0x311: {  	v41 =	vld [tilespmem:s30+$0x36B0];
	v45 =	vand.u32 $0x1F800, v2;
	v12 =	vand.u32 $0x380, v12;
	[tilespmem:$0x1FD10] =	vst v29;
	v29 =	vor.u32 v49, v8  }
0x312: {  	v12 =	vor.u32 v12, v45;
	v45 =	vmul.f32 v32, v6;
	v6 =	vor.u32 v61, v8;
	[tilespmem:$0x1FD20] =	vst v29  }
0x313: {  	v4 =	vmov v48;
	v2 =	vor.u32 v48, v8;
	v48 =	vld [tilespmem:s30+$0x52E0];
	[tilespmem:$0x1FD30] =	vst v6  }
0x314: {  	[tilespmem:v36+s26+$0x0] =	vst.idx.add.f32.msk $0xffff, v40  }
0x315: {  	v6 =	vld [tilespmem:$0x1FF10];
	_ =	sdelay $0x2  }
0x316: {  	v18 =	vor.u32 v54, v8;
	v44 =	vor.u32 v52, v12  }
0x317: {  	v16 =	vor.u32 v60, v8;
	v0 =	vor.u32 v53, v8;
	v8 =	vor.u32 v56, v8  }
0x318: {  	v50 =	vunpack.i.l.bf16.f32 v37;
	[tilespmem:$0x1FD40] =	vst v8;
	v36 =	vor.u32 v6, v12;
	v6 =	vpop (erf)  }
0x319: {  	[tilespmem:v38+s26+$0x0] =	vst.idx.add.f32.msk $0xffff, v45;
	v8 =	vmul.f32 v6, v50  }
0x31a: {  	v29 =	vld [tilespmem:$0x1FF40]  }
0x31b: {  	[tilespmem:v44+s26+$0x0] =	vst.idx.add.f32.msk $0xffff, v8  }
0x31c: {  	v8 =	vld [tilespmem:$0x1FF50];
	_ =	sdelay $0x2  }
0x31d: {  	v1 =	vmov v49;
	v49 =	vunpack.i.l.bf16.f32 v15;
	v38 =	vor.u32 v29, v9  }
0x31e: {  	v37 =	vunpack.i.u.bf16.f32 v37;
	v15 =	vunpack.i.u.bf16.f32 v15;
	v20 =	vmul.f32 v20, v49  }
0x31f: {  	v49 =	vunpack.i.l.bf16.f32 v10;
	v37 =	vmul.f32 v6, v37;
	v40 =	vor.u32 v8, v9  }
0x320: {  	v15 =	vmul.f32 v21, v15;
	v21 =	vmul.f32 v49, v43  }
0x321: {  	v10 =	vunpack.i.u.bf16.f32 v10;
	[tilespmem:v36+s26+$0x0] =	vst.idx.add.f32.msk $0xffff, v37  }
0x322: {  	v10 =	vmul.f32 v10, v43;
	v50 =	vunpack.i.l.bf16.f32 v22;
	v22 =	vunpack.i.u.bf16.f32 v22;
	[tilespmem:v38+s26+$0x0] =	vst.idx.add.f32.msk $0xffff, v21  }
0x323: {  	v22 =	vmul.f32 v24, v22;
	v24 =	vld [tilespmem:$0x1FF20]  }
0x324: {  	[tilespmem:v40+s26+$0x0] =	vst.idx.add.f32.msk $0xffff, v10  }
0x325: {  	v20 =	vadd.f32 $0.0e+00, v20;
	v10 =	vld [tilespmem:$0x1FF30]  }
0x326: {  	s18 =	sadd.s32 $0x3, s18;
	v37 =	vld [tilespmem:s17+$0x5690]  }
0x327: {  	v20 =	vadd.f32 v15, v20;
	v23 =	vmul.f32 v23, v50;
	v36 =	vmov s18  }
0x328: {  	v45 =	vld [tilespmem:s30+$0x36C0]  }
0x329: {  	v49 =	vld [tilespmem:s30+$0x52F0];
	v20 =	vadd.f32 v23, v20;
	v24 =	vor.u32 v24, v12  }
0x32a: {  	v50 =	vld [tilespmem:s30+$0x36F0];
	v23 =	vunpack.i.l.bf16.f32 v25;
	v21 =	vunpack.i.l.bf16.f32 v11;
	v40 =	vor.u32 v10, v12  }
0x32b: {  	v44 =	vld [tilespmem:s30+$0x36D0];
	v27 =	vmul.f32 v27, v23;
	v21 =	vmul.f32 v21, v58;
	v10 =	vunpack.i.l.bf16.f32 v37  }
0x32c: {  	v20 =	vadd.f32 v22, v20;
	v23 =	vld.idx.msk [tilespmem:v36+s25+$0x0], $0xffff;
	v22 =	vunpack.i.u.bf16.f32 v37;
	v36 =	vmul.f32 v6, v10  }
0x32d: {  	[tilespmem:v18+s26+$0x0] =	vst.idx.add.f32.msk $0xffff, v21;
	v18 =	vmul.f32 v6, v22  }
0x32e: {  	v25 =	vunpack.i.u.bf16.f32 v25;
	v20 =	vadd.f32 v27, v20;
	[tilespmem:v24+s26+$0x0] =	vst.idx.add.f32.msk $0xffff, v36  }
0x32f: {  	v21 =	vunpack.i.u.bf16.f32 v11;
	v22 =	vmul.f32 v30, v25;
	v11 =	vor.u32 v53, v9;
	[tilespmem:v40+s26+$0x0] =	vst.idx.add.f32.msk $0xffff, v18  }
0x330: {  	v38 =	vld [tilespmem:s30+$0x36E0];
	[tilespmem:$0x1FD50] =	vst v11  }
0x331: {  	v20 =	vadd.f32 v22, v20;
	v11 =	vor.u32 v4, v9;
	v22 =	vld [tilespmem:s17+$0x56A0]  }
0x332: {  	[tilespmem:$0x1FD60] =	vst v11;
	v11 =	vld [tilespmem:$0x1FF60];
	_ =	sdelay $0x4  }
0x333: {  	v21 =	vmul.f32 v21, v58;
	v11 =	vor.u32 v11, v9  }
0x334: {  	[tilespmem:$0x1FD70] =	vst v11  }
0x335: {  	v11 =	vor.u32 v1, v9;
	[tilespmem:v16+s26+$0x0] =	vst.idx.add.f32.msk $0xffff, v21  }
0x336: {  	[tilespmem:$0x1FD80] =	vst v11;
	v11 =	vld [tilespmem:$0x1FF40];
	_ =	sdelay $0x1  }
0x337: {  	v24 =	vunpack.i.l.bf16.f32 v33  }
0x338: {  	v18 =	vmul.f32 v34, v24  }
0x339: {  	v3 =	vunpack.i.u.bf16.f32 v3;
	s23 =	simm.s32 $0xA00;
	s18 =	simm.s32 $0x500;
	v24 =	vunpack.i.u.bf16.f32 v33  }
0x33a: {  	s20 =	sand.u32 $0x800, s23;
	s19 =	sand.u32 $0x300, s18;
	v16 =	vadd.f32 v18, v20;
	v18 =	vmul.f32 v26, v24;
	v24 =	vor.u32 v11, v12;
	v11 =	vld [tilespmem:$0x1FF50]  }
0x33b: {  	v15 =	vor.u32 v55, v9;
	v29 =	vor.u32 v60, v9;
	s22 =	sor.u32 s19, s20;
	v20 =	vunpack.i.l.bf16.f32 v28  }
0x33c: {  	v8 =	vor.u32 v59, v9;
	v20 =	vmul.f32 v31, v20;
	v25 =	vld [tilespmem:s22+$0x3680];
	v16 =	vadd.f32 v18, v16  }
0x33d: {  	v10 =	vor.u32 v54, v9;
	v21 =	vunpack.i.u.bf16.f32 v28;
	v28 =	vunpack.i.l.bf16.f32 v39;
	v26 =	vld [tilespmem:s22+$0x32B0]  }
0x33e: {  	v21 =	vmul.f32 v35, v21;
	v31 =	vunpack.i.l.bf16.f32 v22;
	v18 =	vld [tilespmem:s22+$0x5280];
	v16 =	vadd.f32 v20, v16  }
0x33f: {  	v28 =	vmul.f32 v42, v28;
	v30 =	vld [tilespmem:s22+$0x3280];
	v27 =	vor.u32 v11, v12;
	v11 =	vor.u32 v61, v9  }
0x340: {  	v31 =	vmul.f32 v31, v6;
	v20 =	vld [tilespmem:s22+$0x5290];
	v16 =	vadd.f32 v21, v16;
	v9 =	vor.u32 v56, v9;
	[tilespmem:$0x1FD90] =	vst v11  }
0x341: {  	v21 =	vmul.f32 v3, v46;
	v3 =	vunpack.i.u.bf16.f32 v39;
	v37 =	vld [tilespmem:s22+$0x3290];
	[tilespmem:$0x1FDA0] =	vst v9  }
0x342: {  	v3 =	vmul.f32 v41, v3;
	v16 =	vadd.f32 v28, v16;
	[tilespmem:v24+s26+$0x0] =	vst.idx.add.f32.msk $0xffff, v31  }
0x343: {  	v22 =	vunpack.i.u.bf16.f32 v22;
	v28 =	vunpack.i.l.bf16.f32 v48;
	v31 =	vld [tilespmem:s22+$0x32A0]  }
0x344: {  	v22 =	vmul.f32 v22, v6;
	v3 =	vadd.f32 v3, v16;
	v16 =	vmul.f32 v45, v28;
	v28 =	vld [tilespmem:s22+$0x52C0]  }
0x345: {  	v35 =	vld [tilespmem:s22+$0x32C0]  }
0x346: {  	[tilespmem:v27+s26+$0x0] =	vst.idx.add.f32.msk $0xffff, v22  }
0x347: {  	v22 =	vunpack.i.l.bf16.f32 v18;
	v24 =	vld [tilespmem:s17+$0x56B0]  }
0x348: {  	v33 =	vor.u32 v59, v12;
	v34 =	vunpack.i.u.bf16.f32 v20;
	v45 =	vld [tilespmem:s22+$0x32D0];
	v22 =	vmul.f32 v30, v22  }
0x349: {  	v20 =	vunpack.i.l.bf16.f32 v20;
	v26 =	vmul.f32 v26, v34;
	v18 =	vunpack.i.u.bf16.f32 v18;
	v11 =	vld [tilespmem:$0x1FF20]  }
0x34a: {  	v34 =	vld [tilespmem:s22+$0x32E0];
	v27 =	vunpack.i.u.bf16.f32 v48;
	v18 =	vmul.f32 v37, v18;
	v22 =	vadd.f32 $0.0e+00, v22  }
0x34b: {  	v3 =	vadd.f32 v16, v3;
	v30 =	vld [tilespmem:s22+$0x52A0];
	v27 =	vmul.f32 v44, v27;
	v44 =	vor.u32 v55, v12  }
0x34c: {  	v20 =	vmul.f32 v31, v20;
	v31 =	vld [tilespmem:s22+$0x52B0];
	v18 =	vadd.f32 v18, v22;
	v22 =	vunpack.i.l.bf16.f32 v24  }
0x34d: {  	v3 =	vadd.f32 v27, v3;
	v27 =	vld [tilespmem:s22+$0x32F0];
	v48 =	vmul.f32 v22, v6  }
0x34e: {  	v9 =	vor.u32 v56, v47;
	v47 =	vunpack.i.u.bf16.f32 v24;
	v24 =	vor.u32 v11, v19;
	v11 =	vld [tilespmem:$0x1FF30]  }
0x34f: {  	v41 =	vunpack.i.l.bf16.f32 v49;
	v39 =	vmul.f32 v47, v6;
	[tilespmem:v33+s26+$0x0] =	vst.idx.add.f32.msk $0xffff, v48  }
0x350: {  	v18 =	vadd.f32 v20, v18;
	v33 =	vmul.f32 v38, v41;
	v38 =	vld [tilespmem:s22+$0x52E0]  }
0x351: {  	[tilespmem:v44+s26+$0x0] =	vst.idx.add.f32.msk $0xffff, v39  }
0x352: {  	v20 =	vunpack.i.l.bf16.f32 v30;
	v18 =	vadd.f32 v26, v18;
	v26 =	vld [tilespmem:s17+$0x56C0]  }
0x353: {  	v16 =	vunpack.i.u.bf16.f32 v49;
	v20 =	vmul.f32 v35, v20;
	v39 =	vld [tilespmem:s22+$0x36B0]  }
0x354: {  	v16 =	vmul.f32 v50, v16;
	v30 =	vunpack.i.u.bf16.f32 v30;
	v47 =	vor.u32 v54, v12;
	v50 =	vld [tilespmem:$0x1FF60]  }
0x355: {  	v22 =	vor.u32 v11, v19;
	v18 =	vadd.f32 v20, v18;
	v20 =	vmul.f32 v45, v30;
	v11 =	vld [tilespmem:$0x1FF50]  }
0x356: {  	v44 =	vunpack.i.l.bf16.f32 v31;
	v33 =	vadd.f32 v33, v3;
	v45 =	vld [tilespmem:s22+$0x3690]  }
0x357: {  	v3 =	vld [tilespmem:$0x1FF40];
	v18 =	vadd.f32 v20, v18;
	v20 =	vmul.f32 v34, v44;
	v48 =	vunpack.i.l.bf16.f32 v26  }
0x358: {  	v34 =	vld [tilespmem:s22+$0x52D0];
	v33 =	vadd.f32 v16, v33;
	v16 =	vunpack.i.u.bf16.f32 v31;
	v35 =	vmul.f32 v48, v6  }
0x359: {  	s21 =	simm.s32 $0x580;
	vm2 =	vlt.s32 v23, $0x1;
	v31 =	vld [tilespmem:s22+$0x36A0];
	v27 =	vmul.f32 v27, v16;
	v18 =	vadd.f32 v20, v18  }
0x35a: {  	s19 =	sand.u32 $0x380, s21;
	v49 =	vunpack.i.l.bf16.f32 v28;
	v20 =	vor.u32 v11, v19;
	v11 =	vor.u32 v54, v19;
	[tilespmem:v47+s26+$0x0] =	vst.idx.add.f32.msk $0xffff, v35  }
0x35b: {  	s21 =	sor.u32 s20, s19;
	v36 =	vor.u32 v60, v12;
	v25 =	vmul.f32 v25, v49;
	v30 =	vld [tilespmem:s22+$0x36D0];
	v27 =	vadd.f32 v27, v18;
	[tilespmem:$0x1FDB0] =	vst v11  }
0x35c: {  	v40 =	vunpack.i.u.bf16.f32 v17;
	v17 =	vunpack.i.l.bf16.f32 v17;
	v28 =	vunpack.i.u.bf16.f32 v28;
	(xrf2) =	vadd.scan.msk.f32 $0xffff, v33;
	v33 =	vld [tilespmem:s21+$0x5280]  }
0x35d: {  	v17 =	vmul.f32 v17, v62;
	v25 =	vadd.f32 v25, v27;
	v27 =	vmul.f32 v45, v28;
	v28 =	vld [tilespmem:s21+$0x3280]  }
0x35e: {  	v37 =	vmul.f32 v40, v62;
	v44 =	vshra.s32 v23, $0x1F;
	v47 =	vunpack.i.l.bf16.f32 v34;
	v45 =	vld [tilespmem:s22+$0x36C0]  }
0x35f: {  	v31 =	vmul.f32 v31, v47;
	v25 =	vadd.f32 v27, v25;
	v27 =	vand.u32 $0x3FFF, v23;
	v48 =	vld [tilespmem:s21+$0x3290]  }
0x360: {  	v35 =	vshrl.u32 v44, $0x12;
	v49 =	vld [tilespmem:s21+$0x5290];
	vm1 =	vne.s32 v27, $0x0;
	v27 =	vunpack.i.u.bf16.f32 v34  }
0x361: {  	v44 =	vld [tilespmem:s21+$0x32A0];
	v25 =	vadd.f32 v31, v25;
	v27 =	vmul.f32 v39, v27;
	v31 =	vunpack.i.l.bf16.f32 v33  }
0x362: {  	v35 =	vadd.s32 v35, v23;
	v23 =	vunpack.i.l.bf16.f32 v38;
	v47 =	vld [tilespmem:s21+$0x32C0];
	v28 =	vmul.f32 v28, v31  }
0x363: {  	v25 =	vadd.f32 v27, v25;
	v23 =	vmul.f32 v45, v23;
	v27 =	vunpack.i.u.bf16.f32 v33;
	v33 =	vld [tilespmem:s21+$0x52A0]  }
0x364: {  	v38 =	vunpack.i.u.bf16.f32 v38;
	v31 =	vld [tilespmem:s21+$0x32B0];
	v27 =	vmul.f32 v48, v27;
	v28 =	vadd.f32 $0.0e+00, v28  }
0x365: {  	v16 =	vor.u32 v59, v19;
	v30 =	vmul.f32 v30, v38;
	v48 =	vld [tilespmem:s22+$0x52F0];
	v23 =	vadd.f32 v23, v25  }
0x366: {  	v3 =	vor.u32 v3, v19;
	v25 =	vld [tilespmem:s22+$0x36E0];
	v27 =	vadd.f32 v27, v28;
	v28 =	vunpack.i.l.bf16.f32 v49  }
0x367: {  	v26 =	vunpack.i.u.bf16.f32 v26;
	v23 =	vadd.f32 v30, v23;
	v30 =	vld [tilespmem:s22+$0x36F0];
	v28 =	vmul.f32 v44, v28  }
0x368: {  	v18 =	vor.u32 v55, v19;
	v11 =	vor.u32 v60, v19;
	v34 =	vunpack.i.u.bf16.f32 v49;
	v49 =	vld [tilespmem:s21+$0x32D0]  }
0x369: {  	v26 =	vmul.f32 v26, v6;
	v35 =	vshra.s32 v35, $0xE;
	v27 =	vadd.f32 v28, v27;
	v28 =	vld [tilespmem:s21+$0x52B0];
	[tilespmem:$0x1FDC0] =	vst v11  }
0x36a: {  	v41 =	vunpack.i.l.bf16.f32 v33;
	v33 =	vunpack.i.u.bf16.f32 v33;
	v31 =	vmul.f32 v31, v34;
	v44 =	vld [tilespmem:s21+$0x32E0]  }
0x36b: {  	v34 =	vmul.f32 v47, v41;
	v11 =	vor.u32 v53, v19;
	[tilespmem:v36+s26+$0x0] =	vst.idx.add.f32.msk $0xffff, v26;
	v26 =	vunpack.i.l.bf16.f32 v48  }
0x36c: {  	v45, _, _ =	vpop (xrf2);
	v27 =	vadd.f32 v31, v27;
	[tilespmem:$0x1FDD0] =	vst v11;
	v25 =	vmul.f32 v25, v26;
	v11 =	vor.u32 v4, v19  }
0x36d: {  	(v2sf) =	vpush v45, $0xF;
	v48 =	vunpack.i.u.bf16.f32 v48;
	v31 =	vmul.f32 v49, v33;
	v26 =	vld [tilespmem:s29+$0x5690];
	[tilespmem:$0x1FDE0] =	vst v11  }
0x36e: {  	v11 =	vor.u32 v50, v19;
	v27 =	vadd.f32 v34, v27;
	v47 =	vld [tilespmem:s17+$0x56D0];
	v23 =	vadd.f32 v25, v23  }
0x36f: {  	v25 =	vmul.f32 v30, v48;
	v49 =	vld [tilespmem:s21+$0x32F0];
	[tilespmem:$0x1FDF0] =	vst v11;
	v11 =	vor.u32 v1, v19;
	v30 =	vunpack.i.l.bf16.f32 v28  }
0x370: {  	vm1 =	vmand vm2, vm1;
	v30 =	vmul.f32 v44, v30;
	v27 =	vadd.f32 v31, v27;
	v31 =	vld [tilespmem:s21+$0x52C0];
	[tilespmem:$0x1FE00] =	vst v11  }
0x371: {  	v11 =	vor.u32 v61, v19;
	[tilespmem:v13+s26+$0x0] =	vst.idx.add.f32.msk $0xffff, v17;
	v13 =	vadd.s32 v51, v35;
	v17 =	vsel vm1, $0xFFFFFFFF, v63  }
0x372: {  	v45 =	vmov v60;
	v60 =	vld [tilespmem:s21+$0x3680];
	[tilespmem:$0x1FE10] =	vst v11;
	v27 =	vadd.f32 v30, v27;
	v13 =	vadd.s32 v17, v13  }
0x373: {  	v11 =	vor.u32 v56, v19;
	[tilespmem:v14+s26+$0x0] =	vst.idx.add.f32.msk $0xffff, v37;
	v14 =	vadd.f32 v25, v23  }
0x374: {  	v23 =	vunpack.i.l.bf16.f32 v26;
	v25 =	vunpack.i.u.bf16.f32 v28;
	v28 =	vor.u32 v53, v12;
	v30 =	vld [tilespmem:s21+$0x3690]  }
0x375: {  	v39 =	vunpack.i.l.bf16.f32 v47;
	vm1 =	vgt.s32 v13, $0x0;
	v25 =	vmul.f32 v49, v25  }
0x376: {  	v17 =	vmul.f32 v32, v23;
	v23 =	vld [tilespmem:s21+$0x52D0];
	v13 =	vnsel vm1, $0x0, v13;
	v38 =	vunpack.i.l.bf16.f32 v31  }
0x377: {  	(xrf2) =	vadd.scan.msk.f32 $0xffff, v14;
	v14 =	vmul.f32 v60, v38;
	v25 =	vadd.f32 v25, v27;
	v27 =	vld [tilespmem:s21+$0x36A0];
	[tilespmem:$0x1FE20] =	vst v11  }
0x378: {  	v19 =	vmul.f32 v39, v6;
	v11 =	vmin.u32 v13, $0x140;
	[tilespmem:v24+s26+$0x0] =	vst.idx.add.f32.msk $0xffff, v17;
	v24 =	vunpack.i.u.bf16.f32 v31  }
0x379: {  	v40 =	vld [tilespmem:s21+$0x36B0];
	v17 =	vunpack.i.u.bf16.f32 v26;
	v13 =	vmul.f32 v30, v24;
	v14 =	vadd.f32 v14, v25  }
0x37a: {  	v31 =	vunpack.i.u.bf16.f32 v47;
	[tilespmem:v28+s26+$0x0] =	vst.idx.add.f32.msk $0xffff, v19;
	v19 =	vshll.u32 v11, $0x8;
	v24 =	vor.u32 v4, v12  }
0x37b: {  	v26 =	vld [tilespmem:s21+$0x52E0];
	v25 =	vunpack.i.l.bf16.f32 v23;
	v13 =	vadd.f32 v13, v14;
	v14 =	vshll.u32 v11, $0x7  }
0x37c: {  	v19 =	vand.u32 $0x1F800, v19;
	v25 =	vmul.f32 v27, v25;
	v27 =	vld [tilespmem:s21+$0x36C0];
	v14 =	vand.u32 $0x380, v14  }
0x37d: {  	[tilespmem:$0x1FE30] =	vst v11;
	v14 =	vor.u32 v14, v19;
	v19 =	vmul.f32 v31, v6  }
0x37e: {  	s20 =	spop (v2sf);
	v28 =	vld [tilespmem:s21+$0x36D0]  }
0x37f: {  	s18 =	smul.f32 $6.250000000e-02, s20;
	s20 =	sadd.s32 $0x8, s1;
	v23 =	vunpack.i.u.bf16.f32 v23;
	v30 =	vld [tilespmem:s24+$0x56F0]  }
0x380: {  	v23 =	vmul.f32 v40, v23;
	s24 =	sadd.s32 $0x2, s20;
	v41 =	vunpack.i.l.bf16.f32 v26;
	v13 =	vadd.f32 v25, v13;
	v25 =	vld [tilespmem:s21+$0x52F0]  }
0x381: {  	[tilespmem:v24+s26+$0x0] =	vst.idx.add.f32.msk $0xffff, v19;
	v19, _, _ =	vpop (xrf2);
	v24 =	vmul.f32 v27, v41;
	v27 =	vmov s24  }
0x382: {  	v13 =	vadd.f32 v23, v13;
	(v2sf) =	vpush v19, $0xF;
	v19 =	vand.u32 $0xFFFFFFFE, v27;
	v27 =	vld [tilespmem:s21+$0x36F0]  }
0x383: {  	v26 =	vunpack.i.u.bf16.f32 v26;
	v23 =	vld [tilespmem:s21+$0x36E0];
	v19 =	vbroadcast v19, $0x0  }
0x384: {  	v31 =	vmov s18;
	v44 =	vld [tilespmem:s17+$0x56E0];
	v26 =	vmul.f32 v28, v26;
	v13 =	vadd.f32 v24, v13  }
0x385: {  	v17 =	vmul.f32 v32, v17;
	v31 =	vmul.f32 $1.442695020e+00, v31  }
0x386: {  	v47 =	vunpack.i.l.bf16.f32 v25;
	v25 =	vunpack.i.u.bf16.f32 v25;
	v13 =	vadd.f32 v26, v13;
	v26 =	vld [tilespmem:s9+$0x56B0]  }
0x387: {  	[tilespmem:v22+s26+$0x0] =	vst.idx.add.f32.msk $0xffff, v17;
	v25 =	vmul.f32 v27, v25;
	v27 =	vor.u32 v50, v12  }
0x388: {  	v49 =	vld [tilespmem:s3+$0x56E0];
	v17 =	vmul.f32 v23, v47;
	v23 =	vbroadcast v31, $0x0;
	v31 =	vor.u32 v1, v12  }
0x389: {  	v48 =	vunpack.i.l.bf16.f32 v44;
	v19 =	vld.idx.msk [tilespmem:v19+s25+$0x0], $0xffff  }
0x38a: {  	v33 =	vunpack.i.u.bf16.f32 v44;
	v35 =	vmul.f32 v48, v6  }
0x38b: {  	[tilespmem:v9+s26+$0x0] =	vst.idx.add.f32.msk $0xffff, v21;
	v9 =	vunpack.i.u.bf16.f32 v26;
	v21 =	vunpack.i.l.bf16.f32 v26;
	v26 =	vmul.f32 v33, v6  }
0x38c: {  	v21 =	vmul.f32 v21, v43;
	[tilespmem:v27+s26+$0x0] =	vst.idx.add.f32.msk $0xffff, v35  }
0x38d: {  	v9 =	vmul.f32 v9, v43;
	[tilespmem:v31+s26+$0x0] =	vst.idx.add.f32.msk $0xffff, v26  }
0x38e: {  	[tilespmem:v8+s26+$0x0] =	vst.idx.add.f32.msk $0xffff, v21;
	v8 =	vunpack.i.u.bf16.f32 v49;
	v21 =	vshra.s32 v19, $0x1F  }
0x38f: {  	[tilespmem:v15+s26+$0x0] =	vst.idx.add.f32.msk $0xffff, v9;
	v33 =	vmul.f32 v8, v62;
	v8 =	vshrl.u32 v21, $0x12  }
0x390: {  	v40 =	vadd.s32 v8, v19;
	v8 =	vld [tilespmem:$0x1FE40];
	_ =	sdelay $0x6  }
0x391: {  	v24 =	vor.u32 v61, v7  }
0x392: {  	[tilespmem:v8+s28+$0x0] =	vst.idx.add.f32.msk $0x1, v46  }
0x393: {  	v22 =	vunpack.i.l.bf16.f32 v30;
	v7 =	vor.u32 v56, v7;
	v8 =	vld [tilespmem:$0x1FF10]  }
0x394: {  	v22 =	vmul.f32 v22, v57  }
0x395: {  	v30 =	vunpack.i.u.bf16.f32 v30  }
0x396: {  	v30 =	vmul.f32 v30, v57;
	[tilespmem:v24+s26+$0x0] =	vst.idx.add.f32.msk $0xffff, v22  }
0x397: {  	v9 =	vld [tilespmem:$0x1FF20]  }
0x398: {  	v15 =	vunpack.i.l.bf16.f32 v49;
	[tilespmem:v7+s26+$0x0] =	vst.idx.add.f32.msk $0xffff, v30;
	v49 =	vor.u32 v8, v14;
	v8 =	vand.u32 $0x3FFF, v19  }
0x399: {  	vm2 =	vne.s32 v8, $0x0;
	v8 =	vld [tilespmem:$0x1FF30];
	_ =	sdelay $0x3  }
0x39a: {  	v31 =	vld [tilespmem:s17+$0x56F0]  }
0x39b: {  	v30 =	vor.u32 v8, v14;
	v8 =	vld [tilespmem:$0x1FF40];
	_ =	sdelay $0x2  }
0x39c: {  	(erf) = vpow2.f32 v23  }
0x39d: {  	vm1 =	vlt.s32 v19, $0x1;
	v19 =	vor.u32 v9, v14;
	v9 =	vunpack.i.l.bf16.f32 v31  }
0x39e: {  	v24 =	vmul.f32 v9, v6;
	v9 =	vor.u32 v8, v14;
	v8 =	vld [tilespmem:$0x1FE50];
	_ =	sdelay $0x2  }
0x39f: {  	v28 =	vld [tilespmem:s30+$0x5680];
	_ =	sdelay $0x1  }
0x3a0: {  	v23 =	vld [tilespmem:s8+$0x56D0];
	v21 =	vor.u32 v61, v12  }
0x3a1: {  	v48 =	vor.u32 v52, v14;
	v41 =	vld [tilespmem:s9+$0x56C0]  }
0x3a2: {  	v13 =	vadd.f32 v17, v13;
	v17 =	vld [tilespmem:s29+$0x56A0];
	v12 =	vor.u32 v56, v12;
	s24 =	spop (v2sf)  }
0x3a3: {  	v42 =	vmov v56;
	s20 =	sadd.s32 $0x3, s20;
	v34 =	vunpack.i.u.bf16.f32 v28;
	v28 =	vunpack.i.l.bf16.f32 v28;
	v56 =	vpop (erf);
	s17 =	smul.f32 $6.250000000e-02, s24;
	[tilespmem:v8+s28+$0x0] =	vst.idx.add.f32.msk $0x1, v57  }
0x3a4: {  	v28 =	vmul.f32 v56, v28;
	v22 =	vmov s20;
	v7 =	vunpack.i.u.bf16.f32 v31;
	v8 =	vld [tilespmem:$0x1FF50]  }
0x3a5: {  	v7 =	vmul.f32 v7, v6;
	[tilespmem:v21+s26+$0x0] =	vst.idx.add.f32.msk $0xffff, v24;
	v24 =	vmov s17  }
0x3a6: {  	v31 =	vunpack.i.l.bf16.f32 v41;
	[tilespmem:v48+s26+$0x0] =	vst.idx.add.f32.msk $0xffff, v28;
	v24 =	vmul.f32 $1.442695020e+00, v24  }
0x3a7: {  	v26 =	vunpack.i.l.bf16.f32 v17;
	v21 =	vmul.f32 v31, v43;
	[tilespmem:v12+s26+$0x0] =	vst.idx.add.f32.msk $0xffff, v7  }
0x3a8: {  	v31 =	vmul.f32 v56, v34;
	[tilespmem:v5+s28+$0x0] =	vst.idx.add.f32.msk $0x1, v6;
	v5 =	vbroadcast v24, $0x0;
	v24 =	vor.u32 v53, v14  }
0x3a9: {  	v26 =	vmul.f32 v26, v32;
	v22 =	vld.idx.msk [tilespmem:v22+s25+$0x0], $0xffff;
	[tilespmem:$0x1FE60] =	vst v24  }
0x3aa: {  	v17 =	vunpack.i.u.bf16.f32 v17;
	[tilespmem:v49+s26+$0x0] =	vst.idx.add.f32.msk $0xffff, v31  }
0x3ab: {  	v17 =	vmul.f32 v17, v32;
	[tilespmem:v3+s26+$0x0] =	vst.idx.add.f32.msk $0xffff, v26  }
0x3ac: {  	v11 =	vimm.s32 $0x0;
	v13 =	vadd.f32 v25, v13;
	v26 =	vld [tilespmem:$0x1FF30]  }
0x3ad: {  	vm1 =	vmand vm1, vm2;
	v12 =	vunpack.i.u.bf16.f32 v41;
	v6 =	vshra.s32 v40, $0xE;
	[tilespmem:v20+s26+$0x0] =	vst.idx.add.f32.msk $0xffff, v17  }
0x3ae: {  	v6 =	vadd.s32 v51, v6;
	v3 =	vmul.f32 v12, v43;
	v12 =	vsel vm1, $0xFFFFFFFF, v11;
	v20 =	vld [tilespmem:s21+$0x5680]  }
0x3af: {  	v27 =	vunpack.i.u.bf16.f32 v23;
	v6 =	vadd.s32 v12, v6;
	v12 =	vshra.s32 v22, $0x1F;
	v25 =	vld [tilespmem:$0x1FF10]  }
0x3b0: {  	v23 =	vunpack.i.l.bf16.f32 v23;
	(erf) = vpow2.f32 v5;
	v5 =	vshrl.u32 v12, $0x12;
	v12 =	vld [tilespmem:s30+$0x5690]  }
0x3b1: {  	v23 =	vmul.f32 v23, v58;
	v17 =	vand.u32 $0x3FFF, v22;
	vm1 =	vgt.s32 v6, $0x0;
	[tilespmem:v10+s26+$0x0] =	vst.idx.add.f32.msk $0xffff, v21  }
0x3b2: {  	v31 =	vor.u32 v1, v14;
	v6 =	vnsel vm1, $0x0, v6;
	vm1 =	vne.s32 v17, $0x0;
	v17 =	vld [tilespmem:s22+$0x5680]  }
0x3b3: {  	v1 =	vor.u32 v42, v14;
	v24 =	vadd.s32 v5, v22;
	[tilespmem:v29+s26+$0x0] =	vst.idx.add.f32.msk $0xffff, v3;
	v5 =	vmin.u32 v6, $0x140  }
0x3b4: {  	v6 =	vshra.s32 v24, $0xE;
	v24 =	vld [tilespmem:s29+$0x56B0];
	v10 =	vshll.u32 v5, $0x8;
	v21 =	vshll.u32 v5, $0x7  }
0x3b5: {  	v27 =	vmul.f32 v27, v58;
	v3 =	vand.u32 $0x1F800, v10;
	v10 =	vand.u32 $0x380, v21;
	v21 =	vld [tilespmem:s9+$0x56D0];
	[tilespmem:$0x1FE70] =	vst v1  }
0x3b6: {  	[tilespmem:v0+s26+$0x0] =	vst.idx.add.f32.msk $0xffff, v23  }
0x3b7: {  	vm2 =	vlt.s32 v22, $0x1;
	[tilespmem:v2+s26+$0x0] =	vst.idx.add.f32.msk $0xffff, v27  }
0x3b8: {  	(xrf2) =	vadd.scan.msk.f32 $0xffff, v13;
	vm1 =	vmand vm2, vm1;
	v13 =	vor.u32 v10, v3;
	v1 =	vld [tilespmem:$0x1FE80]  }
0x3b9: {  	v6 =	vadd.s32 v51, v6;
	v3 =	vsel vm1, $0xFFFFFFFF, v11;
	v22 =	vor.u32 v52, v13  }
0x3ba: {  	v3 =	vadd.s32 v3, v6;
	v0 =	vor.u32 v25, v13  }
0x3bb: {  	v2 =	vunpack.i.l.bf16.f32 v17;
	vm1 =	vgt.s32 v3, $0x0;
	v10 =	vpop (erf)  }
0x3bc: {  	v6 =	vunpack.i.u.bf16.f32 v17;
	v3 =	vnsel vm1, $0x0, v3;
	v2 =	vmul.f32 v10, v2  }
0x3bd: {  	v17 =	vmin.u32 v3, $0x140;
	v3 =	vmul.f32 v10, v6  }
0x3be: {  	v15 =	vmul.f32 v15, v62;
	[tilespmem:v22+s26+$0x0] =	vst.idx.add.f32.msk $0xffff, v2  }
0x3bf: {  	[tilespmem:v0+s26+$0x0] =	vst.idx.add.f32.msk $0xffff, v3  }
0x3c0: {  	[tilespmem:v1+s26+$0x0] =	vst.idx.add.f32.msk $0xffff, v15  }
0x3c1: {  	v1 =	vld [tilespmem:$0x1FE90];
	_ =	sdelay $0x4  }
0x3c2: {  	v57 =	vor.u32 v4, v14;
	v4 =	vshll.u32 v17, $0x8;
	v6 =	vshll.u32 v17, $0x7  }
0x3c3: {  	v38 =	vld [tilespmem:s8+$0x56E0];
	v2 =	vand.u32 $0x1F800, v4;
	v4 =	vand.u32 $0x380, v6  }
0x3c4: {  	v60 =	vor.u32 v55, v14;
	v36 =	vor.u32 v50, v14;
	v27 =	vor.u32 v4, v2;
	v4 =	vld [tilespmem:s22+$0x5690]  }
0x3c5: {  	v39 =	vmovc v61;
	v61 =	vor.u32 v45, v14;
	v6 =	vunpack.i.u.bf16.f32 v12;
	v12 =	vunpack.i.l.bf16.f32 v12;
	[tilespmem:v1+s26+$0x0] =	vst.idx.add.f32.msk $0xffff, v33  }
0x3c6: {  	v46 =	vmovc v62;
	v62 =	vor.u32 v54, v14;
	v7 =	vor.u32 v59, v14;
	v0 =	vmul.f32 v56, v12;
	v33 =	vld [tilespmem:$0x1FF40]  }
0x3c7: {  	v8 =	vor.u32 v8, v14;
	v29 =	vor.u32 v39, v14;
	v2 =	vmul.f32 v56, v6;
	v1 =	vld [tilespmem:$0x1FF20]  }
0x3c8: {  	v34 =	vunpack.i.u.bf16.f32 v20;
	v37 =	vunpack.i.l.bf16.f32 v20;
	v3 =	vunpack.i.l.bf16.f32 v24;
	[tilespmem:v19+s26+$0x0] =	vst.idx.add.f32.msk $0xffff, v0  }
0x3c9: {  	v12 =	vunpack.i.u.bf16.f32 v24;
	v14 =	vor.u32 v25, v27;
	v44 =	vor.u32 v26, v27;
	[tilespmem:v30+s26+$0x0] =	vst.idx.add.f32.msk $0xffff, v2  }
0x3ca: {  	v42 =	vor.u32 v59, v27;
	v41 =	vor.u32 v55, v27;
	v6, _, _ =	vpop (xrf2);
	v0 =	vmul.f32 v3, v32;
	v30 =	vld [tilespmem:$0x1FF50]  }
0x3cb: {  	v15 =	vor.u32 v52, v27;
	(v2sf) =	vpush v6, $0xF;
	v6 =	vmul.f32 v12, v32;
	v11 =	vld [tilespmem:$0x1FF20]  }
0x3cc: {  	v19 =	vunpack.i.u.bf16.f32 v21;
	[tilespmem:v16+s26+$0x0] =	vst.idx.add.f32.msk $0xffff, v0;
	v16 =	vor.u32 v26, v13;
	v0 =	vunpack.i.l.bf16.f32 v4  }
0x3cd: {  	v4 =	vunpack.i.u.bf16.f32 v4;
	[tilespmem:v18+s26+$0x0] =	vst.idx.add.f32.msk $0xffff, v6;
	v23 =	vmul.f32 v10, v0;
	v0 =	vunpack.i.l.bf16.f32 v21  }
0x3ce: {  	v40 =	vld [tilespmem:s3+$0x56F0];
	v21 =	vmul.f32 v10, v4;
	v6 =	vor.u32 v45, v27;
	v4 =	vor.u32 v53, v27  }
0x3cf: {  	v63 =	vmovc v58;
	v18 =	vld [tilespmem:s30+$0x56A0];
	v12 =	vmul.f32 v0, v43;
	v0 =	vor.u32 v54, v27;
	v1 =	vor.u32 v1, v27  }
0x3d0: {  	v28 =	vmovc v43;
	s17 =	simm.s32 $0x680;
	s3 =	simm.s32 $0xA;
	v20 =	vld [tilespmem:s29+$0x56C0];
	v3 =	vor.u32 v33, v27;
	v2 =	vor.u32 v30, v27;
	v22 =	vor.u32 v11, v13  }
.LBB2_13:
0x3d1: {  	v11 =	vld [tilespmem:$0x1FE10];
	_ =	sdelay $0x3  }
0x3d2: {  	[tilespmem:v22+s26+$0x0] =	vst.idx.add.f32.msk $0xffff, v23;
	v22 =	vunpack.i.u.bf16.f32 v18  }
0x3d3: {  	v26 =	vld [tilespmem:$0x1FDA0];
	v35 =	vmul.f32 v22, v56;
	v22 =	vunpack.i.l.bf16.f32 v38;
	v25 =	vmov v11  }
0x3d4: {  	[tilespmem:$0x1FCA0] =	vst v25;
	v25 =	vmul.f32 v22, v63;
	v22 =	vld [tilespmem:$0x1FD40];
	_ =	sdelay $0x1  }
0x3d5: {  	[tilespmem:v16+s26+$0x0] =	vst.idx.add.f32.msk $0xffff, v21;
	v11 =	vmov v29  }
0x3d6: {  	[tilespmem:$0x1FE10] =	vst v11;
	v11 =	vld [tilespmem:$0x1FCF0]  }
0x3d7: {  	v21 =	vld [tilespmem:s22+$0x56A0]  }
0x3d8: {  	v51 =	vmov v26;
	v26 =	vld [tilespmem:$0x1FE20];
	v39 =	vmov v22;
	v22 =	vunpack.i.u.bf16.f32 v20  }
0x3d9: {  	s18 =	sadd.s32 $0xFFFFFF80, s17;
	s23 =	sadd.s32 $0x200, s23;
	v16 =	vunpack.i.u.bf16.f32 v38;
	v38 =	vmul.f32 v22, v32;
	v22 =	vld [tilespmem:$0x1FE70]  }
0x3da: {  	s24 =	sand.u32 $0x380, s17;
	s20 =	sand.u32 $0x800, s23;
	s19 =	sand.u32 $0x300, s18  }
0x3db: {  	s19 =	sor.u32 s19, s20;
	s24 =	sor.u32 s20, s24;
	s20 =	spop (v2sf);
	v23 =	vmov v11  }
0x3dc: {  	s20 =	smul.f32 $6.250000000e-02, s20;
	[tilespmem:$0x1FC40] =	vst v23;
	v23 =	vunpack.i.u.bf16.f32 v40  }
0x3dd: {  	[tilespmem:$0x1FC60] =	vst v31;
	v43 =	vunpack.i.l.bf16.f32 v20;
	v11 =	vmovc v26;
	v26 =	vmul.f32 v23, v46;
	v23 =	vunpack.i.l.bf16.f32 v21  }
0x3de: {  	v31 =	vld [tilespmem:$0x1FFC0];
	[tilespmem:$0x1FCF0] =	vst v39;
	v39 =	vmul.f32 v43, v32;
	v43 =	vmul.f32 v23, v10;
	v23 =	vmov s20;
	v52 =	vmovc v22  }
0x3df: {  	[tilespmem:$0x1FE20] =	vst v52;
	v52 =	vmul.f32 $1.442695020e+00, v23;
	v23 =	vld [tilespmem:$0x1FCC0]  }
0x3e0: {  	v58 =	vld [tilespmem:$0x1FFF0]  }
0x3e1: {  	v53 =	vunpack.i.l.bf16.f32 v40;
	v45 =	vld [tilespmem:s19+$0x3680]  }
0x3e2: {  	v48 =	vor.u32 v50, v27;
	v24 =	vmul.f32 v16, v63;
	v16 =	vmov v57;
	v57 =	vld [tilespmem:$0x1FFE0]  }
0x3e3: {  	[tilespmem:$0x1FC50] =	vst v48;
	v48 =	vld [tilespmem:s19+$0x5280];
	v22 =	vmov v46  }
0x3e4: {  	[tilespmem:$0x1FDA0] =	vst v11;
	v11 =	vor.u32 v33, v13;
	v33 =	vmul.f32 v53, v22;
	v53 =	vmov v23;
	v23 =	vld [tilespmem:$0x1FCD0]  }
0x3e5: {  	v50 =	vld [tilespmem:s19+$0x5290]  }
0x3e6: {  	v29 =	vld [tilespmem:s19+$0x32B0]  }
0x3e7: {  	v19 =	vmul.f32 v19, v28;
	v59 =	vmovc v63;
	v63 =	vmov v28;
	v28 =	vld [tilespmem:$0x1FCB0];
	v47 =	vor.u32 v57, v27  }
0x3e8: {  	v54 =	vor.u32 v58, v27;
	[tilespmem:$0x1FC70] =	vst v47;
	v47 =	vld [tilespmem:s19+$0x32A0]  }
0x3e9: {  	[tilespmem:$0x1FC30] =	vst v36;
	v49 =	vor.u32 v30, v13;
	v40 =	vld [tilespmem:s19+$0x3280];
	v20 =	vmov v23  }
0x3ea: {  	v18 =	vunpack.i.l.bf16.f32 v18;
	[tilespmem:$0x1FCC0] =	vst v20;
	v20 =	vld [tilespmem:$0x1FD00]  }
0x3eb: {  	v36 =	vmul.f32 v18, v56;
	[tilespmem:$0x1FC80] =	vst v54;
	v54 =	vmovc v32;
	v32 =	vmov v56;
	v56 =	vld [tilespmem:s19+$0x3290];
	v21 =	vunpack.i.u.bf16.f32 v21  }
0x3ec: {  	[tilespmem:$0x1FD40] =	vst v51;
	v51 =	vmul.f32 v21, v10;
	v46 =	vld [tilespmem:$0x1FFD0]  }
0x3ed: {  	[tilespmem:v11+s26+$0x0] =	vst.idx.add.f32.msk $0xffff, v43  }
0x3ee: {  	[tilespmem:v49+s26+$0x0] =	vst.idx.add.f32.msk $0xffff, v51  }
0x3ef: {  	v30 =	vmov v28;
	v28 =	vmov v20;
	v20 =	vld [tilespmem:$0x1FE30]  }
0x3f0: {  	v21 =	vmov v60;
	v60 =	vmov v41;
	v41 =	vld [tilespmem:s19+$0x52C0]  }
0x3f1: {  	[tilespmem:$0x1FC90] =	vst v54;
	v51 =	vld [tilespmem:s19+$0x52B0]  }
0x3f2: {  	v11 =	vmov v17;
	v17 =	vbroadcast v52, $0x0;
	v52 =	vld [tilespmem:s19+$0x32E0];
	[tilespmem:$0x1FCB0] =	vst v53  }
0x3f3: {  	v54 =	vor.u32 v46, v27;
	v53 =	vld [tilespmem:$0x1FF70];
	[tilespmem:$0x1FE30] =	vst v11;
	v11 =	vunpack.i.l.bf16.f32 v48  }
0x3f4: {  	v18 =	vor.u32 v31, v27;
	[tilespmem:$0x1FE70] =	vst v54;
	v54 =	vld [tilespmem:$0x1FF80];
	v11 =	vmul.f32 v40, v11;
	v27 =	vmov v20  }
0x3f5: {  	v55 =	vunpack.i.u.bf16.f32 v48;
	[tilespmem:$0x1FD00] =	vst v27;
	v27 =	vld [tilespmem:s22+$0x56B0]  }
0x3f6: {  	(erf) = vpow2.f32 v17;
	v17 =	vmul.f32 v56, v55;
	v40 =	vld [tilespmem:s19+$0x52A0];
	v11 =	vadd.f32 $0.0e+00, v11  }
0x3f7: {  	v56 =	vunpack.i.l.bf16.f32 v50;
	v48 =	vld [tilespmem:s19+$0x32C0]  }
0x3f8: {  	v55 =	vld [tilespmem:$0x1FF90];
	v49 =	vor.u32 v53, v13;
	v11 =	vadd.f32 v17, v11;
	v17 =	vmul.f32 v47, v56  }
0x3f9: {  	v23 =	vmovc v44;
	v44 =	vld [tilespmem:s19+$0x32F0];
	v20 =	vmovc v7;
	v7 =	vmov v42;
	v42 =	vunpack.i.u.bf16.f32 v50;
	v47 =	vor.u32 v54, v13  }
0x3fa: {  	v29 =	vmul.f32 v29, v42;
	v42 =	vld [tilespmem:s19+$0x32D0];
	v11 =	vadd.f32 v17, v11;
	v56 =	vunpack.i.l.bf16.f32 v27  }
0x3fb: {  	[tilespmem:$0x1FCD0] =	vst v28;
	v28 =	vld [tilespmem:$0x1FFB0];
	v43 =	vunpack.i.l.bf16.f32 v40;
	v17 =	vunpack.i.u.bf16.f32 v27;
	v27 =	vmul.f32 v56, v10  }
0x3fc: {  	v11 =	vadd.f32 v29, v11;
	v29 =	vmul.f32 v48, v43;
	v43 =	vld [tilespmem:$0x1FFA0];
	v17 =	vmul.f32 v17, v10  }
0x3fd: {  	[tilespmem:v49+s26+$0x0] =	vst.idx.add.f32.msk $0xffff, v27  }
0x3fe: {  	v27 =	vunpack.i.u.bf16.f32 v40;
	[tilespmem:v47+s26+$0x0] =	vst.idx.add.f32.msk $0xffff, v17  }
0x3ff: {  	v11 =	vadd.f32 v29, v11;
	v29 =	vmul.f32 v42, v27;
	v40 =	vld [tilespmem:s22+$0x56C0]  }
0x400: {  	v50 =	vunpack.i.l.bf16.f32 v51;
	v56 =	vpop (erf);
	v47 =	vld [tilespmem:s19+$0x36D0]  }
0x401: {  	v17 =	vmul.f32 v56, v34;
	v34 =	vld [tilespmem:s19+$0x36C0];
	v11 =	vadd.f32 v29, v11;
	v29 =	vmul.f32 v52, v50  }
0x402: {  	v49 =	vor.u32 v55, v13;
	v27 =	vmul.f32 v56, v37;
	v37 =	vunpack.i.u.bf16.f32 v51;
	v48 =	vld [tilespmem:s19+$0x3690]  }
0x403: {  	v42 =	vunpack.i.l.bf16.f32 v41;
	v11 =	vadd.f32 v29, v11;
	v29 =	vmul.f32 v44, v37;
	v37 =	vld [tilespmem:s19+$0x52D0]  }
0x404: {  	v42 =	vmul.f32 v45, v42;
	v45 =	vld [tilespmem:s19+$0x36A0];
	v44 =	vor.u32 v43, v13  }
0x405: {  	v51 =	vld [tilespmem:s19+$0x36B0];
	v52 =	vunpack.i.l.bf16.f32 v40;
	v11 =	vadd.f32 v29, v11  }
0x406: {  	v41 =	vunpack.i.u.bf16.f32 v41;
	v29 =	vld [tilespmem:s19+$0x52E0];
	v40 =	vunpack.i.u.bf16.f32 v40;
	v50 =	vmul.f32 v52, v10  }
0x407: {  	v41 =	vmul.f32 v48, v41;
	v40 =	vmul.f32 v40, v10;
	v11 =	vadd.f32 v42, v11;
	v42 =	vld [tilespmem:s24+$0x5280]  }
0x408: {  	[tilespmem:v49+s26+$0x0] =	vst.idx.add.f32.msk $0xffff, v50;
	v49 =	vunpack.i.l.bf16.f32 v37  }
0x409: {  	[tilespmem:v44+s26+$0x0] =	vst.idx.add.f32.msk $0xffff, v40;
	v11 =	vadd.f32 v41, v11;
	v50 =	vmul.f32 v45, v49  }
0x40a: {  	v37 =	vunpack.i.u.bf16.f32 v37;
	v41 =	vld [tilespmem:s22+$0x56D0]  }
0x40b: {  	v37 =	vmul.f32 v51, v37;
	v40 =	vld [tilespmem:s19+$0x52F0];
	v11 =	vadd.f32 v50, v11  }
0x40c: {  	v52 =	vunpack.i.u.bf16.f32 v29;
	v29 =	vunpack.i.l.bf16.f32 v29;
	v45 =	vld [tilespmem:s19+$0x36E0]  }
0x40d: {  	v48 =	vor.u32 v28, v13;
	v29 =	vmul.f32 v34, v29;
	v34 =	vld [tilespmem:s24+$0x3280];
	v11 =	vadd.f32 v37, v11  }
0x40e: {  	v44 =	vmul.f32 v47, v52;
	v47 =	vld [tilespmem:s19+$0x36F0];
	v37 =	vor.u32 v31, v13  }
0x40f: {  	v52 =	vunpack.i.l.bf16.f32 v41;
	v11 =	vadd.f32 v29, v11;
	v29 =	vld [tilespmem:s24+$0x3290]  }
0x410: {  	v41 =	vunpack.i.u.bf16.f32 v41;
	v50 =	vunpack.i.l.bf16.f32 v40;
	v49 =	vmul.f32 v52, v10;
	v52 =	vld [tilespmem:s24+$0x5290]  }
0x411: {  	v41 =	vmul.f32 v41, v10;
	v11 =	vadd.f32 v44, v11;
	v44 =	vmul.f32 v45, v50;
	v50 =	vld [tilespmem:$0x1FF60]  }
0x412: {  	[tilespmem:v48+s26+$0x0] =	vst.idx.add.f32.msk $0xffff, v49  }
0x413: {  	v51 =	vunpack.i.l.bf16.f32 v42;
	[tilespmem:v37+s26+$0x0] =	vst.idx.add.f32.msk $0xffff, v41  }
0x414: {  	v40 =	vunpack.i.u.bf16.f32 v40;
	v34 =	vmul.f32 v34, v51;
	v41 =	vld [tilespmem:s24+$0x32A0]  }
0x415: {  	v42 =	vunpack.i.u.bf16.f32 v42;
	v49 =	vmul.f32 v47, v40;
	v11 =	vadd.f32 v44, v11;
	v40 =	vld [tilespmem:s22+$0x56E0]  }
0x416: {  	v34 =	vadd.f32 $0.0e+00, v34;
	v29 =	vmul.f32 v29, v42  }
0x417: {  	v44 =	vld [tilespmem:s24+$0x32B0];
	v11 =	vadd.f32 v49, v11  }
0x418: {  	v29 =	vadd.f32 v29, v34;
	v34 =	vld [tilespmem:s24+$0x52A0];
	v45 =	vor.u32 v50, v13  }
0x419: {  	v47 =	vld [tilespmem:s24+$0x32C0];
	v42 =	vunpack.i.l.bf16.f32 v52;
	(xrf2) =	vadd.scan.msk.f32 $0xffff, v11;
	v11 =	vor.u32 v57, v13  }
0x41a: {  	v41 =	vmul.f32 v41, v42;
	v42 =	vld [tilespmem:s24+$0x52B0];
	v57 =	vunpack.i.l.bf16.f32 v40  }
0x41b: {  	v48 =	vld [tilespmem:s24+$0x32D0];
	v37 =	vunpack.i.u.bf16.f32 v52;
	v40 =	vunpack.i.u.bf16.f32 v40;
	v49 =	vmul.f32 v57, v10  }
0x41c: {  	v37 =	vmul.f32 v44, v37;
	v44 =	vld [tilespmem:s24+$0x32E0];
	v40 =	vmul.f32 v40, v10  }
0x41d: {  	v29 =	vadd.f32 v41, v29;
	v57 =	vunpack.i.u.bf16.f32 v34;
	v34 =	vunpack.i.l.bf16.f32 v34;
	[tilespmem:v45+s26+$0x0] =	vst.idx.add.f32.msk $0xffff, v49  }
0x41e: {  	v34 =	vmul.f32 v47, v34;
	[tilespmem:v11+s26+$0x0] =	vst.idx.add.f32.msk $0xffff, v40  }
0x41f: {  	v11 =	vadd.f32 v37, v29;
	v40 =	vunpack.i.u.bf16.f32 v42;
	v49 =	vunpack.i.l.bf16.f32 v42;
	v42 =	vld [tilespmem:s24+$0x32F0]  }
0x420: {  	v37 =	vld [tilespmem:s22+$0x56F0]  }
0x421: {  	v41 =	vld [tilespmem:s24+$0x52C0];
	v29 =	vmul.f32 v48, v57;
	v11 =	vadd.f32 v34, v11  }
0x422: {  	v57 =	vmul.f32 v44, v49;
	v44 =	vld [tilespmem:s24+$0x3680]  }
0x423: {  	v45 =	vor.u32 v58, v13;
	v48 =	vld [tilespmem:s24+$0x52D0];
	v11 =	vadd.f32 v29, v11;
	v58, _, _ =	vpop (xrf2)  }
0x424: {  	v13 =	vor.u32 v46, v13;
	v34 =	vld [tilespmem:s24+$0x36A0];
	(v2sf) =	vpush v58, $0xF  }
0x425: {  	v29 =	vld [tilespmem:s24+$0x3690];
	v40 =	vmul.f32 v42, v40;
	v49 =	vunpack.i.l.bf16.f32 v37;
	v11 =	vadd.f32 v57, v11  }
0x426: {  	s18 =	smov.u32 s3;
	v58 =	vld [tilespmem:s24+$0x36B0];
	v37 =	vunpack.i.u.bf16.f32 v37;
	v57 =	vunpack.i.l.bf16.f32 v41;
	v47 =	vmul.f32 v49, v10  }
0x427: {  	s18 =	sadd.s32 s18, s1;
	v37 =	vmul.f32 v37, v10;
	v42 =	vmul.f32 v44, v57;
	v57 =	vld [tilespmem:s24+$0x52F0]  }
0x428: {  	s20 =	sadd.s32 $0x2, s18;
	[tilespmem:v45+s26+$0x0] =	vst.idx.add.f32.msk $0xffff, v47  }
0x429: {  	s18 =	sadd.s32 $0x3, s18;
	v46 =	vmov v59;
	v59 =	vmov s20;
	v11 =	vadd.f32 v40, v11;
	[tilespmem:v13+s26+$0x0] =	vst.idx.add.f32.msk $0xffff, v37  }
0x42a: {  	v41 =	vunpack.i.u.bf16.f32 v41;
	v49 =	vmov s18;
	v13 =	vand.u32 $0xFFFFFFFE, v59;
	[tilespmem:v5+s28+$0x0] =	vst.idx.add.f32.msk $0x1, v10  }
0x42b: {  	v29 =	vmul.f32 v29, v41;
	v5 =	vbroadcast v13, $0x0;
	v10 =	vadd.f32 v42, v11;
	v13 =	vld [tilespmem:s24+$0x52E0]  }
0x42c: {  	v45 =	vunpack.i.u.bf16.f32 v48;
	v47 =	vunpack.i.l.bf16.f32 v48;
	v48 =	vld [tilespmem:s24+$0x36C0]  }
0x42d: {  	v59 =	vld [tilespmem:s24+$0x36F0];
	v11 =	vmul.f32 v34, v47;
	v10 =	vadd.f32 v29, v10  }
0x42e: {  	v29 =	vld [tilespmem:s24+$0x36D0]  }
0x42f: {  	v34 =	vmul.f32 v58, v45;
	v45 =	vld.idx.msk [tilespmem:v49+s25+$0x0], $0xffff;
	v10 =	vadd.f32 v11, v10  }
0x430: {  	v11 =	vld [tilespmem:s24+$0x36E0];
	v58 =	vunpack.i.u.bf16.f32 v13;
	v13 =	vunpack.i.l.bf16.f32 v13  }
0x431: {  	v5 =	vld.idx.msk [tilespmem:v5+s25+$0x0], $0xffff;
	v10 =	vadd.f32 v34, v10;
	v13 =	vmul.f32 v48, v13  }
0x432: {  	v48 =	vld [tilespmem:s24+$0x5680]  }
0x433: {  	[tilespmem:v15+s26+$0x0] =	vst.idx.add.f32.msk $0xffff, v27;
	v29 =	vmul.f32 v29, v58;
	v10 =	vadd.f32 v13, v10  }
0x434: {  	v47 =	vunpack.i.l.bf16.f32 v57;
	[tilespmem:v14+s26+$0x0] =	vst.idx.add.f32.msk $0xffff, v17;
	s20 =	spop (v2sf)  }
0x435: {  	v14 =	vld [tilespmem:s21+$0x5690];
	v11 =	vmul.f32 v11, v47;
	s18 =	smul.f32 $6.250000000e-02, s20;
	v10 =	vadd.f32 v29, v10  }
0x436: {  	[tilespmem:v9+s26+$0x0] =	vst.idx.add.f32.msk $0xffff, v36;
	v17 =	vshra.s32 v5, $0x1F;
	vm1 =	vlt.s32 v5, $0x1  }
0x437: {  	[tilespmem:v8+s26+$0x0] =	vst.idx.add.f32.msk $0xffff, v35;
	v15 =	vmov s18;
	v10 =	vadd.f32 v11, v10;
	v11 =	vshrl.u32 v17, $0x12  }
0x438: {  	v9 =	vmovc v3;
	v8 =	vmovc v2;
	v3 =	vmul.f32 $1.442695020e+00, v15;
	v15 =	vand.u32 $0x3FFF, v5;
	v2 =	vadd.s32 v11, v5;
	v5 =	vld [tilespmem:$0x1FDB0];
	_ =	sdelay $0x2  }
0x439: {  	v51 =	vld [tilespmem:$0x1FF00];
	_ =	sdelay $0x1  }
0x43a: {  	v13 =	vunpack.i.u.bf16.f32 v57  }
0x43b: {  	v13 =	vmul.f32 v59, v13;
	vm2 =	vne.s32 v15, $0x0  }
0x43c: {  	v35 =	vimm.s32 $0x0;
	v11 =	vld [tilespmem:s30+$0x56B0];
	v2 =	vshra.s32 v2, $0xE;
	vm1 =	vmand vm1, vm2  }
0x43d: {  	v2 =	vadd.s32 v51, v2;
	[tilespmem:v5+s26+$0x0] =	vst.idx.add.f32.msk $0xffff, v39;
	v5 =	vmovc v62;
	v62 =	vmov v0;
	v0 =	vsel vm1, $0xFFFFFFFF, v35  }
0x43e: {  	v15 =	vbroadcast v3, $0x0;
	v3 =	vmovc v61;
	[tilespmem:$0x1FDB0] =	vst v5;
	v5 =	vadd.f32 v13, v10;
	v10 =	vld [tilespmem:$0x1FDC0];
	v0 =	vadd.s32 v0, v2  }
0x43f: {  	[tilespmem:$0x1FDC0] =	vst v3;
	v3 =	vand.u32 $0x3FFF, v45;
	vm1 =	vgt.s32 v0, $0x0  }
0x440: {  	v0 =	vnsel vm1, $0x0, v0;
	vm1 =	vne.s32 v3, $0x0;
	v3 =	vld [tilespmem:$0x1FD50];
	_ =	sdelay $0x4  }
0x441: {  	(xrf2) =	vadd.scan.msk.f32 $0xffff, v5;
	v5 =	vld [tilespmem:$0x1FDD0]  }
0x442: {  	[tilespmem:v10+s26+$0x0] =	vst.idx.add.f32.msk $0xffff, v38  }
0x443: {  	v2 =	vshra.s32 v45, $0x1F;
	v29 =	vld [tilespmem:s29+$0x56D0]  }
0x444: {  	v2 =	vshrl.u32 v2, $0x12;
	[tilespmem:v3+s26+$0x0] =	vst.idx.add.f32.msk $0xffff, v12  }
0x445: {  	v2 =	vadd.s32 v2, v45;
	v12 =	vld [tilespmem:$0x1FE60]  }
0x446: {  	v3 =	vmov v5;
	v5 =	vmin.u32 v0, $0x140;
	v0 =	vshra.s32 v2, $0xE;
	v2 =	vld [tilespmem:$0x1FD60];
	_ =	sdelay $0x2  }
0x447: {  	[tilespmem:$0x1FD50] =	vst v3;
	v3 =	vld [tilespmem:$0x1FDE0]  }
0x448: {  	v10 =	vmov v12;
	v12 =	vld [tilespmem:$0x1FDF0];
	_ =	sdelay $0x3  }
0x449: {  	vm2 =	vlt.s32 v45, $0x1;
	v3 =	vmov v3;
	[tilespmem:v2+s26+$0x0] =	vst.idx.add.f32.msk $0xffff, v19  }
0x44a: {  	v61 =	vmovc v6;
	v6 =	vshll.u32 v5, $0x7;
	[tilespmem:$0x1FD60] =	vst v3;
	v3 =	vshll.u32 v5, $0x8;
	v2 =	vmovc v16;
	v16 =	vmov v12;
	v12 =	vld [tilespmem:$0x1FC30]  }
0x44b: {  	vm1 =	vmand vm2, vm1;
	v6 =	vand.u32 $0x380, v6;
	[tilespmem:$0x1FDD0] =	vst v10;
	v3 =	vand.u32 $0x1F800, v3;
	v10 =	vmovc v4;
	v4 =	vld [tilespmem:$0x1FD10]  }
0x44c: {  	v59 =	vld [tilespmem:$0x1FCA0];
	v0 =	vadd.s32 v51, v0;
	v13 =	vor.u32 v6, v3;
	v3 =	vsel vm1, $0xFFFFFFFF, v35  }
0x44d: {  	s22 =	smov.u32 s19;
	v0 =	vadd.s32 v3, v0;
	v3 =	vld [tilespmem:$0x1FD20]  }
0x44e: {  	[tilespmem:$0x1FDE0] =	vst v2;
	v2 =	vld [tilespmem:s22+$0x5680]  }
0x44f: {  	(erf) = vpow2.f32 v15;
	v6 =	vld [tilespmem:$0x1FD70];
	vm1 =	vgt.s32 v0, $0x0;
	v15 =	vmov v12  }
0x450: {  	v0 =	vnsel vm1, $0x0, v0;
	[tilespmem:$0x1FDF0] =	vst v15;
	v15 =	vld [tilespmem:$0x1FCE0]  }
0x451: {  	v17 =	vmin.u32 v0, $0x140;
	v0 =	vld [tilespmem:$0x1FC40]  }
0x452: {  	v38 =	vld [tilespmem:s9+$0x56E0]  }
0x453: {  	[tilespmem:v4+s26+$0x0] =	vst.idx.add.f32.msk $0xffff, v25  }
0x454: {  	v25 =	vld [tilespmem:$0x1FF10]  }
0x455: {  	v52 =	vlaneseq.u32;
	v4 =	vmov v6;
	[tilespmem:v3+s26+$0x0] =	vst.idx.add.f32.msk $0xffff, v24  }
0x456: {  	[tilespmem:$0x1FD10] =	vst v4;
	v4 =	vor.u32 v52, v13;
	v24 =	vld [tilespmem:$0x1FF20]  }
0x457: {  	[tilespmem:$0x1FE60] =	vst v10;
	v40 =	vld [tilespmem:s8+$0x56F0]  }
0x458: {  	v10 =	vpop (erf);
	v12 =	vunpack.i.l.bf16.f32 v2;
	[tilespmem:v15+s26+$0x0] =	vst.idx.add.f32.msk $0xffff, v33  }
0x459: {  	v27 =	vmul.f32 v10, v12;
	[tilespmem:v0+s26+$0x0] =	vst.idx.add.f32.msk $0xffff, v26  }
0x45a: {  	v0 =	vld [tilespmem:$0x1FC50]  }
0x45b: {  	[tilespmem:v4+s26+$0x0] =	vst.idx.add.f32.msk $0xffff, v27  }
0x45c: {  	v3 =	vor.u32 v25, v13;
	v33 =	vld [tilespmem:$0x1FF40];
	v15 =	vshll.u32 v17, $0x7  }
0x45d: {  	v4 =	vand.u32 $0x380, v15;
	v15 =	vld [tilespmem:$0x1FD80]  }
0x45e: {  	v2 =	vunpack.i.u.bf16.f32 v2;
	v26 =	vld [tilespmem:$0x1FF30]  }
0x45f: {  	[tilespmem:v30+s28+$0x0] =	vst.idx.add.f32.msk $0x1, v22;
	v36 =	vmov v0;
	v0 =	vmul.f32 v10, v2  }
0x460: {  	v6 =	vunpack.i.u.bf16.f32 v14;
	v14 =	vunpack.i.l.bf16.f32 v14;
	v30 =	vld [tilespmem:$0x1FF50]  }
0x461: {  	[tilespmem:v3+s26+$0x0] =	vst.idx.add.f32.msk $0xffff, v0;
	v0 =	vmul.f32 v56, v14  }
0x462: {  	[tilespmem:$0x1FD70] =	vst v16;
	v6 =	vmul.f32 v56, v6;
	v2 =	vshll.u32 v17, $0x8;
	v16 =	vmov v15;
	v15 =	vld [tilespmem:$0x1FE00]  }
0x463: {  	v57 =	vmov v18;
	s8 =	smov.u32 s9;
	v19 =	vand.u32 $0x1F800, v2;
	[tilespmem:v1+s26+$0x0] =	vst.idx.add.f32.msk $0xffff, v0;
	v0 =	vunpack.i.l.bf16.f32 v11  }
0x464: {  	v18, _, _ =	vpop (xrf2);
	s9 =	smov.u32 s29;
	s29 =	smov.u32 s30;
	s30 =	smov.u32 s21;
	v27 =	vor.u32 v4, v19;
	v4 =	vunpack.i.u.bf16.f32 v11;
	[tilespmem:v23+s26+$0x0] =	vst.idx.add.f32.msk $0xffff, v6;
	v11 =	vmul.f32 v0, v32  }
0x465: {  	(v2sf) =	vpush v18, $0xF;
	v18 =	vld [tilespmem:s30+$0x56A0]  }
0x466: {  	[tilespmem:v20+s26+$0x0] =	vst.idx.add.f32.msk $0xffff, v11  }
0x467: {  	v20 =	vld [tilespmem:$0x1FD90]  }
0x468: {  	v3 =	vld [tilespmem:$0x1FC60]  }
0x469: {  	v0 =	vld [tilespmem:$0x1FC70]  }
0x46a: {  	[tilespmem:$0x1FD20] =	vst v16;
	v12 =	vmov v15;
	v6 =	vld [tilespmem:$0x1FD30]  }
0x46b: {  	v34 =	vunpack.i.u.bf16.f32 v48;
	v22 =	vor.u32 v24, v13;
	v16 =	vor.u32 v26, v13;
	[tilespmem:$0x1FD80] =	vst v12;
	v12 =	vld [tilespmem:s22+$0x5690]  }
0x46c: {  	s3 =	sadd.s32 $0x2, s3;
	v14 =	vor.u32 v25, v27;
	v44 =	vor.u32 v26, v27;
	v49 =	vmul.f32 v4, v32;
	v4 =	vmovc v20  }
0x46d: {  	p0 =	slt.u32 s3, $0xE;
	v37 =	vunpack.i.l.bf16.f32 v48;
	v42 =	vor.u32 v53, v27;
	v2 =	vmovc v3;
	[tilespmem:$0x1FD30] =	vst v4;
	v4 =	vor.u32 v28, v27;
	v28 =	vld [tilespmem:$0x1FC90]  }
.Ltmp8:
0x46e: {  	v41 =	vor.u32 v54, v27;
	v1 =	vor.u32 v24, v27;
	v15 =	vor.u32 v52, v27;
	[tilespmem:$0x1FE00] =	vst v2;
	(pc) =	sbr.rel @p0 .LBB2_13-.Ltmp8, $4  }
0x46f: {  	v19 =	vunpack.i.u.bf16.f32 v29;
	v3 =	vor.u32 v33, v27;
	v2 =	vor.u32 v30, v27;
	[tilespmem:v21+s26+$0x0] =	vst.idx.add.f32.msk $0xffff, v49  }
0x470: {  	v11 =	vmovc v59;
	v31 =	vmovc v0;
	v0 =	vmov v6;
	v6 =	vor.u32 v43, v27;
	v23 =	vunpack.i.l.bf16.f32 v12  }
0x471: {  	[tilespmem:$0x1FD90] =	vst v11;
	v58 =	vunpack.i.u.bf16.f32 v12;
	v12 =	vunpack.i.l.bf16.f32 v29;
	v29 =	vld [tilespmem:$0x1FC80];
	v23 =	vmul.f32 v10, v23  }
0x472: {  	s17 =	sadd.s32 $0x100, s17;
	s21 =	smov.u32 s24;
	[tilespmem:$0x1FCE0] =	vst v0;
	v0 =	vor.u32 v55, v27;
	v21 =	vmul.f32 v10, v58;
	v20 =	vld [tilespmem:s29+$0x56C0];
	v12 =	vmul.f32 v12, v28  }
0x473: {  	_ =	sdelay $0x3  }
0x474: {  	[tilespmem:v22+s26+$0x0] =	vst.idx.add.f32.msk $0xffff, v23  }
0x475: {  	[tilespmem:v16+s26+$0x0] =	vst.idx.add.f32.msk $0xffff, v21  }
0x476: {  	v11 =	vld [tilespmem:s22+$0x56A0];
	_ =	sdelay $0x2  }
0x477: {  	v16 =	vor.u32 v33, v13  }
0x478: {  	v21 =	vor.u32 v30, v13  }
0x479: {  	v22 =	vunpack.i.l.bf16.f32 v11  }
0x47a: {  	v11 =	vunpack.i.u.bf16.f32 v11;
	v22 =	vmul.f32 v22, v10  }
0x47b: {  	v11 =	vmul.f32 v11, v10  }
0x47c: {  	[tilespmem:v16+s26+$0x0] =	vst.idx.add.f32.msk $0xffff, v22  }
0x47d: {  	[tilespmem:v21+s26+$0x0] =	vst.idx.add.f32.msk $0xffff, v11  }
0x47e: {  	v45 =	vld [tilespmem:$0x1FF70]  }
0x47f: {  	v43 =	vld [tilespmem:$0x1FF80]  }
0x480: {  	v11 =	vld [tilespmem:s22+$0x56B0];
	_ =	sdelay $0x2  }
0x481: {  	v16 =	vor.u32 v45, v13  }
0x482: {  	v21 =	vor.u32 v43, v13  }
0x483: {  	v22 =	vunpack.i.l.bf16.f32 v11  }
0x484: {  	v11 =	vunpack.i.u.bf16.f32 v11;
	v22 =	vmul.f32 v22, v10  }
0x485: {  	v11 =	vmul.f32 v11, v10  }
0x486: {  	[tilespmem:v16+s26+$0x0] =	vst.idx.add.f32.msk $0xffff, v22  }
0x487: {  	[tilespmem:v21+s26+$0x0] =	vst.idx.add.f32.msk $0xffff, v11  }
0x488: {  	v55 =	vld [tilespmem:$0x1FF90]  }
0x489: {  	v58 =	vld [tilespmem:$0x1FFA0]  }
0x48a: {  	v11 =	vld [tilespmem:s22+$0x56C0];
	_ =	sdelay $0x2  }
0x48b: {  	v16 =	vor.u32 v55, v13  }
0x48c: {  	v21 =	vor.u32 v58, v13  }
0x48d: {  	v22 =	vunpack.i.l.bf16.f32 v11  }
0x48e: {  	v11 =	vunpack.i.u.bf16.f32 v11;
	v22 =	vmul.f32 v22, v10  }
0x48f: {  	v11 =	vmul.f32 v11, v10  }
0x490: {  	[tilespmem:v16+s26+$0x0] =	vst.idx.add.f32.msk $0xffff, v22  }
0x491: {  	[tilespmem:v21+s26+$0x0] =	vst.idx.add.f32.msk $0xffff, v11  }
0x492: {  	v49 =	vld [tilespmem:$0x1FFB0]  }
0x493: {  	v54 =	vld [tilespmem:$0x1FFC0]  }
0x494: {  	v11 =	vld [tilespmem:s22+$0x56D0];
	_ =	sdelay $0x2  }
0x495: {  	v16 =	vor.u32 v49, v13  }
0x496: {  	v21 =	vor.u32 v54, v13  }
0x497: {  	v22 =	vunpack.i.l.bf16.f32 v11  }
0x498: {  	v11 =	vunpack.i.u.bf16.f32 v11;
	v22 =	vmul.f32 v22, v10  }
0x499: {  	v11 =	vmul.f32 v11, v10  }
0x49a: {  	[tilespmem:v16+s26+$0x0] =	vst.idx.add.f32.msk $0xffff, v22  }
0x49b: {  	[tilespmem:v21+s26+$0x0] =	vst.idx.add.f32.msk $0xffff, v11  }
0x49c: {  	v59 =	vld [tilespmem:$0x1FFE0]  }
0x49d: {  	v11 =	vld [tilespmem:s22+$0x56E0];
	_ =	sdelay $0x2  }
0x49e: {  	s3 =	spop (v2sf);
	v21 =	vor.u32 v50, v13  }
0x49f: {  	s3 =	smul.f32 $6.250000000e-02, s3;
	v22 =	vor.u32 v59, v13  }
0x4a0: {  	v23 =	vunpack.i.l.bf16.f32 v11  }
0x4a1: {  	v16 =	vmov s3;
	v11 =	vunpack.i.u.bf16.f32 v11;
	v23 =	vmul.f32 v23, v10  }
0x4a2: {  	v16 =	vmul.f32 $1.442695020e+00, v16;
	v11 =	vmul.f32 v11, v10  }
0x4a3: {  	[tilespmem:v21+s26+$0x0] =	vst.idx.add.f32.msk $0xffff, v23  }
0x4a4: {  	v16 =	vbroadcast v16, $0x0;
	[tilespmem:v22+s26+$0x0] =	vst.idx.add.f32.msk $0xffff, v11  }
0x4a5: {  	v11 =	vld [tilespmem:s22+$0x56F0]  }
0x4a6: {  	(erf) = vpow2.f32 v16;
	v53 =	vld [tilespmem:$0x1FFF0]  }
0x4a7: {  	v47 =	vld [tilespmem:$0x1FFD0];
	_ =	sdelay $0x3  }
0x4a8: {  	v16 =	vor.u32 v53, v13  }
0x4a9: {  	v21 =	vor.u32 v47, v13;
	v13 =	vunpack.i.l.bf16.f32 v11;
	_ =	sdelay $0x1  }
0x4aa: {  	v11 =	vunpack.i.u.bf16.f32 v11;
	v22 =	vmul.f32 v13, v10  }
0x4ab: {  	v11 =	vmul.f32 v11, v10;
	v13 =	vpop (erf)  }
0x4ac: {  	[tilespmem:v16+s26+$0x0] =	vst.idx.add.f32.msk $0xffff, v22;
	v16 =	vmul.f32 v13, v37  }
0x4ad: {  	[tilespmem:v21+s26+$0x0] =	vst.idx.add.f32.msk $0xffff, v11;
	v11 =	vmul.f32 v13, v34  }
0x4ae: {  	[tilespmem:v15+s26+$0x0] =	vst.idx.add.f32.msk $0xffff, v16  }
0x4af: {  	[tilespmem:v14+s26+$0x0] =	vst.idx.add.f32.msk $0xffff, v11;
	v11 =	vunpack.i.l.bf16.f32 v18  }
0x4b0: {  	v14 =	vunpack.i.u.bf16.f32 v18;
	v11 =	vmul.f32 v11, v56  }
0x4b1: {  	[tilespmem:v5+s28+$0x0] =	vst.idx.add.f32.msk $0x1, v10;
	v14 =	vmul.f32 v14, v56  }
0x4b2: {  	[tilespmem:v9+s26+$0x0] =	vst.idx.add.f32.msk $0xffff, v11  }
0x4b3: {  	[tilespmem:v8+s26+$0x0] =	vst.idx.add.f32.msk $0xffff, v14  }
0x4b4: {  	v10 =	vld [tilespmem:$0x1FDB0];
	_ =	sdelay $0x4  }
0x4b5: {  	v5 =	vunpack.i.l.bf16.f32 v20  }
0x4b6: {  	v5 =	vmul.f32 v5, v32;
	_ =	sdelay $0x1  }
0x4b7: {  	[tilespmem:v10+s26+$0x0] =	vst.idx.add.f32.msk $0xffff, v5  }
0x4b8: {  	v10 =	vld [tilespmem:$0x1FDC0];
	_ =	sdelay $0x1  }
0x4b9: {  	v15 =	vld [tilespmem:s21+$0x5690];
	_ =	sdelay $0x2  }
0x4ba: {  	v9 =	vunpack.i.u.bf16.f32 v20  }
0x4bb: {  	v8 =	vmul.f32 v9, v32  }
0x4bc: {  	v5 =	vunpack.i.l.bf16.f32 v15  }
0x4bd: {  	v5 =	vmul.f32 v13, v5;
	[tilespmem:v10+s26+$0x0] =	vst.idx.add.f32.msk $0xffff, v8;
	v8 =	vunpack.i.u.bf16.f32 v15  }
0x4be: {  	v8 =	vmul.f32 v13, v8  }
0x4bf: {  	[tilespmem:v1+s26+$0x0] =	vst.idx.add.f32.msk $0xffff, v5  }
0x4c0: {  	[tilespmem:v44+s26+$0x0] =	vst.idx.add.f32.msk $0xffff, v8  }
0x4c1: {  	v11 =	vld [tilespmem:$0x1FD50];
	_ =	sdelay $0x7  }
0x4c2: {  	[tilespmem:v11+s26+$0x0] =	vst.idx.add.f32.msk $0xffff, v12  }
0x4c3: {  	v11 =	vld [tilespmem:$0x1FD60];
	_ =	sdelay $0x4  }
0x4c4: {  	v9 =	vld [tilespmem:s30+$0x56B0]  }
0x4c5: {  	v1 =	vmul.f32 v19, v28  }
0x4c6: {  	v5 =	vld [tilespmem:s21+$0x56A0]  }
0x4c7: {  	[tilespmem:v11+s26+$0x0] =	vst.idx.add.f32.msk $0xffff, v1  }
0x4c8: {  	v12 =	vld [tilespmem:$0x1FD10]  }
0x4c9: {  	v1 =	vunpack.i.l.bf16.f32 v9  }
0x4ca: {  	v1 =	vmul.f32 v1, v56;
	_ =	sdelay $0x1  }
0x4cb: {  	[tilespmem:v7+s26+$0x0] =	vst.idx.add.f32.msk $0xffff, v1;
	v1 =	vunpack.i.l.bf16.f32 v5  }
0x4cc: {  	v8 =	vunpack.i.l.bf16.f32 v38;
	v1 =	vmul.f32 v1, v13  }
0x4cd: {  	v8 =	vmul.f32 v8, v63;
	v5 =	vunpack.i.u.bf16.f32 v5  }
0x4ce: {  	v9 =	vunpack.i.u.bf16.f32 v9;
	v5 =	vmul.f32 v5, v13;
	[tilespmem:v3+s26+$0x0] =	vst.idx.add.f32.msk $0xffff, v1  }
0x4cf: {  	[tilespmem:v12+s26+$0x0] =	vst.idx.add.f32.msk $0xffff, v8;
	v8 =	vmul.f32 v9, v56  }
0x4d0: {  	[tilespmem:v2+s26+$0x0] =	vst.idx.add.f32.msk $0xffff, v5  }
0x4d1: {  	[tilespmem:v60+s26+$0x0] =	vst.idx.add.f32.msk $0xffff, v8;
	v8 =	vunpack.i.u.bf16.f32 v38  }
0x4d2: {  	v1 =	vmul.f32 v8, v63;
	v8 =	vld [tilespmem:$0x1FD20];
	_ =	sdelay $0x7  }
0x4d3: {  	[tilespmem:v8+s26+$0x0] =	vst.idx.add.f32.msk $0xffff, v1  }
0x4d4: {  	v8 =	vld [tilespmem:$0x1FCE0];
	_ =	sdelay $0x4  }
0x4d5: {  	v2 =	vunpack.i.l.bf16.f32 v40  }
0x4d6: {  	v2 =	vmul.f32 v2, v46;
	_ =	sdelay $0x1  }
0x4d7: {  	[tilespmem:v8+s26+$0x0] =	vst.idx.add.f32.msk $0xffff, v2  }
0x4d8: {  	v8 =	vld [tilespmem:$0x1FCF0];
	_ =	sdelay $0x3  }
0x4d9: {  	v7 =	vld [tilespmem:s30+$0x56C0]  }
0x4da: {  	v5 =	vunpack.i.u.bf16.f32 v40  }
0x4db: {  	v1 =	vmul.f32 v5, v46;
	_ =	sdelay $0x1  }
0x4dc: {  	[tilespmem:v8+s26+$0x0] =	vst.idx.add.f32.msk $0xffff, v1  }
0x4dd: {  	v2 =	vunpack.i.l.bf16.f32 v7;
	v1 =	vunpack.i.u.bf16.f32 v7;
	v7 =	vld [tilespmem:$0x1FCB0];
	_ =	sdelay $0x2  }
0x4de: {  	v3 =	vld [tilespmem:s21+$0x56B0];
	_ =	sdelay $0x3  }
0x4df: {  	v10 =	vld [tilespmem:s29+$0x56D0];
	v2 =	vmul.f32 v2, v56  }
0x4e0: {  	v1 =	vmul.f32 v1, v56;
	[tilespmem:v7+s28+$0x0] =	vst.idx.add.f32.msk $0x1, v46;
	v7 =	vunpack.i.l.bf16.f32 v3  }
0x4e1: {  	[tilespmem:v62+s26+$0x0] =	vst.idx.add.f32.msk $0xffff, v2;
	v2 =	vunpack.i.u.bf16.f32 v3;
	v3 =	vmul.f32 v7, v13  }
0x4e2: {  	[tilespmem:v61+s26+$0x0] =	vst.idx.add.f32.msk $0xffff, v1;
	v1 =	vmul.f32 v2, v13  }
0x4e3: {  	[tilespmem:v42+s26+$0x0] =	vst.idx.add.f32.msk $0xffff, v3  }
0x4e4: {  	[tilespmem:v41+s26+$0x0] =	vst.idx.add.f32.msk $0xffff, v1  }
0x4e5: {  	v9 =	vld [tilespmem:$0x1FDD0];
	_ =	sdelay $0x4  }
0x4e6: {  	v2 =	vunpack.i.l.bf16.f32 v10  }
0x4e7: {  	v2 =	vmul.f32 v2, v32;
	_ =	sdelay $0x1  }
0x4e8: {  	[tilespmem:v9+s26+$0x0] =	vst.idx.add.f32.msk $0xffff, v2  }
0x4e9: {  	v9 =	vld [tilespmem:$0x1FDE0];
	_ =	sdelay $0x4  }
0x4ea: {  	v1 =	vunpack.i.u.bf16.f32 v10  }
0x4eb: {  	v1 =	vmul.f32 v1, v32  }
0x4ec: {  	v11 =	vld [tilespmem:s9+$0x56E0]  }
0x4ed: {  	[tilespmem:v9+s26+$0x0] =	vst.idx.add.f32.msk $0xffff, v1  }
0x4ee: {  	v9 =	vld [tilespmem:$0x1FD70];
	_ =	sdelay $0x4  }
0x4ef: {  	v8 =	vunpack.i.l.bf16.f32 v11  }
0x4f0: {  	v8 =	vmul.f32 v8, v28;
	_ =	sdelay $0x1  }
0x4f1: {  	[tilespmem:v9+s26+$0x0] =	vst.idx.add.f32.msk $0xffff, v8  }
0x4f2: {  	v9 =	vld [tilespmem:$0x1FD80];
	_ =	sdelay $0x1  }
0x4f3: {  	v3 =	vld [tilespmem:s21+$0x56C0];
	_ =	sdelay $0x2  }
0x4f4: {  	v2 =	vunpack.i.u.bf16.f32 v11  }
0x4f5: {  	v1 =	vmul.f32 v2, v28  }
0x4f6: {  	v5 =	vld [tilespmem:s8+$0x56F0];
	v8 =	vunpack.i.l.bf16.f32 v3  }
0x4f7: {  	[tilespmem:v9+s26+$0x0] =	vst.idx.add.f32.msk $0xffff, v1;
	v1 =	vunpack.i.u.bf16.f32 v3;
	v3 =	vmul.f32 v8, v13  }
0x4f8: {  	v1 =	vmul.f32 v1, v13  }
0x4f9: {  	[tilespmem:v0+s26+$0x0] =	vst.idx.add.f32.msk $0xffff, v3  }
0x4fa: {  	[tilespmem:v6+s26+$0x0] =	vst.idx.add.f32.msk $0xffff, v1  }
0x4fb: {  	v9 =	vunpack.i.l.bf16.f32 v5;
	v0 =	vunpack.i.u.bf16.f32 v5;
	v5 =	vld [tilespmem:$0x1FD30];
	_ =	sdelay $0x5  }
0x4fc: {  	v3 =	vmul.f32 v9, v63;
	_ =	sdelay $0x1  }
0x4fd: {  	[tilespmem:v5+s26+$0x0] =	vst.idx.add.f32.msk $0xffff, v3  }
0x4fe: {  	v5 =	vld [tilespmem:$0x1FD40];
	_ =	sdelay $0x5  }
0x4ff: {  	v0 =	vmul.f32 v0, v63;
	_ =	sdelay $0x1  }
0x500: {  	[tilespmem:v5+s26+$0x0] =	vst.idx.add.f32.msk $0xffff, v0  }
0x501: {  	v5 =	vld [tilespmem:$0x1FCC0];
	_ =	sdelay $0x3  }
0x502: {  	v7 =	vld [tilespmem:s30+$0x56D0];
	_ =	sdelay $0x3  }
0x503: {  	[tilespmem:v5+s28+$0x0] =	vst.idx.add.f32.msk $0x1, v63  }
0x504: {  	v3 =	vunpack.i.l.bf16.f32 v7;
	v0 =	vunpack.i.u.bf16.f32 v7;
	v7 =	vld [tilespmem:$0x1FE60];
	_ =	sdelay $0x5  }
0x505: {  	v2 =	vld [tilespmem:s29+$0x56E0];
	v3 =	vmul.f32 v3, v56  }
0x506: {  	v1 =	vld [tilespmem:s21+$0x56D0];
	v0 =	vmul.f32 v0, v56  }
0x507: {  	[tilespmem:v7+s26+$0x0] =	vst.idx.add.f32.msk $0xffff, v3  }
0x508: {  	[tilespmem:v57+s26+$0x0] =	vst.idx.add.f32.msk $0xffff, v0  }
0x509: {  	v7 =	vld [tilespmem:$0x1FDF0];
	_ =	sdelay $0x1  }
0x50a: {  	v5 =	vor.u32 v54, v27  }
0x50b: {  	v0 =	vunpack.i.l.bf16.f32 v1  }
0x50c: {  	v1 =	vunpack.i.u.bf16.f32 v1;
	v0 =	vmul.f32 v0, v13  }
0x50d: {  	v6 =	vunpack.i.l.bf16.f32 v2;
	v1 =	vmul.f32 v1, v13  }
0x50e: {  	v3 =	vmul.f32 v6, v32;
	[tilespmem:v4+s26+$0x0] =	vst.idx.add.f32.msk $0xffff, v0  }
0x50f: {  	[tilespmem:v5+s26+$0x0] =	vst.idx.add.f32.msk $0xffff, v1  }
0x510: {  	[tilespmem:v7+s26+$0x0] =	vst.idx.add.f32.msk $0xffff, v3  }
0x511: {  	v4 =	vld [tilespmem:$0x1FE00];
	_ =	sdelay $0x4  }
0x512: {  	v2 =	vunpack.i.u.bf16.f32 v2  }
0x513: {  	v0 =	vmul.f32 v2, v32  }
0x514: {  	v8 =	vld [tilespmem:s9+$0x56F0]  }
0x515: {  	[tilespmem:v4+s26+$0x0] =	vst.idx.add.f32.msk $0xffff, v0  }
0x516: {  	v7 =	vld [tilespmem:$0x1FD90];
	_ =	sdelay $0x4  }
0x517: {  	v1 =	vunpack.i.l.bf16.f32 v8  }
0x518: {  	v1 =	vmul.f32 v1, v28;
	_ =	sdelay $0x1  }
0x519: {  	[tilespmem:v7+s26+$0x0] =	vst.idx.add.f32.msk $0xffff, v1  }
0x51a: {  	v7 =	vld [tilespmem:$0x1FDA0]  }
0x51b: {  	v6 =	vld [tilespmem:s30+$0x56E0];
	_ =	sdelay $0x2  }
0x51c: {  	v2 =	vld [tilespmem:s21+$0x56E0]  }
0x51d: {  	v3 =	vunpack.i.u.bf16.f32 v8  }
0x51e: {  	v0 =	vmul.f32 v3, v28;
	v4 =	vunpack.i.l.bf16.f32 v6  }
0x51f: {  	v5 =	vor.u32 v50, v27;
	v4 =	vmul.f32 v4, v56;
	v1 =	vunpack.i.u.bf16.f32 v6  }
0x520: {  	v6 =	vor.u32 v59, v27;
	[tilespmem:v7+s26+$0x0] =	vst.idx.add.f32.msk $0xffff, v0;
	v0 =	vmul.f32 v1, v56  }
0x521: {  	[tilespmem:v36+s26+$0x0] =	vst.idx.add.f32.msk $0xffff, v4;
	v1 =	vunpack.i.l.bf16.f32 v2  }
0x522: {  	v1 =	vmul.f32 v1, v13;
	[tilespmem:v31+s26+$0x0] =	vst.idx.add.f32.msk $0xffff, v0;
	v0 =	vunpack.i.u.bf16.f32 v2  }
0x523: {  	v0 =	vmul.f32 v0, v13  }
0x524: {  	[tilespmem:v5+s26+$0x0] =	vst.idx.add.f32.msk $0xffff, v1  }
0x525: {  	[tilespmem:v6+s26+$0x0] =	vst.idx.add.f32.msk $0xffff, v0  }
0x526: {  	v4 =	vld [tilespmem:$0x1FCD0];
	_ =	sdelay $0x6  }
0x527: {  	v3 =	vld [tilespmem:s29+$0x56F0]  }
0x528: {  	[tilespmem:v4+s28+$0x0] =	vst.idx.add.f32.msk $0x1, v28  }
0x529: {  	v4 =	vld [tilespmem:$0x1FE10];
	_ =	sdelay $0x4  }
0x52a: {  	v1 =	vunpack.i.l.bf16.f32 v3  }
0x52b: {  	v1 =	vmul.f32 v1, v32;
	_ =	sdelay $0x1  }
0x52c: {  	[tilespmem:v4+s26+$0x0] =	vst.idx.add.f32.msk $0xffff, v1  }
0x52d: {  	v5 =	vld [tilespmem:$0x1FE20];
	_ =	sdelay $0x4  }
0x52e: {  	v0 =	vunpack.i.u.bf16.f32 v3  }
0x52f: {  	v0 =	vmul.f32 v0, v32  }
0x530: {  	v2 =	vld [tilespmem:s30+$0x56F0]  }
0x531: {  	[tilespmem:v5+s26+$0x0] =	vst.idx.add.f32.msk $0xffff, v0  }
0x532: {  	v5 =	vld [tilespmem:$0x1FD00];
	_ =	sdelay $0x3  }
0x533: {  	v1 =	vunpack.i.l.bf16.f32 v2  }
0x534: {  	v1 =	vmul.f32 v1, v56;
	_ =	sdelay $0x1  }
0x535: {  	[tilespmem:v29+s26+$0x0] =	vst.idx.add.f32.msk $0xffff, v1  }
0x536: {  	[tilespmem:v5+s28+$0x0] =	vst.idx.add.f32.msk $0x1, v32  }
0x537: {  	v5 =	vld [tilespmem:$0x1FE70];
	_ =	sdelay $0x3  }
0x538: {  	v3 =	vld [tilespmem:s21+$0x56F0]  }
0x539: {  	v0 =	vunpack.i.u.bf16.f32 v2  }
0x53a: {  	v0 =	vmul.f32 v0, v56;
	_ =	sdelay $0x1  }
0x53b: {  	[tilespmem:v5+s26+$0x0] =	vst.idx.add.f32.msk $0xffff, v0  }
0x53c: {  	v4 =	vor.u32 v53, v27;
	v1 =	vunpack.i.l.bf16.f32 v3;
	v0 =	vunpack.i.u.bf16.f32 v3;
	v3 =	vld [tilespmem:$0x1FE30]  }
0x53d: {  	v2 =	vor.u32 v47, v27;
	_ =	sdelay $0x1  }
0x53e: {  	v1 =	vmul.f32 v1, v13  }
0x53f: {  	v0 =	vmul.f32 v0, v13  }
0x540: {  	[tilespmem:v4+s26+$0x0] =	vst.idx.add.f32.msk $0xffff, v1  }
0x541: {  	[tilespmem:v2+s26+$0x0] =	vst.idx.add.f32.msk $0xffff, v0  }
0x542: {  	s21 =	sshll.u32 s7, $0x7;
	[tilespmem:v17+s28+$0x0] =	vst.idx.add.f32.msk $0x1, v13  }
0x543: {  	s3 =	sshra.s32 s21, $0x2;
	[tilespmem:v3+s28+$0x0] =	vst.idx.add.f32.msk $0x1, v56  }
0x544: {  	v0 =	vld [tilespmem:s3+$0x1A20];
	_ =	sdelay $0x4  }
0x545: {  	v1 =	vshra.s32 v0, $0x1F  }
0x546: {  	v1 =	vshrl.u32 v1, $0x12  }
0x547: {  	v1 =	vadd.s32 v1, v0  }
0x548: {  	v1 =	vshra.s32 v1, $0xE  }
0x549: {  	v2 =	vshll.u32 v1, $0xE  }
0x54a: {  	vm1 =	vlt.s32 v0, $0x1;
	vm2 =	vne.s32 v0, v2  }
0x54b: {  	vm1 =	vmand vm1, vm2  }
0x54c: {  	v2 =	vsel vm1, $0xFFFFFFFF, v35  }
0x54d: {  	v1 =	vadd.s32 v2, v1  }
0x54e: {  	v0 =	vand.u32 $0x3FFF, v0;
	vm1 =	vlt.s32 v1, $0x270F  }
0x54f: {  	[tilespmem:$0x3180] =	vst v0;
	v1 =	vnsel vm1, $0x270F, v1  }
0x550: {  	[tilespmem:$0x3080] =	vst v1  }
0x551: {  	_ =	swait.ge [sflag:s15], $0x1000  }
0x552: {  	[sflag:s15] =	ssyncset.done $0x0  }
0x553: {  	[sflag:s15] =	ssyncadd.s32 $0xFFFFF000  }
0x554: {  	_ =	swait.ge [sflag:s16], $0x1000  }
0x555: {  	[sflag:s16] =	ssyncset.done $0x0  }
0x556: {  	[sflag:s16] =	ssyncadd.s32 $0xFFFFF000  }
0x557: {  	v0 =	vld [tilespmem:$0x3080];
	_ =	sdelay $0x2  }
0x558: {  	v2 =	vld [tilespmem:$0x1FEA0]  }
0x559: {  	v3 =	vld [tilespmem:$0x1FEB0]  }
0x55a: {  	v4 =	vld [tilespmem:$0x1FEC0];
	v1 =	vshll.u32 v0, $0x1  }
0x55b: {  	v0 =	vand.u32 $0x7, v0;
	v1 =	vand.u32 $0xFFFFFFF0, v1  }
0x55c: {  	v0 =	vor.u32 v0, v1  }
0x55d: {  	v1 =	vperm.xlane v0, v2;
	_ =	sdelay $0x1  }
0x55e: {  	v0 =	vperm.xlane v0, v4;
	v1 =	vadd.s32 v3, v1;
	_ =	sdelay $0x1  }
0x55f: {  	v0 =	vadd.s32 v3, v0;
	_ =	sdelay $0x1  }
0x560: {  	s23 =	simm.s32 $0x3280;
	s22 =	simm.s32 $0x0  }
0x561: {  	[tilespmem:s23], [sflag:$0x1] =	stream.indirect_vreg.gather [hbm4b:s2+s22], $0x80, v1, vm0, $0xb8;
	[tilespmem:$0x1BC00] =	vst v63  }
0x562: {  	s24 =	simm.s32 $0x3A80  }
0x563: {  	[tilespmem:s24], [sflag:$0x1] =	stream.indirect_vreg.gather [hbm4b:s2+s22], $0x80, v0, vm0, $0xb8;
	[tilespmem:$0x1BC00] =	vst v63  }
0x564: {  	v0 =	vld [tilespmem:$0x3180];
	_ =	sdelay $0x4  }
0x565: {  	v1 =	vshll.u32 v0, $0x1  }
0x566: {  	v0 =	vand.u32 $0x7, v0;
	v1 =	vand.u32 $0xFFFFFFF0, v1  }
0x567: {  	v0 =	vor.u32 v0, v1  }
0x568: {  	v1 =	vperm.xlane v0, v2;
	_ =	sdelay $0x1  }
0x569: {  	v0 =	vperm.xlane v0, v4;
	v1 =	vadd.s32 v3, v1;
	_ =	sdelay $0x1  }
0x56a: {  	v0 =	vadd.s32 v3, v0  }
0x56b: {  	s18 =	simm.s32 $0x0  }
0x56c: {  	s8 =	sand.u32 $0x300, s18;
	s9 =	simm.s32 $0x5280;
	s3 =	sand.u32 $0x800, s22  }
0x56d: {  	[tilespmem:s9], [sflag:$0x2] =	stream.indirect_vreg.gather [hbm4b:s6+s22], $0x80, v1, vm0, $0xb8;
	[tilespmem:$0x1BC00] =	vst v63  }
0x56e: {  	s17 =	simm.s32 $0x5A80;
	s9 =	sor.u32 s8, s3  }
0x56f: {  	[tilespmem:s17], [sflag:$0x2] =	stream.indirect_vreg.gather [hbm4b:s6+s22], $0x80, v0, vm0, $0xb8;
	[tilespmem:$0x1BC00] =	vst v63  }
0x570: {  	v0 =	vld [tilespmem:s9+$0x6280]  }
0x571: {  	v1 =	vld [tilespmem:s9+$0x4280];
	_ =	sdelay $0x1  }
0x572: {  	v2 =	vld [tilespmem:s9+$0x4290]  }
0x573: {  	v3 =	vld [tilespmem:s9+$0x6290]  }
0x574: {  	v4 =	vld [tilespmem:s9+$0x42A0];
	v5 =	vunpack.i.l.bf16.f32 v0  }
0x575: {  	v1 =	vmul.f32 v1, v5  }
0x576: {  	v0 =	vunpack.i.u.bf16.f32 v0;
	v5 =	vld [tilespmem:s9+$0x42B0]  }
0x577: {  	v0 =	vmul.f32 v2, v0;
	v2 =	vld [tilespmem:s9+$0x62A0];
	v1 =	vadd.f32 $0.0e+00, v1  }
0x578: {  	v7 =	vld [tilespmem:s9+$0x42C0];
	v6 =	vunpack.i.l.bf16.f32 v3  }
0x579: {  	v0 =	vadd.f32 v0, v1;
	v1 =	vmul.f32 v4, v6  }
0x57a: {  	v3 =	vunpack.i.u.bf16.f32 v3;
	v4 =	vld [tilespmem:s9+$0x42D0]  }
0x57b: {  	v3 =	vmul.f32 v5, v3;
	v0 =	vadd.f32 v1, v0;
	v1 =	vld [tilespmem:s9+$0x62B0]  }
0x57c: {  	v6 =	vld [tilespmem:s9+$0x42E0];
	v5 =	vunpack.i.l.bf16.f32 v2  }
0x57d: {  	v0 =	vadd.f32 v3, v0;
	v3 =	vmul.f32 v7, v5  }
0x57e: {  	v2 =	vunpack.i.u.bf16.f32 v2;
	v5 =	vld [tilespmem:s9+$0x42F0]  }
0x57f: {  	v7 =	vld [tilespmem:s9+$0x62C0];
	v2 =	vmul.f32 v4, v2;
	v0 =	vadd.f32 v3, v0  }
0x580: {  	v3 =	vld [tilespmem:s9+$0x4680];
	v4 =	vunpack.i.l.bf16.f32 v1  }
0x581: {  	v0 =	vadd.f32 v2, v0;
	v2 =	vmul.f32 v6, v4  }
0x582: {  	v1 =	vunpack.i.u.bf16.f32 v1;
	v4 =	vld [tilespmem:s9+$0x4690]  }
0x583: {  	v1 =	vmul.f32 v5, v1;
	v0 =	vadd.f32 v2, v0;
	v2 =	vld [tilespmem:s9+$0x62D0]  }
0x584: {  	v6 =	vld [tilespmem:s9+$0x46A0];
	v5 =	vunpack.i.l.bf16.f32 v7  }
0x585: {  	v3 =	vmul.f32 v3, v5;
	v0 =	vadd.f32 v1, v0  }
0x586: {  	v5 =	vld [tilespmem:s9+$0x46B0];
	v1 =	vunpack.i.u.bf16.f32 v7  }
0x587: {  	v7 =	vld [tilespmem:s9+$0x62E0];
	v1 =	vmul.f32 v4, v1;
	v0 =	vadd.f32 v3, v0  }
0x588: {  	v3 =	vld [tilespmem:s9+$0x46C0];
	v4 =	vunpack.i.l.bf16.f32 v2  }
0x589: {  	v0 =	vadd.f32 v1, v0;
	v1 =	vmul.f32 v6, v4  }
0x58a: {  	v2 =	vunpack.i.u.bf16.f32 v2;
	v4 =	vld [tilespmem:s9+$0x46D0]  }
0x58b: {  	v0 =	vadd.f32 v1, v0;
	v1 =	vmul.f32 v5, v2;
	v2 =	vld [tilespmem:s9+$0x62F0]  }
0x58c: {  	v6 =	vld [tilespmem:s9+$0x46E0];
	v5 =	vunpack.i.l.bf16.f32 v7  }
0x58d: {  	v0 =	vadd.f32 v1, v0;
	v1 =	vmul.f32 v3, v5  }
0x58e: {  	v3 =	vunpack.i.u.bf16.f32 v7;
	v5 =	vld [tilespmem:s9+$0x46F0]  }
0x58f: {  	s19 =	simm.s32 $0x80;
	v3 =	vmul.f32 v4, v3;
	v0 =	vadd.f32 v1, v0  }
0x590: {  	s8 =	sand.u32 $0x380, s19;
	v1 =	vunpack.i.l.bf16.f32 v2  }
0x591: {  	s3 =	sor.u32 s3, s8;
	v0 =	vadd.f32 v3, v0;
	v1 =	vmul.f32 v6, v1  }
0x592: {  	v2 =	vunpack.i.u.bf16.f32 v2;
	v3 =	vld [tilespmem:s3+$0x6280]  }
0x593: {  	v0 =	vadd.f32 v1, v0;
	v1 =	vmul.f32 v5, v2;
	v2 =	vld [tilespmem:s3+$0x4280];
	_ =	sdelay $0x1  }
0x594: {  	v4 =	vld [tilespmem:s3+$0x6290];
	v0 =	vadd.f32 v1, v0  }
0x595: {  	v1 =	vld [tilespmem:s3+$0x4290]  }
0x596: {  	v5 =	vld [tilespmem:s3+$0x42A0];
	(xrf2) =	vadd.scan.msk.f32 $0xffff, v0;
	v0 =	vunpack.i.l.bf16.f32 v3  }
0x597: {  	v0 =	vmul.f32 v2, v0;
	v2 =	vunpack.i.u.bf16.f32 v3;
	v3 =	vld [tilespmem:s3+$0x42B0];
	_ =	sdelay $0x2  }
0x598: {  	v0 =	vadd.f32 $0.0e+00, v0;
	v1 =	vmul.f32 v1, v2;
	v2 =	vld [tilespmem:s3+$0x62A0]  }
0x599: {  	v7 =	vld [tilespmem:s3+$0x42C0];
	v6 =	vunpack.i.l.bf16.f32 v4;
	v4 =	vunpack.i.u.bf16.f32 v4  }
0x59a: {  	v0 =	vadd.f32 v1, v0;
	v1 =	vmul.f32 v5, v6;
	v3 =	vmul.f32 v3, v4  }
0x59b: {  	v5 =	vld [tilespmem:s3+$0x42D0]  }
0x59c: {  	v6 =	vld [tilespmem:s3+$0x62B0];
	v0 =	vadd.f32 v1, v0  }
0x59d: {  	v1 =	vld [tilespmem:s3+$0x42E0];
	v4 =	vunpack.i.l.bf16.f32 v2  }
0x59e: {  	v4 =	vmul.f32 v7, v4;
	v0 =	vadd.f32 v3, v0;
	v3, _, _ =	vpop (xrf2)  }
0x59f: {  	v2 =	vunpack.i.u.bf16.f32 v2;
	v7 =	vld [tilespmem:s3+$0x42F0];
	(v2sf) =	vpush v3, $0xF  }
0x5a0: {  	v2 =	vmul.f32 v5, v2;
	v0 =	vadd.f32 v4, v0;
	v3 =	vld [tilespmem:s3+$0x62C0]  }
0x5a1: {  	v5 =	vld [tilespmem:s3+$0x4680];
	v4 =	vunpack.i.l.bf16.f32 v6  }
0x5a2: {  	s20 =	sadd.s32 $0xFFFFFFFE, s1;
	v1 =	vmul.f32 v1, v4;
	v0 =	vadd.f32 v2, v0  }
0x5a3: {  	s17 =	sadd.s32 $0x12, s20;
	v4 =	vld [tilespmem:s3+$0x4690];
	v2 =	vunpack.i.u.bf16.f32 v6  }
0x5a4: {  	v6 =	vld [tilespmem:s3+$0x62D0];
	v0 =	vadd.f32 v1, v0;
	v1 =	vmul.f32 v7, v2;
	v2 =	vmov s17  }
0x5a5: {  	v7 =	vld [tilespmem:s3+$0x46A0];
	v8 =	vunpack.i.l.bf16.f32 v3;
	v2 =	vand.u32 $0xFFFFFFFE, v2  }
0x5a6: {  	v5 =	vmul.f32 v5, v8;
	v0 =	vadd.f32 v1, v0;
	v1 =	vbroadcast v2, $0x0  }
0x5a7: {  	v3 =	vunpack.i.u.bf16.f32 v3;
	v2 =	vld [tilespmem:s3+$0x46B0]  }
0x5a8: {  	v3 =	vmul.f32 v4, v3;
	v4 =	vld [tilespmem:s3+$0x62E0];
	v0 =	vadd.f32 v5, v0  }
0x5a9: {  	v8 =	vld [tilespmem:s3+$0x46C0];
	v5 =	vunpack.i.l.bf16.f32 v6  }
0x5aa: {  	v5 =	vmul.f32 v7, v5;
	v7 =	vld [tilespmem:s3+$0x62F0];
	v0 =	vadd.f32 v3, v0  }
0x5ab: {  	v6 =	vunpack.i.u.bf16.f32 v6;
	v3 =	vld [tilespmem:s3+$0x46D0]  }
0x5ac: {  	v2 =	vmul.f32 v2, v6;
	v0 =	vadd.f32 v5, v0;
	v1 =	vld.idx.msk [tilespmem:v1+s25+$0x0], $0xffff  }
0x5ad: {  	v5 =	vunpack.i.l.bf16.f32 v4  }
0x5ae: {  	v0 =	vadd.f32 v2, v0;
	v2 =	vmul.f32 v8, v5;
	s21 =	spop (v2sf)  }
0x5af: {  	v4 =	vunpack.i.u.bf16.f32 v4;
	s17 =	smul.f32 $6.250000000e-02, s21  }
0x5b0: {  	v5 =	vld [tilespmem:s3+$0x46E0];
	v3 =	vmul.f32 v3, v4;
	v0 =	vadd.f32 v2, v0  }
0x5b1: {  	v2 =	vunpack.i.l.bf16.f32 v7;
	v6 =	vshra.s32 v1, $0x1F;
	v4 =	vmov s17  }
0x5b2: {  	v8 =	vand.u32 $0x3FFF, v1;
	v6 =	vshrl.u32 v6, $0x12;
	v4 =	vmul.f32 $1.442695020e+00, v4  }
0x5b3: {  	v9 =	vld [tilespmem:s3+$0x46F0];
	vm1 =	vlt.s32 v1, $0x1;
	vm2 =	vne.s32 v8, $0x0;
	v6 =	vadd.s32 v6, v1  }
0x5b4: {  	vm1 =	vmand vm1, vm2;
	v1 =	vbroadcast v4, $0x0;
	v4 =	vshra.s32 v6, $0xE  }
0x5b5: {  	v2 =	vmul.f32 v5, v2;
	v5 =	vsel vm1, $0xFFFFFFFF, v35;
	v4 =	vadd.s32 v51, v4  }
0x5b6: {  	v0 =	vadd.f32 v3, v0;
	v3 =	vadd.s32 v5, v4;
	(erf) = vpow2.f32 v1  }
0x5b7: {  	v1 =	vunpack.i.u.bf16.f32 v7;
	vm1 =	vgt.s32 v3, $0x0  }
0x5b8: {  	v0 =	vadd.f32 v2, v0;
	v1 =	vmul.f32 v9, v1;
	v2 =	vnsel vm1, $0x0, v3  }
0x5b9: {  	v2 =	vmin.u32 v2, $0x140  }
0x5ba: {  	v0 =	vadd.f32 v1, v0;
	v1 =	vld [tilespmem:s9+$0x6680];
	v3 =	vshll.u32 v2, $0x8;
	v4 =	vshll.u32 v2, $0x7  }
0x5bb: {  	v3 =	vand.u32 $0x1F800, v3;
	v4 =	vand.u32 $0x380, v4  }
0x5bc: {  	(xrf2) =	vadd.scan.msk.f32 $0xffff, v0;
	v4 =	vor.u32 v4, v3  }
0x5bd: {  	v0 =	vor.u32 v52, v4  }
0x5be: {  	v5 =	vor.u32 v25, v4  }
0x5bf: {  	v6 =	vunpack.i.l.bf16.f32 v1;
	v3 =	vpop (erf)  }
0x5c0: {  	v1 =	vunpack.i.u.bf16.f32 v1;
	v6 =	vmul.f32 v3, v6  }
0x5c1: {  	v1 =	vmul.f32 v3, v1  }
0x5c2: {  	[tilespmem:v0+s26+$0x0] =	vst.idx.add.f32.msk $0xffff, v6  }
0x5c3: {  	[tilespmem:v5+s26+$0x0] =	vst.idx.add.f32.msk $0xffff, v1  }
0x5c4: {  	v0 =	vld [tilespmem:s9+$0x6690];
	_ =	sdelay $0x1  }
0x5c5: {  	v5, _, _ =	vpop (xrf2)  }
0x5c6: {  	(v2sf) =	vpush v5, $0xF;
	v5 =	vor.u32 v24, v4  }
0x5c7: {  	v7 =	vor.u32 v26, v4  }
0x5c8: {  	v6 =	vunpack.i.l.bf16.f32 v0  }
0x5c9: {  	v0 =	vunpack.i.u.bf16.f32 v0;
	v8 =	vmul.f32 v3, v6  }
0x5ca: {  	v0 =	vmul.f32 v3, v0  }
0x5cb: {  	[tilespmem:v5+s26+$0x0] =	vst.idx.add.f32.msk $0xffff, v8  }
0x5cc: {  	s23 =	simm.s32 $0x200;
	s8 =	sadd.s32 $0x13, s20;
	s22 =	simm.s32 $0x100;
	[tilespmem:v7+s26+$0x0] =	vst.idx.add.f32.msk $0xffff, v0  }
0x5cd: {  	s17 =	sand.u32 $0x300, s22;
	v1 =	vmov s8;
	s8 =	sand.u32 $0x800, s23;
	v0 =	vld [tilespmem:s9+$0x66A0]  }
0x5ce: {  	s21 =	sor.u32 s17, s8  }
0x5cf: {  	v7 =	vld [tilespmem:s21+$0x6280]  }
0x5d0: {  	v9 =	vld [tilespmem:s21+$0x4280];
	v8 =	vor.u32 v33, v4  }
0x5d1: {  	v11 =	vor.u32 v30, v4;
	v10 =	vld [tilespmem:s21+$0x42B0]  }
0x5d2: {  	v13 =	vld [tilespmem:s21+$0x4290];
	v12 =	vunpack.i.l.bf16.f32 v0  }
0x5d3: {  	v14 =	vld [tilespmem:s21+$0x6290];
	v0 =	vunpack.i.u.bf16.f32 v0;
	v12 =	vmul.f32 v12, v3  }
0x5d4: {  	v15 =	vld [tilespmem:s21+$0x42A0];
	v16 =	vunpack.i.l.bf16.f32 v7;
	v0 =	vmul.f32 v0, v3  }
0x5d5: {  	[tilespmem:v8+s26+$0x0] =	vst.idx.add.f32.msk $0xffff, v12;
	v8 =	vmul.f32 v9, v16  }
0x5d6: {  	[tilespmem:v11+s26+$0x0] =	vst.idx.add.f32.msk $0xffff, v0;
	v0 =	vunpack.i.u.bf16.f32 v7  }
0x5d7: {  	v7 =	vadd.f32 $0.0e+00, v8;
	v0 =	vmul.f32 v13, v0;
	v8 =	vld [tilespmem:s21+$0x62A0]  }
0x5d8: {  	v9 =	vunpack.i.l.bf16.f32 v14;
	v11 =	vld [tilespmem:s21+$0x42C0]  }
0x5d9: {  	v0 =	vadd.f32 v0, v7;
	v7 =	vmul.f32 v15, v9  }
0x5da: {  	v12 =	vld [tilespmem:s21+$0x42D0];
	v9 =	vunpack.i.u.bf16.f32 v14  }
0x5db: {  	v9 =	vmul.f32 v10, v9;
	v0 =	vadd.f32 v7, v0;
	v7 =	vld [tilespmem:s21+$0x62B0]  }
0x5dc: {  	v13 =	vld [tilespmem:s21+$0x42E0];
	v10 =	vunpack.i.l.bf16.f32 v8  }
0x5dd: {  	v0 =	vadd.f32 v9, v0;
	v9 =	vmul.f32 v11, v10  }
0x5de: {  	v8 =	vunpack.i.u.bf16.f32 v8;
	v10 =	vld [tilespmem:s21+$0x42F0]  }
0x5df: {  	v11 =	vld [tilespmem:s21+$0x62C0];
	v8 =	vmul.f32 v12, v8;
	v0 =	vadd.f32 v9, v0  }
0x5e0: {  	v5 =	vld [tilespmem:s21+$0x4680];
	v9 =	vunpack.i.l.bf16.f32 v7  }
0x5e1: {  	v0 =	vadd.f32 v8, v0;
	v8 =	vmul.f32 v13, v9  }
0x5e2: {  	v7 =	vunpack.i.u.bf16.f32 v7;
	v9 =	vld [tilespmem:s21+$0x4690]  }
0x5e3: {  	v7 =	vmul.f32 v10, v7;
	v0 =	vadd.f32 v8, v0;
	v8 =	vld [tilespmem:s21+$0x62D0]  }
0x5e4: {  	v12 =	vld [tilespmem:s21+$0x46A0];
	v10 =	vunpack.i.l.bf16.f32 v11  }
0x5e5: {  	v5 =	vmul.f32 v5, v10;
	v0 =	vadd.f32 v7, v0  }
0x5e6: {  	v10 =	vld [tilespmem:s21+$0x46B0];
	v7 =	vunpack.i.u.bf16.f32 v11  }
0x5e7: {  	v11 =	vld [tilespmem:s21+$0x62E0];
	v0 =	vadd.f32 v5, v0;
	v5 =	vmul.f32 v9, v7  }
0x5e8: {  	v7 =	vld [tilespmem:s21+$0x46C0];
	v9 =	vunpack.i.l.bf16.f32 v8  }
0x5e9: {  	v0 =	vadd.f32 v5, v0;
	v5 =	vmul.f32 v12, v9  }
0x5ea: {  	v8 =	vunpack.i.u.bf16.f32 v8;
	v9 =	vld [tilespmem:s21+$0x46D0]  }
0x5eb: {  	v0 =	vadd.f32 v5, v0;
	v5 =	vmul.f32 v10, v8;
	v8 =	vld [tilespmem:s21+$0x62F0]  }
0x5ec: {  	v12 =	vld [tilespmem:s21+$0x46E0];
	v10 =	vunpack.i.l.bf16.f32 v11  }
0x5ed: {  	v0 =	vadd.f32 v5, v0;
	v5 =	vmul.f32 v7, v10  }
0x5ee: {  	v7 =	vunpack.i.u.bf16.f32 v11;
	v10 =	vld [tilespmem:s21+$0x46F0]  }
0x5ef: {  	v7 =	vmul.f32 v9, v7;
	v0 =	vadd.f32 v5, v0  }
0x5f0: {  	v5 =	vunpack.i.l.bf16.f32 v8  }
0x5f1: {  	v0 =	vadd.f32 v7, v0;
	v5 =	vmul.f32 v12, v5  }
0x5f2: {  	v8 =	vunpack.i.u.bf16.f32 v8  }
0x5f3: {  	v0 =	vadd.f32 v5, v0;
	v5 =	vmul.f32 v10, v8;
	_ =	sdelay $0x1  }
0x5f4: {  	v7 =	vld [tilespmem:s9+$0x66B0];
	v0 =	vadd.f32 v5, v0;
	_ =	sdelay $0x1  }
0x5f5: {  	(xrf2) =	vadd.scan.msk.f32 $0xffff, v0  }
0x5f6: {  	v8 =	vor.u32 v45, v4  }
0x5f7: {  	v5 =	vor.u32 v43, v4  }
0x5f8: {  	v9 =	vunpack.i.l.bf16.f32 v7  }
0x5f9: {  	v0 =	vunpack.i.u.bf16.f32 v7;
	v7 =	vmul.f32 v9, v3  }
0x5fa: {  	v0 =	vmul.f32 v0, v3  }
0x5fb: {  	[tilespmem:v8+s26+$0x0] =	vst.idx.add.f32.msk $0xffff, v7  }
0x5fc: {  	[tilespmem:v5+s26+$0x0] =	vst.idx.add.f32.msk $0xffff, v0  }
0x5fd: {  	v0 =	vld [tilespmem:s9+$0x66C0];
	_ =	sdelay $0x1  }
0x5fe: {  	v9, _, _ =	vpop (xrf2)  }
0x5ff: {  	s24 =	spop (v2sf);
	v5 =	vor.u32 v55, v4;
	(v2sf) =	vpush v9, $0xF  }
0x600: {  	s19 =	simm.s32 $0x180;
	v7 =	vor.u32 v58, v4  }
0x601: {  	s20 =	sand.u32 $0x380, s19;
	v8 =	vunpack.i.l.bf16.f32 v0  }
0x602: {  	s22 =	sadd.s32 $0x0, s1;
	s8 =	sor.u32 s8, s20;
	v0 =	vunpack.i.u.bf16.f32 v0;
	v8 =	vmul.f32 v8, v3  }
0x603: {  	s18 =	sadd.s32 $0x12, s22;
	v17 =	vld [tilespmem:s8+$0x42B0];
	v0 =	vmul.f32 v0, v3  }
0x604: {  	[tilespmem:v5+s26+$0x0] =	vst.idx.add.f32.msk $0xffff, v8;
	v5 =	vmov s18  }
0x605: {  	[tilespmem:v7+s26+$0x0] =	vst.idx.add.f32.msk $0xffff, v0;
	v5 =	vand.u32 $0xFFFFFFFE, v5  }
0x606: {  	v0 =	vld [tilespmem:s9+$0x66D0];
	v5 =	vbroadcast v5, $0x0  }
0x607: {  	v18 =	vld [tilespmem:s8+$0x62A0]  }
0x608: {  	v19 =	vld [tilespmem:s8+$0x42C0]  }
0x609: {  	v20 =	vld [tilespmem:s8+$0x42D0];
	v7 =	vor.u32 v49, v4  }
0x60a: {  	v21 =	vld [tilespmem:s8+$0x62B0];
	v10 =	vor.u32 v54, v4  }
0x60b: {  	v22 =	vld [tilespmem:s8+$0x42E0];
	v11 =	vunpack.i.l.bf16.f32 v0  }
0x60c: {  	v0 =	vunpack.i.u.bf16.f32 v0;
	v11 =	vmul.f32 v11, v3;
	v5 =	vld.idx.msk [tilespmem:v5+s25+$0x0], $0xffff  }
0x60d: {  	v23 =	vld [tilespmem:s8+$0x42F0];
	s17 =	smul.f32 $6.250000000e-02, s24;
	v0 =	vmul.f32 v0, v3  }
0x60e: {  	[tilespmem:v7+s26+$0x0] =	vst.idx.add.f32.msk $0xffff, v11;
	s23 =	spop (v2sf)  }
0x60f: {  	[tilespmem:v10+s26+$0x0] =	vst.idx.add.f32.msk $0xffff, v0;
	v0 =	vmov s17;
	s17 =	smul.f32 $6.250000000e-02, s23  }
0x610: {  	v25 =	vld [tilespmem:s8+$0x4680];
	v0 =	vmul.f32 $1.442695020e+00, v0  }
0x611: {  	v1 =	vld.idx.msk [tilespmem:v1+s25+$0x0], $0xffff;
	v10 =	vshra.s32 v5, $0x1F;
	v11 =	vand.u32 $0x3FFF, v5;
	v7 =	vmov s17  }
0x612: {  	v26 =	vld [tilespmem:s8+$0x4690];
	vm1 =	vlt.s32 v5, $0x1;
	v10 =	vshrl.u32 v10, $0x12;
	v7 =	vmul.f32 $1.442695020e+00, v7  }
0x613: {  	v27 =	vld [tilespmem:s8+$0x62D0];
	v0 =	vbroadcast v0, $0x0;
	vm2 =	vne.s32 v11, $0x0;
	v10 =	vadd.s32 v10, v5  }
0x614: {  	v28 =	vld [tilespmem:s8+$0x46A0];
	vm1 =	vmand vm1, vm2;
	v5 =	vbroadcast v7, $0x0;
	v7 =	vshra.s32 v10, $0xE  }
0x615: {  	v29 =	vld [tilespmem:s8+$0x46B0];
	(erf) = vpow2.f32 v0;
	v0 =	vsel vm1, $0xFFFFFFFF, v35;
	v7 =	vadd.s32 v51, v7  }
0x616: {  	v24 =	vld [tilespmem:s8+$0x62C0];
	vm2 =	vlt.s32 v1, $0x1;
	v0 =	vadd.s32 v0, v7  }
0x617: {  	v6 =	vld [tilespmem:s3+$0x6680];
	v10 =	vshra.s32 v1, $0x1F;
	(erf) = vpow2.f32 v5;
	vm1 =	vgt.s32 v0, $0x0  }
0x618: {  	v16 =	vld [tilespmem:s8+$0x42A0];
	v5 =	vshrl.u32 v10, $0x12;
	v7 =	vand.u32 $0x3FFF, v1;
	v0 =	vnsel vm1, $0x0, v0  }
0x619: {  	v14 =	vld [tilespmem:s8+$0x6290];
	v5 =	vadd.s32 v5, v1;
	vm1 =	vne.s32 v7, $0x0;
	v0 =	vmin.u32 v0, $0x140  }
0x61a: {  	v8 =	vld [tilespmem:s8+$0x6280];
	v5 =	vshra.s32 v5, $0xE;
	v1 =	vshll.u32 v0, $0x8;
	v10 =	vshll.u32 v0, $0x7  }
0x61b: {  	v7 =	vld [tilespmem:s21+$0x6680];
	vm1 =	vmand vm2, vm1;
	v1 =	vand.u32 $0x1F800, v1;
	v10 =	vand.u32 $0x380, v10  }
0x61c: {  	v11 =	vadd.s32 v51, v5;
	v12 =	vsel vm1, $0xFFFFFFFF, v35;
	v5 =	vor.u32 v10, v1;
	v10 =	vld [tilespmem:$0x1FF10]  }
0x61d: {  	v9 =	vld [tilespmem:s8+$0x4280];
	v1 =	vadd.s32 v12, v11  }
0x61e: {  	v13 =	vld [tilespmem:s8+$0x4290];
	v30 =	vor.u32 v52, v5  }
0x61f: {  	v15 =	vld [tilespmem:s9+$0x66E0];
	v62 =	vpop (erf);
	vm1 =	vgt.s32 v1, $0x0  }
0x620: {  	v11 =	vld [tilespmem:s8+$0x62E0];
	v61 =	vunpack.i.l.bf16.f32 v7;
	v60 =	vnsel vm1, $0x0, v1;
	v1 =	vpop (erf)  }
0x621: {  	v12 =	vld [tilespmem:s8+$0x46C0];
	v33 =	vmul.f32 v1, v61;
	v31 =	vor.u32 v10, v5;
	v10 =	vunpack.i.l.bf16.f32 v8  }
0x622: {  	s19 =	simm.s32 $0x400;
	s24 =	simm.s32 $0x200;
	v39 =	vunpack.i.u.bf16.f32 v8;
	v8 =	vld [tilespmem:s8+$0x62F0];
	v9 =	vmul.f32 v9, v10  }
0x623: {  	s18 =	sand.u32 $0x800, s19;
	s17 =	sand.u32 $0x300, s24;
	v7 =	vunpack.i.u.bf16.f32 v7;
	v63 =	vmin.u32 v60, $0x140;
	[tilespmem:v30+s26+$0x0] =	vst.idx.add.f32.msk $0xffff, v33  }
0x624: {  	v13 =	vmul.f32 v13, v39;
	s17 =	sor.u32 s17, s18;
	v40 =	vmul.f32 v1, v7;
	v10 =	vld [tilespmem:s8+$0x46D0];
	[tilespmem:$0x1FA80] =	vst v63;
	v41 =	vadd.f32 $0.0e+00, v9  }
0x625: {  	v30 =	vunpack.i.u.bf16.f32 v14;
	v14 =	vunpack.i.l.bf16.f32 v14;
	v42 =	vld [tilespmem:s17+$0x6280]  }
0x626: {  	v14 =	vmul.f32 v16, v14;
	[tilespmem:v31+s26+$0x0] =	vst.idx.add.f32.msk $0xffff, v40;
	v31 =	vadd.f32 v13, v41  }
0x627: {  	v17 =	vmul.f32 v17, v30;
	v30 =	vunpack.i.l.bf16.f32 v18;
	v16 =	vld [tilespmem:s17+$0x4280]  }
0x628: {  	v19 =	vmul.f32 v19, v30;
	v30 =	vld [tilespmem:s17+$0x6290];
	v14 =	vadd.f32 v14, v31  }
0x629: {  	v48 =	vld [tilespmem:s17+$0x42A0]  }
0x62a: {  	v18 =	vunpack.i.u.bf16.f32 v18;
	v14 =	vadd.f32 v17, v14;
	v17 =	vld [tilespmem:$0x1FF20]  }
0x62b: {  	v18 =	vmul.f32 v20, v18;
	v20 =	vunpack.i.l.bf16.f32 v21;
	v46 =	vld [tilespmem:s21+$0x6690]  }
0x62c: {  	v20 =	vmul.f32 v22, v20;
	v22 =	vld [tilespmem:$0x1FF30]  }
0x62d: {  	v31 =	vld [tilespmem:s17+$0x4290];
	v14 =	vadd.f32 v19, v14  }
0x62e: {  	v7 =	vshll.u32 v63, $0x8;
	v9 =	vshll.u32 v63, $0x7;
	v57 =	vld [tilespmem:s8+$0x46E0];
	v56 =	vunpack.i.l.bf16.f32 v42  }
0x62f: {  	v60 =	vld [tilespmem:s17+$0x42B0];
	v16 =	vmul.f32 v16, v56;
	v14 =	vadd.f32 v18, v14;
	v17 =	vor.u32 v17, v5  }
0x630: {  	v61 =	vld [tilespmem:s17+$0x62A0];
	v21 =	vunpack.i.u.bf16.f32 v21;
	v32 =	vunpack.i.u.bf16.f32 v42;
	v19 =	vunpack.i.l.bf16.f32 v46  }
0x631: {  	v63 =	vld [tilespmem:s17+$0x42C0];
	v16 =	vadd.f32 $0.0e+00, v16;
	v14 =	vadd.f32 v20, v14;
	v20 =	vmul.f32 v23, v21  }
0x632: {  	v22 =	vor.u32 v22, v5;
	v19 =	vmul.f32 v1, v19;
	v31 =	vmul.f32 v31, v32;
	v23 =	vld [tilespmem:s17+$0x42E0]  }
0x633: {  	v39 =	vunpack.i.l.bf16.f32 v30;
	v14 =	vadd.f32 v20, v14;
	v20 =	vld [tilespmem:s17+$0x62C0]  }
0x634: {  	v18 =	vunpack.i.u.bf16.f32 v46;
	v16 =	vadd.f32 v31, v16;
	[tilespmem:v17+s26+$0x0] =	vst.idx.add.f32.msk $0xffff, v19;
	v17 =	vmul.f32 v48, v39  }
0x635: {  	v18 =	vmul.f32 v1, v18;
	v31 =	vunpack.i.l.bf16.f32 v24;
	v19 =	vunpack.i.u.bf16.f32 v30;
	v30 =	vld [tilespmem:s17+$0x42D0]  }
0x636: {  	v21 =	vunpack.i.l.bf16.f32 v61;
	v19 =	vmul.f32 v60, v19;
	v16 =	vadd.f32 v17, v16;
	v17 =	vld [tilespmem:s17+$0x62B0]  }
0x637: {  	[tilespmem:v22+s26+$0x0] =	vst.idx.add.f32.msk $0xffff, v18;
	v18 =	vmul.f32 v63, v21;
	v21 =	vmul.f32 v25, v31  }
0x638: {  	v22 =	vld [tilespmem:s17+$0x42F0];
	v16 =	vadd.f32 v19, v16;
	v19 =	vunpack.i.u.bf16.f32 v24  }
0x639: {  	v25 =	vld [tilespmem:s17+$0x4680];
	v14 =	vadd.f32 v21, v14;
	v24 =	vunpack.i.u.bf16.f32 v61;
	v19 =	vmul.f32 v26, v19  }
0x63a: {  	v21 =	vld [tilespmem:s21+$0x66A0];
	v16 =	vadd.f32 v18, v16;
	v18 =	vmul.f32 v30, v24;
	v24 =	vunpack.i.l.bf16.f32 v27  }
0x63b: {  	v26 =	vunpack.i.l.bf16.f32 v17;
	v24 =	vmul.f32 v28, v24;
	v17 =	vunpack.i.u.bf16.f32 v17;
	v28 =	vld [tilespmem:s17+$0x46B0]  }
0x63c: {  	v14 =	vadd.f32 v19, v14;
	v16 =	vadd.f32 v18, v16;
	v18 =	vmul.f32 v23, v26;
	v26 =	vld [tilespmem:s17+$0x4690]  }
0x63d: {  	v23 =	vunpack.i.u.bf16.f32 v27;
	v17 =	vmul.f32 v22, v17;
	v22 =	vld [tilespmem:$0x1FF40]  }
0x63e: {  	v33 =	vor.u32 v50, v4;
	v27 =	vld [tilespmem:s17+$0x46A0];
	v19 =	vmul.f32 v29, v23;
	v14 =	vadd.f32 v24, v14  }
0x63f: {  	v44 =	vunpack.i.l.bf16.f32 v15;
	v13 =	vor.u32 v59, v4;
	v16 =	vadd.f32 v18, v16;
	v18 =	vld [tilespmem:s17+$0x62D0]  }
0x640: {  	v15 =	vunpack.i.u.bf16.f32 v15;
	v34 =	vmul.f32 v44, v3;
	v14 =	vadd.f32 v19, v14;
	v19 =	vld [tilespmem:$0x1FF50]  }
0x641: {  	v15 =	vmul.f32 v15, v3;
	v23 =	vunpack.i.l.bf16.f32 v20;
	v24 =	vld [tilespmem:s8+$0x46F0];
	v20 =	vunpack.i.u.bf16.f32 v20  }
0x642: {  	v29 =	vld [tilespmem:s17+$0x62E0];
	v23 =	vmul.f32 v25, v23;
	v25 =	vunpack.i.l.bf16.f32 v21;
	v16 =	vadd.f32 v17, v16  }
0x643: {  	v25 =	vmul.f32 v25, v1;
	[tilespmem:v33+s26+$0x0] =	vst.idx.add.f32.msk $0xffff, v34;
	v17 =	vunpack.i.u.bf16.f32 v11;
	v22 =	vor.u32 v22, v5  }
0x644: {  	v11 =	vunpack.i.l.bf16.f32 v11;
	[tilespmem:v13+s26+$0x0] =	vst.idx.add.f32.msk $0xffff, v15;
	v20 =	vmul.f32 v26, v20;
	v16 =	vadd.f32 v23, v16  }
0x645: {  	v11 =	vmul.f32 v12, v11;
	v23 =	vld [tilespmem:s17+$0x46C0];
	v26 =	vunpack.i.l.bf16.f32 v18;
	v19 =	vor.u32 v19, v5  }
0x646: {  	v12 =	vunpack.i.u.bf16.f32 v21;
	v21 =	vld [tilespmem:s17+$0x46D0];
	v16 =	vadd.f32 v20, v16;
	v20 =	vmul.f32 v27, v26  }
0x647: {  	v10 =	vmul.f32 v10, v17;
	v17 =	vld [tilespmem:s17+$0x46E0];
	v12 =	vmul.f32 v12, v1;
	v18 =	vunpack.i.u.bf16.f32 v18  }
0x648: {  	v18 =	vmul.f32 v28, v18;
	[tilespmem:v22+s26+$0x0] =	vst.idx.add.f32.msk $0xffff, v25;
	v16 =	vadd.f32 v20, v16  }
0x649: {  	v7 =	vand.u32 $0x1F800, v7;
	v11 =	vadd.f32 v11, v14;
	v14 =	vunpack.i.l.bf16.f32 v29;
	v20 =	vld [tilespmem:s17+$0x62F0]  }
0x64a: {  	v22 =	vunpack.i.l.bf16.f32 v8;
	v14 =	vmul.f32 v23, v14;
	[tilespmem:v19+s26+$0x0] =	vst.idx.add.f32.msk $0xffff, v12;
	v12 =	vadd.f32 v18, v16  }
0x64b: {  	v10 =	vadd.f32 v10, v11;
	v11 =	vunpack.i.u.bf16.f32 v29;
	v16 =	vmul.f32 v57, v22;
	v18 =	vld [tilespmem:s17+$0x46F0]  }
0x64c: {  	v8 =	vunpack.i.u.bf16.f32 v8;
	v11 =	vmul.f32 v21, v11;
	v19 =	vld [tilespmem:s21+$0x66B0];
	v12 =	vadd.f32 v14, v12  }
0x64d: {  	v9 =	vand.u32 $0x380, v9;
	v13 =	vld [tilespmem:s9+$0x66F0];
	v8 =	vmul.f32 v24, v8;
	v10 =	vadd.f32 v16, v10  }
0x64e: {  	v31 =	vor.u32 v9, v7;
	v14 =	vunpack.i.l.bf16.f32 v20;
	v11 =	vadd.f32 v11, v12  }
0x64f: {  	v12 =	vmul.f32 v17, v14;
	v8 =	vadd.f32 v8, v10;
	v10 =	vor.u32 v45, v5  }
0x650: {  	v7 =	vor.u32 v53, v4;
	v15 =	vor.u32 v43, v5;
	v14 =	vunpack.i.u.bf16.f32 v20  }
0x651: {  	v11 =	vadd.f32 v12, v11;
	v12 =	vmul.f32 v18, v14;
	v9 =	vunpack.i.l.bf16.f32 v19;
	v14 =	vld [tilespmem:$0x1FF10]  }
0x652: {  	v16 =	vunpack.i.l.bf16.f32 v13;
	(xrf2) =	vadd.scan.msk.f32 $0xffff, v8;
	v8 =	vunpack.i.u.bf16.f32 v19;
	v9 =	vmul.f32 v9, v1  }
0x653: {  	v8 =	vmul.f32 v8, v1;
	v11 =	vadd.f32 v12, v11;
	v12 =	vor.u32 v52, v31  }
0x654: {  	v4 =	vor.u32 v47, v4;
	[tilespmem:v10+s26+$0x0] =	vst.idx.add.f32.msk $0xffff, v9;
	v10 =	vmul.f32 v16, v3  }
0x655: {  	v9 =	vunpack.i.l.bf16.f32 v6;
	[tilespmem:v15+s26+$0x0] =	vst.idx.add.f32.msk $0xffff, v8  }
0x656: {  	v8 =	vmul.f32 v62, v9;
	v14 =	vor.u32 v14, v31;
	[tilespmem:v7+s26+$0x0] =	vst.idx.add.f32.msk $0xffff, v10;
	v7 =	vunpack.i.u.bf16.f32 v13  }
0x657: {  	v9 =	vld [tilespmem:s21+$0x66C0];
	v7 =	vmul.f32 v7, v3  }
0x658: {  	v6 =	vunpack.i.u.bf16.f32 v6;
	[tilespmem:v12+s26+$0x0] =	vst.idx.add.f32.msk $0xffff, v8  }
0x659: {  	(xrf2) =	vadd.scan.msk.f32 $0xffff, v11;
	v6 =	vmul.f32 v62, v6;
	[tilespmem:v4+s26+$0x0] =	vst.idx.add.f32.msk $0xffff, v7  }
0x65a: {  	[tilespmem:v2+s28+$0x0] =	vst.idx.add.f32.msk $0x1, v3  }
0x65b: {  	s20 =	sadd.s32 $0x13, s22;
	[tilespmem:v14+s26+$0x0] =	vst.idx.add.f32.msk $0xffff, v6  }
0x65c: {  	v10 =	vmov s20;
	v2, _, _ =	vpop (xrf2);
	v3 =	vunpack.i.u.bf16.f32 v9;
	v7 =	vld [tilespmem:$0x1FF20]  }
0x65d: {  	v6 =	vor.u32 v55, v5;
	(v2sf) =	vpush v2, $0xF;
	v2 =	vmul.f32 v3, v1;
	v3 =	vld [tilespmem:$0x1FF30]  }
0x65e: {  	v11 =	vor.u32 v58, v5;
	v8 =	vld [tilespmem:s3+$0x6690]  }
0x65f: {  	s22 =	simm.s32 $0x280;
	v4 =	vunpack.i.l.bf16.f32 v9  }
0x660: {  	s9 =	sand.u32 $0x380, s22;
	v4 =	vmul.f32 v4, v1  }
0x661: {  	s9 =	sor.u32 s18, s9;
	s18 =	sadd.s32 $0x2, s1;
	v9 =	vld.idx.msk [tilespmem:v10+s25+$0x0], $0xffff;
	v7 =	vor.u32 v7, v31  }
0x662: {  	s23 =	sadd.s32 $0x12, s18;
	[tilespmem:v6+s26+$0x0] =	vst.idx.add.f32.msk $0xffff, v4;
	v10 =	vor.u32 v3, v31  }
0x663: {  	v3, _, _ =	vpop (xrf2);
	v4 =	vunpack.i.l.bf16.f32 v8;
	[tilespmem:v11+s26+$0x0] =	vst.idx.add.f32.msk $0xffff, v2;
	v2 =	vunpack.i.u.bf16.f32 v8;
	v11 =	vmov s23  }
0x664: {  	(v2sf) =	vpush v3, $0xF;
	v4 =	vmul.f32 v62, v4;
	v6 =	vld [tilespmem:s21+$0x66D0];
	v11 =	vand.u32 $0xFFFFFFFE, v11  }
0x665: {  	v28 =	vld [tilespmem:s9+$0x46A0];
	v2 =	vmul.f32 v62, v2;
	v11 =	vbroadcast v11, $0x0  }
0x666: {  	[tilespmem:v7+s26+$0x0] =	vst.idx.add.f32.msk $0xffff, v4  }
0x667: {  	[tilespmem:v10+s26+$0x0] =	vst.idx.add.f32.msk $0xffff, v2;
	v2 =	vor.u32 v49, v5  }
0x668: {  	v29 =	vld [tilespmem:s9+$0x46B0];
	v7 =	vor.u32 v54, v5  }
0x669: {  	v24 =	vld [tilespmem:s9+$0x42E0];
	v10 =	vunpack.i.l.bf16.f32 v6  }
0x66a: {  	v22 =	vld [tilespmem:s9+$0x62B0];
	v6 =	vunpack.i.u.bf16.f32 v6;
	v10 =	vmul.f32 v10, v1  }
0x66b: {  	v6 =	vmul.f32 v6, v1;
	v11 =	vld.idx.msk [tilespmem:v11+s25+$0x0], $0xffff  }
0x66c: {  	[tilespmem:v2+s26+$0x0] =	vst.idx.add.f32.msk $0xffff, v10  }
0x66d: {  	[tilespmem:v7+s26+$0x0] =	vst.idx.add.f32.msk $0xffff, v6  }
0x66e: {  	v2 =	vld [tilespmem:s21+$0x66E0]  }
0x66f: {  	v20 =	vld [tilespmem:s9+$0x42D0];
	s24 =	spop (v2sf)  }
0x670: {  	v18 =	vld [tilespmem:s9+$0x42C0];
	v19 =	vor.u32 v59, v5;
	s19 =	smul.f32 $6.250000000e-02, s24;
	v7 =	vshra.s32 v9, $0x1F  }
0x671: {  	v15 =	vor.u32 v50, v5;
	v13 =	vld [tilespmem:s9+$0x6290];
	v16 =	vand.u32 $0x3FFF, v9;
	v7 =	vshrl.u32 v7, $0x12  }
0x672: {  	v12 =	vld [tilespmem:s9+$0x4290];
	v17 =	vmov s19;
	v25 =	vshra.s32 v11, $0x1F;
	v26 =	vand.u32 $0x3FFF, v11  }
0x673: {  	v14 =	vld [tilespmem:s9+$0x62A0];
	vm1 =	vlt.s32 v11, $0x1;
	v17 =	vmul.f32 $1.442695020e+00, v17;
	s20 =	spop (v2sf);
	v21 =	vunpack.i.l.bf16.f32 v2  }
0x674: {  	v8 =	vld [tilespmem:s9+$0x4280];
	vm2 =	vne.s32 v26, $0x0;
	s20 =	smul.f32 $6.250000000e-02, s20;
	v2 =	vunpack.i.u.bf16.f32 v2;
	v21 =	vmul.f32 v21, v1  }
0x675: {  	v3 =	vld [tilespmem:s8+$0x6680];
	v7 =	vadd.s32 v7, v9;
	vm1 =	vmand vm1, vm2;
	v2 =	vmul.f32 v2, v1  }
0x676: {  	v17 =	vbroadcast v17, $0x0;
	v23 =	vmov s20;
	[tilespmem:v15+s26+$0x0] =	vst.idx.add.f32.msk $0xffff, v21;
	v15 =	vshrl.u32 v25, $0x12  }
0x677: {  	vm2 =	vne.s32 v16, $0x0;
	v23 =	vmul.f32 $1.442695020e+00, v23;
	[tilespmem:v19+s26+$0x0] =	vst.idx.add.f32.msk $0xffff, v2;
	v2 =	vadd.s32 v15, v11  }
0x678: {  	(erf) = vpow2.f32 v17;
	v17 =	vimm.s32 $0x0;
	v11 =	vld [tilespmem:s21+$0x66F0];
	v2 =	vshra.s32 v2, $0xE  }
0x679: {  	v4 =	vld [tilespmem:s9+$0x6280];
	v17 =	vsel vm1, $0xFFFFFFFF, v17;
	v15 =	vbroadcast v23, $0x0;
	v2 =	vadd.s32 v51, v2  }
0x67a: {  	v10 =	vld [tilespmem:s9+$0x42B0];
	vm1 =	vlt.s32 v9, $0x1;
	v9 =	vor.u32 v53, v5;
	v2 =	vadd.s32 v17, v2  }
0x67b: {  	v6 =	vld [tilespmem:s9+$0x42A0];
	vm1 =	vmand vm1, vm2;
	(erf) = vpow2.f32 v15;
	vm2 =	vgt.s32 v2, $0x0  }
0x67c: {  	v16 =	vld [tilespmem:s9+$0x42F0];
	v2 =	vnsel vm2, $0x0, v2  }
0x67d: {  	v7 =	vshra.s32 v7, $0xE;
	v25 =	vld [tilespmem:s17+$0x6680];
	v61 =	vmin.u32 v2, $0x140;
	v2 =	vunpack.i.l.bf16.f32 v11  }
0x67e: {  	v7 =	vadd.s32 v51, v7;
	v19 =	vld [tilespmem:s9+$0x62C0];
	v2 =	vmul.f32 v2, v1  }
0x67f: {  	v21 =	vimm.s32 $0x0;
	v23 =	vld [tilespmem:s9+$0x62D0];
	v26 =	vshll.u32 v61, $0x8;
	v27 =	vshll.u32 v61, $0x7  }
0x680: {  	v21 =	vsel vm1, $0xFFFFFFFF, v21;
	v26 =	vand.u32 $0x1F800, v26;
	v27 =	vand.u32 $0x380, v27;
	[tilespmem:v9+s26+$0x0] =	vst.idx.add.f32.msk $0xffff, v2  }
0x681: {  	v42 =	vmovc v47;
	v7 =	vadd.s32 v21, v7;
	v21 =	vunpack.i.l.bf16.f32 v4;
	v47 =	vor.u32 v27, v26;
	v9 =	vld [tilespmem:$0x1FF10]  }
0x682: {  	v4 =	vunpack.i.u.bf16.f32 v4;
	v15 =	vld [tilespmem:s9+$0x4680];
	v8 =	vmul.f32 v8, v21;
	v21 =	vor.u32 v52, v47  }
0x683: {  	v36 =	vmov v53;
	v40 =	vunpack.i.l.bf16.f32 v13;
	v12 =	vmul.f32 v12, v4;
	v4 =	vld [tilespmem:s9+$0x46D0];
	v53 =	vpop (erf)  }
0x684: {  	v13 =	vunpack.i.u.bf16.f32 v13;
	vm1 =	vgt.s32 v7, $0x0;
	v17 =	vld [tilespmem:s9+$0x4690];
	v30 =	vunpack.i.l.bf16.f32 v25;
	v63 =	vpop (erf)  }
0x685: {  	v8 =	vadd.f32 $0.0e+00, v8;
	v2 =	vnsel vm1, $0x0, v7;
	v7 =	vld [tilespmem:s9+$0x62E0];
	v30 =	vmul.f32 v63, v30  }
0x686: {  	s22 =	simm.s32 $0x600;
	v6 =	vmul.f32 v6, v40;
	s21 =	simm.s32 $0x300;
	v39 =	vmin.u32 v2, $0x140;
	v2 =	vld [tilespmem:s9+$0x62F0];
	v27 =	vor.u32 v9, v47  }
0x687: {  	s19 =	sand.u32 $0x800, s22;
	s20 =	sand.u32 $0x300, s21;
	v8 =	vadd.f32 v12, v8;
	v41 =	vshll.u32 v39, $0x8;
	v12 =	vshll.u32 v39, $0x7;
	[tilespmem:v21+s26+$0x0] =	vst.idx.add.f32.msk $0xffff, v30  }
0x688: {  	s24 =	sor.u32 s20, s19;
	v25 =	vunpack.i.u.bf16.f32 v25;
	v12 =	vand.u32 $0x380, v12;
	v9 =	vld [tilespmem:s9+$0x46C0];
	v21 =	vand.u32 $0x1F800, v41;
	[tilespmem:$0x1FA90] =	vst v39  }
0x689: {  	v6 =	vadd.f32 v6, v8;
	v25 =	vmul.f32 v63, v25;
	v8 =	vor.u32 v12, v21;
	v12 =	vld [tilespmem:s24+$0x4280]  }
0x68a: {  	v13 =	vmul.f32 v10, v13;
	v30 =	vld [tilespmem:s24+$0x4290]  }
0x68b: {  	v26 =	vunpack.i.u.bf16.f32 v3;
	[tilespmem:v27+s26+$0x0] =	vst.idx.add.f32.msk $0xffff, v25;
	v27 =	vunpack.i.l.bf16.f32 v3;
	v3 =	vunpack.i.l.bf16.f32 v14  }
0x68c: {  	v13 =	vadd.f32 v13, v6;
	v44 =	vld [tilespmem:s24+$0x42A0];
	v18 =	vmul.f32 v18, v3  }
0x68d: {  	v25 =	vld [tilespmem:s24+$0x6280];
	v14 =	vunpack.i.u.bf16.f32 v14  }
0x68e: {  	v6 =	vmul.f32 v53, v26;
	v14 =	vmul.f32 v20, v14;
	v26 =	vld [tilespmem:$0x1FF20];
	v13 =	vadd.f32 v18, v13  }
0x68f: {  	v48 =	vld [tilespmem:s24+$0x42B0];
	v20 =	vunpack.i.l.bf16.f32 v22  }
0x690: {  	v21 =	vld [tilespmem:s17+$0x6690];
	v20 =	vmul.f32 v24, v20;
	v13 =	vadd.f32 v14, v13  }
0x691: {  	v60 =	vunpack.i.l.bf16.f32 v19;
	v19 =	vunpack.i.u.bf16.f32 v19;
	v18 =	vld [tilespmem:s24+$0x6290]  }
0x692: {  	v17 =	vmul.f32 v17, v19;
	v13 =	vadd.f32 v20, v13;
	v20 =	vld [tilespmem:$0x1FF30]  }
0x693: {  	v19 =	vunpack.i.l.bf16.f32 v23;
	v57 =	vld [tilespmem:s24+$0x42C0];
	v46 =	vunpack.i.l.bf16.f32 v25;
	v26 =	vor.u32 v26, v47  }
0x694: {  	v19 =	vmul.f32 v28, v19;
	v28 =	vld [tilespmem:s24+$0x62E0];
	v12 =	vmul.f32 v12, v46  }
0x695: {  	v3 =	vld [tilespmem:$0x1FF10];
	v25 =	vunpack.i.u.bf16.f32 v25;
	v24 =	vunpack.i.l.bf16.f32 v21  }
0x696: {  	v25 =	vmul.f32 v30, v25;
	v30 =	vld [tilespmem:s24+$0x62A0];
	v24 =	vmul.f32 v63, v24;
	v12 =	vadd.f32 $0.0e+00, v12  }
0x697: {  	v14 =	vld [tilespmem:s9+$0x46E0];
	v56 =	vunpack.i.l.bf16.f32 v18;
	v20 =	vor.u32 v20, v47  }
0x698: {  	v22 =	vunpack.i.u.bf16.f32 v22;
	v12 =	vadd.f32 v25, v12;
	[tilespmem:v26+s26+$0x0] =	vst.idx.add.f32.msk $0xffff, v24;
	v24 =	vmul.f32 v44, v56  }
0x699: {  	v16 =	vmul.f32 v16, v22;
	v21 =	vunpack.i.u.bf16.f32 v21;
	v18 =	vunpack.i.u.bf16.f32 v18;
	v25 =	vld [tilespmem:s24+$0x42D0]  }
0x69a: {  	v21 =	vmul.f32 v63, v21;
	v18 =	vmul.f32 v48, v18;
	v12 =	vadd.f32 v24, v12;
	v24 =	vld [tilespmem:s24+$0x62B0]  }
0x69b: {  	v15 =	vmul.f32 v15, v60;
	v13 =	vadd.f32 v16, v13;
	v22 =	vunpack.i.l.bf16.f32 v30;
	v26 =	vld [tilespmem:s24+$0x42E0]  }
0x69c: {  	v12 =	vadd.f32 v18, v12;
	v18 =	vmul.f32 v57, v22;
	[tilespmem:v20+s26+$0x0] =	vst.idx.add.f32.msk $0xffff, v21  }
0x69d: {  	v13 =	vadd.f32 v15, v13;
	v20 =	vld [tilespmem:s24+$0x42F0];
	v21 =	vunpack.i.u.bf16.f32 v30  }
0x69e: {  	v16 =	vld [tilespmem:s24+$0x62C0];
	v12 =	vadd.f32 v18, v12;
	v18 =	vmul.f32 v25, v21  }
0x69f: {  	v13 =	vadd.f32 v17, v13;
	v21 =	vld [tilespmem:s24+$0x4680];
	v22 =	vunpack.i.l.bf16.f32 v24  }
0x6a0: {  	v5 =	vor.u32 v42, v5;
	v15 =	vld [tilespmem:s17+$0x66A0];
	v12 =	vadd.f32 v18, v12;
	v18 =	vmul.f32 v26, v22  }
0x6a1: {  	v13 =	vadd.f32 v19, v13;
	v22 =	vunpack.i.u.bf16.f32 v23;
	v23 =	vunpack.i.u.bf16.f32 v24;
	v24 =	vld [tilespmem:s24+$0x4690]  }
0x6a2: {  	v12 =	vadd.f32 v18, v12;
	v17 =	vmul.f32 v20, v23;
	v18 =	vld [tilespmem:s24+$0x62D0];
	v20 =	vmul.f32 v29, v22  }
0x6a3: {  	v11 =	vunpack.i.u.bf16.f32 v11;
	v22 =	vld [tilespmem:$0x1FF40]  }
0x6a4: {  	v11 =	vmul.f32 v11, v1;
	v13 =	vadd.f32 v20, v13;
	v20 =	vld [tilespmem:$0x1FF50]  }
0x6a5: {  	v10 =	vor.u32 v52, v8;
	v27 =	vmul.f32 v53, v27;
	v25 =	vld [tilespmem:s24+$0x46A0];
	v23 =	vunpack.i.l.bf16.f32 v16  }
0x6a6: {  	v26 =	vld [tilespmem:s24+$0x46B0];
	v16 =	vunpack.i.u.bf16.f32 v16;
	v21 =	vmul.f32 v21, v23;
	v12 =	vadd.f32 v17, v12  }
0x6a7: {  	v23 =	vunpack.i.l.bf16.f32 v15;
	v17 =	vunpack.i.u.bf16.f32 v7;
	v7 =	vunpack.i.l.bf16.f32 v7;
	[tilespmem:v5+s26+$0x0] =	vst.idx.add.f32.msk $0xffff, v11  }
0x6a8: {  	v19 =	vld [tilespmem:s9+$0x46F0];
	v16 =	vmul.f32 v24, v16;
	v12 =	vadd.f32 v21, v12;
	v22 =	vor.u32 v22, v47  }
0x6a9: {  	v7 =	vmul.f32 v9, v7;
	v21 =	vld [tilespmem:s24+$0x46C0];
	v24 =	vunpack.i.l.bf16.f32 v18;
	v20 =	vor.u32 v20, v47  }
0x6aa: {  	v9 =	vunpack.i.u.bf16.f32 v15;
	v15 =	vld [tilespmem:s24+$0x46D0];
	v12 =	vadd.f32 v16, v12;
	v16 =	vmul.f32 v25, v24  }
0x6ab: {  	v23 =	vmul.f32 v23, v63;
	v4 =	vmul.f32 v4, v17;
	v17 =	vld [tilespmem:s24+$0x46E0];
	v18 =	vunpack.i.u.bf16.f32 v18  }
0x6ac: {  	v9 =	vmul.f32 v9, v63;
	v12 =	vadd.f32 v16, v12;
	v16 =	vmul.f32 v26, v18;
	v18 =	vld [tilespmem:s24+$0x62F0]  }
0x6ad: {  	v3 =	vor.u32 v3, v8;
	v7 =	vadd.f32 v7, v13;
	v13 =	vunpack.i.l.bf16.f32 v28;
	[tilespmem:v22+s26+$0x0] =	vst.idx.add.f32.msk $0xffff, v23  }
0x6ae: {  	v22 =	vunpack.i.l.bf16.f32 v2;
	[tilespmem:v20+s26+$0x0] =	vst.idx.add.f32.msk $0xffff, v9;
	v9 =	vadd.f32 v16, v12;
	v12 =	vmul.f32 v21, v13  }
0x6af: {  	v4 =	vadd.f32 v4, v7;
	v7 =	vunpack.i.u.bf16.f32 v28;
	v13 =	vmul.f32 v14, v22;
	v14 =	vld [tilespmem:s24+$0x46F0]  }
0x6b0: {  	v7 =	vmul.f32 v15, v7;
	v2 =	vunpack.i.u.bf16.f32 v2;
	v16 =	vld [tilespmem:s17+$0x66B0];
	v9 =	vadd.f32 v12, v9  }
0x6b1: {  	[tilespmem:v10+s26+$0x0] =	vst.idx.add.f32.msk $0xffff, v27;
	v2 =	vmul.f32 v19, v2;
	v5 =	vunpack.i.l.bf16.f32 v18;
	v4 =	vadd.f32 v13, v4  }
0x6b2: {  	[tilespmem:v0+s28+$0x0] =	vst.idx.add.f32.msk $0x1, v1;
	v1 =	vmul.f32 v17, v5;
	v0 =	vadd.f32 v7, v9  }
0x6b3: {  	[tilespmem:v3+s26+$0x0] =	vst.idx.add.f32.msk $0xffff, v6;
	v5 =	vunpack.i.u.bf16.f32 v18;
	v2 =	vadd.f32 v2, v4;
	v4 =	vor.u32 v45, v47  }
0x6b4: {  	v9 =	vor.u32 v43, v47;
	v0 =	vadd.f32 v1, v0;
	v1 =	vmul.f32 v14, v5  }
0x6b5: {  	v7 =	vld [tilespmem:s3+$0x66A0];
	v3 =	vunpack.i.l.bf16.f32 v16  }
0x6b6: {  	(xrf2) =	vadd.scan.msk.f32 $0xffff, v2;
	v2 =	vunpack.i.u.bf16.f32 v16;
	v3 =	vmul.f32 v3, v63;
	v0 =	vadd.f32 v1, v0;
	v1 =	vld [tilespmem:$0x1FF40]  }
0x6b7: {  	v10 =	vld [tilespmem:$0x1FF50];
	v2 =	vmul.f32 v2, v63  }
0x6b8: {  	[tilespmem:v4+s26+$0x0] =	vst.idx.add.f32.msk $0xffff, v3  }
0x6b9: {  	[tilespmem:v9+s26+$0x0] =	vst.idx.add.f32.msk $0xffff, v2  }
0x6ba: {  	v4 =	vld [tilespmem:$0x1FF20]  }
0x6bb: {  	(xrf2) =	vadd.scan.msk.f32 $0xffff, v0;
	v0 =	vunpack.i.l.bf16.f32 v7;
	v2 =	vunpack.i.u.bf16.f32 v7;
	v7 =	vld [tilespmem:$0x1FF30];
	v1 =	vor.u32 v1, v31  }
0x6bc: {  	v6 =	vld [tilespmem:s8+$0x6690];
	v10 =	vor.u32 v10, v31;
	_ =	sdelay $0x1  }
0x6bd: {  	v0 =	vmul.f32 v0, v62;
	v3 =	vld [tilespmem:s17+$0x66C0]  }
0x6be: {  	v2 =	vmul.f32 v2, v62;
	v4 =	vor.u32 v4, v8  }
0x6bf: {  	v7 =	vor.u32 v7, v8;
	[tilespmem:v1+s26+$0x0] =	vst.idx.add.f32.msk $0xffff, v0  }
0x6c0: {  	v0 =	vunpack.i.l.bf16.f32 v6;
	[tilespmem:v10+s26+$0x0] =	vst.idx.add.f32.msk $0xffff, v2;
	v2 =	vor.u32 v55, v47  }
0x6c1: {  	v6 =	vunpack.i.u.bf16.f32 v6;
	v0 =	vmul.f32 v53, v0;
	v10 =	vor.u32 v58, v47;
	v9 =	vld [tilespmem:s3+$0x66B0]  }
0x6c2: {  	v11 =	vunpack.i.l.bf16.f32 v3;
	v12, _, _ =	vpop (xrf2);
	v6 =	vmul.f32 v53, v6  }
0x6c3: {  	(v2sf) =	vpush v12, $0xF;
	[tilespmem:v4+s26+$0x0] =	vst.idx.add.f32.msk $0xffff, v0;
	v0 =	vunpack.i.u.bf16.f32 v3;
	v3 =	vmul.f32 v11, v63  }
0x6c4: {  	v4 =	vor.u32 v45, v31;
	[tilespmem:v7+s26+$0x0] =	vst.idx.add.f32.msk $0xffff, v6;
	v0 =	vmul.f32 v0, v63  }
0x6c5: {  	s18 =	sadd.s32 $0x13, s18;
	s23 =	simm.s32 $0x380;
	v6 =	vor.u32 v43, v31;
	[tilespmem:v2+s26+$0x0] =	vst.idx.add.f32.msk $0xffff, v3  }
0x6c6: {  	v5 =	vmov s18;
	s18 =	sand.u32 $0x380, s23;
	v2, _, _ =	vpop (xrf2);
	v3 =	vunpack.i.l.bf16.f32 v9;
	[tilespmem:v10+s26+$0x0] =	vst.idx.add.f32.msk $0xffff, v0  }
0x6c7: {  	s29 =	sor.u32 s19, s18;
	s18 =	sadd.s32 $0x4, s1;
	(v2sf) =	vpush v2, $0xF;
	v2 =	vunpack.i.u.bf16.f32 v9;
	v3 =	vmul.f32 v3, v62;
	v7 =	vld [tilespmem:s17+$0x66D0]  }
0x6c8: {  	s20 =	sadd.s32 $0x12, s18;
	v13 =	vld [tilespmem:s29+$0x42B0];
	v2 =	vmul.f32 v2, v62  }
0x6c9: {  	v10 =	vmov s20;
	[tilespmem:v4+s26+$0x0] =	vst.idx.add.f32.msk $0xffff, v3  }
0x6ca: {  	v10 =	vand.u32 $0xFFFFFFFE, v10;
	[tilespmem:v6+s26+$0x0] =	vst.idx.add.f32.msk $0xffff, v2;
	v2 =	vor.u32 v49, v47  }
0x6cb: {  	v14 =	vld [tilespmem:s29+$0x62A0];
	v10 =	vbroadcast v10, $0x0;
	v3 =	vor.u32 v54, v47  }
0x6cc: {  	v17 =	vld [tilespmem:s29+$0x42C0];
	v9 =	vunpack.i.l.bf16.f32 v7  }
0x6cd: {  	v19 =	vld [tilespmem:s29+$0x42D0];
	v7 =	vunpack.i.u.bf16.f32 v7;
	v9 =	vmul.f32 v9, v63  }
0x6ce: {  	v5 =	vld.idx.msk [tilespmem:v5+s25+$0x0], $0xffff;
	v7 =	vmul.f32 v7, v63  }
0x6cf: {  	[tilespmem:v2+s26+$0x0] =	vst.idx.add.f32.msk $0xffff, v9  }
0x6d0: {  	[tilespmem:v3+s26+$0x0] =	vst.idx.add.f32.msk $0xffff, v7  }
0x6d1: {  	v7 =	vld.idx.msk [tilespmem:v10+s25+$0x0], $0xffff  }
0x6d2: {  	s21 =	spop (v2sf);
	v2 =	vld [tilespmem:s17+$0x66E0]  }
0x6d3: {  	v21 =	vld [tilespmem:s29+$0x62B0];
	s19 =	smul.f32 $6.250000000e-02, s21;
	v3 =	vshra.s32 v5, $0x1F  }
0x6d4: {  	v23 =	vld [tilespmem:s29+$0x42E0];
	v3 =	vshrl.u32 v3, $0x12  }
0x6d5: {  	v15 =	vor.u32 v50, v47;
	v27 =	vld [tilespmem:s29+$0x62F0];
	v16 =	vadd.s32 v3, v5;
	v3 =	vmov s19  }
0x6d6: {  	v18 =	vor.u32 v59, v47;
	v30 =	vld [tilespmem:s29+$0x46E0];
	v10 =	vand.u32 $0x3FFF, v5;
	v3 =	vmul.f32 $1.442695020e+00, v3;
	s22 =	spop (v2sf)  }
0x6d7: {  	v12 =	vld [tilespmem:s29+$0x6290];
	v24 =	vshra.s32 v7, $0x1F;
	v25 =	vand.u32 $0x3FFF, v7;
	s23 =	smul.f32 $6.250000000e-02, s22;
	v20 =	vunpack.i.l.bf16.f32 v2  }
0x6d8: {  	v1 =	vld [tilespmem:s9+$0x6680];
	vm1 =	vlt.s32 v7, $0x1;
	v2 =	vunpack.i.u.bf16.f32 v2;
	v20 =	vmul.f32 v20, v63  }
0x6d9: {  	v11 =	vld [tilespmem:s29+$0x4290];
	vm2 =	vne.s32 v25, $0x0;
	v2 =	vmul.f32 v2, v63;
	v22 =	vmov s23  }
0x6da: {  	vm1 =	vmand vm1, vm2;
	v22 =	vmul.f32 $1.442695020e+00, v22;
	[tilespmem:v15+s26+$0x0] =	vst.idx.add.f32.msk $0xffff, v20;
	v15 =	vshrl.u32 v24, $0x12  }
0x6db: {  	vm2 =	vne.s32 v10, $0x0;
	v20 =	vbroadcast v3, $0x0;
	[tilespmem:v18+s26+$0x0] =	vst.idx.add.f32.msk $0xffff, v2;
	v2 =	vadd.s32 v15, v7  }
0x6dc: {  	v4 =	vld [tilespmem:s29+$0x6280];
	v15 =	vimm.s32 $0x0;
	v7 =	vbroadcast v22, $0x0;
	v2 =	vshra.s32 v2, $0xE  }
0x6dd: {  	v6 =	vld [tilespmem:s29+$0x4280];
	v15 =	vsel vm1, $0xFFFFFFFF, v15;
	vm1 =	vlt.s32 v5, $0x1;
	v2 =	vadd.s32 v51, v2  }
0x6de: {  	v0 =	vld [tilespmem:s8+$0x66A0];
	(erf) = vpow2.f32 v20;
	vm1 =	vmand vm1, vm2;
	v2 =	vadd.s32 v15, v2  }
0x6df: {  	v9 =	vld [tilespmem:s29+$0x42A0];
	(erf) = vpow2.f32 v7;
	v7 =	vshra.s32 v16, $0xE;
	v16 =	vimm.s32 $0x0  }
0x6e0: {  	v25 =	vld [tilespmem:s29+$0x62E0];
	vm2 =	vgt.s32 v2, $0x0;
	v7 =	vadd.s32 v51, v7;
	v16 =	vsel vm1, $0xFFFFFFFF, v16  }
0x6e1: {  	v10 =	vld [tilespmem:s29+$0x42F0];
	v2 =	vnsel vm2, $0x0, v2;
	v16 =	vadd.s32 v16, v7;
	v7 =	vunpack.i.l.bf16.f32 v4  }
0x6e2: {  	v24 =	vld [tilespmem:s29+$0x46A0];
	v4 =	vunpack.i.u.bf16.f32 v4;
	v56 =	vmin.u32 v2, $0x140;
	v2 =	vmul.f32 v6, v7  }
0x6e3: {  	v18 =	vld [tilespmem:s29+$0x4690];
	v4 =	vmul.f32 v11, v4;
	v7 =	vshll.u32 v56, $0x8;
	v22 =	vshll.u32 v56, $0x7  }
0x6e4: {  	v3 =	vld [tilespmem:s17+$0x66F0];
	v7 =	vand.u32 $0x1F800, v7;
	v22 =	vand.u32 $0x380, v22;
	v2 =	vadd.f32 $0.0e+00, v2  }
0x6e5: {  	v5 =	vld [tilespmem:s29+$0x62C0];
	v7 =	vor.u32 v22, v7;
	v22 =	vunpack.i.l.bf16.f32 v12  }
0x6e6: {  	v6 =	vld [tilespmem:s24+$0x6680];
	v2 =	vadd.f32 v4, v2;
	v4 =	vmul.f32 v9, v22  }
0x6e7: {  	v20 =	vld [tilespmem:s29+$0x62D0]  }
0x6e8: {  	v4 =	vadd.f32 v4, v2;
	v2 =	vld [tilespmem:$0x1FF10]  }
0x6e9: {  	v15 =	vld [tilespmem:s29+$0x4680];
	v26 =	vor.u32 v52, v7  }
0x6ea: {  	v37 =	vmov v43;
	v11 =	vld [tilespmem:s29+$0x46B0];
	vm1 =	vgt.s32 v16, $0x0;
	v12 =	vunpack.i.u.bf16.f32 v12;
	v43 =	vpop (erf)  }
0x6eb: {  	v22 =	vld [tilespmem:s29+$0x46C0];
	v9 =	vnsel vm1, $0x0, v16;
	v12 =	vmul.f32 v13, v12;
	v16 =	vunpack.i.l.bf16.f32 v6;
	v57 =	vpop (erf)  }
0x6ec: {  	s20 =	simm.s32 $0x400;
	s21 =	simm.s32 $0x800;
	v13 =	vld [tilespmem:s29+$0x46D0];
	v29 =	vmin.u32 v9, $0x140;
	v9 =	vunpack.i.l.bf16.f32 v14;
	v16 =	vmul.f32 v57, v16  }
0x6ed: {  	s19 =	sand.u32 $0x800, s21;
	s17 =	sand.u32 $0x300, s20;
	v9 =	vmul.f32 v17, v9;
	v4 =	vadd.f32 v12, v4;
	v28 =	vor.u32 v2, v7;
	v2 =	vld [tilespmem:$0x1FF40]  }
0x6ee: {  	s17 =	sor.u32 s17, s19;
	v6 =	vunpack.i.u.bf16.f32 v6;
	v14 =	vunpack.i.u.bf16.f32 v14;
	v17 =	vshll.u32 v29, $0x7;
	[tilespmem:v26+s26+$0x0] =	vst.idx.add.f32.msk $0xffff, v16  }
0x6ef: {  	v14 =	vmul.f32 v19, v14;
	v12 =	vshll.u32 v29, $0x8;
	v4 =	vadd.f32 v9, v4;
	v16 =	vld [tilespmem:s17+$0x6280];
	[tilespmem:$0x1FAA0] =	vst v29  }
0x6f0: {  	v6 =	vmul.f32 v57, v6;
	v9 =	vand.u32 $0x1F800, v12;
	v12 =	vand.u32 $0x380, v17;
	v19 =	vld [tilespmem:s17+$0x4280]  }
0x6f1: {  	v9 =	vor.u32 v12, v9;
	v12 =	vadd.f32 v14, v4;
	v14 =	vld [tilespmem:s17+$0x4290]  }
0x6f2: {  	v17 =	vunpack.i.l.bf16.f32 v21;
	[tilespmem:v28+s26+$0x0] =	vst.idx.add.f32.msk $0xffff, v6  }
0x6f3: {  	v6 =	vmul.f32 v23, v17;
	v17 =	vunpack.i.u.bf16.f32 v21;
	v23 =	vld [tilespmem:s17+$0x6290]  }
0x6f4: {  	v10 =	vmul.f32 v10, v17;
	v17 =	vunpack.i.l.bf16.f32 v5;
	v38 =	vld [tilespmem:s24+$0x6690];
	v5 =	vunpack.i.u.bf16.f32 v5  }
0x6f5: {  	v28 =	vunpack.i.l.bf16.f32 v16;
	v6 =	vadd.f32 v6, v12;
	v5 =	vmul.f32 v18, v5;
	v18 =	vld [tilespmem:$0x1FF20]  }
0x6f6: {  	v12 =	vld [tilespmem:s17+$0x42A0];
	v19 =	vmul.f32 v19, v28  }
0x6f7: {  	v16 =	vunpack.i.u.bf16.f32 v16;
	v15 =	vmul.f32 v15, v17;
	v17 =	vld [tilespmem:s17+$0x42B0];
	v6 =	vadd.f32 v10, v6  }
0x6f8: {  	v14 =	vmul.f32 v14, v16;
	v16 =	vld [tilespmem:s17+$0x62A0];
	v10 =	vadd.f32 $0.0e+00, v19  }
0x6f9: {  	v19 =	vunpack.i.l.bf16.f32 v23;
	v6 =	vadd.f32 v15, v6;
	v15 =	vunpack.i.u.bf16.f32 v23;
	v23 =	vld [tilespmem:$0x1FF30]  }
0x6fa: {  	v28 =	vld [tilespmem:s17+$0x42C0];
	v18 =	vor.u32 v18, v7  }
0x6fb: {  	v10 =	vadd.f32 v14, v10;
	v12 =	vmul.f32 v12, v19  }
0x6fc: {  	v39 =	vunpack.i.l.bf16.f32 v20;
	v14 =	vunpack.i.l.bf16.f32 v38;
	v19 =	vld [tilespmem:s17+$0x42D0]  }
0x6fd: {  	v14 =	vmul.f32 v57, v14;
	v15 =	vmul.f32 v17, v15;
	v10 =	vadd.f32 v12, v10;
	v12 =	vld [tilespmem:s17+$0x62B0]  }
0x6fe: {  	v41 =	vld [tilespmem:s17+$0x42E0];
	v17 =	vmul.f32 v24, v39;
	v24 =	vunpack.i.l.bf16.f32 v16;
	v23 =	vor.u32 v23, v7  }
0x6ff: {  	v20 =	vunpack.i.u.bf16.f32 v20;
	v10 =	vadd.f32 v15, v10;
	[tilespmem:v18+s26+$0x0] =	vst.idx.add.f32.msk $0xffff, v14;
	v14 =	vmul.f32 v28, v24  }
0x700: {  	v16 =	vunpack.i.u.bf16.f32 v16;
	v5 =	vadd.f32 v5, v6;
	v6 =	vunpack.i.u.bf16.f32 v38;
	v15 =	vld [tilespmem:s17+$0x42F0]  }
0x701: {  	v6 =	vmul.f32 v57, v6;
	v18 =	vld [tilespmem:s17+$0x62C0];
	v10 =	vadd.f32 v14, v10;
	v14 =	vmul.f32 v19, v16  }
0x702: {  	v11 =	vmul.f32 v11, v20;
	v5 =	vadd.f32 v17, v5;
	v16 =	vld [tilespmem:s17+$0x4680];
	v17 =	vunpack.i.l.bf16.f32 v12  }
0x703: {  	v19 =	vunpack.i.l.bf16.f32 v25;
	[tilespmem:v23+s26+$0x0] =	vst.idx.add.f32.msk $0xffff, v6;
	v6 =	vadd.f32 v14, v10;
	v10 =	vmul.f32 v41, v17  }
0x704: {  	v5 =	vadd.f32 v11, v5;
	v12 =	vunpack.i.u.bf16.f32 v12;
	v11 =	vmul.f32 v22, v19;
	v14 =	vld [tilespmem:s17+$0x4690]  }
0x705: {  	v17 =	vunpack.i.u.bf16.f32 v25;
	v6 =	vadd.f32 v10, v6;
	v10 =	vmul.f32 v15, v12  }
0x706: {  	v13 =	vmul.f32 v13, v17;
	v5 =	vadd.f32 v11, v5;
	v11 =	vunpack.i.l.bf16.f32 v18  }
0x707: {  	v17 =	vunpack.i.l.bf16.f32 v27;
	v19 =	vld [tilespmem:s24+$0x66A0];
	v11 =	vmul.f32 v16, v11;
	v6 =	vadd.f32 v10, v6  }
0x708: {  	v23 =	vld [tilespmem:$0x1FF50];
	v16 =	vmul.f32 v30, v17;
	v17 =	vunpack.i.u.bf16.f32 v18  }
0x709: {  	v6 =	vadd.f32 v11, v6;
	v11 =	vmul.f32 v14, v17;
	v14 =	vld [tilespmem:$0x1FF40]  }
0x70a: {  	v12 =	vld [tilespmem:s17+$0x62D0]  }
0x70b: {  	v15 =	vld [tilespmem:s17+$0x46A0];
	_ =	sdelay $0x2  }
0x70c: {  	v40 =	vld [tilespmem:s29+$0x46F0];
	v14 =	vor.u32 v14, v7  }
0x70d: {  	v18 =	vld [tilespmem:s17+$0x46B0];
	v5 =	vadd.f32 v13, v5;
	v23 =	vor.u32 v23, v7;
	v20 =	vunpack.i.l.bf16.f32 v12  }
0x70e: {  	v13 =	vld [tilespmem:s17+$0x62E0];
	v6 =	vadd.f32 v11, v6;
	v11 =	vmul.f32 v15, v20;
	v15 =	vunpack.i.l.bf16.f32 v19  }
0x70f: {  	v17 =	vld [tilespmem:s17+$0x46C0];
	v19 =	vunpack.i.u.bf16.f32 v19;
	v15 =	vmul.f32 v15, v57  }
0x710: {  	v5 =	vadd.f32 v16, v5;
	v20 =	vld [tilespmem:s17+$0x46D0];
	v16 =	vmul.f32 v19, v57  }
0x711: {  	[tilespmem:v14+s26+$0x0] =	vst.idx.add.f32.msk $0xffff, v15  }
0x712: {  	v12 =	vunpack.i.u.bf16.f32 v12;
	[tilespmem:v23+s26+$0x0] =	vst.idx.add.f32.msk $0xffff, v16  }
0x713: {  	v10 =	vunpack.i.u.bf16.f32 v27;
	v6 =	vadd.f32 v11, v6;
	v11 =	vmul.f32 v18, v12;
	v15 =	vld [tilespmem:$0x1FF10]  }
0x714: {  	v26 =	vunpack.i.l.bf16.f32 v3;
	v10 =	vmul.f32 v40, v10;
	v12 =	vld [tilespmem:s17+$0x62F0];
	v18 =	vunpack.i.l.bf16.f32 v13  }
0x715: {  	v21 =	vor.u32 v36, v47;
	v19 =	vld [tilespmem:s17+$0x46E0];
	v6 =	vadd.f32 v11, v6;
	v11 =	vmul.f32 v17, v18  }
0x716: {  	v4 =	vor.u32 v52, v9;
	v5 =	vadd.f32 v10, v5;
	v10 =	vunpack.i.u.bf16.f32 v13  }
0x717: {  	v13 =	vld [tilespmem:s17+$0x46F0];
	v10 =	vmul.f32 v20, v10;
	v6 =	vadd.f32 v11, v6;
	v11 =	vunpack.i.u.bf16.f32 v1  }
0x718: {  	v1 =	vunpack.i.l.bf16.f32 v1;
	v14 =	vmul.f32 v26, v63;
	v15 =	vor.u32 v15, v9  }
0x719: {  	v1 =	vmul.f32 v43, v1;
	v16 =	vunpack.i.l.bf16.f32 v12  }
0x71a: {  	v10 =	vadd.f32 v10, v6;
	[tilespmem:v21+s26+$0x0] =	vst.idx.add.f32.msk $0xffff, v14;
	v14 =	vmul.f32 v19, v16  }
0x71b: {  	(xrf2) =	vadd.scan.msk.f32 $0xffff, v5;
	v11 =	vmul.f32 v43, v11;
	v12 =	vunpack.i.u.bf16.f32 v12;
	v5 =	vld [tilespmem:s24+$0x66B0]  }
0x71c: {  	v12 =	vmul.f32 v13, v12;
	[tilespmem:v4+s26+$0x0] =	vst.idx.add.f32.msk $0xffff, v1;
	v10 =	vadd.f32 v14, v10  }
0x71d: {  	[tilespmem:v15+s26+$0x0] =	vst.idx.add.f32.msk $0xffff, v11  }
0x71e: {  	v10 =	vadd.f32 v12, v10;
	v12 =	vld [tilespmem:$0x1FF50]  }
0x71f: {  	v2 =	vor.u32 v2, v8  }
0x720: {  	s22 =	simm.s32 $0x480;
	v17 =	vor.u32 v45, v7  }
0x721: {  	s20 =	sand.u32 $0x380, s22;
	v13 =	vunpack.i.l.bf16.f32 v0;
	v1 =	vor.u32 v37, v7  }
0x722: {  	s30 =	sor.u32 s19, s20;
	v22 =	vld [tilespmem:s3+$0x66C0];
	v4 =	vmul.f32 v13, v53;
	v11 =	vunpack.i.l.bf16.f32 v5  }
0x723: {  	v20 =	vld [tilespmem:s30+$0x4280];
	v5 =	vunpack.i.u.bf16.f32 v5;
	v11 =	vmul.f32 v11, v57;
	v12 =	vor.u32 v12, v8  }
0x724: {  	[tilespmem:v2+s26+$0x0] =	vst.idx.add.f32.msk $0xffff, v4;
	v2 =	vmul.f32 v5, v57  }
0x725: {  	v0 =	vunpack.i.u.bf16.f32 v0;
	[tilespmem:v17+s26+$0x0] =	vst.idx.add.f32.msk $0xffff, v11  }
0x726: {  	v0 =	vmul.f32 v0, v53;
	[tilespmem:v1+s26+$0x0] =	vst.idx.add.f32.msk $0xffff, v2  }
0x727: {  	s18 =	sadd.s32 $0x13, s18;
	v2 =	vld [tilespmem:$0x1FF20]  }
0x728: {  	v24 =	vmov s18;
	[tilespmem:v12+s26+$0x0] =	vst.idx.add.f32.msk $0xffff, v0  }
0x729: {  	v4 =	vor.u32 v55, v31;
	v0 =	vld [tilespmem:$0x1FF30]  }
0x72a: {  	(xrf2) =	vadd.scan.msk.f32 $0xffff, v10;
	v13 =	vld [tilespmem:s9+$0x6690];
	v5 =	vor.u32 v58, v31  }
0x72b: {  	v6 =	vld [tilespmem:s29+$0x6680];
	v10 =	vunpack.i.l.bf16.f32 v22  }
0x72c: {  	v14 =	vunpack.i.u.bf16.f32 v22;
	v10 =	vmul.f32 v10, v62;
	v1, _, _ =	vpop (xrf2);
	v11 =	vld [tilespmem:s24+$0x66C0]  }
0x72d: {  	v16 =	vld.idx.msk [tilespmem:v24+s25+$0x0], $0xffff;
	(v2sf) =	vpush v1, $0xF;
	v1 =	vmul.f32 v14, v62;
	v2 =	vor.u32 v2, v9  }
0x72e: {  	[tilespmem:v4+s26+$0x0] =	vst.idx.add.f32.msk $0xffff, v10;
	v0 =	vor.u32 v0, v9  }
0x72f: {  	v4 =	vunpack.i.l.bf16.f32 v13;
	v10 =	vor.u32 v55, v7;
	[tilespmem:v5+s26+$0x0] =	vst.idx.add.f32.msk $0xffff, v1;
	v1 =	vunpack.i.u.bf16.f32 v13  }
0x730: {  	v12 =	vld [tilespmem:s8+$0x66B0];
	v4 =	vmul.f32 v43, v4;
	v5 =	vor.u32 v58, v7;
	v1 =	vmul.f32 v43, v1  }
0x731: {  	v15 =	vld [tilespmem:s30+$0x6280];
	v13 =	vunpack.i.l.bf16.f32 v11  }
0x732: {  	[tilespmem:v2+s26+$0x0] =	vst.idx.add.f32.msk $0xffff, v4;
	v2 =	vunpack.i.u.bf16.f32 v11;
	v4 =	vmul.f32 v13, v57  }
0x733: {  	v11 =	vor.u32 v45, v8;
	[tilespmem:v0+s26+$0x0] =	vst.idx.add.f32.msk $0xffff, v1;
	v0 =	vmul.f32 v2, v57  }
0x734: {  	[tilespmem:v10+s26+$0x0] =	vst.idx.add.f32.msk $0xffff, v4;
	v1, _, _ =	vpop (xrf2);
	v2 =	vor.u32 v37, v8  }
0x735: {  	(v2sf) =	vpush v1, $0xF;
	v1 =	vunpack.i.l.bf16.f32 v12;
	[tilespmem:v5+s26+$0x0] =	vst.idx.add.f32.msk $0xffff, v0  }
0x736: {  	s18 =	sadd.s32 $0x6, s1;
	v0 =	vunpack.i.u.bf16.f32 v12;
	v1 =	vmul.f32 v1, v53;
	v4 =	vld [tilespmem:s24+$0x66D0]  }
0x737: {  	s23 =	sadd.s32 $0x12, s18;
	v17 =	vld [tilespmem:s3+$0x66D0];
	v0 =	vmul.f32 v0, v53  }
0x738: {  	[tilespmem:v11+s26+$0x0] =	vst.idx.add.f32.msk $0xffff, v1;
	v1 =	vmov s23  }
0x739: {  	[tilespmem:v2+s26+$0x0] =	vst.idx.add.f32.msk $0xffff, v0;
	v0 =	vor.u32 v49, v7;
	v1 =	vand.u32 $0xFFFFFFFE, v1  }
0x73a: {  	v10 =	vld [tilespmem:s9+$0x66A0];
	v18 =	vbroadcast v1, $0x0;
	v1 =	vor.u32 v50, v31  }
0x73b: {  	v2 =	vor.u32 v54, v7;
	v11 =	vld [tilespmem:s8+$0x66C0];
	[tilespmem:$0x1FC10] =	vst v1;
	v1 =	vor.u32 v59, v31;
	v5 =	vunpack.i.l.bf16.f32 v4  }
0x73c: {  	v21 =	vld [tilespmem:s30+$0x4290];
	[tilespmem:$0x1FC20] =	vst v1;
	v1 =	vor.u32 v36, v31;
	v5 =	vmul.f32 v5, v57  }
0x73d: {  	s22 =	spop (v2sf);
	v12 =	vunpack.i.u.bf16.f32 v4;
	[tilespmem:$0x1FAB0] =	vst v1  }
0x73e: {  	s19 =	smul.f32 $6.250000000e-02, s22;
	v12 =	vmul.f32 v12, v57;
	[tilespmem:v0+s26+$0x0] =	vst.idx.add.f32.msk $0xffff, v5;
	v0 =	vor.u32 v42, v31  }
0x73f: {  	[tilespmem:$0x1FAC0] =	vst v0  }
0x740: {  	v46 =	vor.u32 v49, v31;
	v5 =	vmov s19;
	v0 =	vshra.s32 v16, $0x1F;
	[tilespmem:v2+s26+$0x0] =	vst.idx.add.f32.msk $0xffff, v12  }
0x741: {  	v60 =	vmovc v54;
	vm2 =	vlt.s32 v16, $0x1;
	v5 =	vmul.f32 $1.442695020e+00, v5;
	v0 =	vshrl.u32 v0, $0x12;
	v22 =	vld [tilespmem:s30+$0x6290]  }
0x742: {  	v4 =	vor.u32 v60, v31;
	v2 =	vand.u32 $0x3FFF, v16;
	v12 =	vld [tilespmem:s24+$0x66E0];
	v0 =	vadd.s32 v0, v16  }
0x743: {  	vm1 =	vne.s32 v2, $0x0;
	v2 =	vbroadcast v5, $0x0;
	v5 =	vld.idx.msk [tilespmem:v18+s25+$0x0], $0xffff;
	v0 =	vshra.s32 v0, $0xE  }
0x744: {  	v1 =	vimm.s32 $0x0;
	v23 =	vld [tilespmem:s30+$0x42A0];
	vm1 =	vmand vm2, vm1;
	v0 =	vadd.s32 v51, v0;
	s23 =	spop (v2sf)  }
0x745: {  	v24 =	vld [tilespmem:s30+$0x42B0];
	v19 =	vsel vm1, $0xFFFFFFFF, v1;
	(erf) = vpow2.f32 v2;
	v2 =	vor.u32 v50, v7;
	s19 =	smul.f32 $6.250000000e-02, s23  }
0x746: {  	v25 =	vld [tilespmem:s30+$0x62A0];
	v1 =	vimm.s32 $0x0;
	v0 =	vadd.s32 v19, v0;
	v19 =	vor.u32 v59, v7  }
0x747: {  	v27 =	vld [tilespmem:s30+$0x42C0];
	v26 =	vunpack.i.l.bf16.f32 v12;
	v12 =	vunpack.i.u.bf16.f32 v12;
	v28 =	vmov s19  }
0x748: {  	v30 =	vld [tilespmem:s30+$0x42D0];
	v31 =	vshra.s32 v5, $0x1F;
	v44 =	vand.u32 $0x3FFF, v5;
	vm1 =	vlt.s32 v5, $0x1  }
0x749: {  	v33 =	vld [tilespmem:s30+$0x62B0];
	v26 =	vmul.f32 v26, v57;
	v28 =	vmul.f32 $1.442695020e+00, v28;
	v31 =	vshrl.u32 v31, $0x12  }
0x74a: {  	v34 =	vld [tilespmem:s30+$0x42E0];
	vm2 =	vne.s32 v44, $0x0;
	v12 =	vmul.f32 v12, v57;
	v5 =	vadd.s32 v31, v5  }
0x74b: {  	vm1 =	vmand vm1, vm2;
	vm2 =	vgt.s32 v0, $0x0;
	[tilespmem:v2+s26+$0x0] =	vst.idx.add.f32.msk $0xffff, v26;
	v5 =	vshra.s32 v5, $0xE  }
0x74c: {  	v0 =	vnsel vm2, $0x0, v0;
	[tilespmem:v19+s26+$0x0] =	vst.idx.add.f32.msk $0xffff, v12;
	v12 =	vsel vm1, $0xFFFFFFFF, v1;
	v5 =	vadd.s32 v51, v5  }
0x74d: {  	v26 =	vld [tilespmem:s30+$0x42F0];
	v1 =	vmin.u32 v0, $0x140;
	v0 =	vadd.s32 v12, v5  }
0x74e: {  	v54 =	vmov v49;
	v2 =	vbroadcast v28, $0x0;
	[tilespmem:$0x1FAD0] =	vst v1;
	v29 =	vld [tilespmem:$0x1FF10];
	vm1 =	vgt.s32 v0, $0x0  }
0x74f: {  	v28 =	vld [tilespmem:s30+$0x62C0];
	v12 =	vnsel vm1, $0x0, v0;
	v0 =	vor.u32 v54, v8  }
0x750: {  	(erf) = vpow2.f32 v2;
	v2 =	vshll.u32 v1, $0x8;
	v5 =	vshll.u32 v1, $0x7;
	v31 =	vld [tilespmem:s30+$0x4680];
	[tilespmem:$0x1FBF0] =	vst v0  }
0x751: {  	v2 =	vand.u32 $0x1F800, v2;
	v5 =	vand.u32 $0x380, v5;
	v35 =	vld [tilespmem:s30+$0x4690]  }
0x752: {  	v14 =	vmov v37;
	v19 =	vor.u32 v5, v2;
	v0 =	vor.u32 v60, v8;
	v37 =	vld [tilespmem:s17+$0x6680]  }
0x753: {  	v49 =	vmov v36;
	v36 =	vor.u32 v52, v19;
	v39 =	vld [tilespmem:s30+$0x62D0];
	[tilespmem:$0x1FC00] =	vst v0  }
0x754: {  	v1 =	vor.u32 v50, v8;
	v0 =	vld [tilespmem:s30+$0x46A0]  }
0x755: {  	v48 =	vunpack.i.l.bf16.f32 v6;
	v32 =	vpop (erf);
	v41 =	vld [tilespmem:s30+$0x46B0];
	[tilespmem:$0x1FAE0] =	vst v1;
	v1 =	vor.u32 v59, v8  }
0x756: {  	v40 =	vmul.f32 v32, v48;
	v5 =	vmin.u32 v12, $0x140;
	[tilespmem:$0x1FAF0] =	vst v1;
	v1 =	vor.u32 v49, v8  }
0x757: {  	v2 =	vshll.u32 v5, $0x8;
	v12 =	vshll.u32 v5, $0x7;
	v48 =	vld [tilespmem:s30+$0x62E0];
	[tilespmem:$0x1FB00] =	vst v1  }
0x758: {  	v6 =	vunpack.i.u.bf16.f32 v6;
	v13 =	vmovc v45;
	v45 =	vand.u32 $0x1F800, v2;
	v12 =	vand.u32 $0x380, v12;
	[tilespmem:v36+s26+$0x0] =	vst.idx.add.f32.msk $0xffff, v40  }
0x759: {  	v12 =	vor.u32 v12, v45;
	v45 =	vmul.f32 v32, v6;
	v6 =	vld [tilespmem:$0x1FF10]  }
0x75a: {  	v38 =	vor.u32 v29, v19;
	_ =	sdelay $0x1  }
0x75b: {  	v44 =	vor.u32 v52, v12  }
0x75c: {  	v18 =	vor.u32 v55, v8;
	v16 =	vor.u32 v58, v8;
	v8 =	vor.u32 v42, v8  }
0x75d: {  	v50 =	vunpack.i.l.bf16.f32 v37;
	[tilespmem:$0x1FB10] =	vst v8;
	v36 =	vor.u32 v6, v12;
	v6 =	vpop (erf)  }
0x75e: {  	[tilespmem:v38+s26+$0x0] =	vst.idx.add.f32.msk $0xffff, v45;
	v8 =	vmul.f32 v6, v50  }
0x75f: {  	v29 =	vld [tilespmem:$0x1FF40]  }
0x760: {  	[tilespmem:v44+s26+$0x0] =	vst.idx.add.f32.msk $0xffff, v8  }
0x761: {  	v8 =	vld [tilespmem:$0x1FF50];
	_ =	sdelay $0x2  }
0x762: {  	v1 =	vmov v49;
	v49 =	vunpack.i.l.bf16.f32 v15;
	v38 =	vor.u32 v29, v9  }
0x763: {  	v37 =	vunpack.i.u.bf16.f32 v37;
	v15 =	vunpack.i.u.bf16.f32 v15;
	v20 =	vmul.f32 v20, v49  }
0x764: {  	v49 =	vunpack.i.l.bf16.f32 v10;
	v37 =	vmul.f32 v6, v37;
	v40 =	vor.u32 v8, v9  }
0x765: {  	v15 =	vmul.f32 v21, v15;
	v21 =	vmul.f32 v49, v43  }
0x766: {  	v10 =	vunpack.i.u.bf16.f32 v10;
	[tilespmem:v36+s26+$0x0] =	vst.idx.add.f32.msk $0xffff, v37  }
0x767: {  	v10 =	vmul.f32 v10, v43;
	v50 =	vunpack.i.l.bf16.f32 v22;
	v22 =	vunpack.i.u.bf16.f32 v22;
	[tilespmem:v38+s26+$0x0] =	vst.idx.add.f32.msk $0xffff, v21  }
0x768: {  	v22 =	vmul.f32 v24, v22;
	v24 =	vld [tilespmem:$0x1FF20]  }
0x769: {  	[tilespmem:v40+s26+$0x0] =	vst.idx.add.f32.msk $0xffff, v10  }
0x76a: {  	v20 =	vadd.f32 $0.0e+00, v20;
	v10 =	vld [tilespmem:$0x1FF30]  }
0x76b: {  	s18 =	sadd.s32 $0x13, s18;
	v37 =	vld [tilespmem:s17+$0x6690]  }
0x76c: {  	v20 =	vadd.f32 v15, v20;
	v23 =	vmul.f32 v23, v50;
	v36 =	vmov s18  }
0x76d: {  	v45 =	vld [tilespmem:s30+$0x46C0]  }
0x76e: {  	v49 =	vld [tilespmem:s30+$0x62F0];
	v20 =	vadd.f32 v23, v20;
	v24 =	vor.u32 v24, v12  }
0x76f: {  	v50 =	vld [tilespmem:s30+$0x46F0];
	v23 =	vunpack.i.l.bf16.f32 v25;
	v21 =	vunpack.i.l.bf16.f32 v11;
	v40 =	vor.u32 v10, v12  }
0x770: {  	v44 =	vld [tilespmem:s30+$0x46D0];
	v27 =	vmul.f32 v27, v23;
	v21 =	vmul.f32 v21, v53;
	v10 =	vunpack.i.l.bf16.f32 v37  }
0x771: {  	v20 =	vadd.f32 v22, v20;
	v23 =	vld.idx.msk [tilespmem:v36+s25+$0x0], $0xffff;
	v22 =	vunpack.i.u.bf16.f32 v37;
	v36 =	vmul.f32 v6, v10  }
0x772: {  	[tilespmem:v18+s26+$0x0] =	vst.idx.add.f32.msk $0xffff, v21;
	v18 =	vmul.f32 v6, v22  }
0x773: {  	v25 =	vunpack.i.u.bf16.f32 v25;
	v20 =	vadd.f32 v27, v20;
	[tilespmem:v24+s26+$0x0] =	vst.idx.add.f32.msk $0xffff, v36  }
0x774: {  	v21 =	vunpack.i.u.bf16.f32 v11;
	v22 =	vmul.f32 v30, v25;
	v11 =	vor.u32 v54, v9;
	[tilespmem:v40+s26+$0x0] =	vst.idx.add.f32.msk $0xffff, v18  }
0x775: {  	v38 =	vld [tilespmem:s30+$0x46E0];
	[tilespmem:$0x1FB20] =	vst v11  }
0x776: {  	v20 =	vadd.f32 v22, v20;
	v11 =	vor.u32 v60, v9;
	v22 =	vld [tilespmem:s17+$0x66A0]  }
0x777: {  	[tilespmem:$0x1FB30] =	vst v11;
	v11 =	vld [tilespmem:$0x1FF60];
	_ =	sdelay $0x4  }
0x778: {  	v21 =	vmul.f32 v21, v53;
	v11 =	vor.u32 v11, v9  }
0x779: {  	[tilespmem:$0x1FB40] =	vst v11  }
0x77a: {  	v11 =	vor.u32 v59, v9;
	[tilespmem:v16+s26+$0x0] =	vst.idx.add.f32.msk $0xffff, v21  }
0x77b: {  	[tilespmem:$0x1FB50] =	vst v11;
	v11 =	vld [tilespmem:$0x1FF40];
	_ =	sdelay $0x1  }
0x77c: {  	v24 =	vunpack.i.l.bf16.f32 v33  }
0x77d: {  	v18 =	vmul.f32 v34, v24  }
0x77e: {  	s23 =	simm.s32 $0xA00;
	s18 =	simm.s32 $0x500;
	v24 =	vunpack.i.u.bf16.f32 v33  }
0x77f: {  	s20 =	sand.u32 $0x800, s23;
	s19 =	sand.u32 $0x300, s18;
	v16 =	vadd.f32 v18, v20;
	v18 =	vmul.f32 v26, v24;
	v24 =	vor.u32 v11, v12;
	v11 =	vld [tilespmem:$0x1FF50]  }
0x780: {  	s22 =	sor.u32 s19, s20;
	v20 =	vunpack.i.l.bf16.f32 v28  }
0x781: {  	v20 =	vmul.f32 v31, v20;
	v25 =	vld [tilespmem:s22+$0x4680];
	v16 =	vadd.f32 v18, v16  }
0x782: {  	v3 =	vunpack.i.u.bf16.f32 v3;
	v21 =	vunpack.i.u.bf16.f32 v28;
	v28 =	vunpack.i.l.bf16.f32 v39;
	v26 =	vld [tilespmem:s22+$0x42B0]  }
0x783: {  	v21 =	vmul.f32 v35, v21;
	v31 =	vunpack.i.l.bf16.f32 v22;
	v18 =	vld [tilespmem:s22+$0x6280];
	v16 =	vadd.f32 v20, v16  }
0x784: {  	v28 =	vmul.f32 v0, v28;
	v30 =	vld [tilespmem:s22+$0x4280];
	v27 =	vor.u32 v11, v12;
	v11 =	vor.u32 v1, v9  }
0x785: {  	v0 =	vor.u32 v42, v9;
	v31 =	vmul.f32 v31, v6;
	v20 =	vld [tilespmem:s22+$0x6290];
	v16 =	vadd.f32 v21, v16;
	[tilespmem:$0x1FB60] =	vst v11  }
0x786: {  	v21 =	vmul.f32 v3, v63;
	v3 =	vunpack.i.u.bf16.f32 v39;
	v40 =	vld [tilespmem:s22+$0x4290];
	[tilespmem:$0x1FB70] =	vst v0  }
0x787: {  	v3 =	vmul.f32 v41, v3;
	v16 =	vadd.f32 v28, v16;
	[tilespmem:v24+s26+$0x0] =	vst.idx.add.f32.msk $0xffff, v31  }
0x788: {  	v22 =	vunpack.i.u.bf16.f32 v22;
	v28 =	vunpack.i.l.bf16.f32 v48;
	v31 =	vld [tilespmem:s22+$0x42A0]  }
0x789: {  	v22 =	vmul.f32 v22, v6;
	v3 =	vadd.f32 v3, v16;
	v16 =	vmul.f32 v45, v28;
	v28 =	vld [tilespmem:s22+$0x62C0]  }
0x78a: {  	v35 =	vld [tilespmem:s22+$0x42C0]  }
0x78b: {  	v2 =	vor.u32 v58, v9;
	[tilespmem:v27+s26+$0x0] =	vst.idx.add.f32.msk $0xffff, v22  }
0x78c: {  	v15 =	vor.u32 v14, v9;
	v8 =	vor.u32 v13, v9;
	v22 =	vunpack.i.l.bf16.f32 v18;
	v24 =	vld [tilespmem:s17+$0x66B0]  }
0x78d: {  	v33 =	vor.u32 v13, v12;
	v34 =	vunpack.i.u.bf16.f32 v20;
	v45 =	vld [tilespmem:s22+$0x42D0];
	v22 =	vmul.f32 v30, v22  }
0x78e: {  	v20 =	vunpack.i.l.bf16.f32 v20;
	v26 =	vmul.f32 v26, v34;
	v18 =	vunpack.i.u.bf16.f32 v18;
	v11 =	vld [tilespmem:$0x1FF20]  }
0x78f: {  	v34 =	vld [tilespmem:s22+$0x42E0];
	v27 =	vunpack.i.u.bf16.f32 v48;
	v18 =	vmul.f32 v40, v18;
	v22 =	vadd.f32 $0.0e+00, v22  }
0x790: {  	v3 =	vadd.f32 v16, v3;
	v30 =	vld [tilespmem:s22+$0x62A0];
	v27 =	vmul.f32 v44, v27;
	v44 =	vor.u32 v14, v12  }
0x791: {  	v20 =	vmul.f32 v31, v20;
	v31 =	vld [tilespmem:s22+$0x62B0];
	v18 =	vadd.f32 v18, v22;
	v22 =	vunpack.i.l.bf16.f32 v24  }
0x792: {  	v10 =	vor.u32 v55, v9;
	v3 =	vadd.f32 v27, v3;
	v27 =	vld [tilespmem:s22+$0x42F0];
	v48 =	vmul.f32 v22, v6  }
0x793: {  	v9 =	vor.u32 v42, v47;
	v47 =	vunpack.i.u.bf16.f32 v24;
	v24 =	vor.u32 v11, v19;
	v11 =	vld [tilespmem:$0x1FF30]  }
0x794: {  	v41 =	vunpack.i.l.bf16.f32 v49;
	v39 =	vmul.f32 v47, v6;
	[tilespmem:v33+s26+$0x0] =	vst.idx.add.f32.msk $0xffff, v48  }
0x795: {  	v18 =	vadd.f32 v20, v18;
	v33 =	vmul.f32 v38, v41;
	v38 =	vld [tilespmem:s22+$0x62E0]  }
0x796: {  	[tilespmem:v44+s26+$0x0] =	vst.idx.add.f32.msk $0xffff, v39  }
0x797: {  	v20 =	vunpack.i.l.bf16.f32 v30;
	v18 =	vadd.f32 v26, v18;
	v26 =	vld [tilespmem:s17+$0x66C0]  }
0x798: {  	v16 =	vunpack.i.u.bf16.f32 v49;
	v20 =	vmul.f32 v35, v20;
	v39 =	vld [tilespmem:s22+$0x46B0]  }
0x799: {  	vm2 =	vlt.s32 v23, $0x1;
	v16 =	vmul.f32 v50, v16;
	v30 =	vunpack.i.u.bf16.f32 v30;
	v50 =	vld [tilespmem:$0x1FF60]  }
0x79a: {  	v47 =	vor.u32 v55, v12;
	v18 =	vadd.f32 v20, v18;
	v20 =	vmul.f32 v45, v30;
	v45 =	vld [tilespmem:s22+$0x4690]  }
0x79b: {  	v44 =	vunpack.i.l.bf16.f32 v31;
	v22 =	vor.u32 v11, v19;
	v33 =	vadd.f32 v33, v3;
	v3 =	vld [tilespmem:$0x1FF40]  }
0x79c: {  	v11 =	vld [tilespmem:$0x1FF50];
	v18 =	vadd.f32 v20, v18;
	v20 =	vmul.f32 v34, v44;
	v48 =	vunpack.i.l.bf16.f32 v26  }
0x79d: {  	v34 =	vld [tilespmem:s22+$0x62D0];
	v33 =	vadd.f32 v16, v33;
	v16 =	vunpack.i.u.bf16.f32 v31;
	v35 =	vmul.f32 v48, v6  }
0x79e: {  	s21 =	simm.s32 $0x580;
	v36 =	vor.u32 v58, v12;
	v31 =	vld [tilespmem:s22+$0x46A0];
	v27 =	vmul.f32 v27, v16;
	v18 =	vadd.f32 v20, v18  }
0x79f: {  	s19 =	sand.u32 $0x380, s21;
	v0 =	vor.u32 v55, v19;
	v40 =	vunpack.i.u.bf16.f32 v17;
	v49 =	vunpack.i.l.bf16.f32 v28;
	[tilespmem:v47+s26+$0x0] =	vst.idx.add.f32.msk $0xffff, v35  }
0x7a0: {  	s21 =	sor.u32 s20, s19;
	v17 =	vunpack.i.l.bf16.f32 v17;
	v25 =	vmul.f32 v25, v49;
	v30 =	vld [tilespmem:s22+$0x46D0];
	v27 =	vadd.f32 v27, v18;
	[tilespmem:$0x1FB80] =	vst v0  }
0x7a1: {  	v28 =	vunpack.i.u.bf16.f32 v28;
	v17 =	vmul.f32 v17, v62;
	v37 =	vmul.f32 v40, v62;
	(xrf2) =	vadd.scan.msk.f32 $0xffff, v33;
	v33 =	vld [tilespmem:s21+$0x6280]  }
0x7a2: {  	v44 =	vshra.s32 v23, $0x1F;
	v25 =	vadd.f32 v25, v27;
	v27 =	vmul.f32 v45, v28;
	v28 =	vld [tilespmem:s21+$0x4280]  }
0x7a3: {  	v16 =	vor.u32 v13, v19;
	v3 =	vor.u32 v3, v19;
	v47 =	vunpack.i.l.bf16.f32 v34;
	v45 =	vld [tilespmem:s22+$0x46C0]  }
0x7a4: {  	v31 =	vmul.f32 v31, v47;
	v25 =	vadd.f32 v27, v25;
	v27 =	vand.u32 $0x3FFF, v23;
	v48 =	vld [tilespmem:s21+$0x4290]  }
0x7a5: {  	v35 =	vshrl.u32 v44, $0x12;
	v49 =	vld [tilespmem:s21+$0x6290];
	vm1 =	vne.s32 v27, $0x0;
	v27 =	vunpack.i.u.bf16.f32 v34  }
0x7a6: {  	v44 =	vld [tilespmem:s21+$0x42A0];
	v25 =	vadd.f32 v31, v25;
	v27 =	vmul.f32 v39, v27;
	v31 =	vunpack.i.l.bf16.f32 v33  }
0x7a7: {  	v35 =	vadd.s32 v35, v23;
	v23 =	vunpack.i.l.bf16.f32 v38;
	v47 =	vld [tilespmem:s21+$0x42C0];
	v28 =	vmul.f32 v28, v31  }
0x7a8: {  	v25 =	vadd.f32 v27, v25;
	v23 =	vmul.f32 v45, v23;
	v27 =	vunpack.i.u.bf16.f32 v33;
	v33 =	vld [tilespmem:s21+$0x62A0]  }
0x7a9: {  	v38 =	vunpack.i.u.bf16.f32 v38;
	v31 =	vld [tilespmem:s21+$0x42B0];
	v27 =	vmul.f32 v48, v27;
	v28 =	vadd.f32 $0.0e+00, v28  }
0x7aa: {  	v20 =	vor.u32 v11, v19;
	v30 =	vmul.f32 v30, v38;
	v48 =	vld [tilespmem:s22+$0x62F0];
	v23 =	vadd.f32 v23, v25  }
0x7ab: {  	v26 =	vunpack.i.u.bf16.f32 v26;
	v25 =	vld [tilespmem:s22+$0x46E0];
	v27 =	vadd.f32 v27, v28;
	v28 =	vunpack.i.l.bf16.f32 v49  }
0x7ac: {  	v26 =	vmul.f32 v26, v6;
	v45, _, _ =	vpop (xrf2);
	v23 =	vadd.f32 v30, v23;
	v30 =	vld [tilespmem:s22+$0x46F0];
	v28 =	vmul.f32 v44, v28  }
0x7ad: {  	v0 =	vor.u32 v58, v19;
	v34 =	vunpack.i.u.bf16.f32 v49;
	(v2sf) =	vpush v45, $0xF;
	v49 =	vld [tilespmem:s21+$0x42D0]  }
0x7ae: {  	v45 =	vunpack.i.l.bf16.f32 v33;
	v31 =	vmul.f32 v31, v34;
	v27 =	vadd.f32 v28, v27;
	v28 =	vld [tilespmem:s21+$0x62B0];
	[tilespmem:$0x1FB90] =	vst v0  }
0x7af: {  	v34 =	vmul.f32 v47, v45;
	v0 =	vor.u32 v54, v19;
	[tilespmem:v36+s26+$0x0] =	vst.idx.add.f32.msk $0xffff, v26  }
0x7b0: {  	v47 =	vld [tilespmem:s21+$0x42E0];
	v26 =	vunpack.i.l.bf16.f32 v48;
	v27 =	vadd.f32 v31, v27;
	[tilespmem:$0x1FBA0] =	vst v0;
	v0 =	vor.u32 v60, v19  }
0x7b1: {  	v35 =	vshra.s32 v35, $0xE;
	v33 =	vunpack.i.u.bf16.f32 v33;
	v25 =	vmul.f32 v25, v26;
	v26 =	vld [tilespmem:s29+$0x6690];
	[tilespmem:$0x1FBB0] =	vst v0  }
0x7b2: {  	v41 =	vmovc v13;
	v31 =	vmul.f32 v49, v33;
	v0 =	vor.u32 v50, v19;
	v27 =	vadd.f32 v34, v27;
	v33 =	vld [tilespmem:s17+$0x66D0]  }
0x7b3: {  	v18 =	vor.u32 v14, v19;
	v13 =	vadd.s32 v51, v35;
	v49 =	vld [tilespmem:s21+$0x42F0];
	[tilespmem:$0x1FBC0] =	vst v0;
	v0 =	vor.u32 v59, v19  }
0x7b4: {  	vm1 =	vmand vm2, vm1;
	v48 =	vunpack.i.u.bf16.f32 v48;
	v27 =	vadd.f32 v31, v27;
	v31 =	vld [tilespmem:s21+$0x62C0];
	[tilespmem:$0x1FBD0] =	vst v0  }
0x7b5: {  	v23 =	vadd.f32 v25, v23;
	v25 =	vmul.f32 v30, v48;
	v30 =	vunpack.i.l.bf16.f32 v28;
	v48 =	vld [tilespmem:s21+$0x4680]  }
0x7b6: {  	v30 =	vmul.f32 v47, v30;
	v47 =	vor.u32 v1, v19;
	v0 =	vimm.s32 $0x0;
	[tilespmem:v46+s26+$0x0] =	vst.idx.add.f32.msk $0xffff, v17  }
0x7b7: {  	v29 =	vmovc v14;
	v14 =	vadd.f32 v25, v23;
	v25 =	vunpack.i.u.bf16.f32 v28;
	v17 =	vsel vm1, $0xFFFFFFFF, v0;
	[tilespmem:v4+s26+$0x0] =	vst.idx.add.f32.msk $0xffff, v37  }
0x7b8: {  	v23 =	vunpack.i.l.bf16.f32 v26;
	v27 =	vadd.f32 v30, v27;
	v30 =	vld [tilespmem:s21+$0x4690];
	v25 =	vmul.f32 v49, v25  }
0x7b9: {  	v28 =	vor.u32 v54, v12;
	v13 =	vadd.s32 v17, v13;
	v17 =	vmul.f32 v32, v23;
	v23 =	vld [tilespmem:s21+$0x62D0]  }
0x7ba: {  	vm1 =	vgt.s32 v13, $0x0;
	v49 =	vunpack.i.l.bf16.f32 v31;
	v25 =	vadd.f32 v25, v27;
	v27 =	vld [tilespmem:s21+$0x46A0]  }
0x7bb: {  	(xrf2) =	vadd.scan.msk.f32 $0xffff, v14;
	v37 =	vunpack.i.l.bf16.f32 v33;
	v13 =	vnsel vm1, $0x0, v13;
	v14 =	vmul.f32 v48, v49  }
0x7bc: {  	[tilespmem:v24+s26+$0x0] =	vst.idx.add.f32.msk $0xffff, v17;
	v17 =	vunpack.i.u.bf16.f32 v26;
	v24 =	vunpack.i.u.bf16.f32 v31;
	v0 =	vmin.u32 v13, $0x140  }
0x7bd: {  	v31 =	vunpack.i.u.bf16.f32 v33;
	v13 =	vmul.f32 v30, v24;
	v14 =	vadd.f32 v14, v25  }
0x7be: {  	v38 =	vld [tilespmem:s21+$0x46B0];
	v48 =	vor.u32 v42, v19;
	v19 =	vmul.f32 v37, v6;
	v25 =	vunpack.i.l.bf16.f32 v23  }
0x7bf: {  	v26 =	vld [tilespmem:s21+$0x62E0];
	v24 =	vor.u32 v60, v12;
	v25 =	vmul.f32 v27, v25;
	v13 =	vadd.f32 v13, v14  }
0x7c0: {  	[tilespmem:v28+s26+$0x0] =	vst.idx.add.f32.msk $0xffff, v19;
	v19 =	vshll.u32 v0, $0x8;
	v23 =	vunpack.i.u.bf16.f32 v23;
	v14 =	vshll.u32 v0, $0x7  }
0x7c1: {  	v19 =	vand.u32 $0x1F800, v19;
	v27 =	vld [tilespmem:s21+$0x46C0];
	[tilespmem:$0x1FBE0] =	vst v0;
	v14 =	vand.u32 $0x380, v14;
	v25 =	vadd.f32 v25, v13  }
0x7c2: {  	v28 =	vld [tilespmem:s21+$0x46D0];
	v13 =	vor.u32 v14, v19;
	v14 =	vmul.f32 v32, v17;
	v17 =	vmul.f32 v31, v6  }
0x7c3: {  	s20 =	spop (v2sf);
	v23 =	vmul.f32 v38, v23;
	v30 =	vld [tilespmem:s24+$0x66F0]  }
0x7c4: {  	s18 =	smul.f32 $6.250000000e-02, s20;
	s20 =	sadd.s32 $0x8, s1;
	v19 =	vld [tilespmem:s21+$0x62F0]  }
0x7c5: {  	v39 =	vunpack.i.l.bf16.f32 v26;
	s24 =	sadd.s32 $0x12, s20;
	v23 =	vadd.f32 v23, v25;
	v25 =	vld [tilespmem:s21+$0x46E0]  }
0x7c6: {  	[tilespmem:v24+s26+$0x0] =	vst.idx.add.f32.msk $0xffff, v17;
	v24 =	vmul.f32 v27, v39;
	v27 =	vmov s24;
	v17, _, _ =	vpop (xrf2)  }
0x7c7: {  	(v2sf) =	vpush v17, $0xF;
	v17 =	vand.u32 $0xFFFFFFFE, v27;
	v27 =	vld [tilespmem:s21+$0x46F0]  }
0x7c8: {  	v26 =	vunpack.i.u.bf16.f32 v26;
	v17 =	vbroadcast v17, $0x0  }
0x7c9: {  	v31 =	vmov s18;
	v40 =	vld [tilespmem:s17+$0x66E0];
	v26 =	vmul.f32 v28, v26;
	v23 =	vadd.f32 v24, v23  }
0x7ca: {  	v31 =	vmul.f32 $1.442695020e+00, v31;
	[tilespmem:v22+s26+$0x0] =	vst.idx.add.f32.msk $0xffff, v14;
	v44 =	vunpack.i.l.bf16.f32 v19  }
0x7cb: {  	v19 =	vunpack.i.u.bf16.f32 v19;
	v14 =	vmul.f32 v25, v44;
	v23 =	vadd.f32 v26, v23;
	v26 =	vld [tilespmem:s9+$0x66B0]  }
0x7cc: {  	v49 =	vld [tilespmem:s3+$0x66E0];
	v19 =	vmul.f32 v27, v19;
	v27 =	vor.u32 v50, v12  }
0x7cd: {  	v25 =	vbroadcast v31, $0x0;
	v31 =	vor.u32 v59, v12;
	v14 =	vadd.f32 v14, v23;
	v23 =	vld [tilespmem:s29+$0x66A0]  }
0x7ce: {  	v46 =	vunpack.i.l.bf16.f32 v40;
	v17 =	vld.idx.msk [tilespmem:v17+s25+$0x0], $0xffff  }
0x7cf: {  	[tilespmem:v9+s26+$0x0] =	vst.idx.add.f32.msk $0xffff, v21;
	v33 =	vunpack.i.u.bf16.f32 v40;
	v35 =	vmul.f32 v46, v6  }
0x7d0: {  	[tilespmem:v61+s28+$0x0] =	vst.idx.add.f32.msk $0x1, v63;
	v9 =	vunpack.i.u.bf16.f32 v26;
	v21 =	vunpack.i.l.bf16.f32 v26;
	v26 =	vmul.f32 v33, v6  }
0x7d1: {  	v24 =	vor.u32 v1, v7;
	v21 =	vmul.f32 v21, v43;
	[tilespmem:v27+s26+$0x0] =	vst.idx.add.f32.msk $0xffff, v35  }
0x7d2: {  	v9 =	vmul.f32 v9, v43;
	[tilespmem:v31+s26+$0x0] =	vst.idx.add.f32.msk $0xffff, v26;
	v26 =	vunpack.i.l.bf16.f32 v23;
	v23 =	vunpack.i.u.bf16.f32 v23  }
0x7d3: {  	[tilespmem:v8+s26+$0x0] =	vst.idx.add.f32.msk $0xffff, v21;
	v8 =	vunpack.i.u.bf16.f32 v49;
	v21 =	vmul.f32 v23, v32;
	v23 =	vshra.s32 v17, $0x1F  }
0x7d4: {  	v11 =	vmov v1;
	[tilespmem:v15+s26+$0x0] =	vst.idx.add.f32.msk $0xffff, v9;
	v1 =	vmul.f32 v8, v62;
	v8 =	vshrl.u32 v23, $0x12  }
0x7d5: {  	v22 =	vunpack.i.l.bf16.f32 v30;
	v7 =	vor.u32 v42, v7;
	v35 =	vadd.s32 v8, v17;
	v8 =	vld [tilespmem:$0x1FF10]  }
0x7d6: {  	v22 =	vmul.f32 v22, v57;
	(erf) = vpow2.f32 v25;
	v25 =	vld [tilespmem:s8+$0x66D0]  }
0x7d7: {  	v30 =	vunpack.i.u.bf16.f32 v30;
	v31 =	vld [tilespmem:s17+$0x66F0]  }
0x7d8: {  	v30 =	vmul.f32 v30, v57;
	[tilespmem:v24+s26+$0x0] =	vst.idx.add.f32.msk $0xffff, v22  }
0x7d9: {  	v9 =	vld [tilespmem:$0x1FF20]  }
0x7da: {  	v15 =	vunpack.i.l.bf16.f32 v49;
	[tilespmem:v7+s26+$0x0] =	vst.idx.add.f32.msk $0xffff, v30;
	v49 =	vor.u32 v8, v13;
	v8 =	vand.u32 $0x3FFF, v17  }
0x7db: {  	vm2 =	vne.s32 v8, $0x0;
	v8 =	vld [tilespmem:$0x1FF30];
	_ =	sdelay $0x2  }
0x7dc: {  	v28 =	vld [tilespmem:s30+$0x6680];
	v27 =	vunpack.i.u.bf16.f32 v25;
	v25 =	vunpack.i.l.bf16.f32 v25;
	v23 =	vor.u32 v11, v12  }
0x7dd: {  	v40 =	vmul.f32 v25, v53;
	v33 =	vld [tilespmem:s9+$0x66C0];
	v12 =	vor.u32 v42, v12  }
0x7de: {  	v22 =	vor.u32 v9, v13;
	v9 =	vunpack.i.l.bf16.f32 v31;
	v25 =	vor.u32 v8, v13;
	v8 =	vld [tilespmem:$0x1FF40]  }
0x7df: {  	v7 =	vunpack.i.u.bf16.f32 v31;
	v24 =	vmul.f32 v9, v6;
	[tilespmem:v56+s28+$0x0] =	vst.idx.add.f32.msk $0x1, v57  }
0x7e0: {  	v44 =	vor.u32 v52, v13;
	v7 =	vmul.f32 v7, v6;
	v9 =	vld [tilespmem:$0x1FF50]  }
0x7e1: {  	[tilespmem:v23+s26+$0x0] =	vst.idx.add.f32.msk $0xffff, v24  }
0x7e2: {  	v34 =	vunpack.i.u.bf16.f32 v28;
	v28 =	vunpack.i.l.bf16.f32 v28;
	s24 =	spop (v2sf);
	v56 =	vpop (erf);
	[tilespmem:v12+s26+$0x0] =	vst.idx.add.f32.msk $0xffff, v7  }
0x7e3: {  	s17 =	smul.f32 $6.250000000e-02, s24;
	v28 =	vmul.f32 v56, v28;
	[tilespmem:v5+s28+$0x0] =	vst.idx.add.f32.msk $0x1, v6  }
0x7e4: {  	v39 =	vmul.f32 v26, v32;
	v31 =	vunpack.i.l.bf16.f32 v33;
	v36 =	vld [tilespmem:$0x1FF20]  }
0x7e5: {  	v23 =	vmul.f32 v31, v43;
	v24 =	vmov s17;
	v31 =	vmul.f32 v56, v34;
	[tilespmem:v44+s26+$0x0] =	vst.idx.add.f32.msk $0xffff, v28  }
0x7e6: {  	v24 =	vmul.f32 $1.442695020e+00, v24;
	[tilespmem:v3+s26+$0x0] =	vst.idx.add.f32.msk $0xffff, v39  }
0x7e7: {  	[tilespmem:v49+s26+$0x0] =	vst.idx.add.f32.msk $0xffff, v31  }
0x7e8: {  	v12 =	vunpack.i.u.bf16.f32 v33;
	v5 =	vbroadcast v24, $0x0;
	v24 =	vld [tilespmem:$0x1FF30]  }
0x7e9: {  	s20 =	sadd.s32 $0x13, s20;
	v3 =	vmul.f32 v12, v43;
	[tilespmem:v20+s26+$0x0] =	vst.idx.add.f32.msk $0xffff, v21  }
0x7ea: {  	vm1 =	vlt.s32 v17, $0x1;
	v17 =	vmov s20;
	[tilespmem:v10+s26+$0x0] =	vst.idx.add.f32.msk $0xffff, v23  }
0x7eb: {  	[tilespmem:v2+s26+$0x0] =	vst.idx.add.f32.msk $0xffff, v3  }
0x7ec: {  	v0 =	vld [tilespmem:$0x1FBF0];
	_ =	sdelay $0x2  }
0x7ed: {  	v17 =	vld.idx.msk [tilespmem:v17+s25+$0x0], $0xffff;
	_ =	sdelay $0x2  }
0x7ee: {  	v26 =	vmovc v11;
	v11 =	vimm.s32 $0x0;
	vm1 =	vmand vm1, vm2;
	v6 =	vshra.s32 v35, $0xE  }
0x7ef: {  	v6 =	vadd.s32 v51, v6;
	v12 =	vsel vm1, $0xFFFFFFFF, v11  }
0x7f0: {  	vm2 =	vlt.s32 v17, $0x1;
	v6 =	vadd.s32 v12, v6;
	[tilespmem:v0+s26+$0x0] =	vst.idx.add.f32.msk $0xffff, v40  }
0x7f1: {  	v12 =	vshra.s32 v17, $0x1F;
	(erf) = vpow2.f32 v5;
	vm1 =	vgt.s32 v6, $0x0;
	v2 =	vld [tilespmem:$0x1FC00]  }
0x7f2: {  	v5 =	vshrl.u32 v12, $0x12;
	v12 =	vand.u32 $0x3FFF, v17;
	v6 =	vnsel vm1, $0x0, v6  }
0x7f3: {  	v21 =	vadd.s32 v5, v17;
	vm1 =	vne.s32 v12, $0x0;
	v5 =	vmin.u32 v6, $0x140  }
0x7f4: {  	v6 =	vshra.s32 v21, $0xE;
	v10 =	vshll.u32 v5, $0x8;
	v12 =	vshll.u32 v5, $0x7  }
0x7f5: {  	v17 =	vld [tilespmem:s22+$0x6680];
	vm1 =	vmand vm2, vm1;
	v3 =	vand.u32 $0x1F800, v10;
	v10 =	vand.u32 $0x380, v12  }
0x7f6: {  	v6 =	vadd.s32 v51, v6;
	v12 =	vor.u32 v10, v3;
	v3 =	vsel vm1, $0xFFFFFFFF, v11  }
0x7f7: {  	v27 =	vmul.f32 v27, v53;
	v3 =	vadd.s32 v3, v6  }
0x7f8: {  	vm1 =	vgt.s32 v3, $0x0;
	v11 =	vld [tilespmem:$0x1FF10]  }
0x7f9: {  	v3 =	vnsel vm1, $0x0, v3;
	[tilespmem:v2+s26+$0x0] =	vst.idx.add.f32.msk $0xffff, v27  }
0x7fa: {  	v6 =	vunpack.i.u.bf16.f32 v17;
	v2 =	vunpack.i.l.bf16.f32 v17;
	v17 =	vmin.u32 v3, $0x140;
	v3 =	vld [tilespmem:$0x1FC10];
	_ =	sdelay $0x1  }
0x7fb: {  	v14 =	vadd.f32 v19, v14;
	_ =	sdelay $0x1  }
0x7fc: {  	(xrf2) =	vadd.scan.msk.f32 $0xffff, v14;
	v14 =	vor.u32 v52, v12  }
0x7fd: {  	v0 =	vor.u32 v11, v12  }
0x7fe: {  	v15 =	vmul.f32 v15, v62;
	v10 =	vpop (erf)  }
0x7ff: {  	v2 =	vmul.f32 v10, v2  }
0x800: {  	[tilespmem:v3+s26+$0x0] =	vst.idx.add.f32.msk $0xffff, v15;
	v3 =	vmul.f32 v10, v6  }
0x801: {  	v4 =	vshll.u32 v17, $0x8;
	[tilespmem:v14+s26+$0x0] =	vst.idx.add.f32.msk $0xffff, v2;
	v6 =	vshll.u32 v17, $0x7  }
0x802: {  	v2 =	vand.u32 $0x1F800, v4;
	v4 =	vand.u32 $0x380, v6;
	[tilespmem:v0+s26+$0x0] =	vst.idx.add.f32.msk $0xffff, v3  }
0x803: {  	v27 =	vor.u32 v4, v2;
	v2 =	vld [tilespmem:$0x1FC20];
	_ =	sdelay $0x1  }
0x804: {  	v19 =	vld [tilespmem:s30+$0x6690]  }
0x805: {  	v63 =	vor.u32 v29, v13;
	v20 =	vld [tilespmem:s21+$0x6680]  }
0x806: {  	v45 =	vmovc v58;
	v61 =	vor.u32 v58, v13;
	v58 =	vor.u32 v54, v13;
	v38 =	vor.u32 v50, v13;
	v21 =	vld [tilespmem:s9+$0x66D0]  }
0x807: {  	v30 =	vmovc v62;
	v62 =	vor.u32 v55, v13;
	v57 =	vor.u32 v60, v13;
	v60 =	vor.u32 v26, v13;
	v23 =	vld [tilespmem:s29+$0x66B0]  }
0x808: {  	v7 =	vor.u32 v41, v13;
	v33 =	vor.u32 v59, v13;
	v59 =	vor.u32 v42, v13;
	v37 =	vld [tilespmem:s8+$0x66E0]  }
0x809: {  	v8 =	vor.u32 v8, v13;
	v9 =	vor.u32 v9, v13;
	v13 =	vunpack.i.l.bf16.f32 v19;
	v4 =	vld [tilespmem:s22+$0x6690]  }
0x80a: {  	v34 =	vunpack.i.u.bf16.f32 v20;
	v6 =	vunpack.i.u.bf16.f32 v19;
	v0 =	vmul.f32 v56, v13;
	[tilespmem:v2+s26+$0x0] =	vst.idx.add.f32.msk $0xffff, v1  }
0x80b: {  	v39 =	vunpack.i.l.bf16.f32 v20;
	v19 =	vunpack.i.u.bf16.f32 v21;
	v2 =	vmul.f32 v56, v6;
	v31 =	vld [tilespmem:$0x1FF40]  }
0x80c: {  	v3 =	vunpack.i.l.bf16.f32 v23;
	v15 =	vor.u32 v52, v27;
	v14 =	vor.u32 v11, v27;
	[tilespmem:v22+s26+$0x0] =	vst.idx.add.f32.msk $0xffff, v0  }
0x80d: {  	v13 =	vunpack.i.u.bf16.f32 v23;
	v44 =	vor.u32 v24, v27;
	v42 =	vor.u32 v41, v27;
	[tilespmem:v25+s26+$0x0] =	vst.idx.add.f32.msk $0xffff, v2  }
0x80e: {  	v41 =	vor.u32 v29, v27;
	v1 =	vor.u32 v36, v27;
	v6, _, _ =	vpop (xrf2);
	v0 =	vmul.f32 v3, v32;
	v49 =	vld [tilespmem:$0x1FF50]  }
0x80f: {  	(v2sf) =	vpush v6, $0xF;
	v6 =	vmul.f32 v13, v32;
	v22 =	vor.u32 v36, v12;
	v40 =	vld [tilespmem:s3+$0x66F0]  }
0x810: {  	[tilespmem:v16+s26+$0x0] =	vst.idx.add.f32.msk $0xffff, v0;
	v16 =	vor.u32 v24, v12;
	v0 =	vunpack.i.l.bf16.f32 v4;
	v4 =	vunpack.i.u.bf16.f32 v4  }
0x811: {  	[tilespmem:v18+s26+$0x0] =	vst.idx.add.f32.msk $0xffff, v6;
	v23 =	vmul.f32 v10, v0;
	v0 =	vunpack.i.l.bf16.f32 v21;
	v21 =	vmul.f32 v10, v4  }
0x812: {  	v46 =	vmovc v53;
	v18 =	vld [tilespmem:s30+$0x66A0];
	v6 =	vor.u32 v45, v27;
	v4 =	vor.u32 v54, v27;
	v13 =	vmul.f32 v0, v43  }
0x813: {  	v53 =	vmovc v43;
	s17 =	simm.s32 $0x680;
	s3 =	simm.s32 $0xA;
	v0 =	vor.u32 v55, v27;
	v20 =	vld [tilespmem:s29+$0x66C0];
	v3 =	vor.u32 v31, v27;
	v2 =	vor.u32 v49, v27  }
.LBB2_15:
0x814: {  	v26 =	vld [tilespmem:$0x1FFC0];
	_ =	sdelay $0x2  }
0x815: {  	v19 =	vmul.f32 v19, v53;
	v11 =	vmov v47  }
0x816: {  	[tilespmem:$0x1FA70] =	vst v11  }
0x817: {  	[tilespmem:$0x1F9C0] =	vst v19;
	v19 =	vunpack.i.u.bf16.f32 v37;
	v11 =	vor.u32 v26, v27  }
0x818: {  	[tilespmem:$0x1F9D0] =	vst v11;
	v11 =	vmul.f32 v19, v46;
	_ =	sdelay $0x1  }
0x819: {  	[tilespmem:$0x1F9F0] =	vst v11;
	v11 =	vld [tilespmem:$0x1FAC0];
	_ =	sdelay $0x3  }
0x81a: {  	[tilespmem:v22+s26+$0x0] =	vst.idx.add.f32.msk $0xffff, v23  }
0x81b: {  	v22 =	vunpack.i.u.bf16.f32 v18;
	[tilespmem:v16+s26+$0x0] =	vst.idx.add.f32.msk $0xffff, v21;
	v16 =	vmov v11  }
0x81c: {  	v35 =	vmul.f32 v22, v56;
	v22 =	vunpack.i.l.bf16.f32 v37;
	[tilespmem:$0x1FA00] =	vst v16;
	v16 =	vld [tilespmem:$0x1FB10]  }
0x81d: {  	v22 =	vmul.f32 v22, v46;
	_ =	sdelay $0x3  }
0x81e: {  	[tilespmem:$0x1F9E0] =	vst v22;
	v22 =	vmov v16;
	v16 =	vld [tilespmem:$0x1FB70]  }
0x81f: {  	v21 =	vld [tilespmem:s22+$0x66A0]  }
0x820: {  	s18 =	sadd.s32 $0xFFFFFF80, s17;
	s23 =	sadd.s32 $0x200, s23  }
0x821: {  	s20 =	sand.u32 $0x380, s17;
	s24 =	sand.u32 $0x800, s23;
	s19 =	sand.u32 $0x300, s18  }
0x822: {  	v54 =	vmov v32;
	s19 =	sor.u32 s19, s24;
	s24 =	sor.u32 s24, s20;
	s20 =	spop (v2sf)  }
0x823: {  	v25 =	vld [tilespmem:$0x1FFE0];
	v23 =	vunpack.i.u.bf16.f32 v40;
	[tilespmem:$0x1FA60] =	vst v54;
	s20 =	smul.f32 $6.250000000e-02, s20;
	v16 =	vmov v16  }
0x824: {  	v54 =	vld [tilespmem:$0x1FF80];
	[tilespmem:$0x1FB10] =	vst v16;
	v16 =	vmul.f32 v23, v30;
	v23 =	vunpack.i.l.bf16.f32 v21  }
0x825: {  	v45 =	vld [tilespmem:s19+$0x4680];
	v43 =	vmul.f32 v23, v10;
	v23 =	vmov s20  }
0x826: {  	v52 =	vmul.f32 $1.442695020e+00, v23;
	v23 =	vld [tilespmem:$0x1FA90]  }
0x827: {  	v29 =	vld [tilespmem:s19+$0x42B0]  }
0x828: {  	v47 =	vld [tilespmem:s19+$0x42A0];
	v24 =	vunpack.i.u.bf16.f32 v20  }
0x829: {  	v28 =	vor.u32 v50, v27;
	v50 =	vld [tilespmem:s19+$0x6290];
	v37 =	vmul.f32 v24, v32;
	v24 =	vunpack.i.l.bf16.f32 v40;
	[tilespmem:$0x1FAC0] =	vst v22;
	v22 =	vmovc v30  }
0x82a: {  	v11 =	vmov v48;
	[tilespmem:$0x1FA10] =	vst v16;
	v16 =	vmul.f32 v24, v22;
	v24 =	vld [tilespmem:$0x1FA80]  }
0x82b: {  	[tilespmem:$0x1FB70] =	vst v11;
	v11 =	vor.u32 v31, v12;
	v31 =	vmovc v46;
	v46 =	vmov v53;
	v53 =	vmov v23;
	v23 =	vld [tilespmem:$0x1FAA0]  }
0x82c: {  	v18 =	vunpack.i.l.bf16.f32 v18;
	[tilespmem:$0x1FA20] =	vst v28;
	v20 =	vunpack.i.l.bf16.f32 v20;
	v28 =	vor.u32 v25, v27;
	v40 =	vld [tilespmem:s19+$0x4280]  }
0x82d: {  	v36 =	vmul.f32 v18, v56;
	v19 =	vmovc v38;
	v38 =	vmul.f32 v20, v32;
	v32 =	vmov v56;
	v56 =	vld [tilespmem:s19+$0x4290]  }
0x82e: {  	v49 =	vor.u32 v49, v12;
	v48 =	vld [tilespmem:s19+$0x6280]  }
0x82f: {  	[tilespmem:$0x1FA50] =	vst v28;
	v30 =	vld [tilespmem:$0x1FFF0];
	v28 =	vmov v24  }
0x830: {  	v21 =	vunpack.i.u.bf16.f32 v21;
	[tilespmem:$0x1FA30] =	vst v28;
	v28 =	vld [tilespmem:$0x1FFD0];
	v20 =	vmov v23  }
0x831: {  	v51 =	vmul.f32 v21, v10;
	[tilespmem:$0x1FA90] =	vst v20;
	v20 =	vld [tilespmem:$0x1FAD0]  }
0x832: {  	[tilespmem:v11+s26+$0x0] =	vst.idx.add.f32.msk $0xffff, v43  }
0x833: {  	[tilespmem:v49+s26+$0x0] =	vst.idx.add.f32.msk $0xffff, v51  }
0x834: {  	[tilespmem:$0x1FA40] =	vst v33;
	v21 =	vmov v63;
	v63 =	vmov v41;
	v41 =	vld [tilespmem:s19+$0x62C0]  }
0x835: {  	v33 =	vmov v59;
	v18 =	vmov v57;
	[tilespmem:$0x1FA80] =	vst v53;
	v53 =	vld [tilespmem:$0x1FF70]  }
0x836: {  	v57 =	vmovc v60;
	v11 =	vmovc v17;
	v60 =	vor.u32 v30, v27;
	v59 =	vor.u32 v28, v27;
	v27 =	vmov v20;
	v20 =	vld [tilespmem:$0x1FBE0]  }
0x837: {  	v51 =	vld [tilespmem:s19+$0x62B0];
	[tilespmem:$0x1FBE0] =	vst v11;
	v11 =	vunpack.i.l.bf16.f32 v48  }
0x838: {  	v17 =	vbroadcast v52, $0x0;
	[tilespmem:$0x1FAA0] =	vst v27;
	v11 =	vmul.f32 v40, v11;
	v27 =	vld [tilespmem:s22+$0x66B0]  }
0x839: {  	v55 =	vunpack.i.u.bf16.f32 v48;
	v52 =	vld [tilespmem:s19+$0x42E0]  }
0x83a: {  	(erf) = vpow2.f32 v17;
	v17 =	vmul.f32 v56, v55;
	v55 =	vld [tilespmem:$0x1FF90];
	v11 =	vadd.f32 $0.0e+00, v11  }
0x83b: {  	v56 =	vunpack.i.l.bf16.f32 v50;
	v49 =	vor.u32 v53, v12;
	v40 =	vld [tilespmem:s19+$0x62A0];
	v24 =	vmov v20  }
0x83c: {  	v48 =	vld [tilespmem:s19+$0x42C0];
	v20 =	vmovc v7;
	v7 =	vmovc v42;
	v42 =	vunpack.i.u.bf16.f32 v50;
	v11 =	vadd.f32 v17, v11;
	v17 =	vmul.f32 v47, v56  }
0x83d: {  	v23 =	vmovc v44;
	v44 =	vld [tilespmem:s19+$0x42F0];
	v47 =	vor.u32 v54, v12;
	v29 =	vmul.f32 v29, v42;
	v56 =	vunpack.i.l.bf16.f32 v27  }
0x83e: {  	v42 =	vld [tilespmem:s19+$0x42D0];
	v11 =	vadd.f32 v17, v11;
	v17 =	vunpack.i.u.bf16.f32 v27;
	v27 =	vmul.f32 v56, v10  }
0x83f: {  	[tilespmem:$0x1FAD0] =	vst v24;
	v24 =	vld [tilespmem:$0x1FFB0]  }
0x840: {  	v43 =	vunpack.i.l.bf16.f32 v40;
	v17 =	vmul.f32 v17, v10;
	[tilespmem:v49+s26+$0x0] =	vst.idx.add.f32.msk $0xffff, v27  }
0x841: {  	v11 =	vadd.f32 v29, v11;
	v29 =	vmul.f32 v48, v43;
	v43 =	vld [tilespmem:$0x1FFA0]  }
0x842: {  	v27 =	vunpack.i.u.bf16.f32 v40;
	[tilespmem:v47+s26+$0x0] =	vst.idx.add.f32.msk $0xffff, v17  }
0x843: {  	v11 =	vadd.f32 v29, v11;
	v29 =	vmul.f32 v42, v27;
	v40 =	vld [tilespmem:s22+$0x66C0]  }
0x844: {  	v50 =	vunpack.i.l.bf16.f32 v51;
	v47 =	vld [tilespmem:s19+$0x46D0]  }
0x845: {  	v56 =	vpop (erf);
	v49 =	vor.u32 v55, v12;
	v48 =	vld [tilespmem:s19+$0x4690];
	v11 =	vadd.f32 v29, v11;
	v29 =	vmul.f32 v52, v50  }
0x846: {  	v17 =	vmul.f32 v56, v34;
	v27 =	vmul.f32 v56, v39;
	v34 =	vld [tilespmem:s19+$0x46C0];
	v39 =	vunpack.i.u.bf16.f32 v51  }
0x847: {  	v42 =	vunpack.i.l.bf16.f32 v41;
	v11 =	vadd.f32 v29, v11;
	v29 =	vmul.f32 v44, v39;
	v39 =	vld [tilespmem:s19+$0x62D0]  }
0x848: {  	v42 =	vmul.f32 v45, v42;
	v45 =	vld [tilespmem:s19+$0x46A0];
	v44 =	vor.u32 v43, v12;
	v52 =	vunpack.i.l.bf16.f32 v40  }
0x849: {  	v41 =	vunpack.i.u.bf16.f32 v41;
	v51 =	vld [tilespmem:s19+$0x46B0];
	v11 =	vadd.f32 v29, v11;
	v50 =	vmul.f32 v52, v10  }
0x84a: {  	v40 =	vunpack.i.u.bf16.f32 v40;
	v41 =	vmul.f32 v48, v41;
	v29 =	vld [tilespmem:s19+$0x62E0]  }
0x84b: {  	v40 =	vmul.f32 v40, v10;
	v11 =	vadd.f32 v42, v11;
	[tilespmem:v49+s26+$0x0] =	vst.idx.add.f32.msk $0xffff, v50  }
0x84c: {  	v42 =	vld [tilespmem:s24+$0x6280];
	v49 =	vunpack.i.l.bf16.f32 v39  }
0x84d: {  	[tilespmem:v44+s26+$0x0] =	vst.idx.add.f32.msk $0xffff, v40;
	v11 =	vadd.f32 v41, v11;
	v50 =	vmul.f32 v45, v49  }
0x84e: {  	v39 =	vunpack.i.u.bf16.f32 v39;
	v41 =	vld [tilespmem:s22+$0x66D0]  }
0x84f: {  	v39 =	vmul.f32 v51, v39;
	v40 =	vld [tilespmem:s19+$0x62F0];
	v11 =	vadd.f32 v50, v11  }
0x850: {  	v45 =	vld [tilespmem:s19+$0x46E0];
	v52 =	vunpack.i.u.bf16.f32 v29;
	v29 =	vunpack.i.l.bf16.f32 v29  }
0x851: {  	v48 =	vor.u32 v24, v12;
	v29 =	vmul.f32 v34, v29;
	v34 =	vld [tilespmem:s24+$0x4280];
	v11 =	vadd.f32 v39, v11  }
0x852: {  	v44 =	vmul.f32 v47, v52;
	v47 =	vld [tilespmem:s19+$0x46F0];
	v39 =	vor.u32 v26, v12  }
0x853: {  	v52 =	vunpack.i.l.bf16.f32 v41;
	v11 =	vadd.f32 v29, v11;
	v29 =	vld [tilespmem:s24+$0x4290]  }
0x854: {  	v41 =	vunpack.i.u.bf16.f32 v41;
	v50 =	vunpack.i.l.bf16.f32 v40;
	v49 =	vmul.f32 v52, v10;
	v52 =	vld [tilespmem:s24+$0x6290]  }
0x855: {  	v41 =	vmul.f32 v41, v10;
	v11 =	vadd.f32 v44, v11;
	v44 =	vmul.f32 v45, v50;
	v50 =	vld [tilespmem:$0x1FF60]  }
0x856: {  	[tilespmem:v48+s26+$0x0] =	vst.idx.add.f32.msk $0xffff, v49  }
0x857: {  	v51 =	vunpack.i.l.bf16.f32 v42;
	v40 =	vunpack.i.u.bf16.f32 v40;
	[tilespmem:v39+s26+$0x0] =	vst.idx.add.f32.msk $0xffff, v41  }
0x858: {  	v34 =	vmul.f32 v34, v51;
	v47 =	vmul.f32 v47, v40;
	v11 =	vadd.f32 v44, v11;
	v40 =	vld [tilespmem:s22+$0x66E0]  }
0x859: {  	v42 =	vunpack.i.u.bf16.f32 v42;
	v41 =	vld [tilespmem:s24+$0x42A0]  }
0x85a: {  	v34 =	vadd.f32 $0.0e+00, v34;
	v44 =	vld [tilespmem:s24+$0x42B0];
	v29 =	vmul.f32 v29, v42;
	v11 =	vadd.f32 v47, v11  }
0x85b: {  	v48 =	vld [tilespmem:s24+$0x42D0];
	v45 =	vor.u32 v50, v12  }
0x85c: {  	v29 =	vadd.f32 v29, v34;
	v34 =	vld [tilespmem:s24+$0x62A0];
	(xrf2) =	vadd.scan.msk.f32 $0xffff, v11;
	v11 =	vor.u32 v25, v12  }
0x85d: {  	v39 =	vunpack.i.u.bf16.f32 v52;
	v42 =	vunpack.i.l.bf16.f32 v52;
	v47 =	vld [tilespmem:s24+$0x42C0];
	v49 =	vunpack.i.l.bf16.f32 v40  }
0x85e: {  	v41 =	vmul.f32 v41, v42;
	v42 =	vld [tilespmem:s24+$0x62B0];
	v40 =	vunpack.i.u.bf16.f32 v40;
	v49 =	vmul.f32 v49, v10  }
0x85f: {  	v39 =	vmul.f32 v44, v39;
	v44 =	vld [tilespmem:s24+$0x42E0];
	v40 =	vmul.f32 v40, v10  }
0x860: {  	v29 =	vadd.f32 v41, v29;
	[tilespmem:v45+s26+$0x0] =	vst.idx.add.f32.msk $0xffff, v49  }
0x861: {  	v41 =	vunpack.i.u.bf16.f32 v34;
	v34 =	vunpack.i.l.bf16.f32 v34;
	[tilespmem:v11+s26+$0x0] =	vst.idx.add.f32.msk $0xffff, v40  }
0x862: {  	v34 =	vmul.f32 v47, v34;
	v11 =	vadd.f32 v39, v29;
	v39 =	vld [tilespmem:s22+$0x66F0]  }
0x863: {  	v29 =	vmul.f32 v48, v41;
	v41 =	vld [tilespmem:s24+$0x62C0]  }
0x864: {  	v40 =	vunpack.i.u.bf16.f32 v42;
	v48 =	vunpack.i.l.bf16.f32 v42;
	v42 =	vld [tilespmem:s24+$0x42F0];
	v11 =	vadd.f32 v34, v11  }
0x865: {  	v45 =	vor.u32 v30, v12;
	v34 =	vmul.f32 v44, v48;
	v44 =	vld [tilespmem:s24+$0x4680]  }
0x866: {  	v11 =	vadd.f32 v29, v11;
	v29 =	vld [tilespmem:s24+$0x4690];
	v47, _, _ =	vpop (xrf2)  }
0x867: {  	v12 =	vor.u32 v28, v12;
	v48 =	vld [tilespmem:s24+$0x62D0];
	(v2sf) =	vpush v47, $0xF;
	v49 =	vunpack.i.l.bf16.f32 v39  }
0x868: {  	s18 =	smov.u32 s3;
	v11 =	vadd.f32 v34, v11;
	v34 =	vld [tilespmem:s24+$0x46A0];
	v47 =	vunpack.i.l.bf16.f32 v41;
	v25 =	vmul.f32 v49, v10  }
0x869: {  	s18 =	sadd.s32 s18, s1;
	v39 =	vunpack.i.u.bf16.f32 v39;
	v49 =	vld [tilespmem:s24+$0x46B0]  }
0x86a: {  	s20 =	sadd.s32 $0x12, s18;
	v40 =	vmul.f32 v42, v40;
	v41 =	vunpack.i.u.bf16.f32 v41;
	v39 =	vmul.f32 v39, v10;
	[tilespmem:v45+s26+$0x0] =	vst.idx.add.f32.msk $0xffff, v25  }
0x86b: {  	v42 =	vmul.f32 v44, v47;
	v47 =	vmovc v57;
	v57 =	vmov s20;
	v29 =	vmul.f32 v29, v41;
	v41 =	vld [tilespmem:s24+$0x62F0]  }
0x86c: {  	v11 =	vadd.f32 v40, v11;
	[tilespmem:v12+s26+$0x0] =	vst.idx.add.f32.msk $0xffff, v39;
	v12 =	vand.u32 $0xFFFFFFFE, v57  }
0x86d: {  	[tilespmem:v5+s28+$0x0] =	vst.idx.add.f32.msk $0x1, v10;
	v5 =	vbroadcast v12, $0x0  }
0x86e: {  	s18 =	sadd.s32 $0x13, s18;
	v10 =	vadd.f32 v42, v11;
	v12 =	vld [tilespmem:s24+$0x62E0]  }
0x86f: {  	v44 =	vunpack.i.u.bf16.f32 v48;
	v45 =	vunpack.i.l.bf16.f32 v48;
	v48 =	vmovc v33;
	v33 =	vmov s18;
	v57 =	vld [tilespmem:s24+$0x46C0]  }
0x870: {  	v11 =	vmul.f32 v34, v45;
	v10 =	vadd.f32 v29, v10;
	v29 =	vld [tilespmem:s24+$0x46D0]  }
0x871: {  	v34 =	vmul.f32 v49, v44;
	v44 =	vld [tilespmem:s24+$0x46F0]  }
0x872: {  	v10 =	vadd.f32 v11, v10;
	v11 =	vld [tilespmem:s24+$0x46E0]  }
0x873: {  	v49 =	vunpack.i.u.bf16.f32 v12;
	v12 =	vunpack.i.l.bf16.f32 v12;
	v5 =	vld.idx.msk [tilespmem:v5+s25+$0x0], $0xffff  }
0x874: {  	v10 =	vadd.f32 v34, v10;
	v12 =	vmul.f32 v57, v12;
	v57 =	vld.idx.msk [tilespmem:v33+s25+$0x0], $0xffff  }
0x875: {  	v29 =	vmul.f32 v29, v49;
	v49 =	vld [tilespmem:s24+$0x6680]  }
0x876: {  	[tilespmem:v15+s26+$0x0] =	vst.idx.add.f32.msk $0xffff, v27;
	v10 =	vadd.f32 v12, v10  }
0x877: {  	v45 =	vunpack.i.l.bf16.f32 v41;
	[tilespmem:v14+s26+$0x0] =	vst.idx.add.f32.msk $0xffff, v17;
	s20 =	spop (v2sf)  }
0x878: {  	v11 =	vmul.f32 v11, v45;
	v14 =	vld [tilespmem:s21+$0x6690];
	v10 =	vadd.f32 v29, v10;
	s18 =	smul.f32 $6.250000000e-02, s20  }
0x879: {  	[tilespmem:v8+s26+$0x0] =	vst.idx.add.f32.msk $0xffff, v36;
	v17 =	vshra.s32 v5, $0x1F;
	vm1 =	vlt.s32 v5, $0x1  }
0x87a: {  	[tilespmem:v9+s26+$0x0] =	vst.idx.add.f32.msk $0xffff, v35;
	v10 =	vadd.f32 v11, v10;
	v11 =	vshrl.u32 v17, $0x12;
	v15 =	vmov s18  }
0x87b: {  	v8 =	vmovc v3;
	v9 =	vmovc v2;
	v2 =	vadd.s32 v11, v5;
	v3 =	vmul.f32 $1.442695020e+00, v15;
	v15 =	vand.u32 $0x3FFF, v5;
	v5 =	vld [tilespmem:$0x1FB80];
	_ =	sdelay $0x2  }
0x87c: {  	v51 =	vld [tilespmem:$0x1FF00];
	_ =	sdelay $0x1  }
0x87d: {  	v12 =	vunpack.i.u.bf16.f32 v41  }
0x87e: {  	v12 =	vmul.f32 v44, v12;
	vm2 =	vne.s32 v15, $0x0  }
0x87f: {  	v35 =	vimm.s32 $0x0;
	v11 =	vld [tilespmem:s30+$0x66B0];
	v2 =	vshra.s32 v2, $0xE;
	vm1 =	vmand vm1, vm2  }
0x880: {  	v2 =	vadd.s32 v51, v2;
	[tilespmem:v5+s26+$0x0] =	vst.idx.add.f32.msk $0xffff, v38;
	v5 =	vmovc v62;
	v62 =	vmov v0;
	v0 =	vsel vm1, $0xFFFFFFFF, v35  }
0x881: {  	v15 =	vbroadcast v3, $0x0;
	v3 =	vmovc v61;
	[tilespmem:$0x1FB80] =	vst v5;
	v5 =	vadd.f32 v12, v10;
	v10 =	vld [tilespmem:$0x1FB90];
	v0 =	vadd.s32 v0, v2  }
0x882: {  	[tilespmem:$0x1FB90] =	vst v3;
	v3 =	vand.u32 $0x3FFF, v57;
	vm1 =	vgt.s32 v0, $0x0  }
0x883: {  	v0 =	vnsel vm1, $0x0, v0;
	vm1 =	vne.s32 v3, $0x0;
	v3 =	vld [tilespmem:$0x1FB20];
	_ =	sdelay $0x3  }
0x884: {  	(xrf2) =	vadd.scan.msk.f32 $0xffff, v5;
	v5 =	vld [tilespmem:$0x1FBA0];
	_ =	sdelay $0x1  }
0x885: {  	v2 =	vshra.s32 v57, $0x1F;
	[tilespmem:v10+s26+$0x0] =	vst.idx.add.f32.msk $0xffff, v37  }
0x886: {  	v2 =	vshrl.u32 v2, $0x12;
	v29 =	vld [tilespmem:s29+$0x66D0]  }
0x887: {  	v2 =	vadd.s32 v2, v57;
	[tilespmem:v3+s26+$0x0] =	vst.idx.add.f32.msk $0xffff, v13  }
0x888: {  	v3 =	vmov v5;
	v5 =	vmin.u32 v0, $0x140;
	v0 =	vshra.s32 v2, $0xE;
	v2 =	vld [tilespmem:$0x1FB30];
	_ =	sdelay $0x2  }
0x889: {  	[tilespmem:$0x1FB20] =	vst v3;
	v3 =	vld [tilespmem:$0x1F9C0];
	_ =	sdelay $0x3  }
0x88a: {  	v10 =	vld [tilespmem:$0x1F9D0]  }
0x88b: {  	[tilespmem:v2+s26+$0x0] =	vst.idx.add.f32.msk $0xffff, v3  }
0x88c: {  	v3 =	vld [tilespmem:$0x1FBB0];
	_ =	sdelay $0x4  }
0x88d: {  	vm2 =	vlt.s32 v57, $0x1;
	v57 =	vmovc v10;
	v10 =	vmovc v58;
	v58 =	vmov v4;
	v4 =	vld [tilespmem:$0x1FAE0];
	v3 =	vmov v3  }
0x88e: {  	v61 =	vmov v6;
	v6 =	vshll.u32 v5, $0x7;
	[tilespmem:$0x1FB30] =	vst v3;
	v3 =	vshll.u32 v5, $0x8  }
0x88f: {  	v6 =	vand.u32 $0x380, v6;
	v3 =	vand.u32 $0x1F800, v3  }
0x890: {  	v12 =	vor.u32 v6, v3;
	v6 =	vld [tilespmem:$0x1F9E0];
	_ =	sdelay $0x3  }
0x891: {  	v37 =	vld [tilespmem:s9+$0x66E0]  }
0x892: {  	[tilespmem:v4+s26+$0x0] =	vst.idx.add.f32.msk $0xffff, v6  }
0x893: {  	vm1 =	vmand vm2, vm1;
	v6 =	vld [tilespmem:$0x1FB40]  }
0x894: {  	v0 =	vadd.s32 v51, v0;
	v3 =	vsel vm1, $0xFFFFFFFF, v35  }
0x895: {  	v0 =	vadd.s32 v3, v0;
	v3 =	vld [tilespmem:$0x1FAF0]  }
0x896: {  	(erf) = vpow2.f32 v15;
	v15 =	vmov v19;
	v13 =	vld [tilespmem:$0x1FBC0]  }
0x897: {  	[tilespmem:$0x1FBC0] =	vst v15;
	v15 =	vld [tilespmem:$0x1FAB0]  }
0x898: {  	v4 =	vmov v6;
	v6 =	vld [tilespmem:$0x1F9F0];
	_ =	sdelay $0x1  }
0x899: {  	s22 =	smov.u32 s19;
	v2 =	vmov v18;
	vm1 =	vgt.s32 v0, $0x0  }
0x89a: {  	v17 =	vmov v13;
	[tilespmem:$0x1FBB0] =	vst v2;
	v2 =	vld [tilespmem:s22+$0x6680];
	v0 =	vnsel vm1, $0x0, v0  }
0x89b: {  	[tilespmem:$0x1FB40] =	vst v17;
	v17 =	vmin.u32 v0, $0x140;
	v0 =	vld [tilespmem:$0x1FA00]  }
0x89c: {  	[tilespmem:v3+s26+$0x0] =	vst.idx.add.f32.msk $0xffff, v6  }
0x89d: {  	v40 =	vld [tilespmem:s8+$0x66F0]  }
0x89e: {  	[tilespmem:v15+s26+$0x0] =	vst.idx.add.f32.msk $0xffff, v16  }
0x89f: {  	v15 =	vld [tilespmem:$0x1FA10];
	_ =	sdelay $0x1  }
0x8a0: {  	v52 =	vlaneseq.u32  }
0x8a1: {  	v28 =	vld [tilespmem:$0x1FF10];
	[tilespmem:$0x1FAE0] =	vst v4;
	v4 =	vor.u32 v52, v12  }
0x8a2: {  	[tilespmem:$0x1FBA0] =	vst v10;
	v16 =	vld [tilespmem:$0x1FA30]  }
0x8a3: {  	v10 =	vpop (erf);
	v13 =	vunpack.i.l.bf16.f32 v2;
	[tilespmem:v0+s26+$0x0] =	vst.idx.add.f32.msk $0xffff, v15  }
0x8a4: {  	v27 =	vmul.f32 v10, v13;
	v0 =	vld [tilespmem:$0x1FA20]  }
0x8a5: {  	v26 =	vld [tilespmem:$0x1FF20]  }
0x8a6: {  	v3 =	vor.u32 v28, v12;
	[tilespmem:v4+s26+$0x0] =	vst.idx.add.f32.msk $0xffff, v27;
	v15 =	vshll.u32 v17, $0x7  }
0x8a7: {  	v4 =	vand.u32 $0x380, v15;
	v15 =	vld [tilespmem:$0x1FB50]  }
0x8a8: {  	v30 =	vmov v31;
	v31 =	vld [tilespmem:$0x1FF40];
	v2 =	vunpack.i.u.bf16.f32 v2  }
0x8a9: {  	v25 =	vld [tilespmem:$0x1FF30];
	v38 =	vmov v0;
	v0 =	vmul.f32 v10, v2  }
0x8aa: {  	v6 =	vunpack.i.u.bf16.f32 v14;
	v14 =	vunpack.i.l.bf16.f32 v14;
	[tilespmem:v16+s28+$0x0] =	vst.idx.add.f32.msk $0x1, v22  }
0x8ab: {  	[tilespmem:v3+s26+$0x0] =	vst.idx.add.f32.msk $0xffff, v0;
	v0 =	vmul.f32 v56, v14  }
0x8ac: {  	v6 =	vmul.f32 v56, v6;
	v2 =	vshll.u32 v17, $0x8;
	v16 =	vmov v15;
	v15 =	vld [tilespmem:$0x1FBD0]  }
0x8ad: {  	s8 =	smov.u32 s9;
	v19 =	vand.u32 $0x1F800, v2;
	[tilespmem:v1+s26+$0x0] =	vst.idx.add.f32.msk $0xffff, v0;
	v0 =	vunpack.i.l.bf16.f32 v11  }
0x8ae: {  	v18, _, _ =	vpop (xrf2);
	s9 =	smov.u32 s29;
	s29 =	smov.u32 s30;
	s30 =	smov.u32 s21;
	v27 =	vor.u32 v4, v19;
	v4 =	vunpack.i.u.bf16.f32 v11;
	[tilespmem:v23+s26+$0x0] =	vst.idx.add.f32.msk $0xffff, v6;
	v11 =	vmul.f32 v0, v32  }
0x8af: {  	(v2sf) =	vpush v18, $0xF;
	v18 =	vld [tilespmem:s30+$0x66A0]  }
0x8b0: {  	[tilespmem:v20+s26+$0x0] =	vst.idx.add.f32.msk $0xffff, v11  }
0x8b1: {  	v20 =	vld [tilespmem:$0x1FB60]  }
0x8b2: {  	v34 =	vunpack.i.u.bf16.f32 v49;
	v39 =	vunpack.i.l.bf16.f32 v49;
	v49 =	vld [tilespmem:$0x1FF50]  }
0x8b3: {  	v3 =	vld [tilespmem:$0x1FA40]  }
0x8b4: {  	v0 =	vld [tilespmem:$0x1FA50]  }
0x8b5: {  	v6 =	vld [tilespmem:$0x1FB00];
	v13 =	vmov v15  }
0x8b6: {  	v45 =	vmul.f32 v4, v32;
	[tilespmem:$0x1FB50] =	vst v13;
	v13 =	vld [tilespmem:s22+$0x6690];
	v4 =	vmov v20  }
0x8b7: {  	s3 =	sadd.s32 $0x2, s3;
	v22 =	vor.u32 v26, v12;
	v19 =	vunpack.i.u.bf16.f32 v29;
	[tilespmem:$0x1FB00] =	vst v4;
	v4 =	vor.u32 v24, v27;
	v24 =	vld [tilespmem:$0x1FA70]  }
0x8b8: {  	p0 =	slt.u32 s3, $0xE;
	[tilespmem:$0x1FAF0] =	vst v16;
	v16 =	vor.u32 v25, v12;
	v14 =	vor.u32 v28, v27;
	v42 =	vor.u32 v53, v27;
	v53 =	vld [tilespmem:$0x1FA60]  }
.Ltmp9:
0x8b9: {  	v44 =	vor.u32 v25, v27;
	v41 =	vor.u32 v54, v27;
	v1 =	vor.u32 v26, v27;
	v2 =	vmovc v3;
	(pc) =	sbr.rel @p0 .LBB2_15-.Ltmp9, $4  }
0x8ba: {  	v15 =	vor.u32 v52, v27;
	v3 =	vor.u32 v31, v27;
	[tilespmem:$0x1FBD0] =	vst v2;
	v33 =	vmovc v0;
	v0 =	vmov v6  }
0x8bb: {  	v2 =	vor.u32 v49, v27;
	[tilespmem:$0x1FAB0] =	vst v0;
	v0 =	vor.u32 v55, v27;
	v23 =	vunpack.i.l.bf16.f32 v13  }
0x8bc: {  	[tilespmem:v21+s26+$0x0] =	vst.idx.add.f32.msk $0xffff, v45;
	v55 =	vunpack.i.u.bf16.f32 v13;
	v13 =	vunpack.i.l.bf16.f32 v29;
	v23 =	vmul.f32 v10, v23;
	v11 =	vmovc v24  }
0x8bd: {  	s17 =	sadd.s32 $0x100, s17;
	s21 =	smov.u32 s24;
	v6 =	vor.u32 v43, v27;
	v20 =	vld [tilespmem:s29+$0x66C0];
	v21 =	vmul.f32 v10, v55;
	v13 =	vmul.f32 v13, v53;
	[tilespmem:$0x1FB60] =	vst v11  }
0x8be: {  	_ =	sdelay $0x3  }
0x8bf: {  	[tilespmem:v22+s26+$0x0] =	vst.idx.add.f32.msk $0xffff, v23  }
0x8c0: {  	[tilespmem:v16+s26+$0x0] =	vst.idx.add.f32.msk $0xffff, v21  }
0x8c1: {  	v11 =	vld [tilespmem:s22+$0x66A0];
	_ =	sdelay $0x2  }
0x8c2: {  	v16 =	vor.u32 v31, v12  }
0x8c3: {  	v21 =	vor.u32 v49, v12  }
0x8c4: {  	v22 =	vunpack.i.l.bf16.f32 v11  }
0x8c5: {  	v11 =	vunpack.i.u.bf16.f32 v11;
	v22 =	vmul.f32 v22, v10  }
0x8c6: {  	v11 =	vmul.f32 v11, v10  }
0x8c7: {  	[tilespmem:v16+s26+$0x0] =	vst.idx.add.f32.msk $0xffff, v22  }
0x8c8: {  	[tilespmem:v21+s26+$0x0] =	vst.idx.add.f32.msk $0xffff, v11  }
0x8c9: {  	v16 =	vld [tilespmem:$0x1FF70]  }
0x8ca: {  	v21 =	vld [tilespmem:$0x1FF80]  }
0x8cb: {  	v11 =	vld [tilespmem:s22+$0x66B0];
	_ =	sdelay $0x2  }
0x8cc: {  	v16 =	vor.u32 v16, v12  }
0x8cd: {  	v21 =	vor.u32 v21, v12  }
0x8ce: {  	v22 =	vunpack.i.l.bf16.f32 v11  }
0x8cf: {  	v11 =	vunpack.i.u.bf16.f32 v11;
	v22 =	vmul.f32 v22, v10  }
0x8d0: {  	v11 =	vmul.f32 v11, v10  }
0x8d1: {  	[tilespmem:v16+s26+$0x0] =	vst.idx.add.f32.msk $0xffff, v22  }
0x8d2: {  	[tilespmem:v21+s26+$0x0] =	vst.idx.add.f32.msk $0xffff, v11  }
0x8d3: {  	v16 =	vld [tilespmem:$0x1FF90]  }
0x8d4: {  	v21 =	vld [tilespmem:$0x1FFA0]  }
0x8d5: {  	v11 =	vld [tilespmem:s22+$0x66C0];
	_ =	sdelay $0x2  }
0x8d6: {  	v16 =	vor.u32 v16, v12  }
0x8d7: {  	v21 =	vor.u32 v21, v12  }
0x8d8: {  	v22 =	vunpack.i.l.bf16.f32 v11  }
0x8d9: {  	v11 =	vunpack.i.u.bf16.f32 v11;
	v22 =	vmul.f32 v22, v10  }
0x8da: {  	v11 =	vmul.f32 v11, v10  }
0x8db: {  	[tilespmem:v16+s26+$0x0] =	vst.idx.add.f32.msk $0xffff, v22  }
0x8dc: {  	[tilespmem:v21+s26+$0x0] =	vst.idx.add.f32.msk $0xffff, v11  }
0x8dd: {  	v16 =	vld [tilespmem:$0x1FFB0]  }
0x8de: {  	v24 =	vld [tilespmem:$0x1FFC0]  }
0x8df: {  	v11 =	vld [tilespmem:s22+$0x66D0];
	_ =	sdelay $0x2  }
0x8e0: {  	v16 =	vor.u32 v16, v12  }
0x8e1: {  	s3 =	spop (v2sf);
	v21 =	vor.u32 v24, v12  }
0x8e2: {  	s3 =	smul.f32 $6.250000000e-02, s3;
	v22 =	vunpack.i.l.bf16.f32 v11  }
0x8e3: {  	v11 =	vunpack.i.u.bf16.f32 v11;
	v22 =	vmul.f32 v22, v10  }
0x8e4: {  	v23 =	vmov s3;
	v11 =	vmul.f32 v11, v10  }
0x8e5: {  	v23 =	vmul.f32 $1.442695020e+00, v23;
	[tilespmem:v16+s26+$0x0] =	vst.idx.add.f32.msk $0xffff, v22  }
0x8e6: {  	[tilespmem:v21+s26+$0x0] =	vst.idx.add.f32.msk $0xffff, v11  }
0x8e7: {  	v55 =	vbroadcast v23, $0x0;
	v16 =	vld [tilespmem:s22+$0x66E0]  }
0x8e8: {  	v23 =	vld [tilespmem:$0x1FFE0]  }
0x8e9: {  	(erf) = vpow2.f32 v55;
	_ =	sdelay $0x2  }
0x8ea: {  	v36 =	vor.u32 v50, v12  }
0x8eb: {  	v21 =	vor.u32 v23, v12;
	v22 =	vunpack.i.l.bf16.f32 v16;
	v16 =	vunpack.i.u.bf16.f32 v16  }
0x8ec: {  	v16 =	vmul.f32 v16, v10  }
0x8ed: {  	v22 =	vmul.f32 v22, v10;
	_ =	sdelay $0x1  }
0x8ee: {  	[tilespmem:v36+s26+$0x0] =	vst.idx.add.f32.msk $0xffff, v22  }
0x8ef: {  	[tilespmem:v21+s26+$0x0] =	vst.idx.add.f32.msk $0xffff, v16;
	v16 =	vpop (erf)  }
0x8f0: {  	v21 =	vmul.f32 v16, v39;
	_ =	sdelay $0x1  }
0x8f1: {  	v22 =	vmul.f32 v16, v34;
	[tilespmem:v15+s26+$0x0] =	vst.idx.add.f32.msk $0xffff, v21  }
0x8f2: {  	v34 =	vld [tilespmem:$0x1FFF0]  }
0x8f3: {  	[tilespmem:v14+s26+$0x0] =	vst.idx.add.f32.msk $0xffff, v22  }
0x8f4: {  	v22 =	vld [tilespmem:$0x1FFD0]  }
0x8f5: {  	v11 =	vld [tilespmem:s22+$0x66F0];
	_ =	sdelay $0x2  }
0x8f6: {  	v39 =	vor.u32 v34, v12  }
0x8f7: {  	v54 =	vunpack.i.l.bf16.f32 v18;
	v21 =	vld [tilespmem:s21+$0x6690];
	v43 =	vor.u32 v22, v12  }
0x8f8: {  	v36 =	vmul.f32 v54, v56;
	v45 =	vunpack.i.l.bf16.f32 v11  }
0x8f9: {  	v11 =	vunpack.i.u.bf16.f32 v11;
	v14 =	vmul.f32 v45, v10  }
0x8fa: {  	[tilespmem:v8+s26+$0x0] =	vst.idx.add.f32.msk $0xffff, v36;
	v11 =	vmul.f32 v11, v10  }
0x8fb: {  	v55 =	vunpack.i.u.bf16.f32 v18;
	[tilespmem:v39+s26+$0x0] =	vst.idx.add.f32.msk $0xffff, v14  }
0x8fc: {  	v39 =	vmul.f32 v55, v56;
	[tilespmem:v43+s26+$0x0] =	vst.idx.add.f32.msk $0xffff, v11;
	v43 =	vunpack.i.l.bf16.f32 v21  }
0x8fd: {  	v54 =	vunpack.i.u.bf16.f32 v21;
	[tilespmem:v5+s28+$0x0] =	vst.idx.add.f32.msk $0x1, v10;
	v45 =	vmul.f32 v16, v43  }
0x8fe: {  	[tilespmem:v9+s26+$0x0] =	vst.idx.add.f32.msk $0xffff, v39;
	v5 =	vmul.f32 v16, v54  }
0x8ff: {  	[tilespmem:v1+s26+$0x0] =	vst.idx.add.f32.msk $0xffff, v45  }
0x900: {  	[tilespmem:v44+s26+$0x0] =	vst.idx.add.f32.msk $0xffff, v5  }
0x901: {  	v36 =	vld [tilespmem:$0x1FB80];
	_ =	sdelay $0x4  }
0x902: {  	v55 =	vunpack.i.l.bf16.f32 v20  }
0x903: {  	v1 =	vmul.f32 v55, v32;
	_ =	sdelay $0x1  }
0x904: {  	[tilespmem:v36+s26+$0x0] =	vst.idx.add.f32.msk $0xffff, v1  }
0x905: {  	v1 =	vld [tilespmem:$0x1FB90];
	_ =	sdelay $0x4  }
0x906: {  	v14 =	vunpack.i.u.bf16.f32 v20  }
0x907: {  	v5 =	vmul.f32 v14, v32;
	_ =	sdelay $0x1  }
0x908: {  	[tilespmem:v1+s26+$0x0] =	vst.idx.add.f32.msk $0xffff, v5  }
0x909: {  	v10 =	vld [tilespmem:$0x1FB20];
	_ =	sdelay $0x7  }
0x90a: {  	[tilespmem:v10+s26+$0x0] =	vst.idx.add.f32.msk $0xffff, v13  }
0x90b: {  	v45 =	vld [tilespmem:$0x1FB30];
	_ =	sdelay $0x3  }
0x90c: {  	v12 =	vld [tilespmem:s30+$0x66B0];
	_ =	sdelay $0x1  }
0x90d: {  	v39 =	vmul.f32 v19, v53;
	_ =	sdelay $0x1  }
0x90e: {  	[tilespmem:v45+s26+$0x0] =	vst.idx.add.f32.msk $0xffff, v39  }
0x90f: {  	v44 =	vunpack.i.l.bf16.f32 v12;
	v54 =	vunpack.i.u.bf16.f32 v12;
	v12 =	vld [tilespmem:$0x1FAE0];
	_ =	sdelay $0x1  }
0x910: {  	v15 =	vld [tilespmem:s21+$0x66A0];
	_ =	sdelay $0x2  }
0x911: {  	v43 =	vunpack.i.l.bf16.f32 v37;
	v55 =	vmul.f32 v44, v56  }
0x912: {  	v5 =	vmul.f32 v43, v46  }
0x913: {  	v1 =	vmul.f32 v54, v56;
	v13 =	vunpack.i.l.bf16.f32 v15;
	[tilespmem:v7+s26+$0x0] =	vst.idx.add.f32.msk $0xffff, v55  }
0x914: {  	v14 =	vunpack.i.u.bf16.f32 v15;
	[tilespmem:v12+s26+$0x0] =	vst.idx.add.f32.msk $0xffff, v5;
	v5 =	vmul.f32 v13, v16  }
0x915: {  	[tilespmem:v63+s26+$0x0] =	vst.idx.add.f32.msk $0xffff, v1;
	v1 =	vmul.f32 v14, v16  }
0x916: {  	[tilespmem:v3+s26+$0x0] =	vst.idx.add.f32.msk $0xffff, v5  }
0x917: {  	[tilespmem:v2+s26+$0x0] =	vst.idx.add.f32.msk $0xffff, v1  }
0x918: {  	v8 =	vld [tilespmem:$0x1FAF0];
	_ =	sdelay $0x4  }
0x919: {  	v15 =	vunpack.i.u.bf16.f32 v37  }
0x91a: {  	v3 =	vmul.f32 v15, v46;
	_ =	sdelay $0x1  }
0x91b: {  	[tilespmem:v8+s26+$0x0] =	vst.idx.add.f32.msk $0xffff, v3  }
0x91c: {  	v3 =	vld [tilespmem:$0x1FAB0];
	_ =	sdelay $0x4  }
0x91d: {  	v37 =	vunpack.i.l.bf16.f32 v40  }
0x91e: {  	v1 =	vmul.f32 v37, v30;
	_ =	sdelay $0x1  }
0x91f: {  	[tilespmem:v3+s26+$0x0] =	vst.idx.add.f32.msk $0xffff, v1  }
0x920: {  	v1 =	vld [tilespmem:$0x1FAC0];
	_ =	sdelay $0x4  }
0x921: {  	v39 =	vunpack.i.u.bf16.f32 v40;
	v40 =	vld [tilespmem:s21+$0x66B0]  }
0x922: {  	v36 =	vld [tilespmem:s30+$0x66C0];
	v2 =	vmul.f32 v39, v30;
	_ =	sdelay $0x1  }
0x923: {  	[tilespmem:v1+s26+$0x0] =	vst.idx.add.f32.msk $0xffff, v2  }
0x924: {  	v2 =	vld [tilespmem:$0x1FA80]  }
0x925: {  	v45 =	vunpack.i.l.bf16.f32 v40  }
0x926: {  	v43 =	vunpack.i.l.bf16.f32 v36;
	v54 =	vmul.f32 v45, v16  }
0x927: {  	v44 =	vld [tilespmem:s29+$0x66D0];
	v5 =	vunpack.i.u.bf16.f32 v36;
	v1 =	vmul.f32 v43, v56  }
0x928: {  	v5 =	vmul.f32 v5, v56;
	v7 =	vunpack.i.u.bf16.f32 v40;
	[tilespmem:v42+s26+$0x0] =	vst.idx.add.f32.msk $0xffff, v54  }
0x929: {  	[tilespmem:v62+s26+$0x0] =	vst.idx.add.f32.msk $0xffff, v1;
	v62 =	vmul.f32 v7, v16  }
0x92a: {  	[tilespmem:v61+s26+$0x0] =	vst.idx.add.f32.msk $0xffff, v5  }
0x92b: {  	[tilespmem:v41+s26+$0x0] =	vst.idx.add.f32.msk $0xffff, v62  }
0x92c: {  	[tilespmem:v2+s28+$0x0] =	vst.idx.add.f32.msk $0x1, v30  }
0x92d: {  	v14 =	vld [tilespmem:$0x1FBA0];
	_ =	sdelay $0x4  }
0x92e: {  	v11 =	vunpack.i.l.bf16.f32 v44  }
0x92f: {  	v1 =	vmul.f32 v11, v32;
	_ =	sdelay $0x1  }
0x930: {  	[tilespmem:v14+s26+$0x0] =	vst.idx.add.f32.msk $0xffff, v1  }
0x931: {  	v37 =	vld [tilespmem:$0x1FBB0];
	_ =	sdelay $0x4  }
0x932: {  	v2 =	vunpack.i.u.bf16.f32 v44  }
0x933: {  	v2 =	vmul.f32 v2, v32  }
0x934: {  	v55 =	vld [tilespmem:s9+$0x66E0]  }
0x935: {  	[tilespmem:v37+s26+$0x0] =	vst.idx.add.f32.msk $0xffff, v2  }
0x936: {  	v2 =	vld [tilespmem:$0x1FB40];
	_ =	sdelay $0x4  }
0x937: {  	v13 =	vunpack.i.l.bf16.f32 v55  }
0x938: {  	v36 =	vmul.f32 v13, v53;
	_ =	sdelay $0x1  }
0x939: {  	[tilespmem:v2+s26+$0x0] =	vst.idx.add.f32.msk $0xffff, v36  }
0x93a: {  	v3 =	vld [tilespmem:$0x1FB50];
	_ =	sdelay $0x4  }
0x93b: {  	v15 =	vunpack.i.u.bf16.f32 v55  }
0x93c: {  	v63 =	vld [tilespmem:s8+$0x66F0];
	v1 =	vmul.f32 v15, v53  }
0x93d: {  	v12 =	vld [tilespmem:s21+$0x66C0]  }
0x93e: {  	[tilespmem:v3+s26+$0x0] =	vst.idx.add.f32.msk $0xffff, v1  }
0x93f: {  	v5 =	vld [tilespmem:$0x1FB00];
	_ =	sdelay $0x2  }
0x940: {  	v40 =	vunpack.i.l.bf16.f32 v12  }
0x941: {  	v42 =	vunpack.i.u.bf16.f32 v12;
	v1 =	vmul.f32 v40, v16  }
0x942: {  	v39 =	vunpack.i.l.bf16.f32 v63;
	v43 =	vmul.f32 v42, v16  }
0x943: {  	v2 =	vmul.f32 v39, v46;
	[tilespmem:v0+s26+$0x0] =	vst.idx.add.f32.msk $0xffff, v1  }
0x944: {  	[tilespmem:v6+s26+$0x0] =	vst.idx.add.f32.msk $0xffff, v43  }
0x945: {  	[tilespmem:v5+s26+$0x0] =	vst.idx.add.f32.msk $0xffff, v2  }
0x946: {  	v6 =	vld [tilespmem:$0x1FB10];
	_ =	sdelay $0x4  }
0x947: {  	v44 =	vunpack.i.u.bf16.f32 v63  }
0x948: {  	v1 =	vmul.f32 v44, v46;
	_ =	sdelay $0x1  }
0x949: {  	[tilespmem:v6+s26+$0x0] =	vst.idx.add.f32.msk $0xffff, v1  }
0x94a: {  	v1 =	vld [tilespmem:$0x1FA90]  }
0x94b: {  	v41 =	vld [tilespmem:s30+$0x66D0];
	_ =	sdelay $0x4  }
0x94c: {  	v54 =	vunpack.i.l.bf16.f32 v41  }
0x94d: {  	v61 =	vunpack.i.u.bf16.f32 v41;
	v45 =	vld [tilespmem:s29+$0x66E0];
	v0 =	vmul.f32 v54, v56  }
0x94e: {  	[tilespmem:v1+s28+$0x0] =	vst.idx.add.f32.msk $0x1, v46;
	v1 =	vmul.f32 v61, v56  }
0x94f: {  	[tilespmem:v58+s26+$0x0] =	vst.idx.add.f32.msk $0xffff, v0  }
0x950: {  	[tilespmem:v57+s26+$0x0] =	vst.idx.add.f32.msk $0xffff, v1  }
0x951: {  	v11 =	vld [tilespmem:$0x1FBC0]  }
0x952: {  	v55 =	vld [tilespmem:s21+$0x66D0];
	_ =	sdelay $0x3  }
0x953: {  	v63 =	vor.u32 v24, v27;
	v62 =	vunpack.i.l.bf16.f32 v45  }
0x954: {  	v3 =	vmul.f32 v62, v32;
	v10 =	vunpack.i.l.bf16.f32 v55  }
0x955: {  	v12 =	vunpack.i.u.bf16.f32 v55;
	v1 =	vmul.f32 v10, v16  }
0x956: {  	[tilespmem:v11+s26+$0x0] =	vst.idx.add.f32.msk $0xffff, v3;
	v3 =	vmul.f32 v12, v16  }
0x957: {  	[tilespmem:v4+s26+$0x0] =	vst.idx.add.f32.msk $0xffff, v1  }
0x958: {  	[tilespmem:v63+s26+$0x0] =	vst.idx.add.f32.msk $0xffff, v3  }
0x959: {  	v4 =	vld [tilespmem:$0x1FBD0];
	_ =	sdelay $0x4  }
0x95a: {  	v14 =	vunpack.i.u.bf16.f32 v45  }
0x95b: {  	v1 =	vmul.f32 v14, v32  }
0x95c: {  	v9 =	vld [tilespmem:s9+$0x66F0]  }
0x95d: {  	[tilespmem:v4+s26+$0x0] =	vst.idx.add.f32.msk $0xffff, v1  }
0x95e: {  	v39 =	vld [tilespmem:$0x1FB60];
	_ =	sdelay $0x4  }
0x95f: {  	v15 =	vunpack.i.l.bf16.f32 v9;
	v13 =	vld [tilespmem:s30+$0x66E0]  }
0x960: {  	v0 =	vmul.f32 v15, v53  }
0x961: {  	v3 =	vld [tilespmem:s21+$0x66E0]  }
0x962: {  	[tilespmem:v39+s26+$0x0] =	vst.idx.add.f32.msk $0xffff, v0  }
0x963: {  	v4 =	vld [tilespmem:$0x1FB70]  }
0x964: {  	v41 =	vor.u32 v50, v27;
	v40 =	vunpack.i.l.bf16.f32 v13  }
0x965: {  	v43 =	vor.u32 v23, v27;
	v42 =	vunpack.i.u.bf16.f32 v13;
	v0 =	vmul.f32 v40, v56  }
0x966: {  	v45 =	vunpack.i.l.bf16.f32 v3;
	v1 =	vmul.f32 v42, v56;
	v44 =	vld [tilespmem:s29+$0x66F0]  }
0x967: {  	v46 =	vunpack.i.u.bf16.f32 v3;
	[tilespmem:v38+s26+$0x0] =	vst.idx.add.f32.msk $0xffff, v0;
	v0 =	vmul.f32 v45, v16  }
0x968: {  	v36 =	vunpack.i.u.bf16.f32 v9;
	[tilespmem:v33+s26+$0x0] =	vst.idx.add.f32.msk $0xffff, v1;
	v1 =	vmul.f32 v46, v16  }
0x969: {  	v37 =	vmul.f32 v36, v53;
	[tilespmem:v41+s26+$0x0] =	vst.idx.add.f32.msk $0xffff, v0  }
0x96a: {  	[tilespmem:v43+s26+$0x0] =	vst.idx.add.f32.msk $0xffff, v1  }
0x96b: {  	[tilespmem:v4+s26+$0x0] =	vst.idx.add.f32.msk $0xffff, v37  }
0x96c: {  	v4 =	vld [tilespmem:$0x1FAA0];
	_ =	sdelay $0x2  }
0x96d: {  	v55 =	vunpack.i.l.bf16.f32 v44  }
0x96e: {  	v57 =	vunpack.i.u.bf16.f32 v44;
	v0 =	vmul.f32 v55, v32  }
0x96f: {  	v54 =	vld [tilespmem:s30+$0x66F0];
	v1 =	vmul.f32 v57, v32  }
0x970: {  	[tilespmem:v47+s26+$0x0] =	vst.idx.add.f32.msk $0xffff, v0  }
0x971: {  	[tilespmem:v48+s26+$0x0] =	vst.idx.add.f32.msk $0xffff, v1  }
0x972: {  	[tilespmem:v4+s28+$0x0] =	vst.idx.add.f32.msk $0x1, v53  }
0x973: {  	v4 =	vld [tilespmem:$0x1FAD0];
	_ =	sdelay $0x2  }
0x974: {  	v58 =	vunpack.i.l.bf16.f32 v54  }
0x975: {  	v3 =	vunpack.i.u.bf16.f32 v54;
	v0 =	vmul.f32 v58, v56  }
0x976: {  	v2 =	vld [tilespmem:s21+$0x66F0];
	v3 =	vmul.f32 v3, v56  }
0x977: {  	[tilespmem:v60+s26+$0x0] =	vst.idx.add.f32.msk $0xffff, v0  }
0x978: {  	[tilespmem:v59+s26+$0x0] =	vst.idx.add.f32.msk $0xffff, v3  }
0x979: {  	[tilespmem:v4+s28+$0x0] =	vst.idx.add.f32.msk $0x1, v32  }
0x97a: {  	v61 =	vor.u32 v34, v27;
	v3 =	vld [tilespmem:$0x1FBE0]  }
0x97b: {  	v62 =	vor.u32 v22, v27  }
0x97c: {  	s7 =	sadd.s32 $0x1, s7;
	v63 =	vunpack.i.l.bf16.f32 v2  }
0x97d: {  	p0 =	sne.s32 s7, s0;
	v2 =	vunpack.i.u.bf16.f32 v2;
	v0 =	vmul.f32 v63, v16  }
.Ltmp10:
0x97e: {  	v2 =	vmul.f32 v2, v16;
	(pc) =	sbr.rel @p0 .LBB2_12-.Ltmp10, $4  }
.Ltmp11:
0x97f: {  	[tilespmem:v61+s26+$0x0] =	vst.idx.add.f32.msk $0xffff, v0;
	(pc) =	sbr.rel @!p0 .LBB2_17-.Ltmp11, $4  }
0x980: {  	[tilespmem:v62+s26+$0x0] =	vst.idx.add.f32.msk $0xffff, v2  }
0x981: {  	[tilespmem:v17+s28+$0x0] =	vst.idx.add.f32.msk $0x1, v16  }
0x982: {  	s1 =	sadd.s32 $0x20, s1;
	v18 =	vmov v24;
	v61 =	vmov v34;
	[tilespmem:v3+s28+$0x0] =	vst.idx.add.f32.msk $0x1, v56;
	v56 =	vmov v22  }
0x983: {  	_ = 	snop  }
.LBB2_18:
0x984: {  	_ =	sfence.sel $0x180000  }
0x985: {  	[bflag:$0x0] =	sbarrier.arrive $0xFFFF  }
0x986: {  	_ =	strace $0x90000047  }
0x987: {  	s0 =	stileid.u32;
	[bflag:$0x2] =	sbarrier.arrive $0xFFFF  }
0x988: {  	p0 =	sne.s32 s0, $0x0;
	s0 =	rddreg [dreg:$0x2]  }
0x989: {  	s0 =	sadd.s32 @!p0 $0x100000, s0  }
0x98a: {  	[sflag:s0] =	ssyncadd.tile.s32 @!p0 $0x1;
	_ =	shalt  }
.Lfunc_end2:
_tile_overlayer_lowered:
.L_overlay_start_2:
0x98b: {  	(tag) =	ssettag $0x2  }
0x98c: {  	s0 =	rddreg [dreg:$0x0];
	s2 =	stileid.u32  }
0x98d: {  	s1 =	rddreg [dreg:$0x1];
	p0 =	sne.s32 s2, $0x0  }
0x98e: {  	s3 =	rddreg [dreg:$0x2];
	[bflag:$0x3] =	sbarrier.arrive $0xFFFF;
	s2 =	simm.s32 @!p0 $0x1C05  }
0x98f: {  	[timem:s3], [sflag:s2] =	dma.local @!p0 [hbm:s0], s1  }
0x990: {  	s0 =	simm.s32 @!p0 $0x5  }
0x991: {  	_ =	swait.ge @!p0 [sflag:s0], s1  }
0x992: {  	s1 =	ssub.s32 @!p0 $0x0, s1;
	[sflag:s0] =	ssyncset.done @!p0 $0x0  }
0x993: {  	[sflag:s0] =	ssyncadd.s32 @!p0 s1  }
0x994: {  	[bflag:$0x3] =	sbarrier.arrive $0xFFFF  }
0x995: {  	_ =	shalt  }

</sc_bundles>
